<compile_context>
chip_gen: v7x
topology: tpu7x:2x2x1
jax: 0.10.2.dev20260603
libtpu: 0.0.44.dev20260713+nightly
codegen_flags: <defaults>
</compile_context>

<pallas_src>
import functools

import jax
import jax.numpy as jnp
from jax import lax
from jax.experimental import pallas as pl
from jax.experimental.pallas import tpu as pltpu
from jax.experimental.pallas import tpu_sc as plsc

N = 10000
D_IN = 128
HID = 128
C = 9
CP = 16
N_MID = 3

NC = 2
NS = 16
NPAD = 10240
RPS = NPAD // NS
E = 320000
E2 = E + N
EPAD = 164 * 2048
EPT = EPAD // NS
NCH = EPT // 128
FH = 64
NT = NC * NS

BLK = 640
NBLK = NPAD // BLK


def _make_edge_kernel():
  mesh = plsc.VectorSubcoreMesh(core_axis_name="c", subcore_axis_name="s")

  @functools.partial(
      pl.kernel,
      mesh=mesh,
      name="gat_edge_phase",
      compiler_params=pltpu.CompilerParams(use_tc_tiling_on_sc=False,
                                           needs_layout_passes=False),
      out_type=[
          jax.ShapeDtypeStruct((NC, NPAD, FH), jnp.float32),
          jax.ShapeDtypeStruct((NT, NPAD), jnp.float32),
      ],
      scratch_types=[
          pltpu.VMEM((2 * NPAD,), jnp.float32),
          pltpu.VMEM((4, 128), jnp.int32),
          pltpu.VMEM((4, 128), jnp.int32),
          pltpu.VMEM((128,), jnp.float32),
          pltpu.VMEM((NPAD,), jnp.float32),
          pltpu.VMEM((2, 128, FH), jnp.float32),
          pltpu.VMEM_SHARED((NPAD, FH), jnp.float32),
          pltpu.VMEM_SHARED((NPAD, FH), jnp.float32),
          pltpu.SemaphoreType.DMA,
          pltpu.SemaphoreType.DMA,
          pltpu.SemaphoreType.DMA,
          pltpu.SemaphoreType.DMA,
          pltpu.SemaphoreType.DMA,
          pltpu.SemaphoreType.DMA,
          pltpu.SemaphoreType.DMA,
          pltpu.SemaphoreType.DMA,
          pltpu.SemaphoreType.DMA,
          pltpu.SemaphoreType.DMA,
      ],
  )
  def edge_kernel(h_hbm, aa_hbm, src_hbm, dst_hbm, num_out, den_out,
                  aa_v, src_r, dst_r, ee_c, den_v, rows_v, h_spm, acc,
                  sem_g0, sem_g1, sem_i0, sem_i1, sem_i2, sem_i3,
                  sem_j0, sem_j1, sem_j2, sem_j3):
    c = lax.axis_index("c")
    s = lax.axis_index("s")
    wid = s * NC + c

    sem_g = (sem_g0, sem_g1)
    sem_i = (sem_i0, sem_i1, sem_i2, sem_i3)
    sem_j = (sem_j0, sem_j1, sem_j2, sem_j3)

    for q in range(4):
      pltpu.async_copy(src_hbm.at[s, q], src_r.at[q], sem_i[q])
      pltpu.async_copy(dst_hbm.at[s, q], dst_r.at[q], sem_j[q])
    pltpu.sync_copy(aa_hbm, aa_v)
    pltpu.sync_copy(h_hbm.at[c, pl.ds(s * RPS, RPS)],
                    h_spm.at[pl.ds(s * RPS, RPS)])

    zero16 = jnp.zeros((16,), jnp.float32)

    @pl.loop(0, NPAD // 16)
    def _(r):
      den_v[pl.ds(r * 16, 16)] = zero16

    @pl.loop(0, 128)
    def _(r):
      for dd in range(FH // 16):
        rows_v[0, r, pl.ds(dd * 16, 16)] = zero16

    for r0 in range(8):
      pltpu.sync_copy(rows_v.at[0, pl.ds(0, 80)],
                      acc.at[pl.ds(s * RPS + r0 * 80, 80)])
    plsc.subcore_barrier()

    def process(b2, b4):
      for kk in range(8):
        sl16 = pl.ds(kk * 16, 16)
        sv = src_r[b4, sl16]
        dv = dst_r[b4, sl16]
        e = (plsc.load_gather(aa_v, [sv * 2])
             + plsc.load_gather(aa_v, [dv * 2 + 1]))
        ee = jnp.exp(jnp.maximum(e, 0.2 * e))
        ee_c[sl16] = ee
        plsc.addupdate_scatter(den_v, [dv], ee)

      @pl.loop(0, 128, step=4)
      def _(j):
        for u in range(4):
          eev = plsc.load_gather(ee_c, [jnp.full((16,), 0, jnp.int32) + (j + u)])
          for dd in range(FH // 16):
            rows_v[b2, j + u, pl.ds(dd * 16, 16)] = (
                rows_v[b2, j + u, pl.ds(dd * 16, 16)] * eev)

      pltpu.sync_copy(rows_v.at[b2], acc.at[dst_r.at[b4]], add=True)

    pltpu.make_async_copy(src_hbm.at[s, 0], src_r.at[0], sem_i0).wait()
    pltpu.async_copy(h_spm.at[src_r.at[0]], rows_v.at[0], sem_g0)

    @pl.loop(0, NCH, step=4)
    def _(g):
      for b in range(4):
        gb = g + b
        b2 = b % 2
        bn = (b + 1) % 4
        nxt = jnp.minimum(gb + 1, NCH - 1)
        pltpu.make_async_copy(src_hbm.at[s, nxt], src_r.at[bn],
                              sem_i[bn]).wait()
        pltpu.async_copy(h_spm.at[src_r.at[bn]], rows_v.at[1 - b2],
                         sem_g[1 - b2])
        pltpu.make_async_copy(dst_hbm.at[s, nxt], dst_r.at[b],
                              sem_j[b]).wait()
        pltpu.make_async_copy(h_spm.at[src_r.at[b]], rows_v.at[b2],
                              sem_g[b2]).wait()
        process(b2, b)
        nxt4 = jnp.minimum(gb + 4, NCH - 1)
        pltpu.async_copy(src_hbm.at[s, nxt4], src_r.at[b], sem_i[b])
        pltpu.async_copy(dst_hbm.at[s, nxt4], dst_r.at[b], sem_j[b])

    pltpu.make_async_copy(h_spm.at[src_r.at[0]], rows_v.at[0],
                          sem_g0).wait()
    for q in range(1, 4):
      pltpu.make_async_copy(src_hbm.at[s, NCH - 1], src_r.at[q],
                            sem_i[q]).wait()
    for q in range(4):
      pltpu.make_async_copy(dst_hbm.at[s, NCH - 1], dst_r.at[q],
                            sem_j[q]).wait()

    pltpu.sync_copy(den_v, den_out.at[wid])
    plsc.subcore_barrier()

    for r0 in range(8):
      off = s * RPS + r0 * 80
      pltpu.sync_copy(acc.at[pl.ds(off, 80)], num_out.at[c, pl.ds(off, 80)])

  return edge_kernel


_edge128 = _make_edge_kernel()


def _rowmask(i, blk):
  row = i * blk + lax.broadcasted_iota(jnp.int32, (blk, 1), 0)
  return row < N


def _pre_body(x_ref, w_ref, a_ref, h_out, aa_out):
  h = jnp.dot(x_ref[...], w_ref[...], preferred_element_type=jnp.float32)
  h_out[0] = h[:, :FH]
  h_out[1] = h[:, FH:]
  aa_out[...] = jnp.dot(h, a_ref[...], preferred_element_type=jnp.float32)


_pre = pl.pallas_call(
    _pre_body,
    grid=(NBLK,),
    in_specs=[
        pl.BlockSpec((BLK, D_IN), lambda i: (i, 0)),
        pl.BlockSpec((D_IN, HID), lambda i: (0, 0)),
        pl.BlockSpec((HID, 2), lambda i: (0, 0)),
    ],
    out_specs=[
        pl.BlockSpec((NC, BLK, FH), lambda i: (0, i, 0)),
        pl.BlockSpec((BLK, 2), lambda i: (i, 0)),
    ],
    out_shape=[
        jax.ShapeDtypeStruct((NC, NPAD, FH), jnp.float32),
        jax.ShapeDtypeStruct((NPAD, 2), jnp.float32),
    ],
)


def _gat_from_acc(num_ref, den_ref, b):
  numer = jnp.concatenate([num_ref[0], num_ref[1]], axis=1)
  den = jnp.sum(den_ref[...].T, axis=1, keepdims=True) * 0.5
  return numer / (den + 1e-16) + b


def _pass1_body(num_ref, den_ref, b_ref, res_ref, fl_ref, x_out, part_out):
  i = pl.program_id(0)
  gat = _gat_from_acc(num_ref, den_ref, b_ref[...])
  gat = gat + res_ref[...] * fl_ref[0, 0]
  x = jnp.where(_rowmask(i, BLK), gat, 0.0)
  x_out[...] = x
  part_out[0, 0] = jnp.sum(x, axis=0)
  part_out[0, 1] = jnp.sum(x * x, axis=0)


_pass1 = pl.pallas_call(
    _pass1_body,
    grid=(NBLK,),
    in_specs=[
        pl.BlockSpec((NC, BLK, FH), lambda i: (0, i, 0)),
        pl.BlockSpec((NT, BLK), lambda i: (0, i)),
        pl.BlockSpec((1, HID), lambda i: (0, 0)),
        pl.BlockSpec((BLK, HID), lambda i: (i, 0)),
        pl.BlockSpec((1, 1), lambda i: (0, 0)),
    ],
    out_specs=[
        pl.BlockSpec((BLK, HID), lambda i: (i, 0)),
        pl.BlockSpec((1, 2, HID), lambda i: (i, 0, 0)),
    ],
    out_shape=[
        jax.ShapeDtypeStruct((NPAD, HID), jnp.float32),
        jax.ShapeDtypeStruct((NBLK, 2, HID), jnp.float32),
    ],
)


def _make_pass2(dout):
  def body(x_ref, part_ref, g_ref, bb_ref, w_ref, a_ref,
           h_out, aa_out, hn_out):
    i = pl.program_id(0)
    m = jnp.sum(part_ref[:, 0, :], axis=0) / N
    v = jnp.sum(part_ref[:, 1, :], axis=0) / N - m * m
    x = x_ref[...]
    xn = g_ref[...] * (x - m[None, :]) / jnp.sqrt(v + 1e-5)[None, :] + bb_ref[...]
    hn = jnp.maximum(xn, 0.1 * xn)
    hn = jnp.where(_rowmask(i, BLK), hn, 0.0)
    hn_out[...] = hn
    h2 = jnp.dot(hn, w_ref[...], preferred_element_type=jnp.float32)
    h_out[0] = h2[:, :FH]
    h_out[1] = h2[:, FH:]
    aa_out[...] = jnp.dot(h2, a_ref[...], preferred_element_type=jnp.float32)

  return pl.pallas_call(
      body,
      grid=(NBLK,),
      in_specs=[
          pl.BlockSpec((BLK, HID), lambda i: (i, 0)),
          pl.BlockSpec((NBLK, 2, HID), lambda i: (0, 0, 0)),
          pl.BlockSpec((1, HID), lambda i: (0, 0)),
          pl.BlockSpec((1, HID), lambda i: (0, 0)),
          pl.BlockSpec((HID, dout), lambda i: (0, 0)),
          pl.BlockSpec((dout, 2), lambda i: (0, 0)),
      ],
      out_specs=[
          pl.BlockSpec((NC, BLK, dout // 2), lambda i: (0, i, 0)),
          pl.BlockSpec((BLK, 2), lambda i: (i, 0)),
          pl.BlockSpec((BLK, HID), lambda i: (i, 0)),
      ],
      out_shape=[
          jax.ShapeDtypeStruct((NC, NPAD, dout // 2), jnp.float32),
          jax.ShapeDtypeStruct((NPAD, 2), jnp.float32),
          jax.ShapeDtypeStruct((NPAD, HID), jnp.float32),
      ],
  )


_pass2_128 = _make_pass2(HID)


def _final_body(x_ref, out_ref):
  g = x_ref[...]
  out_ref[...] = jnp.maximum(g, 0.1 * g)[:, :C]


_final = pl.pallas_call(
    _final_body,
    grid=(10,),
    in_specs=[pl.BlockSpec((1000, HID), lambda i: (i, 0))],
    out_specs=pl.BlockSpec((1000, C), lambda i: (i, 0)),
    out_shape=jax.ShapeDtypeStruct((N, C), jnp.float32),
)


def kernel(x, edge_index, edge_type, edge_distance, params):
  del edge_type, edge_distance
  sl = jnp.arange(N, dtype=jnp.int32)
  padv = jnp.full((EPAD - E2,), N, jnp.int32)
  src = jnp.concatenate([edge_index[0].astype(jnp.int32), sl, padv])
  dst = jnp.concatenate([edge_index[1].astype(jnp.int32), sl, padv])
  srcs = src.reshape(NS, NCH, 128)
  dsts = dst.reshape(NS, NCH, 128)

  xp = jnp.pad(x, ((0, NPAD - N), (0, 0)))

  def att(l):
    return jnp.stack([params[f"att_src{l}"], params[f"att_dst{l}"]], axis=1)

  def edge(h, aa):
    return _edge128(h, aa.reshape(-1), srcs, dsts)

  h, aa = _pre(xp, params["W0"], att(0))

  lf = N_MID + 1
  w4 = jnp.pad(params[f"W{lf}"], ((0, 0), (0, HID - C)))
  a4 = jnp.pad(att(lf), ((0, HID - C), (0, 0)))
  b4 = jnp.pad(params[f"b{lf}"], (0, HID - C))
  zvec = jnp.zeros((HID,), jnp.float32)
  bs = jnp.stack([params["b0"], params["b1"], params["b2"], params["b3"], b4]
                 )[:, None, :]
  bngs = jnp.stack([params["bn_g1"], params["bn_g2"], params["bn_g3"],
                    params["bn_g4"], jnp.ones((HID,), jnp.float32)])[:, None, :]
  bnbs = jnp.stack([params["bn_b1"], params["bn_b2"], params["bn_b3"],
                    params["bn_b4"], zvec])[:, None, :]
  ws = jnp.stack([params["W1"], params["W2"], params["W3"], w4,
                  jnp.zeros((HID, HID), jnp.float32)])
  aas = jnp.stack([att(1), att(2), att(3), a4, jnp.zeros((HID, 2), jnp.float32)])
  flags = jnp.array([0, 1, 1, 1, 0], jnp.float32).reshape(5, 1, 1)

  def body(carry, xs):
    hh, av, res, _ = carry
    b, g_, bb, w, a, fl = xs
    num, den = edge(hh, av)
    xt, part = _pass1(num, den, b, res, fl)
    h2, aa2, hn = _pass2_128(xt, part, g_, bb, w, a)
    return (h2, aa2, hn, xt), None

  zfeat = jnp.zeros((NPAD, HID), jnp.float32)
  (_, _, _, xt), _ = lax.scan(
      body, (h, aa, zfeat, zfeat), (bs, bngs, bnbs, ws, aas, flags))
  return _final(xt)

# --- scband reference (transcript-rebuilt; emitter-appended) ---
"""Pipeline reference for scband-deep-gatnet-57767310131502 (READ-ONLY COPY).

The authoritative reference and input builder live on the scoring server;
editing this copy changes nothing except your own understanding.
"""

import jax
import jax.numpy as jnp
import numpy as np

N = 10000
E = 320000
D_IN = 128
H = 128
C = 9
N_MID = 3


def _init_params(key):
    dims = [(D_IN, H)] + [(H, H)] * N_MID + [(H, C)]
    params = {}
    k = key
    for l, (di, do) in enumerate(dims):
        k, k1, k2, k3 = jax.random.split(k, 4)
        s = 1.0 / float(np.sqrt(di))
        params[f"W{l}"] = jax.random.uniform(k1, (di, do), jnp.float32, -s, s)
        params[f"att_src{l}"] = jax.random.normal(k2, (do,), jnp.float32) * 0.1
        params[f"att_dst{l}"] = jax.random.normal(k3, (do,), jnp.float32) * 0.1
        params[f"b{l}"] = jnp.zeros((do,), jnp.float32)
    for i in range(1, N_MID + 2):
        params[f"bn_g{i}"] = jnp.ones((H,), jnp.float32)
        params[f"bn_b{i}"] = jnp.zeros((H,), jnp.float32)
    return params


def setup_inputs(seed: int = 0):
    key = jax.random.key(seed)
    k0, k1, k2, k3, kp = jax.random.split(key, 5)
    x = jax.random.normal(k0, (N, D_IN), jnp.float32)
    edge_index = jax.random.randint(k1, (2, E), 0, N, jnp.int32)
    edge_type = jax.random.randint(k2, (E,), 0, 16, jnp.int32)
    edge_distance = jax.random.uniform(k3, (E,), jnp.float32)
    params = _init_params(kp)
    return {"x": x, "edge_index": edge_index, "edge_type": edge_type,
            "edge_distance": edge_distance, "params": params}


def _gat_conv(x, src, dst, W, a_src, a_dst, b, n):
    # PyG GATConv, heads=1, concat=True, negative_slope=0.2, add_self_loops handled by caller
    h = x @ W
    alpha_src = h @ a_src
    alpha_dst = h @ a_dst
    e = jax.nn.leaky_relu(alpha_src[src] + alpha_dst[dst], 0.2)
    emax = jax.ops.segment_max(e, dst, num_segments=n)
    ee = jnp.exp(e - emax[dst])
    denom = jax.ops.segment_sum(ee, dst, num_segments=n)
    alpha = ee / (denom[dst] + 1e-16)
    out = jax.ops.segment_sum(alpha[:, None] * h[src], dst, num_segments=n)
    return out + b


def _bn(x, g, b):
    # BatchNorm1d forward with batch statistics (training mode), eps=1e-5
    m = jnp.mean(x, axis=0)
    v = jnp.var(x, axis=0)
    return g * (x - m) / jnp.sqrt(v + 1e-5) + b


def _forward(x, src, dst, params):
    n = x.shape[0]
    h = _gat_conv(x, src, dst, params["W0"], params["att_src0"], params["att_dst0"], params["b0"], n)
    for i in range(N_MID):
        hn = _bn(h, params[f"bn_g{i+1}"], params[f"bn_b{i+1}"])
        hn = jax.nn.leaky_relu(hn, 0.1)
        h = _gat_conv(hn, src, dst, params[f"W{i+1}"], params[f"att_src{i+1}"],
                      params[f"att_dst{i+1}"], params[f"b{i+1}"], n) + hn
    h = _bn(h, params[f"bn_g{N_MID+1}"], params[f"bn_b{N_MID+1}"])
    h = jax.nn.leaky_relu(h, 0.1)
    h = _gat_conv(h, src, dst, params[f"W{N_MID+1}"], params[f"att_src{N_MID+1}"],
                  params[f"att_dst{N_MID+1}"], params[f"b{N_MID+1}"], n)
    h = jax.nn.leaky_relu(h, 0.1)
    return h


def reference(x, edge_index, edge_type, edge_distance, params):
    # edge_type / edge_distance are accepted but unused, matching the torch forward
    n = x.shape[0]
    sl = jnp.arange(n, dtype=edge_index.dtype)  # add_self_loops=True in GATConv
    src = jnp.concatenate([edge_index[0], sl])
    dst = jnp.concatenate([edge_index[1], sl])
    return _forward(x, src, dst, params)

if __name__ == "__main__":
    import jax
    _d = setup_inputs()
    print(jax.jit(kernel)(*tuple(_d.values())))

</pallas_src>

<mosaic_0001>
#map = affine_map<(d0, d1) -> (0, 0, 0)>
#map1 = affine_map<(d0, d1) -> (0)>
#map2 = affine_map<(d0, d1) -> (0, 0)>
module attributes {stable_mosaic.version = 14 : i64} {
  func.func @gat_edge_phase(%arg0: i32, %arg1: i32, %arg2: memref<2x10240x64xf32, #tpu.memory_space<hbm>>, %arg3: memref<20480xf32, #tpu.memory_space<hbm>>, %arg4: memref<16x164x128xi32, #tpu.memory_space<hbm>>, %arg5: memref<16x164x128xi32, #tpu.memory_space<hbm>>, %arg6: memref<2x10240x64xf32, #tpu.memory_space<hbm>>, %arg7: memref<32x10240xf32, #tpu.memory_space<hbm>>, %arg8: memref<20480xf32, #tpu.memory_space<vmem>>, %arg9: memref<4x128xi32, #tpu.memory_space<vmem>>, %arg10: memref<4x128xi32, #tpu.memory_space<vmem>>, %arg11: memref<128xf32, #tpu.memory_space<vmem>>, %arg12: memref<10240xf32, #tpu.memory_space<vmem>>, %arg13: memref<2x128x64xf32, #tpu.memory_space<vmem>>, %arg14: memref<10240x64xf32, #tpu.memory_space<vmem_shared>>, %arg15: memref<10240x64xf32, #tpu.memory_space<vmem_shared>>, %arg16: memref<!tpu.dma_semaphore, #tpu.memory_space<semaphore_mem>>, %arg17: memref<!tpu.dma_semaphore, #tpu.memory_space<semaphore_mem>>, %arg18: memref<!tpu.dma_semaphore, #tpu.memory_space<semaphore_mem>>, %arg19: memref<!tpu.dma_semaphore, #tpu.memory_space<semaphore_mem>>, %arg20: memref<!tpu.dma_semaphore, #tpu.memory_space<semaphore_mem>>, %arg21: memref<!tpu.dma_semaphore, #tpu.memory_space<semaphore_mem>>, %arg22: memref<!tpu.dma_semaphore, #tpu.memory_space<semaphore_mem>>, %arg23: memref<!tpu.dma_semaphore, #tpu.memory_space<semaphore_mem>>, %arg24: memref<!tpu.dma_semaphore, #tpu.memory_space<semaphore_mem>>, %arg25: memref<!tpu.dma_semaphore, #tpu.memory_space<semaphore_mem>>) attributes {dimension_semantics = [#tpu.dimension_semantics<core_parallel>, #tpu.dimension_semantics<subcore_parallel>], iteration_bounds = array<i64: 2, 16>, scalar_prefetch = 0 : i64, scratch_operands = 18 : i64, tpu.core_type = #tpu.core_type<sc_vector_subcore>, window_params = [{transform_indices = #map}, {transform_indices = #map1}, {transform_indices = #map}, {transform_indices = #map}, {transform_indices = #map}, {transform_indices = #map2}]} {
    %mul3A = arith.constant 2 : i32
    %mul3A_0 = arith.muli %arg1, %mul3A : i32
    %add3A = arith.addi %mul3A_0, %arg0 : i32
    %dma_start3A = arith.constant 0 : i32
    %dma_start3A_1 = arith.constant 0 : i32
    %dma_start3A_2 = arith.constant 0 : i32
    %dma_start3A_3 = tpu.memref_slice %arg9[%dma_start3A_1, %dma_start3A_2] : memref<4x128xi32, #tpu.memory_space<vmem>> -> memref<1x128xi32, #tpu.memory_space<vmem>>
    %dma_start3A_4 = tpu.memref_squeeze %dma_start3A_3 : memref<1x128xi32, #tpu.memory_space<vmem>> -> memref<128xi32, #tpu.memory_space<vmem>>
    %dma_start3A_5 = arith.constant 0 : i32
    %dma_start3A_6 = tpu.memref_slice %arg4[%arg1, %dma_start3A, %dma_start3A_5] : memref<16x164x128xi32, #tpu.memory_space<hbm>> -> memref<1x1x128xi32, #tpu.memory_space<hbm>>
    %dma_start3A_7 = tpu.memref_squeeze %dma_start3A_6 : memref<1x1x128xi32, #tpu.memory_space<hbm>> -> memref<128xi32, #tpu.memory_space<hbm>>
    %dma_start3A_8 = arith.constant 0 : i32
    %dma_start3A_9 = tpu.memref_slice %arg9[%dma_start3A_1, %dma_start3A_8] : memref<4x128xi32, #tpu.memory_space<vmem>> -> memref<1x128xi32, #tpu.memory_space<vmem>>
    %dma_start3A_10 = tpu.memref_squeeze %dma_start3A_9 : memref<1x128xi32, #tpu.memory_space<vmem>> -> memref<128xi32, #tpu.memory_space<vmem>>
    %dma_start3A_11 = arith.constant 0 : i32
    %dma_start3A_12 = tpu.memref_slice %arg4[%arg1, %dma_start3A, %dma_start3A_11] : memref<16x164x128xi32, #tpu.memory_space<hbm>> -> memref<1x1x128xi32, #tpu.memory_space<hbm>>
    %dma_start3A_13 = tpu.memref_squeeze %dma_start3A_12 : memref<1x1x128xi32, #tpu.memory_space<hbm>> -> memref<128xi32, #tpu.memory_space<hbm>>
    tpu.enqueue_dma source(%dma_start3A_13 : memref<128xi32, #tpu.memory_space<hbm>>) target(%dma_start3A_10 : memref<128xi32, #tpu.memory_space<vmem>>) target_semaphore(%arg18 : memref<!tpu.dma_semaphore, #tpu.memory_space<semaphore_mem>>)
    %dma_start3A_14 = arith.constant 0 : i32
    %dma_start3A_15 = arith.constant 0 : i32
    %dma_start3A_16 = arith.constant 0 : i32
    %dma_start3A_17 = tpu.memref_slice %arg10[%dma_start3A_15, %dma_start3A_16] : memref<4x128xi32, #tpu.memory_space<vmem>> -> memref<1x128xi32, #tpu.memory_space<vmem>>
    %dma_start3A_18 = tpu.memref_squeeze %dma_start3A_17 : memref<1x128xi32, #tpu.memory_space<vmem>> -> memref<128xi32, #tpu.memory_space<vmem>>
    %dma_start3A_19 = arith.constant 0 : i32
    %dma_start3A_20 = tpu.memref_slice %arg5[%arg1, %dma_start3A_14, %dma_start3A_19] : memref<16x164x128xi32, #tpu.memory_space<hbm>> -> memref<1x1x128xi32, #tpu.memory_space<hbm>>
    %dma_start3A_21 = tpu.memref_squeeze %dma_start3A_20 : memref<1x1x128xi32, #tpu.memory_space<hbm>> -> memref<128xi32, #tpu.memory_space<hbm>>
    %dma_start3A_22 = arith.constant 0 : i32
    %dma_start3A_23 = tpu.memref_slice %arg10[%dma_start3A_15, %dma_start3A_22] : memref<4x128xi32, #tpu.memory_space<vmem>> -> memref<1x128xi32, #tpu.memory_space<vmem>>
    %dma_start3A_24 = tpu.memref_squeeze %dma_start3A_23 : memref<1x128xi32, #tpu.memory_space<vmem>> -> memref<128xi32, #tpu.memory_space<vmem>>
    %dma_start3A_25 = arith.constant 0 : i32
    %dma_start3A_26 = tpu.memref_slice %arg5[%arg1, %dma_start3A_14, %dma_start3A_25] : memref<16x164x128xi32, #tpu.memory_space<hbm>> -> memref<1x1x128xi32, #tpu.memory_space<hbm>>
    %dma_start3A_27 = tpu.memref_squeeze %dma_start3A_26 : memref<1x1x128xi32, #tpu.memory_space<hbm>> -> memref<128xi32, #tpu.memory_space<hbm>>
    tpu.enqueue_dma source(%dma_start3A_27 : memref<128xi32, #tpu.memory_space<hbm>>) target(%dma_start3A_24 : memref<128xi32, #tpu.memory_space<vmem>>) target_semaphore(%arg22 : memref<!tpu.dma_semaphore, #tpu.memory_space<semaphore_mem>>)
    %dma_start3A_28 = arith.constant 1 : i32
    %dma_start3A_29 = arith.constant 1 : i32
    %dma_start3A_30 = arith.constant 0 : i32
    %dma_start3A_31 = tpu.memref_slice %arg9[%dma_start3A_29, %dma_start3A_30] : memref<4x128xi32, #tpu.memory_space<vmem>> -> memref<1x128xi32, #tpu.memory_space<vmem>>
    %dma_start3A_32 = tpu.memref_squeeze %dma_start3A_31 : memref<1x128xi32, #tpu.memory_space<vmem>> -> memref<128xi32, #tpu.memory_space<vmem>>
    %dma_start3A_33 = arith.constant 0 : i32
    %dma_start3A_34 = tpu.memref_slice %arg4[%arg1, %dma_start3A_28, %dma_start3A_33] : memref<16x164x128xi32, #tpu.memory_space<hbm>> -> memref<1x1x128xi32, #tpu.memory_space<hbm>>
    %dma_start3A_35 = tpu.memref_squeeze %dma_start3A_34 : memref<1x1x128xi32, #tpu.memory_space<hbm>> -> memref<128xi32, #tpu.memory_space<hbm>>
    %dma_start3A_36 = arith.constant 0 : i32
    %dma_start3A_37 = tpu.memref_slice %arg9[%dma_start3A_29, %dma_start3A_36] : memref<4x128xi32, #tpu.memory_space<vmem>> -> memref<1x128xi32, #tpu.memory_space<vmem>>
    %dma_start3A_38 = tpu.memref_squeeze %dma_start3A_37 : memref<1x128xi32, #tpu.memory_space<vmem>> -> memref<128xi32, #tpu.memory_space<vmem>>
    %dma_start3A_39 = arith.constant 0 : i32
    %dma_start3A_40 = tpu.memref_slice %arg4[%arg1, %dma_start3A_28, %dma_start3A_39] : memref<16x164x128xi32, #tpu.memory_space<hbm>> -> memref<1x1x128xi32, #tpu.memory_space<hbm>>
    %dma_start3A_41 = tpu.memref_squeeze %dma_start3A_40 : memref<1x1x128xi32, #tpu.memory_space<hbm>> -> memref<128xi32, #tpu.memory_space<hbm>>
    tpu.enqueue_dma source(%dma_start3A_41 : memref<128xi32, #tpu.memory_space<hbm>>) target(%dma_start3A_38 : memref<128xi32, #tpu.memory_space<vmem>>) target_semaphore(%arg19 : memref<!tpu.dma_semaphore, #tpu.memory_space<semaphore_mem>>)
    %dma_start3A_42 = arith.constant 1 : i32
    %dma_start3A_43 = arith.constant 1 : i32
    %dma_start3A_44 = arith.constant 0 : i32
    %dma_start3A_45 = tpu.memref_slice %arg10[%dma_start3A_43, %dma_start3A_44] : memref<4x128xi32, #tpu.memory_space<vmem>> -> memref<1x128xi32, #tpu.memory_space<vmem>>
    %dma_start3A_46 = tpu.memref_squeeze %dma_start3A_45 : memref<1x128xi32, #tpu.memory_space<vmem>> -> memref<128xi32, #tpu.memory_space<vmem>>
    %dma_start3A_47 = arith.constant 0 : i32
    %dma_start3A_48 = tpu.memref_slice %arg5[%arg1, %dma_start3A_42, %dma_start3A_47] : memref<16x164x128xi32, #tpu.memory_space<hbm>> -> memref<1x1x128xi32, #tpu.memory_space<hbm>>
    %dma_start3A_49 = tpu.memref_squeeze %dma_start3A_48 : memref<1x1x128xi32, #tpu.memory_space<hbm>> -> memref<128xi32, #tpu.memory_space<hbm>>
    %dma_start3A_50 = arith.constant 0 : i32
    %dma_start3A_51 = tpu.memref_slice %arg10[%dma_start3A_43, %dma_start3A_50] : memref<4x128xi32, #tpu.memory_space<vmem>> -> memref<1x128xi32, #tpu.memory_space<vmem>>
    %dma_start3A_52 = tpu.memref_squeeze %dma_start3A_51 : memref<1x128xi32, #tpu.memory_space<vmem>> -> memref<128xi32, #tpu.memory_space<vmem>>
    %dma_start3A_53 = arith.constant 0 : i32
    %dma_start3A_54 = tpu.memref_slice %arg5[%arg1, %dma_start3A_42, %dma_start3A_53] : memref<16x164x128xi32, #tpu.memory_space<hbm>> -> memref<1x1x128xi32, #tpu.memory_space<hbm>>
    %dma_start3A_55 = tpu.memref_squeeze %dma_start3A_54 : memref<1x1x128xi32, #tpu.memory_space<hbm>> -> memref<128xi32, #tpu.memory_space<hbm>>
    tpu.enqueue_dma source(%dma_start3A_55 : memref<128xi32, #tpu.memory_space<hbm>>) target(%dma_start3A_52 : memref<128xi32, #tpu.memory_space<vmem>>) target_semaphore(%arg23 : memref<!tpu.dma_semaphore, #tpu.memory_space<semaphore_mem>>)
    %dma_start3A_56 = arith.constant 2 : i32
    %dma_start3A_57 = arith.constant 2 : i32
    %dma_start3A_58 = arith.constant 0 : i32
    %dma_start3A_59 = tpu.memref_slice %arg9[%dma_start3A_57, %dma_start3A_58] : memref<4x128xi32, #tpu.memory_space<vmem>> -> memref<1x128xi32, #tpu.memory_space<vmem>>
    %dma_start3A_60 = tpu.memref_squeeze %dma_start3A_59 : memref<1x128xi32, #tpu.memory_space<vmem>> -> memref<128xi32, #tpu.memory_space<vmem>>
    %dma_start3A_61 = arith.constant 0 : i32
    %dma_start3A_62 = tpu.memref_slice %arg4[%arg1, %dma_start3A_56, %dma_start3A_61] : memref<16x164x128xi32, #tpu.memory_space<hbm>> -> memref<1x1x128xi32, #tpu.memory_space<hbm>>
    %dma_start3A_63 = tpu.memref_squeeze %dma_start3A_62 : memref<1x1x128xi32, #tpu.memory_space<hbm>> -> memref<128xi32, #tpu.memory_space<hbm>>
    %dma_start3A_64 = arith.constant 0 : i32
    %dma_start3A_65 = tpu.memref_slice %arg9[%dma_start3A_57, %dma_start3A_64] : memref<4x128xi32, #tpu.memory_space<vmem>> -> memref<1x128xi32, #tpu.memory_space<vmem>>
    %dma_start3A_66 = tpu.memref_squeeze %dma_start3A_65 : memref<1x128xi32, #tpu.memory_space<vmem>> -> memref<128xi32, #tpu.memory_space<vmem>>
    %dma_start3A_67 = arith.constant 0 : i32
    %dma_start3A_68 = tpu.memref_slice %arg4[%arg1, %dma_start3A_56, %dma_start3A_67] : memref<16x164x128xi32, #tpu.memory_space<hbm>> -> memref<1x1x128xi32, #tpu.memory_space<hbm>>
    %dma_start3A_69 = tpu.memref_squeeze %dma_start3A_68 : memref<1x1x128xi32, #tpu.memory_space<hbm>> -> memref<128xi32, #tpu.memory_space<hbm>>
    tpu.enqueue_dma source(%dma_start3A_69 : memref<128xi32, #tpu.memory_space<hbm>>) target(%dma_start3A_66 : memref<128xi32, #tpu.memory_space<vmem>>) target_semaphore(%arg20 : memref<!tpu.dma_semaphore, #tpu.memory_space<semaphore_mem>>)
    %dma_start3A_70 = arith.constant 2 : i32
    %dma_start3A_71 = arith.constant 2 : i32
    %dma_start3A_72 = arith.constant 0 : i32
    %dma_start3A_73 = tpu.memref_slice %arg10[%dma_start3A_71, %dma_start3A_72] : memref<4x128xi32, #tpu.memory_space<vmem>> -> memref<1x128xi32, #tpu.memory_space<vmem>>
    %dma_start3A_74 = tpu.memref_squeeze %dma_start3A_73 : memref<1x128xi32, #tpu.memory_space<vmem>> -> memref<128xi32, #tpu.memory_space<vmem>>
    %dma_start3A_75 = arith.constant 0 : i32
    %dma_start3A_76 = tpu.memref_slice %arg5[%arg1, %dma_start3A_70, %dma_start3A_75] : memref<16x164x128xi32, #tpu.memory_space<hbm>> -> memref<1x1x128xi32, #tpu.memory_space<hbm>>
    %dma_start3A_77 = tpu.memref_squeeze %dma_start3A_76 : memref<1x1x128xi32, #tpu.memory_space<hbm>> -> memref<128xi32, #tpu.memory_space<hbm>>
    %dma_start3A_78 = arith.constant 0 : i32
    %dma_start3A_79 = tpu.memref_slice %arg10[%dma_start3A_71, %dma_start3A_78] : memref<4x128xi32, #tpu.memory_space<vmem>> -> memref<1x128xi32, #tpu.memory_space<vmem>>
    %dma_start3A_80 = tpu.memref_squeeze %dma_start3A_79 : memref<1x128xi32, #tpu.memory_space<vmem>> -> memref<128xi32, #tpu.memory_space<vmem>>
    %dma_start3A_81 = arith.constant 0 : i32
    %dma_start3A_82 = tpu.memref_slice %arg5[%arg1, %dma_start3A_70, %dma_start3A_81] : memref<16x164x128xi32, #tpu.memory_space<hbm>> -> memref<1x1x128xi32, #tpu.memory_space<hbm>>
    %dma_start3A_83 = tpu.memref_squeeze %dma_start3A_82 : memref<1x1x128xi32, #tpu.memory_space<hbm>> -> memref<128xi32, #tpu.memory_space<hbm>>
    tpu.enqueue_dma source(%dma_start3A_83 : memref<128xi32, #tpu.memory_space<hbm>>) target(%dma_start3A_80 : memref<128xi32, #tpu.memory_space<vmem>>) target_semaphore(%arg24 : memref<!tpu.dma_semaphore, #tpu.memory_space<semaphore_mem>>)
    %dma_start3A_84 = arith.constant 3 : i32
    %dma_start3A_85 = arith.constant 3 : i32
    %dma_start3A_86 = arith.constant 0 : i32
    %dma_start3A_87 = tpu.memref_slice %arg9[%dma_start3A_85, %dma_start3A_86] : memref<4x128xi32, #tpu.memory_space<vmem>> -> memref<1x128xi32, #tpu.memory_space<vmem>>
    %dma_start3A_88 = tpu.memref_squeeze %dma_start3A_87 : memref<1x128xi32, #tpu.memory_space<vmem>> -> memref<128xi32, #tpu.memory_space<vmem>>
    %dma_start3A_89 = arith.constant 0 : i32
    %dma_start3A_90 = tpu.memref_slice %arg4[%arg1, %dma_start3A_84, %dma_start3A_89] : memref<16x164x128xi32, #tpu.memory_space<hbm>> -> memref<1x1x128xi32, #tpu.memory_space<hbm>>
    %dma_start3A_91 = tpu.memref_squeeze %dma_start3A_90 : memref<1x1x128xi32, #tpu.memory_space<hbm>> -> memref<128xi32, #tpu.memory_space<hbm>>
    %dma_start3A_92 = arith.constant 0 : i32
    %dma_start3A_93 = tpu.memref_slice %arg9[%dma_start3A_85, %dma_start3A_92] : memref<4x128xi32, #tpu.memory_space<vmem>> -> memref<1x128xi32, #tpu.memory_space<vmem>>
    %dma_start3A_94 = tpu.memref_squeeze %dma_start3A_93 : memref<1x128xi32, #tpu.memory_space<vmem>> -> memref<128xi32, #tpu.memory_space<vmem>>
    %dma_start3A_95 = arith.constant 0 : i32
    %dma_start3A_96 = tpu.memref_slice %arg4[%arg1, %dma_start3A_84, %dma_start3A_95] : memref<16x164x128xi32, #tpu.memory_space<hbm>> -> memref<1x1x128xi32, #tpu.memory_space<hbm>>
    %dma_start3A_97 = tpu.memref_squeeze %dma_start3A_96 : memref<1x1x128xi32, #tpu.memory_space<hbm>> -> memref<128xi32, #tpu.memory_space<hbm>>
    tpu.enqueue_dma source(%dma_start3A_97 : memref<128xi32, #tpu.memory_space<hbm>>) target(%dma_start3A_94 : memref<128xi32, #tpu.memory_space<vmem>>) target_semaphore(%arg21 : memref<!tpu.dma_semaphore, #tpu.memory_space<semaphore_mem>>)
    %dma_start3A_98 = arith.constant 3 : i32
    %dma_start3A_99 = arith.constant 3 : i32
    %dma_start3A_100 = arith.constant 0 : i32
    %dma_start3A_101 = tpu.memref_slice %arg10[%dma_start3A_99, %dma_start3A_100] : memref<4x128xi32, #tpu.memory_space<vmem>> -> memref<1x128xi32, #tpu.memory_space<vmem>>
    %dma_start3A_102 = tpu.memref_squeeze %dma_start3A_101 : memref<1x128xi32, #tpu.memory_space<vmem>> -> memref<128xi32, #tpu.memory_space<vmem>>
    %dma_start3A_103 = arith.constant 0 : i32
    %dma_start3A_104 = tpu.memref_slice %arg5[%arg1, %dma_start3A_98, %dma_start3A_103] : memref<16x164x128xi32, #tpu.memory_space<hbm>> -> memref<1x1x128xi32, #tpu.memory_space<hbm>>
    %dma_start3A_105 = tpu.memref_squeeze %dma_start3A_104 : memref<1x1x128xi32, #tpu.memory_space<hbm>> -> memref<128xi32, #tpu.memory_space<hbm>>
    %dma_start3A_106 = arith.constant 0 : i32
    %dma_start3A_107 = tpu.memref_slice %arg10[%dma_start3A_99, %dma_start3A_106] : memref<4x128xi32, #tpu.memory_space<vmem>> -> memref<1x128xi32, #tpu.memory_space<vmem>>
    %dma_start3A_108 = tpu.memref_squeeze %dma_start3A_107 : memref<1x128xi32, #tpu.memory_space<vmem>> -> memref<128xi32, #tpu.memory_space<vmem>>
    %dma_start3A_109 = arith.constant 0 : i32
    %dma_start3A_110 = tpu.memref_slice %arg5[%arg1, %dma_start3A_98, %dma_start3A_109] : memref<16x164x128xi32, #tpu.memory_space<hbm>> -> memref<1x1x128xi32, #tpu.memory_space<hbm>>
    %dma_start3A_111 = tpu.memref_squeeze %dma_start3A_110 : memref<1x1x128xi32, #tpu.memory_space<hbm>> -> memref<128xi32, #tpu.memory_space<hbm>>
    tpu.enqueue_dma source(%dma_start3A_111 : memref<128xi32, #tpu.memory_space<hbm>>) target(%dma_start3A_108 : memref<128xi32, #tpu.memory_space<vmem>>) target_semaphore(%arg25 : memref<!tpu.dma_semaphore, #tpu.memory_space<semaphore_mem>>)
    "tpu.region"() ({
      %run_scoped3A_338 = tpu.sem_alloc : memref<!tpu.dma_semaphore, #tpu.memory_space<semaphore_mem>>
      tpu.enqueue_dma source(%arg3 : memref<20480xf32, #tpu.memory_space<hbm>>) target(%arg8 : memref<20480xf32, #tpu.memory_space<vmem>>) target_semaphore(%run_scoped3A_338 : memref<!tpu.dma_semaphore, #tpu.memory_space<semaphore_mem>>)
      tpu.wait_dma2 semaphore(%run_scoped3A_338 : memref<!tpu.dma_semaphore, #tpu.memory_space<semaphore_mem>>) src(%arg3 : memref<20480xf32, #tpu.memory_space<hbm>>) dst(%arg8 : memref<20480xf32, #tpu.memory_space<vmem>>)
      tpu.yield
    }) : () -> ()
    %mul3A_112 = arith.constant 640 : i32
    %mul3A_113 = arith.muli %arg1, %mul3A_112 : i32
    %mul3A_114 = arith.constant 640 : i32
    %mul3A_115 = arith.muli %arg1, %mul3A_114 : i32
    "tpu.region"() ({
      %run_scoped3A_338 = tpu.sem_alloc : memref<!tpu.dma_semaphore, #tpu.memory_space<semaphore_mem>>
      %dma_start3A_339 = arith.constant 0 : i32
      %dma_start3A_340 = tpu.memref_slice %arg14[%mul3A_115, %dma_start3A_339] : memref<10240x64xf32, #tpu.memory_space<vmem_shared>> -> memref<640x64xf32, #tpu.memory_space<vmem_shared>>
      %dma_start3A_341 = arith.constant 0 : i32
      %dma_start3A_342 = tpu.memref_slice %arg2[%arg0, %mul3A_113, %dma_start3A_341] : memref<2x10240x64xf32, #tpu.memory_space<hbm>> -> memref<1x640x64xf32, #tpu.memory_space<hbm>>
      %dma_start3A_343 = tpu.memref_squeeze %dma_start3A_342 : memref<1x640x64xf32, #tpu.memory_space<hbm>> -> memref<640x64xf32, #tpu.memory_space<hbm>>
      tpu.enqueue_dma source(%dma_start3A_343 : memref<640x64xf32, #tpu.memory_space<hbm>>) target(%dma_start3A_340 : memref<640x64xf32, #tpu.memory_space<vmem_shared>>) target_semaphore(%run_scoped3A_338 : memref<!tpu.dma_semaphore, #tpu.memory_space<semaphore_mem>>)
      %dma_wait3A_344 = arith.constant 0 : i32
      %dma_wait3A_345 = tpu.memref_slice %arg14[%mul3A_115, %dma_wait3A_344] : memref<10240x64xf32, #tpu.memory_space<vmem_shared>> -> memref<640x64xf32, #tpu.memory_space<vmem_shared>>
      %dma_wait3A_346 = arith.constant 0 : i32
      %dma_wait3A_347 = tpu.memref_slice %arg2[%arg0, %mul3A_113, %dma_wait3A_346] : memref<2x10240x64xf32, #tpu.memory_space<hbm>> -> memref<1x640x64xf32, #tpu.memory_space<hbm>>
      %dma_wait3A_348 = tpu.memref_squeeze %dma_wait3A_347 : memref<1x640x64xf32, #tpu.memory_space<hbm>> -> memref<640x64xf32, #tpu.memory_space<hbm>>
      tpu.wait_dma2 semaphore(%run_scoped3A_338 : memref<!tpu.dma_semaphore, #tpu.memory_space<semaphore_mem>>) src(%dma_wait3A_348 : memref<640x64xf32, #tpu.memory_space<hbm>>) dst(%dma_wait3A_345 : memref<640x64xf32, #tpu.memory_space<vmem_shared>>)
      tpu.yield
    }) : () -> ()
    %broadcast_in_dim3A = arith.constant 0.000000e+00 : f32
    %broadcast_in_dim3A_116 = vector.broadcast %broadcast_in_dim3A : f32 to vector<16xf32>
    %scan3A = arith.constant 0 : i32
    %scan3A_117 = arith.constant 640 : i32
    %scan3A_118 = arith.addi %scan3A, %scan3A_117 : i32
    %scan3A_119 = arith.constant 1 : i32
    scf.for %scan3A_338 = %scan3A to %scan3A_118 step %scan3A_119  : i32 {
      %mul3A_339 = arith.constant 1 : i32
      %mul3A_340 = arith.muli %scan3A_338, %mul3A_339 : i32
      %add3A_341 = arith.constant 0 : i32
      %add3A_342 = arith.addi %add3A_341, %mul3A_340 : i32
      %mul3A_343 = arith.constant 16 : i32
      %mul3A_344 = arith.muli %add3A_342, %mul3A_343 : i32
      %swap3A = arith.index_cast %mul3A_344 : i32 to index
      %swap3A_345 = tpu.vector_load %arg12[%swap3A] {strides = array<i32>} : memref<10240xf32, #tpu.memory_space<vmem>>, vector<16xf32>,
      tpu.vector_store %arg12[%swap3A], %broadcast_in_dim3A_116 {strides = array<i32>} : memref<10240xf32, #tpu.memory_space<vmem>>, vector<16xf32>,
    }
    %scan3A_120 = arith.constant 640 : i32
    %scan3A_121 = arith.constant 0 : i32
    %scan3A_122 = arith.constant 128 : i32
    %scan3A_123 = arith.addi %scan3A_121, %scan3A_122 : i32
    %scan3A_124 = arith.constant 1 : i32
    scf.for %scan3A_338 = %scan3A_121 to %scan3A_123 step %scan3A_124  : i32 {
      %mul3A_339 = arith.constant 1 : i32
      %mul3A_340 = arith.muli %scan3A_338, %mul3A_339 : i32
      %add3A_341 = arith.constant 0 : i32
      %add3A_342 = arith.addi %add3A_341, %mul3A_340 : i32
      %swap3A = arith.constant 0 : i32
      %swap3A_343 = arith.index_cast %swap3A : i32 to index
      %swap3A_344 = arith.index_cast %add3A_342 : i32 to index
      %swap3A_345 = arith.constant 0 : index
      %swap3A_346 = tpu.vector_load %arg13[%swap3A_343, %swap3A_344, %swap3A_345] {strides = array<i32>} : memref<2x128x64xf32, #tpu.memory_space<vmem>>, vector<16xf32>,
      tpu.vector_store %arg13[%swap3A_343, %swap3A_344, %swap3A_345], %broadcast_in_dim3A_116 {strides = array<i32>} : memref<2x128x64xf32, #tpu.memory_space<vmem>>, vector<16xf32>,
      %swap3A_347 = arith.constant 0 : i32
      %swap3A_348 = arith.index_cast %swap3A_347 : i32 to index
      %swap3A_349 = arith.index_cast %add3A_342 : i32 to index
      %swap3A_350 = arith.constant 16 : index
      %swap3A_351 = tpu.vector_load %arg13[%swap3A_348, %swap3A_349, %swap3A_350] {strides = array<i32>} : memref<2x128x64xf32, #tpu.memory_space<vmem>>, vector<16xf32>,
      tpu.vector_store %arg13[%swap3A_348, %swap3A_349, %swap3A_350], %broadcast_in_dim3A_116 {strides = array<i32>} : memref<2x128x64xf32, #tpu.memory_space<vmem>>, vector<16xf32>,
      %swap3A_352 = arith.constant 0 : i32
      %swap3A_353 = arith.index_cast %swap3A_352 : i32 to index
      %swap3A_354 = arith.index_cast %add3A_342 : i32 to index
      %swap3A_355 = arith.constant 32 : index
      %swap3A_356 = tpu.vector_load %arg13[%swap3A_353, %swap3A_354, %swap3A_355] {strides = array<i32>} : memref<2x128x64xf32, #tpu.memory_space<vmem>>, vector<16xf32>,
      tpu.vector_store %arg13[%swap3A_353, %swap3A_354, %swap3A_355], %broadcast_in_dim3A_116 {strides = array<i32>} : memref<2x128x64xf32, #tpu.memory_space<vmem>>, vector<16xf32>,
      %swap3A_357 = arith.constant 0 : i32
      %swap3A_358 = arith.index_cast %swap3A_357 : i32 to index
      %swap3A_359 = arith.index_cast %add3A_342 : i32 to index
      %swap3A_360 = arith.constant 48 : index
      %swap3A_361 = tpu.vector_load %arg13[%swap3A_358, %swap3A_359, %swap3A_360] {strides = array<i32>} : memref<2x128x64xf32, #tpu.memory_space<vmem>>, vector<16xf32>,
      tpu.vector_store %arg13[%swap3A_358, %swap3A_359, %swap3A_360], %broadcast_in_dim3A_116 {strides = array<i32>} : memref<2x128x64xf32, #tpu.memory_space<vmem>>, vector<16xf32>,
    }
    %scan3A_125 = arith.constant 128 : i32
    %mul3A_126 = arith.constant 640 : i32
    %mul3A_127 = arith.muli %arg1, %mul3A_126 : i32
    %add3A_128 = arith.constant 0 : i32
    %add3A_129 = arith.addi %mul3A_127, %add3A_128 : i32
    %run_scoped3A = arith.constant 0 : i32
    "tpu.region"() ({
      %run_scoped3A_338 = tpu.sem_alloc : memref<!tpu.dma_semaphore, #tpu.memory_space<semaphore_mem>>
      %dma_start3A_339 = arith.constant 0 : i32
      %dma_start3A_340 = arith.constant 0 : i32
      %dma_start3A_341 = tpu.memref_slice %arg13[%run_scoped3A, %dma_start3A_339, %dma_start3A_340] : memref<2x128x64xf32, #tpu.memory_space<vmem>> -> memref<1x80x64xf32, #tpu.memory_space<vmem>>
      %dma_start3A_342 = tpu.memref_squeeze %dma_start3A_341 : memref<1x80x64xf32, #tpu.memory_space<vmem>> -> memref<80x64xf32, #tpu.memory_space<vmem>>
      %dma_start3A_343 = arith.constant 0 : i32
      %dma_start3A_344 = tpu.memref_slice %arg15[%add3A_129, %dma_start3A_343] : memref<10240x64xf32, #tpu.memory_space<vmem_shared>> -> memref<80x64xf32, #tpu.memory_space<vmem_shared>>
      %dma_start3A_345 = arith.constant 0 : i32
      %dma_start3A_346 = tpu.memref_slice %arg15[%add3A_129, %dma_start3A_345] : memref<10240x64xf32, #tpu.memory_space<vmem_shared>> -> memref<80x64xf32, #tpu.memory_space<vmem_shared>>
      %dma_start3A_347 = arith.constant 0 : i32
      %dma_start3A_348 = arith.constant 0 : i32
      %dma_start3A_349 = tpu.memref_slice %arg13[%run_scoped3A, %dma_start3A_347, %dma_start3A_348] : memref<2x128x64xf32, #tpu.memory_space<vmem>> -> memref<1x80x64xf32, #tpu.memory_space<vmem>>
      %dma_start3A_350 = tpu.memref_squeeze %dma_start3A_349 : memref<1x80x64xf32, #tpu.memory_space<vmem>> -> memref<80x64xf32, #tpu.memory_space<vmem>>
      tpu.enqueue_dma source(%dma_start3A_350 : memref<80x64xf32, #tpu.memory_space<vmem>>) target(%dma_start3A_346 : memref<80x64xf32, #tpu.memory_space<vmem_shared>>) target_semaphore(%run_scoped3A_338 : memref<!tpu.dma_semaphore, #tpu.memory_space<semaphore_mem>>)
      %dma_wait3A_351 = arith.constant 0 : i32
      %dma_wait3A_352 = arith.constant 0 : i32
      %dma_wait3A_353 = tpu.memref_slice %arg13[%run_scoped3A, %dma_wait3A_351, %dma_wait3A_352] : memref<2x128x64xf32, #tpu.memory_space<vmem>> -> memref<1x80x64xf32, #tpu.memory_space<vmem>>
      %dma_wait3A_354 = tpu.memref_squeeze %dma_wait3A_353 : memref<1x80x64xf32, #tpu.memory_space<vmem>> -> memref<80x64xf32, #tpu.memory_space<vmem>>
      %dma_wait3A_355 = arith.constant 0 : i32
      %dma_wait3A_356 = tpu.memref_slice %arg15[%add3A_129, %dma_wait3A_355] : memref<10240x64xf32, #tpu.memory_space<vmem_shared>> -> memref<80x64xf32, #tpu.memory_space<vmem_shared>>
      %dma_wait3A_357 = arith.constant 0 : i32
      %dma_wait3A_358 = tpu.memref_slice %arg15[%add3A_129, %dma_wait3A_357] : memref<10240x64xf32, #tpu.memory_space<vmem_shared>> -> memref<80x64xf32, #tpu.memory_space<vmem_shared>>
      %dma_wait3A_359 = arith.constant 0 : i32
      %dma_wait3A_360 = arith.constant 0 : i32
      %dma_wait3A_361 = tpu.memref_slice %arg13[%run_scoped3A, %dma_wait3A_359, %dma_wait3A_360] : memref<2x128x64xf32, #tpu.memory_space<vmem>> -> memref<1x80x64xf32, #tpu.memory_space<vmem>>
      %dma_wait3A_362 = tpu.memref_squeeze %dma_wait3A_361 : memref<1x80x64xf32, #tpu.memory_space<vmem>> -> memref<80x64xf32, #tpu.memory_space<vmem>>
      tpu.wait_dma2 semaphore(%run_scoped3A_338 : memref<!tpu.dma_semaphore, #tpu.memory_space<semaphore_mem>>) src(%dma_wait3A_362 : memref<80x64xf32, #tpu.memory_space<vmem>>) dst(%dma_wait3A_358 : memref<80x64xf32, #tpu.memory_space<vmem_shared>>)
      tpu.yield
    }) : () -> ()
    %mul3A_130 = arith.constant 640 : i32
    %mul3A_131 = arith.muli %arg1, %mul3A_130 : i32
    %add3A_132 = arith.constant 80 : i32
    %add3A_133 = arith.addi %mul3A_131, %add3A_132 : i32
    %run_scoped3A_134 = arith.constant 0 : i32
    "tpu.region"() ({
      %run_scoped3A_338 = tpu.sem_alloc : memref<!tpu.dma_semaphore, #tpu.memory_space<semaphore_mem>>
      %dma_start3A_339 = arith.constant 0 : i32
      %dma_start3A_340 = arith.constant 0 : i32
      %dma_start3A_341 = tpu.memref_slice %arg13[%run_scoped3A_134, %dma_start3A_339, %dma_start3A_340] : memref<2x128x64xf32, #tpu.memory_space<vmem>> -> memref<1x80x64xf32, #tpu.memory_space<vmem>>
      %dma_start3A_342 = tpu.memref_squeeze %dma_start3A_341 : memref<1x80x64xf32, #tpu.memory_space<vmem>> -> memref<80x64xf32, #tpu.memory_space<vmem>>
      %dma_start3A_343 = arith.constant 0 : i32
      %dma_start3A_344 = tpu.memref_slice %arg15[%add3A_133, %dma_start3A_343] : memref<10240x64xf32, #tpu.memory_space<vmem_shared>> -> memref<80x64xf32, #tpu.memory_space<vmem_shared>>
      %dma_start3A_345 = arith.constant 0 : i32
      %dma_start3A_346 = tpu.memref_slice %arg15[%add3A_133, %dma_start3A_345] : memref<10240x64xf32, #tpu.memory_space<vmem_shared>> -> memref<80x64xf32, #tpu.memory_space<vmem_shared>>
      %dma_start3A_347 = arith.constant 0 : i32
      %dma_start3A_348 = arith.constant 0 : i32
      %dma_start3A_349 = tpu.memref_slice %arg13[%run_scoped3A_134, %dma_start3A_347, %dma_start3A_348] : memref<2x128x64xf32, #tpu.memory_space<vmem>> -> memref<1x80x64xf32, #tpu.memory_space<vmem>>
      %dma_start3A_350 = tpu.memref_squeeze %dma_start3A_349 : memref<1x80x64xf32, #tpu.memory_space<vmem>> -> memref<80x64xf32, #tpu.memory_space<vmem>>
      tpu.enqueue_dma source(%dma_start3A_350 : memref<80x64xf32, #tpu.memory_space<vmem>>) target(%dma_start3A_346 : memref<80x64xf32, #tpu.memory_space<vmem_shared>>) target_semaphore(%run_scoped3A_338 : memref<!tpu.dma_semaphore, #tpu.memory_space<semaphore_mem>>)
      %dma_wait3A_351 = arith.constant 0 : i32
      %dma_wait3A_352 = arith.constant 0 : i32
      %dma_wait3A_353 = tpu.memref_slice %arg13[%run_scoped3A_134, %dma_wait3A_351, %dma_wait3A_352] : memref<2x128x64xf32, #tpu.memory_space<vmem>> -> memref<1x80x64xf32, #tpu.memory_space<vmem>>
      %dma_wait3A_354 = tpu.memref_squeeze %dma_wait3A_353 : memref<1x80x64xf32, #tpu.memory_space<vmem>> -> memref<80x64xf32, #tpu.memory_space<vmem>>
      %dma_wait3A_355 = arith.constant 0 : i32
      %dma_wait3A_356 = tpu.memref_slice %arg15[%add3A_133, %dma_wait3A_355] : memref<10240x64xf32, #tpu.memory_space<vmem_shared>> -> memref<80x64xf32, #tpu.memory_space<vmem_shared>>
      %dma_wait3A_357 = arith.constant 0 : i32
      %dma_wait3A_358 = tpu.memref_slice %arg15[%add3A_133, %dma_wait3A_357] : memref<10240x64xf32, #tpu.memory_space<vmem_shared>> -> memref<80x64xf32, #tpu.memory_space<vmem_shared>>
      %dma_wait3A_359 = arith.constant 0 : i32
      %dma_wait3A_360 = arith.constant 0 : i32
      %dma_wait3A_361 = tpu.memref_slice %arg13[%run_scoped3A_134, %dma_wait3A_359, %dma_wait3A_360] : memref<2x128x64xf32, #tpu.memory_space<vmem>> -> memref<1x80x64xf32, #tpu.memory_space<vmem>>
      %dma_wait3A_362 = tpu.memref_squeeze %dma_wait3A_361 : memref<1x80x64xf32, #tpu.memory_space<vmem>> -> memref<80x64xf32, #tpu.memory_space<vmem>>
      tpu.wait_dma2 semaphore(%run_scoped3A_338 : memref<!tpu.dma_semaphore, #tpu.memory_space<semaphore_mem>>) src(%dma_wait3A_362 : memref<80x64xf32, #tpu.memory_space<vmem>>) dst(%dma_wait3A_358 : memref<80x64xf32, #tpu.memory_space<vmem_shared>>)
      tpu.yield
    }) : () -> ()
    %mul3A_135 = arith.constant 640 : i32
    %mul3A_136 = arith.muli %arg1, %mul3A_135 : i32
    %add3A_137 = arith.constant 160 : i32
    %add3A_138 = arith.addi %mul3A_136, %add3A_137 : i32
    %run_scoped3A_139 = arith.constant 0 : i32
    "tpu.region"() ({
      %run_scoped3A_338 = tpu.sem_alloc : memref<!tpu.dma_semaphore, #tpu.memory_space<semaphore_mem>>
      %dma_start3A_339 = arith.constant 0 : i32
      %dma_start3A_340 = arith.constant 0 : i32
      %dma_start3A_341 = tpu.memref_slice %arg13[%run_scoped3A_139, %dma_start3A_339, %dma_start3A_340] : memref<2x128x64xf32, #tpu.memory_space<vmem>> -> memref<1x80x64xf32, #tpu.memory_space<vmem>>
      %dma_start3A_342 = tpu.memref_squeeze %dma_start3A_341 : memref<1x80x64xf32, #tpu.memory_space<vmem>> -> memref<80x64xf32, #tpu.memory_space<vmem>>
      %dma_start3A_343 = arith.constant 0 : i32
      %dma_start3A_344 = tpu.memref_slice %arg15[%add3A_138, %dma_start3A_343] : memref<10240x64xf32, #tpu.memory_space<vmem_shared>> -> memref<80x64xf32, #tpu.memory_space<vmem_shared>>
      %dma_start3A_345 = arith.constant 0 : i32
      %dma_start3A_346 = tpu.memref_slice %arg15[%add3A_138, %dma_start3A_345] : memref<10240x64xf32, #tpu.memory_space<vmem_shared>> -> memref<80x64xf32, #tpu.memory_space<vmem_shared>>
      %dma_start3A_347 = arith.constant 0 : i32
      %dma_start3A_348 = arith.constant 0 : i32
      %dma_start3A_349 = tpu.memref_slice %arg13[%run_scoped3A_139, %dma_start3A_347, %dma_start3A_348] : memref<2x128x64xf32, #tpu.memory_space<vmem>> -> memref<1x80x64xf32, #tpu.memory_space<vmem>>
      %dma_start3A_350 = tpu.memref_squeeze %dma_start3A_349 : memref<1x80x64xf32, #tpu.memory_space<vmem>> -> memref<80x64xf32, #tpu.memory_space<vmem>>
      tpu.enqueue_dma source(%dma_start3A_350 : memref<80x64xf32, #tpu.memory_space<vmem>>) target(%dma_start3A_346 : memref<80x64xf32, #tpu.memory_space<vmem_shared>>) target_semaphore(%run_scoped3A_338 : memref<!tpu.dma_semaphore, #tpu.memory_space<semaphore_mem>>)
      %dma_wait3A_351 = arith.constant 0 : i32
      %dma_wait3A_352 = arith.constant 0 : i32
      %dma_wait3A_353 = tpu.memref_slice %arg13[%run_scoped3A_139, %dma_wait3A_351, %dma_wait3A_352] : memref<2x128x64xf32, #tpu.memory_space<vmem>> -> memref<1x80x64xf32, #tpu.memory_space<vmem>>
      %dma_wait3A_354 = tpu.memref_squeeze %dma_wait3A_353 : memref<1x80x64xf32, #tpu.memory_space<vmem>> -> memref<80x64xf32, #tpu.memory_space<vmem>>
      %dma_wait3A_355 = arith.constant 0 : i32
      %dma_wait3A_356 = tpu.memref_slice %arg15[%add3A_138, %dma_wait3A_355] : memref<10240x64xf32, #tpu.memory_space<vmem_shared>> -> memref<80x64xf32, #tpu.memory_space<vmem_shared>>
      %dma_wait3A_357 = arith.constant 0 : i32
      %dma_wait3A_358 = tpu.memref_slice %arg15[%add3A_138, %dma_wait3A_357] : memref<10240x64xf32, #tpu.memory_space<vmem_shared>> -> memref<80x64xf32, #tpu.memory_space<vmem_shared>>
      %dma_wait3A_359 = arith.constant 0 : i32
      %dma_wait3A_360 = arith.constant 0 : i32
      %dma_wait3A_361 = tpu.memref_slice %arg13[%run_scoped3A_139, %dma_wait3A_359, %dma_wait3A_360] : memref<2x128x64xf32, #tpu.memory_space<vmem>> -> memref<1x80x64xf32, #tpu.memory_space<vmem>>
      %dma_wait3A_362 = tpu.memref_squeeze %dma_wait3A_361 : memref<1x80x64xf32, #tpu.memory_space<vmem>> -> memref<80x64xf32, #tpu.memory_space<vmem>>
      tpu.wait_dma2 semaphore(%run_scoped3A_338 : memref<!tpu.dma_semaphore, #tpu.memory_space<semaphore_mem>>) src(%dma_wait3A_362 : memref<80x64xf32, #tpu.memory_space<vmem>>) dst(%dma_wait3A_358 : memref<80x64xf32, #tpu.memory_space<vmem_shared>>)
      tpu.yield
    }) : () -> ()
    %mul3A_140 = arith.constant 640 : i32
    %mul3A_141 = arith.muli %arg1, %mul3A_140 : i32
    %add3A_142 = arith.constant 240 : i32
    %add3A_143 = arith.addi %mul3A_141, %add3A_142 : i32
    %run_scoped3A_144 = arith.constant 0 : i32
    "tpu.region"() ({
      %run_scoped3A_338 = tpu.sem_alloc : memref<!tpu.dma_semaphore, #tpu.memory_space<semaphore_mem>>
      %dma_start3A_339 = arith.constant 0 : i32
      %dma_start3A_340 = arith.constant 0 : i32
      %dma_start3A_341 = tpu.memref_slice %arg13[%run_scoped3A_144, %dma_start3A_339, %dma_start3A_340] : memref<2x128x64xf32, #tpu.memory_space<vmem>> -> memref<1x80x64xf32, #tpu.memory_space<vmem>>
      %dma_start3A_342 = tpu.memref_squeeze %dma_start3A_341 : memref<1x80x64xf32, #tpu.memory_space<vmem>> -> memref<80x64xf32, #tpu.memory_space<vmem>>
      %dma_start3A_343 = arith.constant 0 : i32
      %dma_start3A_344 = tpu.memref_slice %arg15[%add3A_143, %dma_start3A_343] : memref<10240x64xf32, #tpu.memory_space<vmem_shared>> -> memref<80x64xf32, #tpu.memory_space<vmem_shared>>
      %dma_start3A_345 = arith.constant 0 : i32
      %dma_start3A_346 = tpu.memref_slice %arg15[%add3A_143, %dma_start3A_345] : memref<10240x64xf32, #tpu.memory_space<vmem_shared>> -> memref<80x64xf32, #tpu.memory_space<vmem_shared>>
      %dma_start3A_347 = arith.constant 0 : i32
      %dma_start3A_348 = arith.constant 0 : i32
      %dma_start3A_349 = tpu.memref_slice %arg13[%run_scoped3A_144, %dma_start3A_347, %dma_start3A_348] : memref<2x128x64xf32, #tpu.memory_space<vmem>> -> memref<1x80x64xf32, #tpu.memory_space<vmem>>
      %dma_start3A_350 = tpu.memref_squeeze %dma_start3A_349 : memref<1x80x64xf32, #tpu.memory_space<vmem>> -> memref<80x64xf32, #tpu.memory_space<vmem>>
      tpu.enqueue_dma source(%dma_start3A_350 : memref<80x64xf32, #tpu.memory_space<vmem>>) target(%dma_start3A_346 : memref<80x64xf32, #tpu.memory_space<vmem_shared>>) target_semaphore(%run_scoped3A_338 : memref<!tpu.dma_semaphore, #tpu.memory_space<semaphore_mem>>)
      %dma_wait3A_351 = arith.constant 0 : i32
      %dma_wait3A_352 = arith.constant 0 : i32
      %dma_wait3A_353 = tpu.memref_slice %arg13[%run_scoped3A_144, %dma_wait3A_351, %dma_wait3A_352] : memref<2x128x64xf32, #tpu.memory_space<vmem>> -> memref<1x80x64xf32, #tpu.memory_space<vmem>>
      %dma_wait3A_354 = tpu.memref_squeeze %dma_wait3A_353 : memref<1x80x64xf32, #tpu.memory_space<vmem>> -> memref<80x64xf32, #tpu.memory_space<vmem>>
      %dma_wait3A_355 = arith.constant 0 : i32
      %dma_wait3A_356 = tpu.memref_slice %arg15[%add3A_143, %dma_wait3A_355] : memref<10240x64xf32, #tpu.memory_space<vmem_shared>> -> memref<80x64xf32, #tpu.memory_space<vmem_shared>>
      %dma_wait3A_357 = arith.constant 0 : i32
      %dma_wait3A_358 = tpu.memref_slice %arg15[%add3A_143, %dma_wait3A_357] : memref<10240x64xf32, #tpu.memory_space<vmem_shared>> -> memref<80x64xf32, #tpu.memory_space<vmem_shared>>
      %dma_wait3A_359 = arith.constant 0 : i32
      %dma_wait3A_360 = arith.constant 0 : i32
      %dma_wait3A_361 = tpu.memref_slice %arg13[%run_scoped3A_144, %dma_wait3A_359, %dma_wait3A_360] : memref<2x128x64xf32, #tpu.memory_space<vmem>> -> memref<1x80x64xf32, #tpu.memory_space<vmem>>
      %dma_wait3A_362 = tpu.memref_squeeze %dma_wait3A_361 : memref<1x80x64xf32, #tpu.memory_space<vmem>> -> memref<80x64xf32, #tpu.memory_space<vmem>>
      tpu.wait_dma2 semaphore(%run_scoped3A_338 : memref<!tpu.dma_semaphore, #tpu.memory_space<semaphore_mem>>) src(%dma_wait3A_362 : memref<80x64xf32, #tpu.memory_space<vmem>>) dst(%dma_wait3A_358 : memref<80x64xf32, #tpu.memory_space<vmem_shared>>)
      tpu.yield
    }) : () -> ()
    %mul3A_145 = arith.constant 640 : i32
    %mul3A_146 = arith.muli %arg1, %mul3A_145 : i32
    %add3A_147 = arith.constant 320 : i32
    %add3A_148 = arith.addi %mul3A_146, %add3A_147 : i32
    %run_scoped3A_149 = arith.constant 0 : i32
    "tpu.region"() ({
      %run_scoped3A_338 = tpu.sem_alloc : memref<!tpu.dma_semaphore, #tpu.memory_space<semaphore_mem>>
      %dma_start3A_339 = arith.constant 0 : i32
      %dma_start3A_340 = arith.constant 0 : i32
      %dma_start3A_341 = tpu.memref_slice %arg13[%run_scoped3A_149, %dma_start3A_339, %dma_start3A_340] : memref<2x128x64xf32, #tpu.memory_space<vmem>> -> memref<1x80x64xf32, #tpu.memory_space<vmem>>
      %dma_start3A_342 = tpu.memref_squeeze %dma_start3A_341 : memref<1x80x64xf32, #tpu.memory_space<vmem>> -> memref<80x64xf32, #tpu.memory_space<vmem>>
      %dma_start3A_343 = arith.constant 0 : i32
      %dma_start3A_344 = tpu.memref_slice %arg15[%add3A_148, %dma_start3A_343] : memref<10240x64xf32, #tpu.memory_space<vmem_shared>> -> memref<80x64xf32, #tpu.memory_space<vmem_shared>>
      %dma_start3A_345 = arith.constant 0 : i32
      %dma_start3A_346 = tpu.memref_slice %arg15[%add3A_148, %dma_start3A_345] : memref<10240x64xf32, #tpu.memory_space<vmem_shared>> -> memref<80x64xf32, #tpu.memory_space<vmem_shared>>
      %dma_start3A_347 = arith.constant 0 : i32
      %dma_start3A_348 = arith.constant 0 : i32
      %dma_start3A_349 = tpu.memref_slice %arg13[%run_scoped3A_149, %dma_start3A_347, %dma_start3A_348] : memref<2x128x64xf32, #tpu.memory_space<vmem>> -> memref<1x80x64xf32, #tpu.memory_space<vmem>>
      %dma_start3A_350 = tpu.memref_squeeze %dma_start3A_349 : memref<1x80x64xf32, #tpu.memory_space<vmem>> -> memref<80x64xf32, #tpu.memory_space<vmem>>
      tpu.enqueue_dma source(%dma_start3A_350 : memref<80x64xf32, #tpu.memory_space<vmem>>) target(%dma_start3A_346 : memref<80x64xf32, #tpu.memory_space<vmem_shared>>) target_semaphore(%run_scoped3A_338 : memref<!tpu.dma_semaphore, #tpu.memory_space<semaphore_mem>>)
      %dma_wait3A_351 = arith.constant 0 : i32
      %dma_wait3A_352 = arith.constant 0 : i32
      %dma_wait3A_353 = tpu.memref_slice %arg13[%run_scoped3A_149, %dma_wait3A_351, %dma_wait3A_352] : memref<2x128x64xf32, #tpu.memory_space<vmem>> -> memref<1x80x64xf32, #tpu.memory_space<vmem>>
      %dma_wait3A_354 = tpu.memref_squeeze %dma_wait3A_353 : memref<1x80x64xf32, #tpu.memory_space<vmem>> -> memref<80x64xf32, #tpu.memory_space<vmem>>
      %dma_wait3A_355 = arith.constant 0 : i32
      %dma_wait3A_356 = tpu.memref_slice %arg15[%add3A_148, %dma_wait3A_355] : memref<10240x64xf32, #tpu.memory_space<vmem_shared>> -> memref<80x64xf32, #tpu.memory_space<vmem_shared>>
      %dma_wait3A_357 = arith.constant 0 : i32
      %dma_wait3A_358 = tpu.memref_slice %arg15[%add3A_148, %dma_wait3A_357] : memref<10240x64xf32, #tpu.memory_space<vmem_shared>> -> memref<80x64xf32, #tpu.memory_space<vmem_shared>>
      %dma_wait3A_359 = arith.constant 0 : i32
      %dma_wait3A_360 = arith.constant 0 : i32
      %dma_wait3A_361 = tpu.memref_slice %arg13[%run_scoped3A_149, %dma_wait3A_359, %dma_wait3A_360] : memref<2x128x64xf32, #tpu.memory_space<vmem>> -> memref<1x80x64xf32, #tpu.memory_space<vmem>>
      %dma_wait3A_362 = tpu.memref_squeeze %dma_wait3A_361 : memref<1x80x64xf32, #tpu.memory_space<vmem>> -> memref<80x64xf32, #tpu.memory_space<vmem>>
      tpu.wait_dma2 semaphore(%run_scoped3A_338 : memref<!tpu.dma_semaphore, #tpu.memory_space<semaphore_mem>>) src(%dma_wait3A_362 : memref<80x64xf32, #tpu.memory_space<vmem>>) dst(%dma_wait3A_358 : memref<80x64xf32, #tpu.memory_space<vmem_shared>>)
      tpu.yield
    }) : () -> ()
    %mul3A_150 = arith.constant 640 : i32
    %mul3A_151 = arith.muli %arg1, %mul3A_150 : i32
    %add3A_152 = arith.constant 400 : i32
    %add3A_153 = arith.addi %mul3A_151, %add3A_152 : i32
    %run_scoped3A_154 = arith.constant 0 : i32
    "tpu.region"() ({
      %run_scoped3A_338 = tpu.sem_alloc : memref<!tpu.dma_semaphore, #tpu.memory_space<semaphore_mem>>
      %dma_start3A_339 = arith.constant 0 : i32
      %dma_start3A_340 = arith.constant 0 : i32
      %dma_start3A_341 = tpu.memref_slice %arg13[%run_scoped3A_154, %dma_start3A_339, %dma_start3A_340] : memref<2x128x64xf32, #tpu.memory_space<vmem>> -> memref<1x80x64xf32, #tpu.memory_space<vmem>>
      %dma_start3A_342 = tpu.memref_squeeze %dma_start3A_341 : memref<1x80x64xf32, #tpu.memory_space<vmem>> -> memref<80x64xf32, #tpu.memory_space<vmem>>
      %dma_start3A_343 = arith.constant 0 : i32
      %dma_start3A_344 = tpu.memref_slice %arg15[%add3A_153, %dma_start3A_343] : memref<10240x64xf32, #tpu.memory_space<vmem_shared>> -> memref<80x64xf32, #tpu.memory_space<vmem_shared>>
      %dma_start3A_345 = arith.constant 0 : i32
      %dma_start3A_346 = tpu.memref_slice %arg15[%add3A_153, %dma_start3A_345] : memref<10240x64xf32, #tpu.memory_space<vmem_shared>> -> memref<80x64xf32, #tpu.memory_space<vmem_shared>>
      %dma_start3A_347 = arith.constant 0 : i32
      %dma_start3A_348 = arith.constant 0 : i32
      %dma_start3A_349 = tpu.memref_slice %arg13[%run_scoped3A_154, %dma_start3A_347, %dma_start3A_348] : memref<2x128x64xf32, #tpu.memory_space<vmem>> -> memref<1x80x64xf32, #tpu.memory_space<vmem>>
      %dma_start3A_350 = tpu.memref_squeeze %dma_start3A_349 : memref<1x80x64xf32, #tpu.memory_space<vmem>> -> memref<80x64xf32, #tpu.memory_space<vmem>>
      tpu.enqueue_dma source(%dma_start3A_350 : memref<80x64xf32, #tpu.memory_space<vmem>>) target(%dma_start3A_346 : memref<80x64xf32, #tpu.memory_space<vmem_shared>>) target_semaphore(%run_scoped3A_338 : memref<!tpu.dma_semaphore, #tpu.memory_space<semaphore_mem>>)
      %dma_wait3A_351 = arith.constant 0 : i32
      %dma_wait3A_352 = arith.constant 0 : i32
      %dma_wait3A_353 = tpu.memref_slice %arg13[%run_scoped3A_154, %dma_wait3A_351, %dma_wait3A_352] : memref<2x128x64xf32, #tpu.memory_space<vmem>> -> memref<1x80x64xf32, #tpu.memory_space<vmem>>
      %dma_wait3A_354 = tpu.memref_squeeze %dma_wait3A_353 : memref<1x80x64xf32, #tpu.memory_space<vmem>> -> memref<80x64xf32, #tpu.memory_space<vmem>>
      %dma_wait3A_355 = arith.constant 0 : i32
      %dma_wait3A_356 = tpu.memref_slice %arg15[%add3A_153, %dma_wait3A_355] : memref<10240x64xf32, #tpu.memory_space<vmem_shared>> -> memref<80x64xf32, #tpu.memory_space<vmem_shared>>
      %dma_wait3A_357 = arith.constant 0 : i32
      %dma_wait3A_358 = tpu.memref_slice %arg15[%add3A_153, %dma_wait3A_357] : memref<10240x64xf32, #tpu.memory_space<vmem_shared>> -> memref<80x64xf32, #tpu.memory_space<vmem_shared>>
      %dma_wait3A_359 = arith.constant 0 : i32
      %dma_wait3A_360 = arith.constant 0 : i32
      %dma_wait3A_361 = tpu.memref_slice %arg13[%run_scoped3A_154, %dma_wait3A_359, %dma_wait3A_360] : memref<2x128x64xf32, #tpu.memory_space<vmem>> -> memref<1x80x64xf32, #tpu.memory_space<vmem>>
      %dma_wait3A_362 = tpu.memref_squeeze %dma_wait3A_361 : memref<1x80x64xf32, #tpu.memory_space<vmem>> -> memref<80x64xf32, #tpu.memory_space<vmem>>
      tpu.wait_dma2 semaphore(%run_scoped3A_338 : memref<!tpu.dma_semaphore, #tpu.memory_space<semaphore_mem>>) src(%dma_wait3A_362 : memref<80x64xf32, #tpu.memory_space<vmem>>) dst(%dma_wait3A_358 : memref<80x64xf32, #tpu.memory_space<vmem_shared>>)
      tpu.yield
    }) : () -> ()
    %mul3A_155 = arith.constant 640 : i32
    %mul3A_156 = arith.muli %arg1, %mul3A_155 : i32
    %add3A_157 = arith.constant 480 : i32
    %add3A_158 = arith.addi %mul3A_156, %add3A_157 : i32
    %run_scoped3A_159 = arith.constant 0 : i32
    "tpu.region"() ({
      %run_scoped3A_338 = tpu.sem_alloc : memref<!tpu.dma_semaphore, #tpu.memory_space<semaphore_mem>>
      %dma_start3A_339 = arith.constant 0 : i32
      %dma_start3A_340 = arith.constant 0 : i32
      %dma_start3A_341 = tpu.memref_slice %arg13[%run_scoped3A_159, %dma_start3A_339, %dma_start3A_340] : memref<2x128x64xf32, #tpu.memory_space<vmem>> -> memref<1x80x64xf32, #tpu.memory_space<vmem>>
      %dma_start3A_342 = tpu.memref_squeeze %dma_start3A_341 : memref<1x80x64xf32, #tpu.memory_space<vmem>> -> memref<80x64xf32, #tpu.memory_space<vmem>>
      %dma_start3A_343 = arith.constant 0 : i32
      %dma_start3A_344 = tpu.memref_slice %arg15[%add3A_158, %dma_start3A_343] : memref<10240x64xf32, #tpu.memory_space<vmem_shared>> -> memref<80x64xf32, #tpu.memory_space<vmem_shared>>
      %dma_start3A_345 = arith.constant 0 : i32
      %dma_start3A_346 = tpu.memref_slice %arg15[%add3A_158, %dma_start3A_345] : memref<10240x64xf32, #tpu.memory_space<vmem_shared>> -> memref<80x64xf32, #tpu.memory_space<vmem_shared>>
      %dma_start3A_347 = arith.constant 0 : i32
      %dma_start3A_348 = arith.constant 0 : i32
      %dma_start3A_349 = tpu.memref_slice %arg13[%run_scoped3A_159, %dma_start3A_347, %dma_start3A_348] : memref<2x128x64xf32, #tpu.memory_space<vmem>> -> memref<1x80x64xf32, #tpu.memory_space<vmem>>
      %dma_start3A_350 = tpu.memref_squeeze %dma_start3A_349 : memref<1x80x64xf32, #tpu.memory_space<vmem>> -> memref<80x64xf32, #tpu.memory_space<vmem>>
      tpu.enqueue_dma source(%dma_start3A_350 : memref<80x64xf32, #tpu.memory_space<vmem>>) target(%dma_start3A_346 : memref<80x64xf32, #tpu.memory_space<vmem_shared>>) target_semaphore(%run_scoped3A_338 : memref<!tpu.dma_semaphore, #tpu.memory_space<semaphore_mem>>)
      %dma_wait3A_351 = arith.constant 0 : i32
      %dma_wait3A_352 = arith.constant 0 : i32
      %dma_wait3A_353 = tpu.memref_slice %arg13[%run_scoped3A_159, %dma_wait3A_351, %dma_wait3A_352] : memref<2x128x64xf32, #tpu.memory_space<vmem>> -> memref<1x80x64xf32, #tpu.memory_space<vmem>>
      %dma_wait3A_354 = tpu.memref_squeeze %dma_wait3A_353 : memref<1x80x64xf32, #tpu.memory_space<vmem>> -> memref<80x64xf32, #tpu.memory_space<vmem>>
      %dma_wait3A_355 = arith.constant 0 : i32
      %dma_wait3A_356 = tpu.memref_slice %arg15[%add3A_158, %dma_wait3A_355] : memref<10240x64xf32, #tpu.memory_space<vmem_shared>> -> memref<80x64xf32, #tpu.memory_space<vmem_shared>>
      %dma_wait3A_357 = arith.constant 0 : i32
      %dma_wait3A_358 = tpu.memref_slice %arg15[%add3A_158, %dma_wait3A_357] : memref<10240x64xf32, #tpu.memory_space<vmem_shared>> -> memref<80x64xf32, #tpu.memory_space<vmem_shared>>
      %dma_wait3A_359 = arith.constant 0 : i32
      %dma_wait3A_360 = arith.constant 0 : i32
      %dma_wait3A_361 = tpu.memref_slice %arg13[%run_scoped3A_159, %dma_wait3A_359, %dma_wait3A_360] : memref<2x128x64xf32, #tpu.memory_space<vmem>> -> memref<1x80x64xf32, #tpu.memory_space<vmem>>
      %dma_wait3A_362 = tpu.memref_squeeze %dma_wait3A_361 : memref<1x80x64xf32, #tpu.memory_space<vmem>> -> memref<80x64xf32, #tpu.memory_space<vmem>>
      tpu.wait_dma2 semaphore(%run_scoped3A_338 : memref<!tpu.dma_semaphore, #tpu.memory_space<semaphore_mem>>) src(%dma_wait3A_362 : memref<80x64xf32, #tpu.memory_space<vmem>>) dst(%dma_wait3A_358 : memref<80x64xf32, #tpu.memory_space<vmem_shared>>)
      tpu.yield
    }) : () -> ()
    %mul3A_160 = arith.constant 640 : i32
    %mul3A_161 = arith.muli %arg1, %mul3A_160 : i32
    %add3A_162 = arith.constant 560 : i32
    %add3A_163 = arith.addi %mul3A_161, %add3A_162 : i32
    %run_scoped3A_164 = arith.constant 0 : i32
    "tpu.region"() ({
      %run_scoped3A_338 = tpu.sem_alloc : memref<!tpu.dma_semaphore, #tpu.memory_space<semaphore_mem>>
      %dma_start3A_339 = arith.constant 0 : i32
      %dma_start3A_340 = arith.constant 0 : i32
      %dma_start3A_341 = tpu.memref_slice %arg13[%run_scoped3A_164, %dma_start3A_339, %dma_start3A_340] : memref<2x128x64xf32, #tpu.memory_space<vmem>> -> memref<1x80x64xf32, #tpu.memory_space<vmem>>
      %dma_start3A_342 = tpu.memref_squeeze %dma_start3A_341 : memref<1x80x64xf32, #tpu.memory_space<vmem>> -> memref<80x64xf32, #tpu.memory_space<vmem>>
      %dma_start3A_343 = arith.constant 0 : i32
      %dma_start3A_344 = tpu.memref_slice %arg15[%add3A_163, %dma_start3A_343] : memref<10240x64xf32, #tpu.memory_space<vmem_shared>> -> memref<80x64xf32, #tpu.memory_space<vmem_shared>>
      %dma_start3A_345 = arith.constant 0 : i32
      %dma_start3A_346 = tpu.memref_slice %arg15[%add3A_163, %dma_start3A_345] : memref<10240x64xf32, #tpu.memory_space<vmem_shared>> -> memref<80x64xf32, #tpu.memory_space<vmem_shared>>
      %dma_start3A_347 = arith.constant 0 : i32
      %dma_start3A_348 = arith.constant 0 : i32
      %dma_start3A_349 = tpu.memref_slice %arg13[%run_scoped3A_164, %dma_start3A_347, %dma_start3A_348] : memref<2x128x64xf32, #tpu.memory_space<vmem>> -> memref<1x80x64xf32, #tpu.memory_space<vmem>>
      %dma_start3A_350 = tpu.memref_squeeze %dma_start3A_349 : memref<1x80x64xf32, #tpu.memory_space<vmem>> -> memref<80x64xf32, #tpu.memory_space<vmem>>
      tpu.enqueue_dma source(%dma_start3A_350 : memref<80x64xf32, #tpu.memory_space<vmem>>) target(%dma_start3A_346 : memref<80x64xf32, #tpu.memory_space<vmem_shared>>) target_semaphore(%run_scoped3A_338 : memref<!tpu.dma_semaphore, #tpu.memory_space<semaphore_mem>>)
      %dma_wait3A_351 = arith.constant 0 : i32
      %dma_wait3A_352 = arith.constant 0 : i32
      %dma_wait3A_353 = tpu.memref_slice %arg13[%run_scoped3A_164, %dma_wait3A_351, %dma_wait3A_352] : memref<2x128x64xf32, #tpu.memory_space<vmem>> -> memref<1x80x64xf32, #tpu.memory_space<vmem>>
      %dma_wait3A_354 = tpu.memref_squeeze %dma_wait3A_353 : memref<1x80x64xf32, #tpu.memory_space<vmem>> -> memref<80x64xf32, #tpu.memory_space<vmem>>
      %dma_wait3A_355 = arith.constant 0 : i32
      %dma_wait3A_356 = tpu.memref_slice %arg15[%add3A_163, %dma_wait3A_355] : memref<10240x64xf32, #tpu.memory_space<vmem_shared>> -> memref<80x64xf32, #tpu.memory_space<vmem_shared>>
      %dma_wait3A_357 = arith.constant 0 : i32
      %dma_wait3A_358 = tpu.memref_slice %arg15[%add3A_163, %dma_wait3A_357] : memref<10240x64xf32, #tpu.memory_space<vmem_shared>> -> memref<80x64xf32, #tpu.memory_space<vmem_shared>>
      %dma_wait3A_359 = arith.constant 0 : i32
      %dma_wait3A_360 = arith.constant 0 : i32
      %dma_wait3A_361 = tpu.memref_slice %arg13[%run_scoped3A_164, %dma_wait3A_359, %dma_wait3A_360] : memref<2x128x64xf32, #tpu.memory_space<vmem>> -> memref<1x80x64xf32, #tpu.memory_space<vmem>>
      %dma_wait3A_362 = tpu.memref_squeeze %dma_wait3A_361 : memref<1x80x64xf32, #tpu.memory_space<vmem>> -> memref<80x64xf32, #tpu.memory_space<vmem>>
      tpu.wait_dma2 semaphore(%run_scoped3A_338 : memref<!tpu.dma_semaphore, #tpu.memory_space<semaphore_mem>>) src(%dma_wait3A_362 : memref<80x64xf32, #tpu.memory_space<vmem>>) dst(%dma_wait3A_358 : memref<80x64xf32, #tpu.memory_space<vmem_shared>>)
      tpu.yield
    }) : () -> ()
    %barrier3A = arith.constant 0 : index
    tpu.barrier barrier_id(%barrier3A)
    %dma_wait3A = arith.constant 0 : i32
    %dma_wait3A_165 = arith.constant 0 : i32
    %dma_wait3A_166 = arith.constant 0 : i32
    %dma_wait3A_167 = tpu.memref_slice %arg9[%dma_wait3A_165, %dma_wait3A_166] : memref<4x128xi32, #tpu.memory_space<vmem>> -> memref<1x128xi32, #tpu.memory_space<vmem>>
    %dma_wait3A_168 = tpu.memref_squeeze %dma_wait3A_167 : memref<1x128xi32, #tpu.memory_space<vmem>> -> memref<128xi32, #tpu.memory_space<vmem>>
    %dma_wait3A_169 = arith.constant 0 : i32
    %dma_wait3A_170 = tpu.memref_slice %arg4[%arg1, %dma_wait3A, %dma_wait3A_169] : memref<16x164x128xi32, #tpu.memory_space<hbm>> -> memref<1x1x128xi32, #tpu.memory_space<hbm>>
    %dma_wait3A_171 = tpu.memref_squeeze %dma_wait3A_170 : memref<1x1x128xi32, #tpu.memory_space<hbm>> -> memref<128xi32, #tpu.memory_space<hbm>>
    %dma_wait3A_172 = arith.constant 0 : i32
    %dma_wait3A_173 = tpu.memref_slice %arg9[%dma_wait3A_165, %dma_wait3A_172] : memref<4x128xi32, #tpu.memory_space<vmem>> -> memref<1x128xi32, #tpu.memory_space<vmem>>
    %dma_wait3A_174 = tpu.memref_squeeze %dma_wait3A_173 : memref<1x128xi32, #tpu.memory_space<vmem>> -> memref<128xi32, #tpu.memory_space<vmem>>
    %dma_wait3A_175 = arith.constant 0 : i32
    %dma_wait3A_176 = tpu.memref_slice %arg4[%arg1, %dma_wait3A, %dma_wait3A_175] : memref<16x164x128xi32, #tpu.memory_space<hbm>> -> memref<1x1x128xi32, #tpu.memory_space<hbm>>
    %dma_wait3A_177 = tpu.memref_squeeze %dma_wait3A_176 : memref<1x1x128xi32, #tpu.memory_space<hbm>> -> memref<128xi32, #tpu.memory_space<hbm>>
    tpu.wait_dma2 semaphore(%arg18 : memref<!tpu.dma_semaphore, #tpu.memory_space<semaphore_mem>>) src(%dma_wait3A_177 : memref<128xi32, #tpu.memory_space<hbm>>) dst(%dma_wait3A_174 : memref<128xi32, #tpu.memory_space<vmem>>)
    %dma_start3A_178 = arith.constant 0 : i32
    %dma_start3A_179 = arith.constant 0 : i32
    %dma_start3A_180 = arith.constant 0 : i32
    %dma_start3A_181 = arith.constant 0 : i32
    %dma_start3A_182 = tpu.memref_slice %arg13[%dma_start3A_179, %dma_start3A_180, %dma_start3A_181] : memref<2x128x64xf32, #tpu.memory_space<vmem>> -> memref<1x128x64xf32, #tpu.memory_space<vmem>>
    %dma_start3A_183 = tpu.memref_squeeze %dma_start3A_182 : memref<1x128x64xf32, #tpu.memory_space<vmem>> -> memref<128x64xf32, #tpu.memory_space<vmem>>
    %dma_start3A_184 = arith.constant 0 : i32
    %dma_start3A_185 = tpu.memref_slice %arg9[%dma_start3A_178, %dma_start3A_184] : memref<4x128xi32, #tpu.memory_space<vmem>> -> memref<1x128xi32, #tpu.memory_space<vmem>>
    %dma_start3A_186 = tpu.memref_squeeze %dma_start3A_185 : memref<1x128xi32, #tpu.memory_space<vmem>> -> memref<128xi32, #tpu.memory_space<vmem>>
    %dma_start3A_187 = arith.constant 0 : i32
    %dma_start3A_188 = arith.constant 0 : i32
    %dma_start3A_189 = tpu.memref_slice %arg14[%dma_start3A_187, %dma_start3A_188] : memref<10240x64xf32, #tpu.memory_space<vmem_shared>> -> memref<10240x64xf32, #tpu.memory_space<vmem_shared>>
    tpu.enqueue_indirect_dma source(%dma_start3A_189 : memref<10240x64xf32, #tpu.memory_space<vmem_shared>>) target(%dma_start3A_183 : memref<128x64xf32, #tpu.memory_space<vmem>>) offsets(%dma_start3A_186 : memref<128xi32, #tpu.memory_space<vmem>>) semaphore(%arg16 : memref<!tpu.dma_semaphore, #tpu.memory_space<semaphore_mem>>)
    %scan3A_190 = arith.constant 0 : i32
    %scan3A_191 = arith.constant 41 : i32
    %scan3A_192 = arith.addi %scan3A_190, %scan3A_191 : i32
    %scan3A_193 = arith.constant 1 : i32
    scf.for %scan3A_338 = %scan3A_190 to %scan3A_192 step %scan3A_193  : i32 {
      %mul3A_339 = arith.constant 4 : i32
      %mul3A_340 = arith.muli %scan3A_338, %mul3A_339 : i32
      %add3A_341 = arith.constant 0 : i32
      %add3A_342 = arith.addi %add3A_341, %mul3A_340 : i32
      %add3A_343 = arith.constant 0 : i32
      %add3A_344 = arith.addi %add3A_342, %add3A_343 : i32
      %add3A_345 = arith.constant 1 : i32
      %add3A_346 = arith.addi %add3A_344, %add3A_345 : i32
      %min3A = arith.constant 163 : i32
      %min3A_347 = arith.minsi %add3A_346, %min3A : i32
      %dma_wait3A_348 = arith.constant 1 : i32
      %dma_wait3A_349 = arith.constant 0 : i32
      %dma_wait3A_350 = tpu.memref_slice %arg9[%dma_wait3A_348, %dma_wait3A_349] : memref<4x128xi32, #tpu.memory_space<vmem>> -> memref<1x128xi32, #tpu.memory_space<vmem>>
      %dma_wait3A_351 = tpu.memref_squeeze %dma_wait3A_350 : memref<1x128xi32, #tpu.memory_space<vmem>> -> memref<128xi32, #tpu.memory_space<vmem>>
      %dma_wait3A_352 = arith.constant 0 : i32
      %dma_wait3A_353 = tpu.memref_slice %arg4[%arg1, %min3A_347, %dma_wait3A_352] : memref<16x164x128xi32, #tpu.memory_space<hbm>> -> memref<1x1x128xi32, #tpu.memory_space<hbm>>
      %dma_wait3A_354 = tpu.memref_squeeze %dma_wait3A_353 : memref<1x1x128xi32, #tpu.memory_space<hbm>> -> memref<128xi32, #tpu.memory_space<hbm>>
      %dma_wait3A_355 = arith.constant 0 : i32
      %dma_wait3A_356 = tpu.memref_slice %arg9[%dma_wait3A_348, %dma_wait3A_355] : memref<4x128xi32, #tpu.memory_space<vmem>> -> memref<1x128xi32, #tpu.memory_space<vmem>>
      %dma_wait3A_357 = tpu.memref_squeeze %dma_wait3A_356 : memref<1x128xi32, #tpu.memory_space<vmem>> -> memref<128xi32, #tpu.memory_space<vmem>>
      %dma_wait3A_358 = arith.constant 0 : i32
      %dma_wait3A_359 = tpu.memref_slice %arg4[%arg1, %min3A_347, %dma_wait3A_358] : memref<16x164x128xi32, #tpu.memory_space<hbm>> -> memref<1x1x128xi32, #tpu.memory_space<hbm>>
      %dma_wait3A_360 = tpu.memref_squeeze %dma_wait3A_359 : memref<1x1x128xi32, #tpu.memory_space<hbm>> -> memref<128xi32, #tpu.memory_space<hbm>>
      tpu.wait_dma2 semaphore(%arg19 : memref<!tpu.dma_semaphore, #tpu.memory_space<semaphore_mem>>) src(%dma_wait3A_360 : memref<128xi32, #tpu.memory_space<hbm>>) dst(%dma_wait3A_357 : memref<128xi32, #tpu.memory_space<vmem>>)
      %dma_start3A_361 = arith.constant 1 : i32
      %dma_start3A_362 = arith.constant 1 : i32
      %dma_start3A_363 = arith.constant 0 : i32
      %dma_start3A_364 = arith.constant 0 : i32
      %dma_start3A_365 = tpu.memref_slice %arg13[%dma_start3A_362, %dma_start3A_363, %dma_start3A_364] : memref<2x128x64xf32, #tpu.memory_space<vmem>> -> memref<1x128x64xf32, #tpu.memory_space<vmem>>
      %dma_start3A_366 = tpu.memref_squeeze %dma_start3A_365 : memref<1x128x64xf32, #tpu.memory_space<vmem>> -> memref<128x64xf32, #tpu.memory_space<vmem>>
      %dma_start3A_367 = arith.constant 0 : i32
      %dma_start3A_368 = tpu.memref_slice %arg9[%dma_start3A_361, %dma_start3A_367] : memref<4x128xi32, #tpu.memory_space<vmem>> -> memref<1x128xi32, #tpu.memory_space<vmem>>
      %dma_start3A_369 = tpu.memref_squeeze %dma_start3A_368 : memref<1x128xi32, #tpu.memory_space<vmem>> -> memref<128xi32, #tpu.memory_space<vmem>>
      %dma_start3A_370 = arith.constant 0 : i32
      %dma_start3A_371 = arith.constant 0 : i32
      %dma_start3A_372 = tpu.memref_slice %arg14[%dma_start3A_370, %dma_start3A_371] : memref<10240x64xf32, #tpu.memory_space<vmem_shared>> -> memref<10240x64xf32, #tpu.memory_space<vmem_shared>>
      tpu.enqueue_indirect_dma source(%dma_start3A_372 : memref<10240x64xf32, #tpu.memory_space<vmem_shared>>) target(%dma_start3A_366 : memref<128x64xf32, #tpu.memory_space<vmem>>) offsets(%dma_start3A_369 : memref<128xi32, #tpu.memory_space<vmem>>) semaphore(%arg17 : memref<!tpu.dma_semaphore, #tpu.memory_space<semaphore_mem>>)
      %dma_wait3A_373 = arith.constant 0 : i32
      %dma_wait3A_374 = arith.constant 0 : i32
      %dma_wait3A_375 = tpu.memref_slice %arg10[%dma_wait3A_373, %dma_wait3A_374] : memref<4x128xi32, #tpu.memory_space<vmem>> -> memref<1x128xi32, #tpu.memory_space<vmem>>
      %dma_wait3A_376 = tpu.memref_squeeze %dma_wait3A_375 : memref<1x128xi32, #tpu.memory_space<vmem>> -> memref<128xi32, #tpu.memory_space<vmem>>
      %dma_wait3A_377 = arith.constant 0 : i32
      %dma_wait3A_378 = tpu.memref_slice %arg5[%arg1, %min3A_347, %dma_wait3A_377] : memref<16x164x128xi32, #tpu.memory_space<hbm>> -> memref<1x1x128xi32, #tpu.memory_space<hbm>>
      %dma_wait3A_379 = tpu.memref_squeeze %dma_wait3A_378 : memref<1x1x128xi32, #tpu.memory_space<hbm>> -> memref<128xi32, #tpu.memory_space<hbm>>
      %dma_wait3A_380 = arith.constant 0 : i32
      %dma_wait3A_381 = tpu.memref_slice %arg10[%dma_wait3A_373, %dma_wait3A_380] : memref<4x128xi32, #tpu.memory_space<vmem>> -> memref<1x128xi32, #tpu.memory_space<vmem>>
      %dma_wait3A_382 = tpu.memref_squeeze %dma_wait3A_381 : memref<1x128xi32, #tpu.memory_space<vmem>> -> memref<128xi32, #tpu.memory_space<vmem>>
      %dma_wait3A_383 = arith.constant 0 : i32
      %dma_wait3A_384 = tpu.memref_slice %arg5[%arg1, %min3A_347, %dma_wait3A_383] : memref<16x164x128xi32, #tpu.memory_space<hbm>> -> memref<1x1x128xi32, #tpu.memory_space<hbm>>
      %dma_wait3A_385 = tpu.memref_squeeze %dma_wait3A_384 : memref<1x1x128xi32, #tpu.memory_space<hbm>> -> memref<128xi32, #tpu.memory_space<hbm>>
      tpu.wait_dma2 semaphore(%arg22 : memref<!tpu.dma_semaphore, #tpu.memory_space<semaphore_mem>>) src(%dma_wait3A_385 : memref<128xi32, #tpu.memory_space<hbm>>) dst(%dma_wait3A_382 : memref<128xi32, #tpu.memory_space<vmem>>)
      %dma_wait3A_386 = arith.constant 0 : i32
      %dma_wait3A_387 = arith.constant 0 : i32
      %dma_wait3A_388 = arith.constant 0 : i32
      %dma_wait3A_389 = arith.constant 0 : i32
      %dma_wait3A_390 = tpu.memref_slice %arg13[%dma_wait3A_387, %dma_wait3A_388, %dma_wait3A_389] : memref<2x128x64xf32, #tpu.memory_space<vmem>> -> memref<1x128x64xf32, #tpu.memory_space<vmem>>
      %dma_wait3A_391 = tpu.memref_squeeze %dma_wait3A_390 : memref<1x128x64xf32, #tpu.memory_space<vmem>> -> memref<128x64xf32, #tpu.memory_space<vmem>>
      %dma_wait3A_392 = arith.constant 0 : i32
      %dma_wait3A_393 = tpu.memref_slice %arg9[%dma_wait3A_386, %dma_wait3A_392] : memref<4x128xi32, #tpu.memory_space<vmem>> -> memref<1x128xi32, #tpu.memory_space<vmem>>
      %dma_wait3A_394 = tpu.memref_squeeze %dma_wait3A_393 : memref<1x128xi32, #tpu.memory_space<vmem>> -> memref<128xi32, #tpu.memory_space<vmem>>
      %dma_wait3A_395 = arith.constant 0 : i32
      %dma_wait3A_396 = arith.constant 0 : i32
      %dma_wait3A_397 = tpu.memref_slice %arg14[%dma_wait3A_395, %dma_wait3A_396] : memref<10240x64xf32, #tpu.memory_space<vmem_shared>> -> memref<10240x64xf32, #tpu.memory_space<vmem_shared>>
      tpu.wait_indirect_dma semaphore(%arg16 : memref<!tpu.dma_semaphore, #tpu.memory_space<semaphore_mem>>) src(%dma_wait3A_397 : memref<10240x64xf32, #tpu.memory_space<vmem_shared>>) dst(%dma_wait3A_391 : memref<128x64xf32, #tpu.memory_space<vmem>>)
      %get3A = arith.constant 0 : i32
      %get3A_398 = arith.index_cast %get3A : i32 to index
      %get3A_399 = arith.constant 0 : index
      %get3A_400 = tpu.vector_load %arg9[%get3A_398, %get3A_399] {strides = array<i32>} : memref<4x128xi32, #tpu.memory_space<vmem>>, vector<16xi32>,
      %get3A_401 = arith.constant 0 : i32
      %get3A_402 = arith.index_cast %get3A_401 : i32 to index
      %get3A_403 = arith.constant 0 : index
      %get3A_404 = tpu.vector_load %arg10[%get3A_402, %get3A_403] {strides = array<i32>} : memref<4x128xi32, #tpu.memory_space<vmem>>, vector<16xi32>,
      %mul3A_405 = arith.constant 2 : i32
      %mul3A_406 = vector.broadcast %mul3A_405 : i32 to vector<16xi32>
      %mul3A_407 = arith.muli %get3A_400, %mul3A_406 : vector<16xi32>
      %gather3A = tpu.vector_load_idx %arg8[%mul3A_407] : memref<20480xf32, #tpu.memory_space<vmem>>[vector<16xi32>], vector<16xf32>,
      %mul3A_408 = arith.constant 2 : i32
      %mul3A_409 = vector.broadcast %mul3A_408 : i32 to vector<16xi32>
      %mul3A_410 = arith.muli %get3A_404, %mul3A_409 : vector<16xi32>
      %add3A_411 = arith.constant 1 : i32
      %add3A_412 = vector.broadcast %add3A_411 : i32 to vector<16xi32>
      %add3A_413 = arith.addi %mul3A_410, %add3A_412 : vector<16xi32>
      %gather3A_414 = tpu.vector_load_idx %arg8[%add3A_413] : memref<20480xf32, #tpu.memory_space<vmem>>[vector<16xi32>], vector<16xf32>,
      %add3A_415 = arith.addf %gather3A, %gather3A_414 : vector<16xf32>
      %mul3A_416 = arith.constant 2.000000e-01 : f32
      %mul3A_417 = vector.broadcast %mul3A_416 : f32 to vector<16xf32>
      %mul3A_418 = arith.mulf %mul3A_417, %add3A_415 : vector<16xf32>
      %max3A = arith.maximumf %add3A_415, %mul3A_418 : vector<16xf32>
      %exp3A = math.exp %max3A : vector<16xf32>
      %swap3A = arith.constant 0 : index
      %swap3A_419 = tpu.vector_load %arg11[%swap3A] {strides = array<i32>} : memref<128xf32, #tpu.memory_space<vmem>>, vector<16xf32>,
      tpu.vector_store %arg11[%swap3A], %exp3A {strides = array<i32>} : memref<128xf32, #tpu.memory_space<vmem>>, vector<16xf32>,
      tpu.vector_store_idx %arg12[%get3A_404], %exp3A {add = true} : memref<10240xf32, #tpu.memory_space<vmem>>[vector<16xi32>], vector<16xf32>,
      %get3A_420 = arith.constant 0 : i32
      %get3A_421 = arith.index_cast %get3A_420 : i32 to index
      %get3A_422 = arith.constant 16 : index
      %get3A_423 = tpu.vector_load %arg9[%get3A_421, %get3A_422] {strides = array<i32>} : memref<4x128xi32, #tpu.memory_space<vmem>>, vector<16xi32>,
      %get3A_424 = arith.constant 0 : i32
      %get3A_425 = arith.index_cast %get3A_424 : i32 to index
      %get3A_426 = arith.constant 16 : index
      %get3A_427 = tpu.vector_load %arg10[%get3A_425, %get3A_426] {strides = array<i32>} : memref<4x128xi32, #tpu.memory_space<vmem>>, vector<16xi32>,
      %mul3A_428 = arith.constant 2 : i32
      %mul3A_429 = vector.broadcast %mul3A_428 : i32 to vector<16xi32>
      %mul3A_430 = arith.muli %get3A_423, %mul3A_429 : vector<16xi32>
      %gather3A_431 = tpu.vector_load_idx %arg8[%mul3A_430] : memref<20480xf32, #tpu.memory_space<vmem>>[vector<16xi32>], vector<16xf32>,
      %mul3A_432 = arith.constant 2 : i32
      %mul3A_433 = vector.broadcast %mul3A_432 : i32 to vector<16xi32>
      %mul3A_434 = arith.muli %get3A_427, %mul3A_433 : vector<16xi32>
      %add3A_435 = arith.constant 1 : i32
      %add3A_436 = vector.broadcast %add3A_435 : i32 to vector<16xi32>
      %add3A_437 = arith.addi %mul3A_434, %add3A_436 : vector<16xi32>
      %gather3A_438 = tpu.vector_load_idx %arg8[%add3A_437] : memref<20480xf32, #tpu.memory_space<vmem>>[vector<16xi32>], vector<16xf32>,
      %add3A_439 = arith.addf %gather3A_431, %gather3A_438 : vector<16xf32>
      %mul3A_440 = arith.constant 2.000000e-01 : f32
      %mul3A_441 = vector.broadcast %mul3A_440 : f32 to vector<16xf32>
      %mul3A_442 = arith.mulf %mul3A_441, %add3A_439 : vector<16xf32>
      %max3A_443 = arith.maximumf %add3A_439, %mul3A_442 : vector<16xf32>
      %exp3A_444 = math.exp %max3A_443 : vector<16xf32>
      %swap3A_445 = arith.constant 16 : index
      %swap3A_446 = tpu.vector_load %arg11[%swap3A_445] {strides = array<i32>} : memref<128xf32, #tpu.memory_space<vmem>>, vector<16xf32>,
      tpu.vector_store %arg11[%swap3A_445], %exp3A_444 {strides = array<i32>} : memref<128xf32, #tpu.memory_space<vmem>>, vector<16xf32>,
      tpu.vector_store_idx %arg12[%get3A_427], %exp3A_444 {add = true} : memref<10240xf32, #tpu.memory_space<vmem>>[vector<16xi32>], vector<16xf32>,
      %get3A_447 = arith.constant 0 : i32
      %get3A_448 = arith.index_cast %get3A_447 : i32 to index
      %get3A_449 = arith.constant 32 : index
      %get3A_450 = tpu.vector_load %arg9[%get3A_448, %get3A_449] {strides = array<i32>} : memref<4x128xi32, #tpu.memory_space<vmem>>, vector<16xi32>,
      %get3A_451 = arith.constant 0 : i32
      %get3A_452 = arith.index_cast %get3A_451 : i32 to index
      %get3A_453 = arith.constant 32 : index
      %get3A_454 = tpu.vector_load %arg10[%get3A_452, %get3A_453] {strides = array<i32>} : memref<4x128xi32, #tpu.memory_space<vmem>>, vector<16xi32>,
      %mul3A_455 = arith.constant 2 : i32
      %mul3A_456 = vector.broadcast %mul3A_455 : i32 to vector<16xi32>
      %mul3A_457 = arith.muli %get3A_450, %mul3A_456 : vector<16xi32>
      %gather3A_458 = tpu.vector_load_idx %arg8[%mul3A_457] : memref<20480xf32, #tpu.memory_space<vmem>>[vector<16xi32>], vector<16xf32>,
      %mul3A_459 = arith.constant 2 : i32
      %mul3A_460 = vector.broadcast %mul3A_459 : i32 to vector<16xi32>
      %mul3A_461 = arith.muli %get3A_454, %mul3A_460 : vector<16xi32>
      %add3A_462 = arith.constant 1 : i32
      %add3A_463 = vector.broadcast %add3A_462 : i32 to vector<16xi32>
      %add3A_464 = arith.addi %mul3A_461, %add3A_463 : vector<16xi32>
      %gather3A_465 = tpu.vector_load_idx %arg8[%add3A_464] : memref<20480xf32, #tpu.memory_space<vmem>>[vector<16xi32>], vector<16xf32>,
      %add3A_466 = arith.addf %gather3A_458, %gather3A_465 : vector<16xf32>
      %mul3A_467 = arith.constant 2.000000e-01 : f32
      %mul3A_468 = vector.broadcast %mul3A_467 : f32 to vector<16xf32>
      %mul3A_469 = arith.mulf %mul3A_468, %add3A_466 : vector<16xf32>
      %max3A_470 = arith.maximumf %add3A_466, %mul3A_469 : vector<16xf32>
      %exp3A_471 = math.exp %max3A_470 : vector<16xf32>
      %swap3A_472 = arith.constant 32 : index
      %swap3A_473 = tpu.vector_load %arg11[%swap3A_472] {strides = array<i32>} : memref<128xf32, #tpu.memory_space<vmem>>, vector<16xf32>,
      tpu.vector_store %arg11[%swap3A_472], %exp3A_471 {strides = array<i32>} : memref<128xf32, #tpu.memory_space<vmem>>, vector<16xf32>,
      tpu.vector_store_idx %arg12[%get3A_454], %exp3A_471 {add = true} : memref<10240xf32, #tpu.memory_space<vmem>>[vector<16xi32>], vector<16xf32>,
      %get3A_474 = arith.constant 0 : i32
      %get3A_475 = arith.index_cast %get3A_474 : i32 to index
      %get3A_476 = arith.constant 48 : index
      %get3A_477 = tpu.vector_load %arg9[%get3A_475, %get3A_476] {strides = array<i32>} : memref<4x128xi32, #tpu.memory_space<vmem>>, vector<16xi32>,
      %get3A_478 = arith.constant 0 : i32
      %get3A_479 = arith.index_cast %get3A_478 : i32 to index
      %get3A_480 = arith.constant 48 : index
      %get3A_481 = tpu.vector_load %arg10[%get3A_479, %get3A_480] {strides = array<i32>} : memref<4x128xi32, #tpu.memory_space<vmem>>, vector<16xi32>,
      %mul3A_482 = arith.constant 2 : i32
      %mul3A_483 = vector.broadcast %mul3A_482 : i32 to vector<16xi32>
      %mul3A_484 = arith.muli %get3A_477, %mul3A_483 : vector<16xi32>
      %gather3A_485 = tpu.vector_load_idx %arg8[%mul3A_484] : memref<20480xf32, #tpu.memory_space<vmem>>[vector<16xi32>], vector<16xf32>,
      %mul3A_486 = arith.constant 2 : i32
      %mul3A_487 = vector.broadcast %mul3A_486 : i32 to vector<16xi32>
      %mul3A_488 = arith.muli %get3A_481, %mul3A_487 : vector<16xi32>
      %add3A_489 = arith.constant 1 : i32
      %add3A_490 = vector.broadcast %add3A_489 : i32 to vector<16xi32>
      %add3A_491 = arith.addi %mul3A_488, %add3A_490 : vector<16xi32>
      %gather3A_492 = tpu.vector_load_idx %arg8[%add3A_491] : memref<20480xf32, #tpu.memory_space<vmem>>[vector<16xi32>], vector<16xf32>,
      %add3A_493 = arith.addf %gather3A_485, %gather3A_492 : vector<16xf32>
      %mul3A_494 = arith.constant 2.000000e-01 : f32
      %mul3A_495 = vector.broadcast %mul3A_494 : f32 to vector<16xf32>
      %mul3A_496 = arith.mulf %mul3A_495, %add3A_493 : vector<16xf32>
      %max3A_497 = arith.maximumf %add3A_493, %mul3A_496 : vector<16xf32>
      %exp3A_498 = math.exp %max3A_497 : vector<16xf32>
      %swap3A_499 = arith.constant 48 : index
      %swap3A_500 = tpu.vector_load %arg11[%swap3A_499] {strides = array<i32>} : memref<128xf32, #tpu.memory_space<vmem>>, vector<16xf32>,
      tpu.vector_store %arg11[%swap3A_499], %exp3A_498 {strides = array<i32>} : memref<128xf32, #tpu.memory_space<vmem>>, vector<16xf32>,
      tpu.vector_store_idx %arg12[%get3A_481], %exp3A_498 {add = true} : memref<10240xf32, #tpu.memory_space<vmem>>[vector<16xi32>], vector<16xf32>,
      %get3A_501 = arith.constant 0 : i32
      %get3A_502 = arith.index_cast %get3A_501 : i32 to index
      %get3A_503 = arith.constant 64 : index
      %get3A_504 = tpu.vector_load %arg9[%get3A_502, %get3A_503] {strides = array<i32>} : memref<4x128xi32, #tpu.memory_space<vmem>>, vector<16xi32>,
      %get3A_505 = arith.constant 0 : i32
      %get3A_506 = arith.index_cast %get3A_505 : i32 to index
      %get3A_507 = arith.constant 64 : index
      %get3A_508 = tpu.vector_load %arg10[%get3A_506, %get3A_507] {strides = array<i32>} : memref<4x128xi32, #tpu.memory_space<vmem>>, vector<16xi32>,
      %mul3A_509 = arith.constant 2 : i32
      %mul3A_510 = vector.broadcast %mul3A_509 : i32 to vector<16xi32>
      %mul3A_511 = arith.muli %get3A_504, %mul3A_510 : vector<16xi32>
      %gather3A_512 = tpu.vector_load_idx %arg8[%mul3A_511] : memref<20480xf32, #tpu.memory_space<vmem>>[vector<16xi32>], vector<16xf32>,
      %mul3A_513 = arith.constant 2 : i32
      %mul3A_514 = vector.broadcast %mul3A_513 : i32 to vector<16xi32>
      %mul3A_515 = arith.muli %get3A_508, %mul3A_514 : vector<16xi32>
      %add3A_516 = arith.constant 1 : i32
      %add3A_517 = vector.broadcast %add3A_516 : i32 to vector<16xi32>
      %add3A_518 = arith.addi %mul3A_515, %add3A_517 : vector<16xi32>
      %gather3A_519 = tpu.vector_load_idx %arg8[%add3A_518] : memref<20480xf32, #tpu.memory_space<vmem>>[vector<16xi32>], vector<16xf32>,
      %add3A_520 = arith.addf %gather3A_512, %gather3A_519 : vector<16xf32>
      %mul3A_521 = arith.constant 2.000000e-01 : f32
      %mul3A_522 = vector.broadcast %mul3A_521 : f32 to vector<16xf32>
      %mul3A_523 = arith.mulf %mul3A_522, %add3A_520 : vector<16xf32>
      %max3A_524 = arith.maximumf %add3A_520, %mul3A_523 : vector<16xf32>
      %exp3A_525 = math.exp %max3A_524 : vector<16xf32>
      %swap3A_526 = arith.constant 64 : index
      %swap3A_527 = tpu.vector_load %arg11[%swap3A_526] {strides = array<i32>} : memref<128xf32, #tpu.memory_space<vmem>>, vector<16xf32>,
      tpu.vector_store %arg11[%swap3A_526], %exp3A_525 {strides = array<i32>} : memref<128xf32, #tpu.memory_space<vmem>>, vector<16xf32>,
      tpu.vector_store_idx %arg12[%get3A_508], %exp3A_525 {add = true} : memref<10240xf32, #tpu.memory_space<vmem>>[vector<16xi32>], vector<16xf32>,
      %get3A_528 = arith.constant 0 : i32
      %get3A_529 = arith.index_cast %get3A_528 : i32 to index
      %get3A_530 = arith.constant 80 : index
      %get3A_531 = tpu.vector_load %arg9[%get3A_529, %get3A_530] {strides = array<i32>} : memref<4x128xi32, #tpu.memory_space<vmem>>, vector<16xi32>,
      %get3A_532 = arith.constant 0 : i32
      %get3A_533 = arith.index_cast %get3A_532 : i32 to index
      %get3A_534 = arith.constant 80 : index
      %get3A_535 = tpu.vector_load %arg10[%get3A_533, %get3A_534] {strides = array<i32>} : memref<4x128xi32, #tpu.memory_space<vmem>>, vector<16xi32>,
      %mul3A_536 = arith.constant 2 : i32
      %mul3A_537 = vector.broadcast %mul3A_536 : i32 to vector<16xi32>
      %mul3A_538 = arith.muli %get3A_531, %mul3A_537 : vector<16xi32>
      %gather3A_539 = tpu.vector_load_idx %arg8[%mul3A_538] : memref<20480xf32, #tpu.memory_space<vmem>>[vector<16xi32>], vector<16xf32>,
      %mul3A_540 = arith.constant 2 : i32
      %mul3A_541 = vector.broadcast %mul3A_540 : i32 to vector<16xi32>
      %mul3A_542 = arith.muli %get3A_535, %mul3A_541 : vector<16xi32>
      %add3A_543 = arith.constant 1 : i32
      %add3A_544 = vector.broadcast %add3A_543 : i32 to vector<16xi32>
      %add3A_545 = arith.addi %mul3A_542, %add3A_544 : vector<16xi32>
      %gather3A_546 = tpu.vector_load_idx %arg8[%add3A_545] : memref<20480xf32, #tpu.memory_space<vmem>>[vector<16xi32>], vector<16xf32>,
      %add3A_547 = arith.addf %gather3A_539, %gather3A_546 : vector<16xf32>
      %mul3A_548 = arith.constant 2.000000e-01 : f32
      %mul3A_549 = vector.broadcast %mul3A_548 : f32 to vector<16xf32>
      %mul3A_550 = arith.mulf %mul3A_549, %add3A_547 : vector<16xf32>
      %max3A_551 = arith.maximumf %add3A_547, %mul3A_550 : vector<16xf32>
      %exp3A_552 = math.exp %max3A_551 : vector<16xf32>
      %swap3A_553 = arith.constant 80 : index
      %swap3A_554 = tpu.vector_load %arg11[%swap3A_553] {strides = array<i32>} : memref<128xf32, #tpu.memory_space<vmem>>, vector<16xf32>,
      tpu.vector_store %arg11[%swap3A_553], %exp3A_552 {strides = array<i32>} : memref<128xf32, #tpu.memory_space<vmem>>, vector<16xf32>,
      tpu.vector_store_idx %arg12[%get3A_535], %exp3A_552 {add = true} : memref<10240xf32, #tpu.memory_space<vmem>>[vector<16xi32>], vector<16xf32>,
      %get3A_555 = arith.constant 0 : i32
      %get3A_556 = arith.index_cast %get3A_555 : i32 to index
      %get3A_557 = arith.constant 96 : index
      %get3A_558 = tpu.vector_load %arg9[%get3A_556, %get3A_557] {strides = array<i32>} : memref<4x128xi32, #tpu.memory_space<vmem>>, vector<16xi32>,
      %get3A_559 = arith.constant 0 : i32
      %get3A_560 = arith.index_cast %get3A_559 : i32 to index
      %get3A_561 = arith.constant 96 : index
      %get3A_562 = tpu.vector_load %arg10[%get3A_560, %get3A_561] {strides = array<i32>} : memref<4x128xi32, #tpu.memory_space<vmem>>, vector<16xi32>,
      %mul3A_563 = arith.constant 2 : i32
      %mul3A_564 = vector.broadcast %mul3A_563 : i32 to vector<16xi32>
      %mul3A_565 = arith.muli %get3A_558, %mul3A_564 : vector<16xi32>
      %gather3A_566 = tpu.vector_load_idx %arg8[%mul3A_565] : memref<20480xf32, #tpu.memory_space<vmem>>[vector<16xi32>], vector<16xf32>,
      %mul3A_567 = arith.constant 2 : i32
      %mul3A_568 = vector.broadcast %mul3A_567 : i32 to vector<16xi32>
      %mul3A_569 = arith.muli %get3A_562, %mul3A_568 : vector<16xi32>
      %add3A_570 = arith.constant 1 : i32
      %add3A_571 = vector.broadcast %add3A_570 : i32 to vector<16xi32>
      %add3A_572 = arith.addi %mul3A_569, %add3A_571 : vector<16xi32>
      %gather3A_573 = tpu.vector_load_idx %arg8[%add3A_572] : memref<20480xf32, #tpu.memory_space<vmem>>[vector<16xi32>], vector<16xf32>,
      %add3A_574 = arith.addf %gather3A_566, %gather3A_573 : vector<16xf32>
      %mul3A_575 = arith.constant 2.000000e-01 : f32
      %mul3A_576 = vector.broadcast %mul3A_575 : f32 to vector<16xf32>
      %mul3A_577 = arith.mulf %mul3A_576, %add3A_574 : vector<16xf32>
      %max3A_578 = arith.maximumf %add3A_574, %mul3A_577 : vector<16xf32>
      %exp3A_579 = math.exp %max3A_578 : vector<16xf32>
      %swap3A_580 = arith.constant 96 : index
      %swap3A_581 = tpu.vector_load %arg11[%swap3A_580] {strides = array<i32>} : memref<128xf32, #tpu.memory_space<vmem>>, vector<16xf32>,
      tpu.vector_store %arg11[%swap3A_580], %exp3A_579 {strides = array<i32>} : memref<128xf32, #tpu.memory_space<vmem>>, vector<16xf32>,
      tpu.vector_store_idx %arg12[%get3A_562], %exp3A_579 {add = true} : memref<10240xf32, #tpu.memory_space<vmem>>[vector<16xi32>], vector<16xf32>,
      %get3A_582 = arith.constant 0 : i32
      %get3A_583 = arith.index_cast %get3A_582 : i32 to index
      %get3A_584 = arith.constant 112 : index
      %get3A_585 = tpu.vector_load %arg9[%get3A_583, %get3A_584] {strides = array<i32>} : memref<4x128xi32, #tpu.memory_space<vmem>>, vector<16xi32>,
      %get3A_586 = arith.constant 0 : i32
      %get3A_587 = arith.index_cast %get3A_586 : i32 to index
      %get3A_588 = arith.constant 112 : index
      %get3A_589 = tpu.vector_load %arg10[%get3A_587, %get3A_588] {strides = array<i32>} : memref<4x128xi32, #tpu.memory_space<vmem>>, vector<16xi32>,
      %mul3A_590 = arith.constant 2 : i32
      %mul3A_591 = vector.broadcast %mul3A_590 : i32 to vector<16xi32>
      %mul3A_592 = arith.muli %get3A_585, %mul3A_591 : vector<16xi32>
      %gather3A_593 = tpu.vector_load_idx %arg8[%mul3A_592] : memref<20480xf32, #tpu.memory_space<vmem>>[vector<16xi32>], vector<16xf32>,
      %mul3A_594 = arith.constant 2 : i32
      %mul3A_595 = vector.broadcast %mul3A_594 : i32 to vector<16xi32>
      %mul3A_596 = arith.muli %get3A_589, %mul3A_595 : vector<16xi32>
      %add3A_597 = arith.constant 1 : i32
      %add3A_598 = vector.broadcast %add3A_597 : i32 to vector<16xi32>
      %add3A_599 = arith.addi %mul3A_596, %add3A_598 : vector<16xi32>
      %gather3A_600 = tpu.vector_load_idx %arg8[%add3A_599] : memref<20480xf32, #tpu.memory_space<vmem>>[vector<16xi32>], vector<16xf32>,
      %add3A_601 = arith.addf %gather3A_593, %gather3A_600 : vector<16xf32>
      %mul3A_602 = arith.constant 2.000000e-01 : f32
      %mul3A_603 = vector.broadcast %mul3A_602 : f32 to vector<16xf32>
      %mul3A_604 = arith.mulf %mul3A_603, %add3A_601 : vector<16xf32>
      %max3A_605 = arith.maximumf %add3A_601, %mul3A_604 : vector<16xf32>
      %exp3A_606 = math.exp %max3A_605 : vector<16xf32>
      %swap3A_607 = arith.constant 112 : index
      %swap3A_608 = tpu.vector_load %arg11[%swap3A_607] {strides = array<i32>} : memref<128xf32, #tpu.memory_space<vmem>>, vector<16xf32>,
      tpu.vector_store %arg11[%swap3A_607], %exp3A_606 {strides = array<i32>} : memref<128xf32, #tpu.memory_space<vmem>>, vector<16xf32>,
      tpu.vector_store_idx %arg12[%get3A_589], %exp3A_606 {add = true} : memref<10240xf32, #tpu.memory_space<vmem>>[vector<16xi32>], vector<16xf32>,
      %scan3A_609 = arith.constant 0 : i32
      %scan3A_610 = arith.constant 32 : i32
      %scan3A_611 = arith.addi %scan3A_609, %scan3A_610 : i32
      %scan3A_612 = arith.constant 1 : i32
      scf.for %scan3A_1573 = %scan3A_609 to %scan3A_611 step %scan3A_612  : i32 {
        %mul3A_1574 = arith.constant 4 : i32
        %mul3A_1575 = arith.muli %scan3A_1573, %mul3A_1574 : i32
        %add3A_1576 = arith.constant 0 : i32
        %add3A_1577 = arith.addi %add3A_1576, %mul3A_1575 : i32
        %broadcast_in_dim3A_1578 = arith.constant 0 : i32
        %broadcast_in_dim3A_1579 = vector.broadcast %broadcast_in_dim3A_1578 : i32 to vector<16xi32>
        %add3A_1580 = arith.constant 0 : i32
        %add3A_1581 = arith.addi %add3A_1577, %add3A_1580 : i32
        %add3A_1582 = vector.broadcast %add3A_1581 : i32 to vector<16xi32>
        %add3A_1583 = arith.addi %broadcast_in_dim3A_1579, %add3A_1582 : vector<16xi32>
        %gather3A_1584 = tpu.vector_load_idx %arg11[%add3A_1583] : memref<128xf32, #tpu.memory_space<vmem>>[vector<16xi32>], vector<16xf32>,
        %add3A_1585 = arith.constant 0 : i32
        %add3A_1586 = arith.addi %add3A_1577, %add3A_1585 : i32
        %get3A_1587 = arith.constant 0 : i32
        %get3A_1588 = arith.index_cast %get3A_1587 : i32 to index
        %get3A_1589 = arith.index_cast %add3A_1586 : i32 to index
        %get3A_1590 = arith.constant 0 : index
        %get3A_1591 = tpu.vector_load %arg13[%get3A_1588, %get3A_1589, %get3A_1590] {strides = array<i32>} : memref<2x128x64xf32, #tpu.memory_space<vmem>>, vector<16xf32>,
        %mul3A_1592 = arith.mulf %get3A_1591, %gather3A_1584 : vector<16xf32>
        %add3A_1593 = arith.constant 0 : i32
        %add3A_1594 = arith.addi %add3A_1577, %add3A_1593 : i32
        %swap3A_1595 = arith.constant 0 : i32
        %swap3A_1596 = arith.index_cast %swap3A_1595 : i32 to index
        %swap3A_1597 = arith.index_cast %add3A_1594 : i32 to index
        %swap3A_1598 = arith.constant 0 : index
        %swap3A_1599 = tpu.vector_load %arg13[%swap3A_1596, %swap3A_1597, %swap3A_1598] {strides = array<i32>} : memref<2x128x64xf32, #tpu.memory_space<vmem>>, vector<16xf32>,
        tpu.vector_store %arg13[%swap3A_1596, %swap3A_1597, %swap3A_1598], %mul3A_1592 {strides = array<i32>} : memref<2x128x64xf32, #tpu.memory_space<vmem>>, vector<16xf32>,
        %add3A_1600 = arith.constant 0 : i32
        %add3A_1601 = arith.addi %add3A_1577, %add3A_1600 : i32
        %get3A_1602 = arith.constant 0 : i32
        %get3A_1603 = arith.index_cast %get3A_1602 : i32 to index
        %get3A_1604 = arith.index_cast %add3A_1601 : i32 to index
        %get3A_1605 = arith.constant 16 : index
        %get3A_1606 = tpu.vector_load %arg13[%get3A_1603, %get3A_1604, %get3A_1605] {strides = array<i32>} : memref<2x128x64xf32, #tpu.memory_space<vmem>>, vector<16xf32>,
        %mul3A_1607 = arith.mulf %get3A_1606, %gather3A_1584 : vector<16xf32>
        %add3A_1608 = arith.constant 0 : i32
        %add3A_1609 = arith.addi %add3A_1577, %add3A_1608 : i32
        %swap3A_1610 = arith.constant 0 : i32
        %swap3A_1611 = arith.index_cast %swap3A_1610 : i32 to index
        %swap3A_1612 = arith.index_cast %add3A_1609 : i32 to index
        %swap3A_1613 = arith.constant 16 : index
        %swap3A_1614 = tpu.vector_load %arg13[%swap3A_1611, %swap3A_1612, %swap3A_1613] {strides = array<i32>} : memref<2x128x64xf32, #tpu.memory_space<vmem>>, vector<16xf32>,
        tpu.vector_store %arg13[%swap3A_1611, %swap3A_1612, %swap3A_1613], %mul3A_1607 {strides = array<i32>} : memref<2x128x64xf32, #tpu.memory_space<vmem>>, vector<16xf32>,
        %add3A_1615 = arith.constant 0 : i32
        %add3A_1616 = arith.addi %add3A_1577, %add3A_1615 : i32
        %get3A_1617 = arith.constant 0 : i32
        %get3A_1618 = arith.index_cast %get3A_1617 : i32 to index
        %get3A_1619 = arith.index_cast %add3A_1616 : i32 to index
        %get3A_1620 = arith.constant 32 : index
        %get3A_1621 = tpu.vector_load %arg13[%get3A_1618, %get3A_1619, %get3A_1620] {strides = array<i32>} : memref<2x128x64xf32, #tpu.memory_space<vmem>>, vector<16xf32>,
        %mul3A_1622 = arith.mulf %get3A_1621, %gather3A_1584 : vector<16xf32>
        %add3A_1623 = arith.constant 0 : i32
        %add3A_1624 = arith.addi %add3A_1577, %add3A_1623 : i32
        %swap3A_1625 = arith.constant 0 : i32
        %swap3A_1626 = arith.index_cast %swap3A_1625 : i32 to index
        %swap3A_1627 = arith.index_cast %add3A_1624 : i32 to index
        %swap3A_1628 = arith.constant 32 : index
        %swap3A_1629 = tpu.vector_load %arg13[%swap3A_1626, %swap3A_1627, %swap3A_1628] {strides = array<i32>} : memref<2x128x64xf32, #tpu.memory_space<vmem>>, vector<16xf32>,
        tpu.vector_store %arg13[%swap3A_1626, %swap3A_1627, %swap3A_1628], %mul3A_1622 {strides = array<i32>} : memref<2x128x64xf32, #tpu.memory_space<vmem>>, vector<16xf32>,
        %add3A_1630 = arith.constant 0 : i32
        %add3A_1631 = arith.addi %add3A_1577, %add3A_1630 : i32
        %get3A_1632 = arith.constant 0 : i32
        %get3A_1633 = arith.index_cast %get3A_1632 : i32 to index
        %get3A_1634 = arith.index_cast %add3A_1631 : i32 to index
        %get3A_1635 = arith.constant 48 : index
        %get3A_1636 = tpu.vector_load %arg13[%get3A_1633, %get3A_1634, %get3A_1635] {strides = array<i32>} : memref<2x128x64xf32, #tpu.memory_space<vmem>>, vector<16xf32>,
        %mul3A_1637 = arith.mulf %get3A_1636, %gather3A_1584 : vector<16xf32>
        %add3A_1638 = arith.constant 0 : i32
        %add3A_1639 = arith.addi %add3A_1577, %add3A_1638 : i32
        %swap3A_1640 = arith.constant 0 : i32
        %swap3A_1641 = arith.index_cast %swap3A_1640 : i32 to index
        %swap3A_1642 = arith.index_cast %add3A_1639 : i32 to index
        %swap3A_1643 = arith.constant 48 : index
        %swap3A_1644 = tpu.vector_load %arg13[%swap3A_1641, %swap3A_1642, %swap3A_1643] {strides = array<i32>} : memref<2x128x64xf32, #tpu.memory_space<vmem>>, vector<16xf32>,
        tpu.vector_store %arg13[%swap3A_1641, %swap3A_1642, %swap3A_1643], %mul3A_1637 {strides = array<i32>} : memref<2x128x64xf32, #tpu.memory_space<vmem>>, vector<16xf32>,
        %broadcast_in_dim3A_1645 = arith.constant 0 : i32
        %broadcast_in_dim3A_1646 = vector.broadcast %broadcast_in_dim3A_1645 : i32 to vector<16xi32>
        %add3A_1647 = arith.constant 1 : i32
        %add3A_1648 = arith.addi %add3A_1577, %add3A_1647 : i32
        %add3A_1649 = vector.broadcast %add3A_1648 : i32 to vector<16xi32>
        %add3A_1650 = arith.addi %broadcast_in_dim3A_1646, %add3A_1649 : vector<16xi32>
        %gather3A_1651 = tpu.vector_load_idx %arg11[%add3A_1650] : memref<128xf32, #tpu.memory_space<vmem>>[vector<16xi32>], vector<16xf32>,
        %add3A_1652 = arith.constant 1 : i32
        %add3A_1653 = arith.addi %add3A_1577, %add3A_1652 : i32
        %get3A_1654 = arith.constant 0 : i32
        %get3A_1655 = arith.index_cast %get3A_1654 : i32 to index
        %get3A_1656 = arith.index_cast %add3A_1653 : i32 to index
        %get3A_1657 = arith.constant 0 : index
        %get3A_1658 = tpu.vector_load %arg13[%get3A_1655, %get3A_1656, %get3A_1657] {strides = array<i32>} : memref<2x128x64xf32, #tpu.memory_space<vmem>>, vector<16xf32>,
        %mul3A_1659 = arith.mulf %get3A_1658, %gather3A_1651 : vector<16xf32>
        %add3A_1660 = arith.constant 1 : i32
        %add3A_1661 = arith.addi %add3A_1577, %add3A_1660 : i32
        %swap3A_1662 = arith.constant 0 : i32
        %swap3A_1663 = arith.index_cast %swap3A_1662 : i32 to index
        %swap3A_1664 = arith.index_cast %add3A_1661 : i32 to index
        %swap3A_1665 = arith.constant 0 : index
        %swap3A_1666 = tpu.vector_load %arg13[%swap3A_1663, %swap3A_1664, %swap3A_1665] {strides = array<i32>} : memref<2x128x64xf32, #tpu.memory_space<vmem>>, vector<16xf32>,
        tpu.vector_store %arg13[%swap3A_1663, %swap3A_1664, %swap3A_1665], %mul3A_1659 {strides = array<i32>} : memref<2x128x64xf32, #tpu.memory_space<vmem>>, vector<16xf32>,
        %add3A_1667 = arith.constant 1 : i32
        %add3A_1668 = arith.addi %add3A_1577, %add3A_1667 : i32
        %get3A_1669 = arith.constant 0 : i32
        %get3A_1670 = arith.index_cast %get3A_1669 : i32 to index
        %get3A_1671 = arith.index_cast %add3A_1668 : i32 to index
        %get3A_1672 = arith.constant 16 : index
        %get3A_1673 = tpu.vector_load %arg13[%get3A_1670, %get3A_1671, %get3A_1672] {strides = array<i32>} : memref<2x128x64xf32, #tpu.memory_space<vmem>>, vector<16xf32>,
        %mul3A_1674 = arith.mulf %get3A_1673, %gather3A_1651 : vector<16xf32>
        %add3A_1675 = arith.constant 1 : i32
        %add3A_1676 = arith.addi %add3A_1577, %add3A_1675 : i32
        %swap3A_1677 = arith.constant 0 : i32
        %swap3A_1678 = arith.index_cast %swap3A_1677 : i32 to index
        %swap3A_1679 = arith.index_cast %add3A_1676 : i32 to index
        %swap3A_1680 = arith.constant 16 : index
        %swap3A_1681 = tpu.vector_load %arg13[%swap3A_1678, %swap3A_1679, %swap3A_1680] {strides = array<i32>} : memref<2x128x64xf32, #tpu.memory_space<vmem>>, vector<16xf32>,
        tpu.vector_store %arg13[%swap3A_1678, %swap3A_1679, %swap3A_1680], %mul3A_1674 {strides = array<i32>} : memref<2x128x64xf32, #tpu.memory_space<vmem>>, vector<16xf32>,
        %add3A_1682 = arith.constant 1 : i32
        %add3A_1683 = arith.addi %add3A_1577, %add3A_1682 : i32
        %get3A_1684 = arith.constant 0 : i32
        %get3A_1685 = arith.index_cast %get3A_1684 : i32 to index
        %get3A_1686 = arith.index_cast %add3A_1683 : i32 to index
        %get3A_1687 = arith.constant 32 : index
        %get3A_1688 = tpu.vector_load %arg13[%get3A_1685, %get3A_1686, %get3A_1687] {strides = array<i32>} : memref<2x128x64xf32, #tpu.memory_space<vmem>>, vector<16xf32>,
        %mul3A_1689 = arith.mulf %get3A_1688, %gather3A_1651 : vector<16xf32>
        %add3A_1690 = arith.constant 1 : i32
        %add3A_1691 = arith.addi %add3A_1577, %add3A_1690 : i32
        %swap3A_1692 = arith.constant 0 : i32
        %swap3A_1693 = arith.index_cast %swap3A_1692 : i32 to index
        %swap3A_1694 = arith.index_cast %add3A_1691 : i32 to index
        %swap3A_1695 = arith.constant 32 : index
        %swap3A_1696 = tpu.vector_load %arg13[%swap3A_1693, %swap3A_1694, %swap3A_1695] {strides = array<i32>} : memref<2x128x64xf32, #tpu.memory_space<vmem>>, vector<16xf32>,
        tpu.vector_store %arg13[%swap3A_1693, %swap3A_1694, %swap3A_1695], %mul3A_1689 {strides = array<i32>} : memref<2x128x64xf32, #tpu.memory_space<vmem>>, vector<16xf32>,
        %add3A_1697 = arith.constant 1 : i32
        %add3A_1698 = arith.addi %add3A_1577, %add3A_1697 : i32
        %get3A_1699 = arith.constant 0 : i32
        %get3A_1700 = arith.index_cast %get3A_1699 : i32 to index
        %get3A_1701 = arith.index_cast %add3A_1698 : i32 to index
        %get3A_1702 = arith.constant 48 : index
        %get3A_1703 = tpu.vector_load %arg13[%get3A_1700, %get3A_1701, %get3A_1702] {strides = array<i32>} : memref<2x128x64xf32, #tpu.memory_space<vmem>>, vector<16xf32>,
        %mul3A_1704 = arith.mulf %get3A_1703, %gather3A_1651 : vector<16xf32>
        %add3A_1705 = arith.constant 1 : i32
        %add3A_1706 = arith.addi %add3A_1577, %add3A_1705 : i32
        %swap3A_1707 = arith.constant 0 : i32
        %swap3A_1708 = arith.index_cast %swap3A_1707 : i32 to index
        %swap3A_1709 = arith.index_cast %add3A_1706 : i32 to index
        %swap3A_1710 = arith.constant 48 : index
        %swap3A_1711 = tpu.vector_load %arg13[%swap3A_1708, %swap3A_1709, %swap3A_1710] {strides = array<i32>} : memref<2x128x64xf32, #tpu.memory_space<vmem>>, vector<16xf32>,
        tpu.vector_store %arg13[%swap3A_1708, %swap3A_1709, %swap3A_1710], %mul3A_1704 {strides = array<i32>} : memref<2x128x64xf32, #tpu.memory_space<vmem>>, vector<16xf32>,
        %broadcast_in_dim3A_1712 = arith.constant 0 : i32
        %broadcast_in_dim3A_1713 = vector.broadcast %broadcast_in_dim3A_1712 : i32 to vector<16xi32>
        %add3A_1714 = arith.constant 2 : i32
        %add3A_1715 = arith.addi %add3A_1577, %add3A_1714 : i32
        %add3A_1716 = vector.broadcast %add3A_1715 : i32 to vector<16xi32>
        %add3A_1717 = arith.addi %broadcast_in_dim3A_1713, %add3A_1716 : vector<16xi32>
        %gather3A_1718 = tpu.vector_load_idx %arg11[%add3A_1717] : memref<128xf32, #tpu.memory_space<vmem>>[vector<16xi32>], vector<16xf32>,
        %add3A_1719 = arith.constant 2 : i32
        %add3A_1720 = arith.addi %add3A_1577, %add3A_1719 : i32
        %get3A_1721 = arith.constant 0 : i32
        %get3A_1722 = arith.index_cast %get3A_1721 : i32 to index
        %get3A_1723 = arith.index_cast %add3A_1720 : i32 to index
        %get3A_1724 = arith.constant 0 : index
        %get3A_1725 = tpu.vector_load %arg13[%get3A_1722, %get3A_1723, %get3A_1724] {strides = array<i32>} : memref<2x128x64xf32, #tpu.memory_space<vmem>>, vector<16xf32>,
        %mul3A_1726 = arith.mulf %get3A_1725, %gather3A_1718 : vector<16xf32>
        %add3A_1727 = arith.constant 2 : i32
        %add3A_1728 = arith.addi %add3A_1577, %add3A_1727 : i32
        %swap3A_1729 = arith.constant 0 : i32
        %swap3A_1730 = arith.index_cast %swap3A_1729 : i32 to index
        %swap3A_1731 = arith.index_cast %add3A_1728 : i32 to index
        %swap3A_1732 = arith.constant 0 : index
        %swap3A_1733 = tpu.vector_load %arg13[%swap3A_1730, %swap3A_1731, %swap3A_1732] {strides = array<i32>} : memref<2x128x64xf32, #tpu.memory_space<vmem>>, vector<16xf32>,
        tpu.vector_store %arg13[%swap3A_1730, %swap3A_1731, %swap3A_1732], %mul3A_1726 {strides = array<i32>} : memref<2x128x64xf32, #tpu.memory_space<vmem>>, vector<16xf32>,
        %add3A_1734 = arith.constant 2 : i32
        %add3A_1735 = arith.addi %add3A_1577, %add3A_1734 : i32
        %get3A_1736 = arith.constant 0 : i32
        %get3A_1737 = arith.index_cast %get3A_1736 : i32 to index
        %get3A_1738 = arith.index_cast %add3A_1735 : i32 to index
        %get3A_1739 = arith.constant 16 : index
        %get3A_1740 = tpu.vector_load %arg13[%get3A_1737, %get3A_1738, %get3A_1739] {strides = array<i32>} : memref<2x128x64xf32, #tpu.memory_space<vmem>>, vector<16xf32>,
        %mul3A_1741 = arith.mulf %get3A_1740, %gather3A_1718 : vector<16xf32>
        %add3A_1742 = arith.constant 2 : i32
        %add3A_1743 = arith.addi %add3A_1577, %add3A_1742 : i32
        %swap3A_1744 = arith.constant 0 : i32
        %swap3A_1745 = arith.index_cast %swap3A_1744 : i32 to index
        %swap3A_1746 = arith.index_cast %add3A_1743 : i32 to index
        %swap3A_1747 = arith.constant 16 : index
        %swap3A_1748 = tpu.vector_load %arg13[%swap3A_1745, %swap3A_1746, %swap3A_1747] {strides = array<i32>} : memref<2x128x64xf32, #tpu.memory_space<vmem>>, vector<16xf32>,
        tpu.vector_store %arg13[%swap3A_1745, %swap3A_1746, %swap3A_1747], %mul3A_1741 {strides = array<i32>} : memref<2x128x64xf32, #tpu.memory_space<vmem>>, vector<16xf32>,
        %add3A_1749 = arith.constant 2 : i32
        %add3A_1750 = arith.addi %add3A_1577, %add3A_1749 : i32
        %get3A_1751 = arith.constant 0 : i32
        %get3A_1752 = arith.index_cast %get3A_1751 : i32 to index
        %get3A_1753 = arith.index_cast %add3A_1750 : i32 to index
        %get3A_1754 = arith.constant 32 : index
        %get3A_1755 = tpu.vector_load %arg13[%get3A_1752, %get3A_1753, %get3A_1754] {strides = array<i32>} : memref<2x128x64xf32, #tpu.memory_space<vmem>>, vector<16xf32>,
        %mul3A_1756 = arith.mulf %get3A_1755, %gather3A_1718 : vector<16xf32>
        %add3A_1757 = arith.constant 2 : i32
        %add3A_1758 = arith.addi %add3A_1577, %add3A_1757 : i32
        %swap3A_1759 = arith.constant 0 : i32
        %swap3A_1760 = arith.index_cast %swap3A_1759 : i32 to index
        %swap3A_1761 = arith.index_cast %add3A_1758 : i32 to index
        %swap3A_1762 = arith.constant 32 : index
        %swap3A_1763 = tpu.vector_load %arg13[%swap3A_1760, %swap3A_1761, %swap3A_1762] {strides = array<i32>} : memref<2x128x64xf32, #tpu.memory_space<vmem>>, vector<16xf32>,
        tpu.vector_store %arg13[%swap3A_1760, %swap3A_1761, %swap3A_1762], %mul3A_1756 {strides = array<i32>} : memref<2x128x64xf32, #tpu.memory_space<vmem>>, vector<16xf32>,
        %add3A_1764 = arith.constant 2 : i32
        %add3A_1765 = arith.addi %add3A_1577, %add3A_1764 : i32
        %get3A_1766 = arith.constant 0 : i32
        %get3A_1767 = arith.index_cast %get3A_1766 : i32 to index
        %get3A_1768 = arith.index_cast %add3A_1765 : i32 to index
        %get3A_1769 = arith.constant 48 : index
        %get3A_1770 = tpu.vector_load %arg13[%get3A_1767, %get3A_1768, %get3A_1769] {strides = array<i32>} : memref<2x128x64xf32, #tpu.memory_space<vmem>>, vector<16xf32>,
        %mul3A_1771 = arith.mulf %get3A_1770, %gather3A_1718 : vector<16xf32>
        %add3A_1772 = arith.constant 2 : i32
        %add3A_1773 = arith.addi %add3A_1577, %add3A_1772 : i32
        %swap3A_1774 = arith.constant 0 : i32
        %swap3A_1775 = arith.index_cast %swap3A_1774 : i32 to index
        %swap3A_1776 = arith.index_cast %add3A_1773 : i32 to index
        %swap3A_1777 = arith.constant 48 : index
        %swap3A_1778 = tpu.vector_load %arg13[%swap3A_1775, %swap3A_1776, %swap3A_1777] {strides = array<i32>} : memref<2x128x64xf32, #tpu.memory_space<vmem>>, vector<16xf32>,
        tpu.vector_store %arg13[%swap3A_1775, %swap3A_1776, %swap3A_1777], %mul3A_1771 {strides = array<i32>} : memref<2x128x64xf32, #tpu.memory_space<vmem>>, vector<16xf32>,
        %broadcast_in_dim3A_1779 = arith.constant 0 : i32
        %broadcast_in_dim3A_1780 = vector.broadcast %broadcast_in_dim3A_1779 : i32 to vector<16xi32>
        %add3A_1781 = arith.constant 3 : i32
        %add3A_1782 = arith.addi %add3A_1577, %add3A_1781 : i32
        %add3A_1783 = vector.broadcast %add3A_1782 : i32 to vector<16xi32>
        %add3A_1784 = arith.addi %broadcast_in_dim3A_1780, %add3A_1783 : vector<16xi32>
        %gather3A_1785 = tpu.vector_load_idx %arg11[%add3A_1784] : memref<128xf32, #tpu.memory_space<vmem>>[vector<16xi32>], vector<16xf32>,
        %add3A_1786 = arith.constant 3 : i32
        %add3A_1787 = arith.addi %add3A_1577, %add3A_1786 : i32
        %get3A_1788 = arith.constant 0 : i32
        %get3A_1789 = arith.index_cast %get3A_1788 : i32 to index
        %get3A_1790 = arith.index_cast %add3A_1787 : i32 to index
        %get3A_1791 = arith.constant 0 : index
        %get3A_1792 = tpu.vector_load %arg13[%get3A_1789, %get3A_1790, %get3A_1791] {strides = array<i32>} : memref<2x128x64xf32, #tpu.memory_space<vmem>>, vector<16xf32>,
        %mul3A_1793 = arith.mulf %get3A_1792, %gather3A_1785 : vector<16xf32>
        %add3A_1794 = arith.constant 3 : i32
        %add3A_1795 = arith.addi %add3A_1577, %add3A_1794 : i32
        %swap3A_1796 = arith.constant 0 : i32
        %swap3A_1797 = arith.index_cast %swap3A_1796 : i32 to index
        %swap3A_1798 = arith.index_cast %add3A_1795 : i32 to index
        %swap3A_1799 = arith.constant 0 : index
        %swap3A_1800 = tpu.vector_load %arg13[%swap3A_1797, %swap3A_1798, %swap3A_1799] {strides = array<i32>} : memref<2x128x64xf32, #tpu.memory_space<vmem>>, vector<16xf32>,
        tpu.vector_store %arg13[%swap3A_1797, %swap3A_1798, %swap3A_1799], %mul3A_1793 {strides = array<i32>} : memref<2x128x64xf32, #tpu.memory_space<vmem>>, vector<16xf32>,
        %add3A_1801 = arith.constant 3 : i32
        %add3A_1802 = arith.addi %add3A_1577, %add3A_1801 : i32
        %get3A_1803 = arith.constant 0 : i32
        %get3A_1804 = arith.index_cast %get3A_1803 : i32 to index
        %get3A_1805 = arith.index_cast %add3A_1802 : i32 to index
        %get3A_1806 = arith.constant 16 : index
        %get3A_1807 = tpu.vector_load %arg13[%get3A_1804, %get3A_1805, %get3A_1806] {strides = array<i32>} : memref<2x128x64xf32, #tpu.memory_space<vmem>>, vector<16xf32>,
        %mul3A_1808 = arith.mulf %get3A_1807, %gather3A_1785 : vector<16xf32>
        %add3A_1809 = arith.constant 3 : i32
        %add3A_1810 = arith.addi %add3A_1577, %add3A_1809 : i32
        %swap3A_1811 = arith.constant 0 : i32
        %swap3A_1812 = arith.index_cast %swap3A_1811 : i32 to index
        %swap3A_1813 = arith.index_cast %add3A_1810 : i32 to index
        %swap3A_1814 = arith.constant 16 : index
        %swap3A_1815 = tpu.vector_load %arg13[%swap3A_1812, %swap3A_1813, %swap3A_1814] {strides = array<i32>} : memref<2x128x64xf32, #tpu.memory_space<vmem>>, vector<16xf32>,
        tpu.vector_store %arg13[%swap3A_1812, %swap3A_1813, %swap3A_1814], %mul3A_1808 {strides = array<i32>} : memref<2x128x64xf32, #tpu.memory_space<vmem>>, vector<16xf32>,
        %add3A_1816 = arith.constant 3 : i32
        %add3A_1817 = arith.addi %add3A_1577, %add3A_1816 : i32
        %get3A_1818 = arith.constant 0 : i32
        %get3A_1819 = arith.index_cast %get3A_1818 : i32 to index
        %get3A_1820 = arith.index_cast %add3A_1817 : i32 to index
        %get3A_1821 = arith.constant 32 : index
        %get3A_1822 = tpu.vector_load %arg13[%get3A_1819, %get3A_1820, %get3A_1821] {strides = array<i32>} : memref<2x128x64xf32, #tpu.memory_space<vmem>>, vector<16xf32>,
        %mul3A_1823 = arith.mulf %get3A_1822, %gather3A_1785 : vector<16xf32>
        %add3A_1824 = arith.constant 3 : i32
        %add3A_1825 = arith.addi %add3A_1577, %add3A_1824 : i32
        %swap3A_1826 = arith.constant 0 : i32
        %swap3A_1827 = arith.index_cast %swap3A_1826 : i32 to index
        %swap3A_1828 = arith.index_cast %add3A_1825 : i32 to index
        %swap3A_1829 = arith.constant 32 : index
        %swap3A_1830 = tpu.vector_load %arg13[%swap3A_1827, %swap3A_1828, %swap3A_1829] {strides = array<i32>} : memref<2x128x64xf32, #tpu.memory_space<vmem>>, vector<16xf32>,
        tpu.vector_store %arg13[%swap3A_1827, %swap3A_1828, %swap3A_1829], %mul3A_1823 {strides = array<i32>} : memref<2x128x64xf32, #tpu.memory_space<vmem>>, vector<16xf32>,
        %add3A_1831 = arith.constant 3 : i32
        %add3A_1832 = arith.addi %add3A_1577, %add3A_1831 : i32
        %get3A_1833 = arith.constant 0 : i32
        %get3A_1834 = arith.index_cast %get3A_1833 : i32 to index
        %get3A_1835 = arith.index_cast %add3A_1832 : i32 to index
        %get3A_1836 = arith.constant 48 : index
        %get3A_1837 = tpu.vector_load %arg13[%get3A_1834, %get3A_1835, %get3A_1836] {strides = array<i32>} : memref<2x128x64xf32, #tpu.memory_space<vmem>>, vector<16xf32>,
        %mul3A_1838 = arith.mulf %get3A_1837, %gather3A_1785 : vector<16xf32>
        %add3A_1839 = arith.constant 3 : i32
        %add3A_1840 = arith.addi %add3A_1577, %add3A_1839 : i32
        %swap3A_1841 = arith.constant 0 : i32
        %swap3A_1842 = arith.index_cast %swap3A_1841 : i32 to index
        %swap3A_1843 = arith.index_cast %add3A_1840 : i32 to index
        %swap3A_1844 = arith.constant 48 : index
        %swap3A_1845 = tpu.vector_load %arg13[%swap3A_1842, %swap3A_1843, %swap3A_1844] {strides = array<i32>} : memref<2x128x64xf32, #tpu.memory_space<vmem>>, vector<16xf32>,
        tpu.vector_store %arg13[%swap3A_1842, %swap3A_1843, %swap3A_1844], %mul3A_1838 {strides = array<i32>} : memref<2x128x64xf32, #tpu.memory_space<vmem>>, vector<16xf32>,
      }
      %scan3A_613 = arith.constant 32 : i32
      %run_scoped3A_614 = arith.constant 0 : i32
      %run_scoped3A_615 = arith.constant 0 : i32
      "tpu.region"() ({
        %run_scoped3A_1573 = tpu.sem_alloc : memref<!tpu.dma_semaphore, #tpu.memory_space<semaphore_mem>>
        %dma_start3A_1574 = arith.constant 0 : i32
        %dma_start3A_1575 = arith.constant 0 : i32
        %dma_start3A_1576 = tpu.memref_slice %arg13[%run_scoped3A_614, %dma_start3A_1574, %dma_start3A_1575] : memref<2x128x64xf32, #tpu.memory_space<vmem>> -> memref<1x128x64xf32, #tpu.memory_space<vmem>>
        %dma_start3A_1577 = tpu.memref_squeeze %dma_start3A_1576 : memref<1x128x64xf32, #tpu.memory_space<vmem>> -> memref<128x64xf32, #tpu.memory_space<vmem>>
        %dma_start3A_1578 = arith.constant 0 : i32
        %dma_start3A_1579 = tpu.memref_slice %arg10[%run_scoped3A_615, %dma_start3A_1578] : memref<4x128xi32, #tpu.memory_space<vmem>> -> memref<1x128xi32, #tpu.memory_space<vmem>>
        %dma_start3A_1580 = tpu.memref_squeeze %dma_start3A_1579 : memref<1x128xi32, #tpu.memory_space<vmem>> -> memref<128xi32, #tpu.memory_space<vmem>>
        %dma_start3A_1581 = arith.constant 0 : i32
        %dma_start3A_1582 = arith.constant 0 : i32
        %dma_start3A_1583 = tpu.memref_slice %arg15[%dma_start3A_1581, %dma_start3A_1582] : memref<10240x64xf32, #tpu.memory_space<vmem_shared>> -> memref<10240x64xf32, #tpu.memory_space<vmem_shared>>
        tpu.enqueue_indirect_dma source(%dma_start3A_1577 : memref<128x64xf32, #tpu.memory_space<vmem>>) target(%dma_start3A_1583 : memref<10240x64xf32, #tpu.memory_space<vmem_shared>>) offsets(%dma_start3A_1580 : memref<128xi32, #tpu.memory_space<vmem>>) semaphore(%run_scoped3A_1573 : memref<!tpu.dma_semaphore, #tpu.memory_space<semaphore_mem>>) {add = true}
        %dma_wait3A_1584 = arith.constant 0 : i32
        %dma_wait3A_1585 = arith.constant 0 : i32
        %dma_wait3A_1586 = tpu.memref_slice %arg13[%run_scoped3A_614, %dma_wait3A_1584, %dma_wait3A_1585] : memref<2x128x64xf32, #tpu.memory_space<vmem>> -> memref<1x128x64xf32, #tpu.memory_space<vmem>>
        %dma_wait3A_1587 = tpu.memref_squeeze %dma_wait3A_1586 : memref<1x128x64xf32, #tpu.memory_space<vmem>> -> memref<128x64xf32, #tpu.memory_space<vmem>>
        %dma_wait3A_1588 = arith.constant 0 : i32
        %dma_wait3A_1589 = tpu.memref_slice %arg10[%run_scoped3A_615, %dma_wait3A_1588] : memref<4x128xi32, #tpu.memory_space<vmem>> -> memref<1x128xi32, #tpu.memory_space<vmem>>
        %dma_wait3A_1590 = tpu.memref_squeeze %dma_wait3A_1589 : memref<1x128xi32, #tpu.memory_space<vmem>> -> memref<128xi32, #tpu.memory_space<vmem>>
        %dma_wait3A_1591 = arith.constant 0 : i32
        %dma_wait3A_1592 = arith.constant 0 : i32
        %dma_wait3A_1593 = tpu.memref_slice %arg15[%dma_wait3A_1591, %dma_wait3A_1592] : memref<10240x64xf32, #tpu.memory_space<vmem_shared>> -> memref<10240x64xf32, #tpu.memory_space<vmem_shared>>
        tpu.wait_indirect_dma semaphore(%run_scoped3A_1573 : memref<!tpu.dma_semaphore, #tpu.memory_space<semaphore_mem>>) src(%dma_wait3A_1587 : memref<128x64xf32, #tpu.memory_space<vmem>>) dst(%dma_wait3A_1593 : memref<10240x64xf32, #tpu.memory_space<vmem_shared>>)
        tpu.yield
      }) : () -> ()
      %add3A_616 = arith.constant 4 : i32
      %add3A_617 = arith.addi %add3A_344, %add3A_616 : i32
      %min3A_618 = arith.constant 163 : i32
      %min3A_619 = arith.minsi %add3A_617, %min3A_618 : i32
      %dma_start3A_620 = arith.constant 0 : i32
      %dma_start3A_621 = arith.constant 0 : i32
      %dma_start3A_622 = tpu.memref_slice %arg9[%dma_start3A_620, %dma_start3A_621] : memref<4x128xi32, #tpu.memory_space<vmem>> -> memref<1x128xi32, #tpu.memory_space<vmem>>
      %dma_start3A_623 = tpu.memref_squeeze %dma_start3A_622 : memref<1x128xi32, #tpu.memory_space<vmem>> -> memref<128xi32, #tpu.memory_space<vmem>>
      %dma_start3A_624 = arith.constant 0 : i32
      %dma_start3A_625 = tpu.memref_slice %arg4[%arg1, %min3A_619, %dma_start3A_624] : memref<16x164x128xi32, #tpu.memory_space<hbm>> -> memref<1x1x128xi32, #tpu.memory_space<hbm>>
      %dma_start3A_626 = tpu.memref_squeeze %dma_start3A_625 : memref<1x1x128xi32, #tpu.memory_space<hbm>> -> memref<128xi32, #tpu.memory_space<hbm>>
      %dma_start3A_627 = arith.constant 0 : i32
      %dma_start3A_628 = tpu.memref_slice %arg9[%dma_start3A_620, %dma_start3A_627] : memref<4x128xi32, #tpu.memory_space<vmem>> -> memref<1x128xi32, #tpu.memory_space<vmem>>
      %dma_start3A_629 = tpu.memref_squeeze %dma_start3A_628 : memref<1x128xi32, #tpu.memory_space<vmem>> -> memref<128xi32, #tpu.memory_space<vmem>>
      %dma_start3A_630 = arith.constant 0 : i32
      %dma_start3A_631 = tpu.memref_slice %arg4[%arg1, %min3A_619, %dma_start3A_630] : memref<16x164x128xi32, #tpu.memory_space<hbm>> -> memref<1x1x128xi32, #tpu.memory_space<hbm>>
      %dma_start3A_632 = tpu.memref_squeeze %dma_start3A_631 : memref<1x1x128xi32, #tpu.memory_space<hbm>> -> memref<128xi32, #tpu.memory_space<hbm>>
      tpu.enqueue_dma source(%dma_start3A_632 : memref<128xi32, #tpu.memory_space<hbm>>) target(%dma_start3A_629 : memref<128xi32, #tpu.memory_space<vmem>>) target_semaphore(%arg18 : memref<!tpu.dma_semaphore, #tpu.memory_space<semaphore_mem>>)
      %dma_start3A_633 = arith.constant 0 : i32
      %dma_start3A_634 = arith.constant 0 : i32
      %dma_start3A_635 = tpu.memref_slice %arg10[%dma_start3A_633, %dma_start3A_634] : memref<4x128xi32, #tpu.memory_space<vmem>> -> memref<1x128xi32, #tpu.memory_space<vmem>>
      %dma_start3A_636 = tpu.memref_squeeze %dma_start3A_635 : memref<1x128xi32, #tpu.memory_space<vmem>> -> memref<128xi32, #tpu.memory_space<vmem>>
      %dma_start3A_637 = arith.constant 0 : i32
      %dma_start3A_638 = tpu.memref_slice %arg5[%arg1, %min3A_619, %dma_start3A_637] : memref<16x164x128xi32, #tpu.memory_space<hbm>> -> memref<1x1x128xi32, #tpu.memory_space<hbm>>
      %dma_start3A_639 = tpu.memref_squeeze %dma_start3A_638 : memref<1x1x128xi32, #tpu.memory_space<hbm>> -> memref<128xi32, #tpu.memory_space<hbm>>
      %dma_start3A_640 = arith.constant 0 : i32
      %dma_start3A_641 = tpu.memref_slice %arg10[%dma_start3A_633, %dma_start3A_640] : memref<4x128xi32, #tpu.memory_space<vmem>> -> memref<1x128xi32, #tpu.memory_space<vmem>>
      %dma_start3A_642 = tpu.memref_squeeze %dma_start3A_641 : memref<1x128xi32, #tpu.memory_space<vmem>> -> memref<128xi32, #tpu.memory_space<vmem>>
      %dma_start3A_643 = arith.constant 0 : i32
      %dma_start3A_644 = tpu.memref_slice %arg5[%arg1, %min3A_619, %dma_start3A_643] : memref<16x164x128xi32, #tpu.memory_space<hbm>> -> memref<1x1x128xi32, #tpu.memory_space<hbm>>
      %dma_start3A_645 = tpu.memref_squeeze %dma_start3A_644 : memref<1x1x128xi32, #tpu.memory_space<hbm>> -> memref<128xi32, #tpu.memory_space<hbm>>
      tpu.enqueue_dma source(%dma_start3A_645 : memref<128xi32, #tpu.memory_space<hbm>>) target(%dma_start3A_642 : memref<128xi32, #tpu.memory_space<vmem>>) target_semaphore(%arg22 : memref<!tpu.dma_semaphore, #tpu.memory_space<semaphore_mem>>)
      %add3A_646 = arith.constant 1 : i32
      %add3A_647 = arith.addi %add3A_342, %add3A_646 : i32
      %add3A_648 = arith.constant 1 : i32
      %add3A_649 = arith.addi %add3A_647, %add3A_648 : i32
      %min3A_650 = arith.constant 163 : i32
      %min3A_651 = arith.minsi %add3A_649, %min3A_650 : i32
      %dma_wait3A_652 = arith.constant 2 : i32
      %dma_wait3A_653 = arith.constant 0 : i32
      %dma_wait3A_654 = tpu.memref_slice %arg9[%dma_wait3A_652, %dma_wait3A_653] : memref<4x128xi32, #tpu.memory_space<vmem>> -> memref<1x128xi32, #tpu.memory_space<vmem>>
      %dma_wait3A_655 = tpu.memref_squeeze %dma_wait3A_654 : memref<1x128xi32, #tpu.memory_space<vmem>> -> memref<128xi32, #tpu.memory_space<vmem>>
      %dma_wait3A_656 = arith.constant 0 : i32
      %dma_wait3A_657 = tpu.memref_slice %arg4[%arg1, %min3A_651, %dma_wait3A_656] : memref<16x164x128xi32, #tpu.memory_space<hbm>> -> memref<1x1x128xi32, #tpu.memory_space<hbm>>
      %dma_wait3A_658 = tpu.memref_squeeze %dma_wait3A_657 : memref<1x1x128xi32, #tpu.memory_space<hbm>> -> memref<128xi32, #tpu.memory_space<hbm>>
      %dma_wait3A_659 = arith.constant 0 : i32
      %dma_wait3A_660 = tpu.memref_slice %arg9[%dma_wait3A_652, %dma_wait3A_659] : memref<4x128xi32, #tpu.memory_space<vmem>> -> memref<1x128xi32, #tpu.memory_space<vmem>>
      %dma_wait3A_661 = tpu.memref_squeeze %dma_wait3A_660 : memref<1x128xi32, #tpu.memory_space<vmem>> -> memref<128xi32, #tpu.memory_space<vmem>>
      %dma_wait3A_662 = arith.constant 0 : i32
      %dma_wait3A_663 = tpu.memref_slice %arg4[%arg1, %min3A_651, %dma_wait3A_662] : memref<16x164x128xi32, #tpu.memory_space<hbm>> -> memref<1x1x128xi32, #tpu.memory_space<hbm>>
      %dma_wait3A_664 = tpu.memref_squeeze %dma_wait3A_663 : memref<1x1x128xi32, #tpu.memory_space<hbm>> -> memref<128xi32, #tpu.memory_space<hbm>>
      tpu.wait_dma2 semaphore(%arg20 : memref<!tpu.dma_semaphore, #tpu.memory_space<semaphore_mem>>) src(%dma_wait3A_664 : memref<128xi32, #tpu.memory_space<hbm>>) dst(%dma_wait3A_661 : memref<128xi32, #tpu.memory_space<vmem>>)
      %dma_start3A_665 = arith.constant 2 : i32
      %dma_start3A_666 = arith.constant 0 : i32
      %dma_start3A_667 = arith.constant 0 : i32
      %dma_start3A_668 = arith.constant 0 : i32
      %dma_start3A_669 = tpu.memref_slice %arg13[%dma_start3A_666, %dma_start3A_667, %dma_start3A_668] : memref<2x128x64xf32, #tpu.memory_space<vmem>> -> memref<1x128x64xf32, #tpu.memory_space<vmem>>
      %dma_start3A_670 = tpu.memref_squeeze %dma_start3A_669 : memref<1x128x64xf32, #tpu.memory_space<vmem>> -> memref<128x64xf32, #tpu.memory_space<vmem>>
      %dma_start3A_671 = arith.constant 0 : i32
      %dma_start3A_672 = tpu.memref_slice %arg9[%dma_start3A_665, %dma_start3A_671] : memref<4x128xi32, #tpu.memory_space<vmem>> -> memref<1x128xi32, #tpu.memory_space<vmem>>
      %dma_start3A_673 = tpu.memref_squeeze %dma_start3A_672 : memref<1x128xi32, #tpu.memory_space<vmem>> -> memref<128xi32, #tpu.memory_space<vmem>>
      %dma_start3A_674 = arith.constant 0 : i32
      %dma_start3A_675 = arith.constant 0 : i32
      %dma_start3A_676 = tpu.memref_slice %arg14[%dma_start3A_674, %dma_start3A_675] : memref<10240x64xf32, #tpu.memory_space<vmem_shared>> -> memref<10240x64xf32, #tpu.memory_space<vmem_shared>>
      tpu.enqueue_indirect_dma source(%dma_start3A_676 : memref<10240x64xf32, #tpu.memory_space<vmem_shared>>) target(%dma_start3A_670 : memref<128x64xf32, #tpu.memory_space<vmem>>) offsets(%dma_start3A_673 : memref<128xi32, #tpu.memory_space<vmem>>) semaphore(%arg16 : memref<!tpu.dma_semaphore, #tpu.memory_space<semaphore_mem>>)
      %dma_wait3A_677 = arith.constant 1 : i32
      %dma_wait3A_678 = arith.constant 0 : i32
      %dma_wait3A_679 = tpu.memref_slice %arg10[%dma_wait3A_677, %dma_wait3A_678] : memref<4x128xi32, #tpu.memory_space<vmem>> -> memref<1x128xi32, #tpu.memory_space<vmem>>
      %dma_wait3A_680 = tpu.memref_squeeze %dma_wait3A_679 : memref<1x128xi32, #tpu.memory_space<vmem>> -> memref<128xi32, #tpu.memory_space<vmem>>
      %dma_wait3A_681 = arith.constant 0 : i32
      %dma_wait3A_682 = tpu.memref_slice %arg5[%arg1, %min3A_651, %dma_wait3A_681] : memref<16x164x128xi32, #tpu.memory_space<hbm>> -> memref<1x1x128xi32, #tpu.memory_space<hbm>>
      %dma_wait3A_683 = tpu.memref_squeeze %dma_wait3A_682 : memref<1x1x128xi32, #tpu.memory_space<hbm>> -> memref<128xi32, #tpu.memory_space<hbm>>
      %dma_wait3A_684 = arith.constant 0 : i32
      %dma_wait3A_685 = tpu.memref_slice %arg10[%dma_wait3A_677, %dma_wait3A_684] : memref<4x128xi32, #tpu.memory_space<vmem>> -> memref<1x128xi32, #tpu.memory_space<vmem>>
      %dma_wait3A_686 = tpu.memref_squeeze %dma_wait3A_685 : memref<1x128xi32, #tpu.memory_space<vmem>> -> memref<128xi32, #tpu.memory_space<vmem>>
      %dma_wait3A_687 = arith.constant 0 : i32
      %dma_wait3A_688 = tpu.memref_slice %arg5[%arg1, %min3A_651, %dma_wait3A_687] : memref<16x164x128xi32, #tpu.memory_space<hbm>> -> memref<1x1x128xi32, #tpu.memory_space<hbm>>
      %dma_wait3A_689 = tpu.memref_squeeze %dma_wait3A_688 : memref<1x1x128xi32, #tpu.memory_space<hbm>> -> memref<128xi32, #tpu.memory_space<hbm>>
      tpu.wait_dma2 semaphore(%arg23 : memref<!tpu.dma_semaphore, #tpu.memory_space<semaphore_mem>>) src(%dma_wait3A_689 : memref<128xi32, #tpu.memory_space<hbm>>) dst(%dma_wait3A_686 : memref<128xi32, #tpu.memory_space<vmem>>)
      %dma_wait3A_690 = arith.constant 1 : i32
      %dma_wait3A_691 = arith.constant 1 : i32
      %dma_wait3A_692 = arith.constant 0 : i32
      %dma_wait3A_693 = arith.constant 0 : i32
      %dma_wait3A_694 = tpu.memref_slice %arg13[%dma_wait3A_691, %dma_wait3A_692, %dma_wait3A_693] : memref<2x128x64xf32, #tpu.memory_space<vmem>> -> memref<1x128x64xf32, #tpu.memory_space<vmem>>
      %dma_wait3A_695 = tpu.memref_squeeze %dma_wait3A_694 : memref<1x128x64xf32, #tpu.memory_space<vmem>> -> memref<128x64xf32, #tpu.memory_space<vmem>>
      %dma_wait3A_696 = arith.constant 0 : i32
      %dma_wait3A_697 = tpu.memref_slice %arg9[%dma_wait3A_690, %dma_wait3A_696] : memref<4x128xi32, #tpu.memory_space<vmem>> -> memref<1x128xi32, #tpu.memory_space<vmem>>
      %dma_wait3A_698 = tpu.memref_squeeze %dma_wait3A_697 : memref<1x128xi32, #tpu.memory_space<vmem>> -> memref<128xi32, #tpu.memory_space<vmem>>
      %dma_wait3A_699 = arith.constant 0 : i32
      %dma_wait3A_700 = arith.constant 0 : i32
      %dma_wait3A_701 = tpu.memref_slice %arg14[%dma_wait3A_699, %dma_wait3A_700] : memref<10240x64xf32, #tpu.memory_space<vmem_shared>> -> memref<10240x64xf32, #tpu.memory_space<vmem_shared>>
      tpu.wait_indirect_dma semaphore(%arg17 : memref<!tpu.dma_semaphore, #tpu.memory_space<semaphore_mem>>) src(%dma_wait3A_701 : memref<10240x64xf32, #tpu.memory_space<vmem_shared>>) dst(%dma_wait3A_695 : memref<128x64xf32, #tpu.memory_space<vmem>>)
      %get3A_702 = arith.constant 1 : i32
      %get3A_703 = arith.index_cast %get3A_702 : i32 to index
      %get3A_704 = arith.constant 0 : index
      %get3A_705 = tpu.vector_load %arg9[%get3A_703, %get3A_704] {strides = array<i32>} : memref<4x128xi32, #tpu.memory_space<vmem>>, vector<16xi32>,
      %get3A_706 = arith.constant 1 : i32
      %get3A_707 = arith.index_cast %get3A_706 : i32 to index
      %get3A_708 = arith.constant 0 : index
      %get3A_709 = tpu.vector_load %arg10[%get3A_707, %get3A_708] {strides = array<i32>} : memref<4x128xi32, #tpu.memory_space<vmem>>, vector<16xi32>,
      %mul3A_710 = arith.constant 2 : i32
      %mul3A_711 = vector.broadcast %mul3A_710 : i32 to vector<16xi32>
      %mul3A_712 = arith.muli %get3A_705, %mul3A_711 : vector<16xi32>
      %gather3A_713 = tpu.vector_load_idx %arg8[%mul3A_712] : memref<20480xf32, #tpu.memory_space<vmem>>[vector<16xi32>], vector<16xf32>,
      %mul3A_714 = arith.constant 2 : i32
      %mul3A_715 = vector.broadcast %mul3A_714 : i32 to vector<16xi32>
      %mul3A_716 = arith.muli %get3A_709, %mul3A_715 : vector<16xi32>
      %add3A_717 = arith.constant 1 : i32
      %add3A_718 = vector.broadcast %add3A_717 : i32 to vector<16xi32>
      %add3A_719 = arith.addi %mul3A_716, %add3A_718 : vector<16xi32>
      %gather3A_720 = tpu.vector_load_idx %arg8[%add3A_719] : memref<20480xf32, #tpu.memory_space<vmem>>[vector<16xi32>], vector<16xf32>,
      %add3A_721 = arith.addf %gather3A_713, %gather3A_720 : vector<16xf32>
      %mul3A_722 = arith.constant 2.000000e-01 : f32
      %mul3A_723 = vector.broadcast %mul3A_722 : f32 to vector<16xf32>
      %mul3A_724 = arith.mulf %mul3A_723, %add3A_721 : vector<16xf32>
      %max3A_725 = arith.maximumf %add3A_721, %mul3A_724 : vector<16xf32>
      %exp3A_726 = math.exp %max3A_725 : vector<16xf32>
      %swap3A_727 = arith.constant 0 : index
      %swap3A_728 = tpu.vector_load %arg11[%swap3A_727] {strides = array<i32>} : memref<128xf32, #tpu.memory_space<vmem>>, vector<16xf32>,
      tpu.vector_store %arg11[%swap3A_727], %exp3A_726 {strides = array<i32>} : memref<128xf32, #tpu.memory_space<vmem>>, vector<16xf32>,
      tpu.vector_store_idx %arg12[%get3A_709], %exp3A_726 {add = true} : memref<10240xf32, #tpu.memory_space<vmem>>[vector<16xi32>], vector<16xf32>,
      %get3A_729 = arith.constant 1 : i32
      %get3A_730 = arith.index_cast %get3A_729 : i32 to index
      %get3A_731 = arith.constant 16 : index
      %get3A_732 = tpu.vector_load %arg9[%get3A_730, %get3A_731] {strides = array<i32>} : memref<4x128xi32, #tpu.memory_space<vmem>>, vector<16xi32>,
      %get3A_733 = arith.constant 1 : i32
      %get3A_734 = arith.index_cast %get3A_733 : i32 to index
      %get3A_735 = arith.constant 16 : index
      %get3A_736 = tpu.vector_load %arg10[%get3A_734, %get3A_735] {strides = array<i32>} : memref<4x128xi32, #tpu.memory_space<vmem>>, vector<16xi32>,
      %mul3A_737 = arith.constant 2 : i32
      %mul3A_738 = vector.broadcast %mul3A_737 : i32 to vector<16xi32>
      %mul3A_739 = arith.muli %get3A_732, %mul3A_738 : vector<16xi32>
      %gather3A_740 = tpu.vector_load_idx %arg8[%mul3A_739] : memref<20480xf32, #tpu.memory_space<vmem>>[vector<16xi32>], vector<16xf32>,
      %mul3A_741 = arith.constant 2 : i32
      %mul3A_742 = vector.broadcast %mul3A_741 : i32 to vector<16xi32>
      %mul3A_743 = arith.muli %get3A_736, %mul3A_742 : vector<16xi32>
      %add3A_744 = arith.constant 1 : i32
      %add3A_745 = vector.broadcast %add3A_744 : i32 to vector<16xi32>
      %add3A_746 = arith.addi %mul3A_743, %add3A_745 : vector<16xi32>
      %gather3A_747 = tpu.vector_load_idx %arg8[%add3A_746] : memref<20480xf32, #tpu.memory_space<vmem>>[vector<16xi32>], vector<16xf32>,
      %add3A_748 = arith.addf %gather3A_740, %gather3A_747 : vector<16xf32>
      %mul3A_749 = arith.constant 2.000000e-01 : f32
      %mul3A_750 = vector.broadcast %mul3A_749 : f32 to vector<16xf32>
      %mul3A_751 = arith.mulf %mul3A_750, %add3A_748 : vector<16xf32>
      %max3A_752 = arith.maximumf %add3A_748, %mul3A_751 : vector<16xf32>
      %exp3A_753 = math.exp %max3A_752 : vector<16xf32>
      %swap3A_754 = arith.constant 16 : index
      %swap3A_755 = tpu.vector_load %arg11[%swap3A_754] {strides = array<i32>} : memref<128xf32, #tpu.memory_space<vmem>>, vector<16xf32>,
      tpu.vector_store %arg11[%swap3A_754], %exp3A_753 {strides = array<i32>} : memref<128xf32, #tpu.memory_space<vmem>>, vector<16xf32>,
      tpu.vector_store_idx %arg12[%get3A_736], %exp3A_753 {add = true} : memref<10240xf32, #tpu.memory_space<vmem>>[vector<16xi32>], vector<16xf32>,
      %get3A_756 = arith.constant 1 : i32
      %get3A_757 = arith.index_cast %get3A_756 : i32 to index
      %get3A_758 = arith.constant 32 : index
      %get3A_759 = tpu.vector_load %arg9[%get3A_757, %get3A_758] {strides = array<i32>} : memref<4x128xi32, #tpu.memory_space<vmem>>, vector<16xi32>,
      %get3A_760 = arith.constant 1 : i32
      %get3A_761 = arith.index_cast %get3A_760 : i32 to index
      %get3A_762 = arith.constant 32 : index
      %get3A_763 = tpu.vector_load %arg10[%get3A_761, %get3A_762] {strides = array<i32>} : memref<4x128xi32, #tpu.memory_space<vmem>>, vector<16xi32>,
      %mul3A_764 = arith.constant 2 : i32
      %mul3A_765 = vector.broadcast %mul3A_764 : i32 to vector<16xi32>
      %mul3A_766 = arith.muli %get3A_759, %mul3A_765 : vector<16xi32>
      %gather3A_767 = tpu.vector_load_idx %arg8[%mul3A_766] : memref<20480xf32, #tpu.memory_space<vmem>>[vector<16xi32>], vector<16xf32>,
      %mul3A_768 = arith.constant 2 : i32
      %mul3A_769 = vector.broadcast %mul3A_768 : i32 to vector<16xi32>
      %mul3A_770 = arith.muli %get3A_763, %mul3A_769 : vector<16xi32>
      %add3A_771 = arith.constant 1 : i32
      %add3A_772 = vector.broadcast %add3A_771 : i32 to vector<16xi32>
      %add3A_773 = arith.addi %mul3A_770, %add3A_772 : vector<16xi32>
      %gather3A_774 = tpu.vector_load_idx %arg8[%add3A_773] : memref<20480xf32, #tpu.memory_space<vmem>>[vector<16xi32>], vector<16xf32>,
      %add3A_775 = arith.addf %gather3A_767, %gather3A_774 : vector<16xf32>
      %mul3A_776 = arith.constant 2.000000e-01 : f32
      %mul3A_777 = vector.broadcast %mul3A_776 : f32 to vector<16xf32>
      %mul3A_778 = arith.mulf %mul3A_777, %add3A_775 : vector<16xf32>
      %max3A_779 = arith.maximumf %add3A_775, %mul3A_778 : vector<16xf32>
      %exp3A_780 = math.exp %max3A_779 : vector<16xf32>
      %swap3A_781 = arith.constant 32 : index
      %swap3A_782 = tpu.vector_load %arg11[%swap3A_781] {strides = array<i32>} : memref<128xf32, #tpu.memory_space<vmem>>, vector<16xf32>,
      tpu.vector_store %arg11[%swap3A_781], %exp3A_780 {strides = array<i32>} : memref<128xf32, #tpu.memory_space<vmem>>, vector<16xf32>,
      tpu.vector_store_idx %arg12[%get3A_763], %exp3A_780 {add = true} : memref<10240xf32, #tpu.memory_space<vmem>>[vector<16xi32>], vector<16xf32>,
      %get3A_783 = arith.constant 1 : i32
      %get3A_784 = arith.index_cast %get3A_783 : i32 to index
      %get3A_785 = arith.constant 48 : index
      %get3A_786 = tpu.vector_load %arg9[%get3A_784, %get3A_785] {strides = array<i32>} : memref<4x128xi32, #tpu.memory_space<vmem>>, vector<16xi32>,
      %get3A_787 = arith.constant 1 : i32
      %get3A_788 = arith.index_cast %get3A_787 : i32 to index
      %get3A_789 = arith.constant 48 : index
      %get3A_790 = tpu.vector_load %arg10[%get3A_788, %get3A_789] {strides = array<i32>} : memref<4x128xi32, #tpu.memory_space<vmem>>, vector<16xi32>,
      %mul3A_791 = arith.constant 2 : i32
      %mul3A_792 = vector.broadcast %mul3A_791 : i32 to vector<16xi32>
      %mul3A_793 = arith.muli %get3A_786, %mul3A_792 : vector<16xi32>
      %gather3A_794 = tpu.vector_load_idx %arg8[%mul3A_793] : memref<20480xf32, #tpu.memory_space<vmem>>[vector<16xi32>], vector<16xf32>,
      %mul3A_795 = arith.constant 2 : i32
      %mul3A_796 = vector.broadcast %mul3A_795 : i32 to vector<16xi32>
      %mul3A_797 = arith.muli %get3A_790, %mul3A_796 : vector<16xi32>
      %add3A_798 = arith.constant 1 : i32
      %add3A_799 = vector.broadcast %add3A_798 : i32 to vector<16xi32>
      %add3A_800 = arith.addi %mul3A_797, %add3A_799 : vector<16xi32>
      %gather3A_801 = tpu.vector_load_idx %arg8[%add3A_800] : memref<20480xf32, #tpu.memory_space<vmem>>[vector<16xi32>], vector<16xf32>,
      %add3A_802 = arith.addf %gather3A_794, %gather3A_801 : vector<16xf32>
      %mul3A_803 = arith.constant 2.000000e-01 : f32
      %mul3A_804 = vector.broadcast %mul3A_803 : f32 to vector<16xf32>
      %mul3A_805 = arith.mulf %mul3A_804, %add3A_802 : vector<16xf32>
      %max3A_806 = arith.maximumf %add3A_802, %mul3A_805 : vector<16xf32>
      %exp3A_807 = math.exp %max3A_806 : vector<16xf32>
      %swap3A_808 = arith.constant 48 : index
      %swap3A_809 = tpu.vector_load %arg11[%swap3A_808] {strides = array<i32>} : memref<128xf32, #tpu.memory_space<vmem>>, vector<16xf32>,
      tpu.vector_store %arg11[%swap3A_808], %exp3A_807 {strides = array<i32>} : memref<128xf32, #tpu.memory_space<vmem>>, vector<16xf32>,
      tpu.vector_store_idx %arg12[%get3A_790], %exp3A_807 {add = true} : memref<10240xf32, #tpu.memory_space<vmem>>[vector<16xi32>], vector<16xf32>,
      %get3A_810 = arith.constant 1 : i32
      %get3A_811 = arith.index_cast %get3A_810 : i32 to index
      %get3A_812 = arith.constant 64 : index
      %get3A_813 = tpu.vector_load %arg9[%get3A_811, %get3A_812] {strides = array<i32>} : memref<4x128xi32, #tpu.memory_space<vmem>>, vector<16xi32>,
      %get3A_814 = arith.constant 1 : i32
      %get3A_815 = arith.index_cast %get3A_814 : i32 to index
      %get3A_816 = arith.constant 64 : index
      %get3A_817 = tpu.vector_load %arg10[%get3A_815, %get3A_816] {strides = array<i32>} : memref<4x128xi32, #tpu.memory_space<vmem>>, vector<16xi32>,
      %mul3A_818 = arith.constant 2 : i32
      %mul3A_819 = vector.broadcast %mul3A_818 : i32 to vector<16xi32>
      %mul3A_820 = arith.muli %get3A_813, %mul3A_819 : vector<16xi32>
      %gather3A_821 = tpu.vector_load_idx %arg8[%mul3A_820] : memref<20480xf32, #tpu.memory_space<vmem>>[vector<16xi32>], vector<16xf32>,
      %mul3A_822 = arith.constant 2 : i32
      %mul3A_823 = vector.broadcast %mul3A_822 : i32 to vector<16xi32>
      %mul3A_824 = arith.muli %get3A_817, %mul3A_823 : vector<16xi32>
      %add3A_825 = arith.constant 1 : i32
      %add3A_826 = vector.broadcast %add3A_825 : i32 to vector<16xi32>
      %add3A_827 = arith.addi %mul3A_824, %add3A_826 : vector<16xi32>
      %gather3A_828 = tpu.vector_load_idx %arg8[%add3A_827] : memref<20480xf32, #tpu.memory_space<vmem>>[vector<16xi32>], vector<16xf32>,
      %add3A_829 = arith.addf %gather3A_821, %gather3A_828 : vector<16xf32>
      %mul3A_830 = arith.constant 2.000000e-01 : f32
      %mul3A_831 = vector.broadcast %mul3A_830 : f32 to vector<16xf32>
      %mul3A_832 = arith.mulf %mul3A_831, %add3A_829 : vector<16xf32>
      %max3A_833 = arith.maximumf %add3A_829, %mul3A_832 : vector<16xf32>
      %exp3A_834 = math.exp %max3A_833 : vector<16xf32>
      %swap3A_835 = arith.constant 64 : index
      %swap3A_836 = tpu.vector_load %arg11[%swap3A_835] {strides = array<i32>} : memref<128xf32, #tpu.memory_space<vmem>>, vector<16xf32>,
      tpu.vector_store %arg11[%swap3A_835], %exp3A_834 {strides = array<i32>} : memref<128xf32, #tpu.memory_space<vmem>>, vector<16xf32>,
      tpu.vector_store_idx %arg12[%get3A_817], %exp3A_834 {add = true} : memref<10240xf32, #tpu.memory_space<vmem>>[vector<16xi32>], vector<16xf32>,
      %get3A_837 = arith.constant 1 : i32
      %get3A_838 = arith.index_cast %get3A_837 : i32 to index
      %get3A_839 = arith.constant 80 : index
      %get3A_840 = tpu.vector_load %arg9[%get3A_838, %get3A_839] {strides = array<i32>} : memref<4x128xi32, #tpu.memory_space<vmem>>, vector<16xi32>,
      %get3A_841 = arith.constant 1 : i32
      %get3A_842 = arith.index_cast %get3A_841 : i32 to index
      %get3A_843 = arith.constant 80 : index
      %get3A_844 = tpu.vector_load %arg10[%get3A_842, %get3A_843] {strides = array<i32>} : memref<4x128xi32, #tpu.memory_space<vmem>>, vector<16xi32>,
      %mul3A_845 = arith.constant 2 : i32
      %mul3A_846 = vector.broadcast %mul3A_845 : i32 to vector<16xi32>
      %mul3A_847 = arith.muli %get3A_840, %mul3A_846 : vector<16xi32>
      %gather3A_848 = tpu.vector_load_idx %arg8[%mul3A_847] : memref<20480xf32, #tpu.memory_space<vmem>>[vector<16xi32>], vector<16xf32>,
      %mul3A_849 = arith.constant 2 : i32
      %mul3A_850 = vector.broadcast %mul3A_849 : i32 to vector<16xi32>
      %mul3A_851 = arith.muli %get3A_844, %mul3A_850 : vector<16xi32>
      %add3A_852 = arith.constant 1 : i32
      %add3A_853 = vector.broadcast %add3A_852 : i32 to vector<16xi32>
      %add3A_854 = arith.addi %mul3A_851, %add3A_853 : vector<16xi32>
      %gather3A_855 = tpu.vector_load_idx %arg8[%add3A_854] : memref<20480xf32, #tpu.memory_space<vmem>>[vector<16xi32>], vector<16xf32>,
      %add3A_856 = arith.addf %gather3A_848, %gather3A_855 : vector<16xf32>
      %mul3A_857 = arith.constant 2.000000e-01 : f32
      %mul3A_858 = vector.broadcast %mul3A_857 : f32 to vector<16xf32>
      %mul3A_859 = arith.mulf %mul3A_858, %add3A_856 : vector<16xf32>
      %max3A_860 = arith.maximumf %add3A_856, %mul3A_859 : vector<16xf32>
      %exp3A_861 = math.exp %max3A_860 : vector<16xf32>
      %swap3A_862 = arith.constant 80 : index
      %swap3A_863 = tpu.vector_load %arg11[%swap3A_862] {strides = array<i32>} : memref<128xf32, #tpu.memory_space<vmem>>, vector<16xf32>,
      tpu.vector_store %arg11[%swap3A_862], %exp3A_861 {strides = array<i32>} : memref<128xf32, #tpu.memory_space<vmem>>, vector<16xf32>,
      tpu.vector_store_idx %arg12[%get3A_844], %exp3A_861 {add = true} : memref<10240xf32, #tpu.memory_space<vmem>>[vector<16xi32>], vector<16xf32>,
      %get3A_864 = arith.constant 1 : i32
      %get3A_865 = arith.index_cast %get3A_864 : i32 to index
      %get3A_866 = arith.constant 96 : index
      %get3A_867 = tpu.vector_load %arg9[%get3A_865, %get3A_866] {strides = array<i32>} : memref<4x128xi32, #tpu.memory_space<vmem>>, vector<16xi32>,
      %get3A_868 = arith.constant 1 : i32
      %get3A_869 = arith.index_cast %get3A_868 : i32 to index
      %get3A_870 = arith.constant 96 : index
      %get3A_871 = tpu.vector_load %arg10[%get3A_869, %get3A_870] {strides = array<i32>} : memref<4x128xi32, #tpu.memory_space<vmem>>, vector<16xi32>,
      %mul3A_872 = arith.constant 2 : i32
      %mul3A_873 = vector.broadcast %mul3A_872 : i32 to vector<16xi32>
      %mul3A_874 = arith.muli %get3A_867, %mul3A_873 : vector<16xi32>
      %gather3A_875 = tpu.vector_load_idx %arg8[%mul3A_874] : memref<20480xf32, #tpu.memory_space<vmem>>[vector<16xi32>], vector<16xf32>,
      %mul3A_876 = arith.constant 2 : i32
      %mul3A_877 = vector.broadcast %mul3A_876 : i32 to vector<16xi32>
      %mul3A_878 = arith.muli %get3A_871, %mul3A_877 : vector<16xi32>
      %add3A_879 = arith.constant 1 : i32
      %add3A_880 = vector.broadcast %add3A_879 : i32 to vector<16xi32>
      %add3A_881 = arith.addi %mul3A_878, %add3A_880 : vector<16xi32>
      %gather3A_882 = tpu.vector_load_idx %arg8[%add3A_881] : memref<20480xf32, #tpu.memory_space<vmem>>[vector<16xi32>], vector<16xf32>,
      %add3A_883 = arith.addf %gather3A_875, %gather3A_882 : vector<16xf32>
      %mul3A_884 = arith.constant 2.000000e-01 : f32
      %mul3A_885 = vector.broadcast %mul3A_884 : f32 to vector<16xf32>
      %mul3A_886 = arith.mulf %mul3A_885, %add3A_883 : vector<16xf32>
      %max3A_887 = arith.maximumf %add3A_883, %mul3A_886 : vector<16xf32>
      %exp3A_888 = math.exp %max3A_887 : vector<16xf32>
      %swap3A_889 = arith.constant 96 : index
      %swap3A_890 = tpu.vector_load %arg11[%swap3A_889] {strides = array<i32>} : memref<128xf32, #tpu.memory_space<vmem>>, vector<16xf32>,
      tpu.vector_store %arg11[%swap3A_889], %exp3A_888 {strides = array<i32>} : memref<128xf32, #tpu.memory_space<vmem>>, vector<16xf32>,
      tpu.vector_store_idx %arg12[%get3A_871], %exp3A_888 {add = true} : memref<10240xf32, #tpu.memory_space<vmem>>[vector<16xi32>], vector<16xf32>,
      %get3A_891 = arith.constant 1 : i32
      %get3A_892 = arith.index_cast %get3A_891 : i32 to index
      %get3A_893 = arith.constant 112 : index
      %get3A_894 = tpu.vector_load %arg9[%get3A_892, %get3A_893] {strides = array<i32>} : memref<4x128xi32, #tpu.memory_space<vmem>>, vector<16xi32>,
      %get3A_895 = arith.constant 1 : i32
      %get3A_896 = arith.index_cast %get3A_895 : i32 to index
      %get3A_897 = arith.constant 112 : index
      %get3A_898 = tpu.vector_load %arg10[%get3A_896, %get3A_897] {strides = array<i32>} : memref<4x128xi32, #tpu.memory_space<vmem>>, vector<16xi32>,
      %mul3A_899 = arith.constant 2 : i32
      %mul3A_900 = vector.broadcast %mul3A_899 : i32 to vector<16xi32>
      %mul3A_901 = arith.muli %get3A_894, %mul3A_900 : vector<16xi32>
      %gather3A_902 = tpu.vector_load_idx %arg8[%mul3A_901] : memref<20480xf32, #tpu.memory_space<vmem>>[vector<16xi32>], vector<16xf32>,
      %mul3A_903 = arith.constant 2 : i32
      %mul3A_904 = vector.broadcast %mul3A_903 : i32 to vector<16xi32>
      %mul3A_905 = arith.muli %get3A_898, %mul3A_904 : vector<16xi32>
      %add3A_906 = arith.constant 1 : i32
      %add3A_907 = vector.broadcast %add3A_906 : i32 to vector<16xi32>
      %add3A_908 = arith.addi %mul3A_905, %add3A_907 : vector<16xi32>
      %gather3A_909 = tpu.vector_load_idx %arg8[%add3A_908] : memref<20480xf32, #tpu.memory_space<vmem>>[vector<16xi32>], vector<16xf32>,
      %add3A_910 = arith.addf %gather3A_902, %gather3A_909 : vector<16xf32>
      %mul3A_911 = arith.constant 2.000000e-01 : f32
      %mul3A_912 = vector.broadcast %mul3A_911 : f32 to vector<16xf32>
      %mul3A_913 = arith.mulf %mul3A_912, %add3A_910 : vector<16xf32>
      %max3A_914 = arith.maximumf %add3A_910, %mul3A_913 : vector<16xf32>
      %exp3A_915 = math.exp %max3A_914 : vector<16xf32>
      %swap3A_916 = arith.constant 112 : index
      %swap3A_917 = tpu.vector_load %arg11[%swap3A_916] {strides = array<i32>} : memref<128xf32, #tpu.memory_space<vmem>>, vector<16xf32>,
      tpu.vector_store %arg11[%swap3A_916], %exp3A_915 {strides = array<i32>} : memref<128xf32, #tpu.memory_space<vmem>>, vector<16xf32>,
      tpu.vector_store_idx %arg12[%get3A_898], %exp3A_915 {add = true} : memref<10240xf32, #tpu.memory_space<vmem>>[vector<16xi32>], vector<16xf32>,
      %scan3A_918 = arith.constant 0 : i32
      %scan3A_919 = arith.constant 32 : i32
      %scan3A_920 = arith.addi %scan3A_918, %scan3A_919 : i32
      %scan3A_921 = arith.constant 1 : i32
      scf.for %scan3A_1573 = %scan3A_918 to %scan3A_920 step %scan3A_921  : i32 {
        %mul3A_1574 = arith.constant 4 : i32
        %mul3A_1575 = arith.muli %scan3A_1573, %mul3A_1574 : i32
        %add3A_1576 = arith.constant 0 : i32
        %add3A_1577 = arith.addi %add3A_1576, %mul3A_1575 : i32
        %broadcast_in_dim3A_1578 = arith.constant 0 : i32
        %broadcast_in_dim3A_1579 = vector.broadcast %broadcast_in_dim3A_1578 : i32 to vector<16xi32>
        %add3A_1580 = arith.constant 0 : i32
        %add3A_1581 = arith.addi %add3A_1577, %add3A_1580 : i32
        %add3A_1582 = vector.broadcast %add3A_1581 : i32 to vector<16xi32>
        %add3A_1583 = arith.addi %broadcast_in_dim3A_1579, %add3A_1582 : vector<16xi32>
        %gather3A_1584 = tpu.vector_load_idx %arg11[%add3A_1583] : memref<128xf32, #tpu.memory_space<vmem>>[vector<16xi32>], vector<16xf32>,
        %add3A_1585 = arith.constant 0 : i32
        %add3A_1586 = arith.addi %add3A_1577, %add3A_1585 : i32
        %get3A_1587 = arith.constant 1 : i32
        %get3A_1588 = arith.index_cast %get3A_1587 : i32 to index
        %get3A_1589 = arith.index_cast %add3A_1586 : i32 to index
        %get3A_1590 = arith.constant 0 : index
        %get3A_1591 = tpu.vector_load %arg13[%get3A_1588, %get3A_1589, %get3A_1590] {strides = array<i32>} : memref<2x128x64xf32, #tpu.memory_space<vmem>>, vector<16xf32>,
        %mul3A_1592 = arith.mulf %get3A_1591, %gather3A_1584 : vector<16xf32>
        %add3A_1593 = arith.constant 0 : i32
        %add3A_1594 = arith.addi %add3A_1577, %add3A_1593 : i32
        %swap3A_1595 = arith.constant 1 : i32
        %swap3A_1596 = arith.index_cast %swap3A_1595 : i32 to index
        %swap3A_1597 = arith.index_cast %add3A_1594 : i32 to index
        %swap3A_1598 = arith.constant 0 : index
        %swap3A_1599 = tpu.vector_load %arg13[%swap3A_1596, %swap3A_1597, %swap3A_1598] {strides = array<i32>} : memref<2x128x64xf32, #tpu.memory_space<vmem>>, vector<16xf32>,
        tpu.vector_store %arg13[%swap3A_1596, %swap3A_1597, %swap3A_1598], %mul3A_1592 {strides = array<i32>} : memref<2x128x64xf32, #tpu.memory_space<vmem>>, vector<16xf32>,
        %add3A_1600 = arith.constant 0 : i32
        %add3A_1601 = arith.addi %add3A_1577, %add3A_1600 : i32
        %get3A_1602 = arith.constant 1 : i32
        %get3A_1603 = arith.index_cast %get3A_1602 : i32 to index
        %get3A_1604 = arith.index_cast %add3A_1601 : i32 to index
        %get3A_1605 = arith.constant 16 : index
        %get3A_1606 = tpu.vector_load %arg13[%get3A_1603, %get3A_1604, %get3A_1605] {strides = array<i32>} : memref<2x128x64xf32, #tpu.memory_space<vmem>>, vector<16xf32>,
        %mul3A_1607 = arith.mulf %get3A_1606, %gather3A_1584 : vector<16xf32>
        %add3A_1608 = arith.constant 0 : i32
        %add3A_1609 = arith.addi %add3A_1577, %add3A_1608 : i32
        %swap3A_1610 = arith.constant 1 : i32
        %swap3A_1611 = arith.index_cast %swap3A_1610 : i32 to index
        %swap3A_1612 = arith.index_cast %add3A_1609 : i32 to index
        %swap3A_1613 = arith.constant 16 : index
        %swap3A_1614 = tpu.vector_load %arg13[%swap3A_1611, %swap3A_1612, %swap3A_1613] {strides = array<i32>} : memref<2x128x64xf32, #tpu.memory_space<vmem>>, vector<16xf32>,
        tpu.vector_store %arg13[%swap3A_1611, %swap3A_1612, %swap3A_1613], %mul3A_1607 {strides = array<i32>} : memref<2x128x64xf32, #tpu.memory_space<vmem>>, vector<16xf32>,
        %add3A_1615 = arith.constant 0 : i32
        %add3A_1616 = arith.addi %add3A_1577, %add3A_1615 : i32
        %get3A_1617 = arith.constant 1 : i32
        %get3A_1618 = arith.index_cast %get3A_1617 : i32 to index
        %get3A_1619 = arith.index_cast %add3A_1616 : i32 to index
        %get3A_1620 = arith.constant 32 : index
        %get3A_1621 = tpu.vector_load %arg13[%get3A_1618, %get3A_1619, %get3A_1620] {strides = array<i32>} : memref<2x128x64xf32, #tpu.memory_space<vmem>>, vector<16xf32>,
        %mul3A_1622 = arith.mulf %get3A_1621, %gather3A_1584 : vector<16xf32>
        %add3A_1623 = arith.constant 0 : i32
        %add3A_1624 = arith.addi %add3A_1577, %add3A_1623 : i32
        %swap3A_1625 = arith.constant 1 : i32
        %swap3A_1626 = arith.index_cast %swap3A_1625 : i32 to index
        %swap3A_1627 = arith.index_cast %add3A_1624 : i32 to index
        %swap3A_1628 = arith.constant 32 : index
        %swap3A_1629 = tpu.vector_load %arg13[%swap3A_1626, %swap3A_1627, %swap3A_1628] {strides = array<i32>} : memref<2x128x64xf32, #tpu.memory_space<vmem>>, vector<16xf32>,
        tpu.vector_store %arg13[%swap3A_1626, %swap3A_1627, %swap3A_1628], %mul3A_1622 {strides = array<i32>} : memref<2x128x64xf32, #tpu.memory_space<vmem>>, vector<16xf32>,
        %add3A_1630 = arith.constant 0 : i32
        %add3A_1631 = arith.addi %add3A_1577, %add3A_1630 : i32
        %get3A_1632 = arith.constant 1 : i32
        %get3A_1633 = arith.index_cast %get3A_1632 : i32 to index
        %get3A_1634 = arith.index_cast %add3A_1631 : i32 to index
        %get3A_1635 = arith.constant 48 : index
        %get3A_1636 = tpu.vector_load %arg13[%get3A_1633, %get3A_1634, %get3A_1635] {strides = array<i32>} : memref<2x128x64xf32, #tpu.memory_space<vmem>>, vector<16xf32>,
        %mul3A_1637 = arith.mulf %get3A_1636, %gather3A_1584 : vector<16xf32>
        %add3A_1638 = arith.constant 0 : i32
        %add3A_1639 = arith.addi %add3A_1577, %add3A_1638 : i32
        %swap3A_1640 = arith.constant 1 : i32
        %swap3A_1641 = arith.index_cast %swap3A_1640 : i32 to index
        %swap3A_1642 = arith.index_cast %add3A_1639 : i32 to index
        %swap3A_1643 = arith.constant 48 : index
        %swap3A_1644 = tpu.vector_load %arg13[%swap3A_1641, %swap3A_1642, %swap3A_1643] {strides = array<i32>} : memref<2x128x64xf32, #tpu.memory_space<vmem>>, vector<16xf32>,
        tpu.vector_store %arg13[%swap3A_1641, %swap3A_1642, %swap3A_1643], %mul3A_1637 {strides = array<i32>} : memref<2x128x64xf32, #tpu.memory_space<vmem>>, vector<16xf32>,
        %broadcast_in_dim3A_1645 = arith.constant 0 : i32
        %broadcast_in_dim3A_1646 = vector.broadcast %broadcast_in_dim3A_1645 : i32 to vector<16xi32>
        %add3A_1647 = arith.constant 1 : i32
        %add3A_1648 = arith.addi %add3A_1577, %add3A_1647 : i32
        %add3A_1649 = vector.broadcast %add3A_1648 : i32 to vector<16xi32>
        %add3A_1650 = arith.addi %broadcast_in_dim3A_1646, %add3A_1649 : vector<16xi32>
        %gather3A_1651 = tpu.vector_load_idx %arg11[%add3A_1650] : memref<128xf32, #tpu.memory_space<vmem>>[vector<16xi32>], vector<16xf32>,
        %add3A_1652 = arith.constant 1 : i32
        %add3A_1653 = arith.addi %add3A_1577, %add3A_1652 : i32
        %get3A_1654 = arith.constant 1 : i32
        %get3A_1655 = arith.index_cast %get3A_1654 : i32 to index
        %get3A_1656 = arith.index_cast %add3A_1653 : i32 to index
        %get3A_1657 = arith.constant 0 : index
        %get3A_1658 = tpu.vector_load %arg13[%get3A_1655, %get3A_1656, %get3A_1657] {strides = array<i32>} : memref<2x128x64xf32, #tpu.memory_space<vmem>>, vector<16xf32>,
        %mul3A_1659 = arith.mulf %get3A_1658, %gather3A_1651 : vector<16xf32>
        %add3A_1660 = arith.constant 1 : i32
        %add3A_1661 = arith.addi %add3A_1577, %add3A_1660 : i32
        %swap3A_1662 = arith.constant 1 : i32
        %swap3A_1663 = arith.index_cast %swap3A_1662 : i32 to index
        %swap3A_1664 = arith.index_cast %add3A_1661 : i32 to index
        %swap3A_1665 = arith.constant 0 : index
        %swap3A_1666 = tpu.vector_load %arg13[%swap3A_1663, %swap3A_1664, %swap3A_1665] {strides = array<i32>} : memref<2x128x64xf32, #tpu.memory_space<vmem>>, vector<16xf32>,
        tpu.vector_store %arg13[%swap3A_1663, %swap3A_1664, %swap3A_1665], %mul3A_1659 {strides = array<i32>} : memref<2x128x64xf32, #tpu.memory_space<vmem>>, vector<16xf32>,
        %add3A_1667 = arith.constant 1 : i32
        %add3A_1668 = arith.addi %add3A_1577, %add3A_1667 : i32
        %get3A_1669 = arith.constant 1 : i32
        %get3A_1670 = arith.index_cast %get3A_1669 : i32 to index
        %get3A_1671 = arith.index_cast %add3A_1668 : i32 to index
        %get3A_1672 = arith.constant 16 : index
        %get3A_1673 = tpu.vector_load %arg13[%get3A_1670, %get3A_1671, %get3A_1672] {strides = array<i32>} : memref<2x128x64xf32, #tpu.memory_space<vmem>>, vector<16xf32>,
        %mul3A_1674 = arith.mulf %get3A_1673, %gather3A_1651 : vector<16xf32>
        %add3A_1675 = arith.constant 1 : i32
        %add3A_1676 = arith.addi %add3A_1577, %add3A_1675 : i32
        %swap3A_1677 = arith.constant 1 : i32
        %swap3A_1678 = arith.index_cast %swap3A_1677 : i32 to index
        %swap3A_1679 = arith.index_cast %add3A_1676 : i32 to index
        %swap3A_1680 = arith.constant 16 : index
        %swap3A_1681 = tpu.vector_load %arg13[%swap3A_1678, %swap3A_1679, %swap3A_1680] {strides = array<i32>} : memref<2x128x64xf32, #tpu.memory_space<vmem>>, vector<16xf32>,
        tpu.vector_store %arg13[%swap3A_1678, %swap3A_1679, %swap3A_1680], %mul3A_1674 {strides = array<i32>} : memref<2x128x64xf32, #tpu.memory_space<vmem>>, vector<16xf32>,
        %add3A_1682 = arith.constant 1 : i32
        %add3A_1683 = arith.addi %add3A_1577, %add3A_1682 : i32
        %get3A_1684 = arith.constant 1 : i32
        %get3A_1685 = arith.index_cast %get3A_1684 : i32 to index
        %get3A_1686 = arith.index_cast %add3A_1683 : i32 to index
        %get3A_1687 = arith.constant 32 : index
        %get3A_1688 = tpu.vector_load %arg13[%get3A_1685, %get3A_1686, %get3A_1687] {strides = array<i32>} : memref<2x128x64xf32, #tpu.memory_space<vmem>>, vector<16xf32>,
        %mul3A_1689 = arith.mulf %get3A_1688, %gather3A_1651 : vector<16xf32>
        %add3A_1690 = arith.constant 1 : i32
        %add3A_1691 = arith.addi %add3A_1577, %add3A_1690 : i32
        %swap3A_1692 = arith.constant 1 : i32
        %swap3A_1693 = arith.index_cast %swap3A_1692 : i32 to index
        %swap3A_1694 = arith.index_cast %add3A_1691 : i32 to index
        %swap3A_1695 = arith.constant 32 : index
        %swap3A_1696 = tpu.vector_load %arg13[%swap3A_1693, %swap3A_1694, %swap3A_1695] {strides = array<i32>} : memref<2x128x64xf32, #tpu.memory_space<vmem>>, vector<16xf32>,
        tpu.vector_store %arg13[%swap3A_1693, %swap3A_1694, %swap3A_1695], %mul3A_1689 {strides = array<i32>} : memref<2x128x64xf32, #tpu.memory_space<vmem>>, vector<16xf32>,
        %add3A_1697 = arith.constant 1 : i32
        %add3A_1698 = arith.addi %add3A_1577, %add3A_1697 : i32
        %get3A_1699 = arith.constant 1 : i32
        %get3A_1700 = arith.index_cast %get3A_1699 : i32 to index
        %get3A_1701 = arith.index_cast %add3A_1698 : i32 to index
        %get3A_1702 = arith.constant 48 : index
        %get3A_1703 = tpu.vector_load %arg13[%get3A_1700, %get3A_1701, %get3A_1702] {strides = array<i32>} : memref<2x128x64xf32, #tpu.memory_space<vmem>>, vector<16xf32>,
        %mul3A_1704 = arith.mulf %get3A_1703, %gather3A_1651 : vector<16xf32>
        %add3A_1705 = arith.constant 1 : i32
        %add3A_1706 = arith.addi %add3A_1577, %add3A_1705 : i32
        %swap3A_1707 = arith.constant 1 : i32
        %swap3A_1708 = arith.index_cast %swap3A_1707 : i32 to index
        %swap3A_1709 = arith.index_cast %add3A_1706 : i32 to index
        %swap3A_1710 = arith.constant 48 : index
        %swap3A_1711 = tpu.vector_load %arg13[%swap3A_1708, %swap3A_1709, %swap3A_1710] {strides = array<i32>} : memref<2x128x64xf32, #tpu.memory_space<vmem>>, vector<16xf32>,
        tpu.vector_store %arg13[%swap3A_1708, %swap3A_1709, %swap3A_1710], %mul3A_1704 {strides = array<i32>} : memref<2x128x64xf32, #tpu.memory_space<vmem>>, vector<16xf32>,
        %broadcast_in_dim3A_1712 = arith.constant 0 : i32
        %broadcast_in_dim3A_1713 = vector.broadcast %broadcast_in_dim3A_1712 : i32 to vector<16xi32>
        %add3A_1714 = arith.constant 2 : i32
        %add3A_1715 = arith.addi %add3A_1577, %add3A_1714 : i32
        %add3A_1716 = vector.broadcast %add3A_1715 : i32 to vector<16xi32>
        %add3A_1717 = arith.addi %broadcast_in_dim3A_1713, %add3A_1716 : vector<16xi32>
        %gather3A_1718 = tpu.vector_load_idx %arg11[%add3A_1717] : memref<128xf32, #tpu.memory_space<vmem>>[vector<16xi32>], vector<16xf32>,
        %add3A_1719 = arith.constant 2 : i32
        %add3A_1720 = arith.addi %add3A_1577, %add3A_1719 : i32
        %get3A_1721 = arith.constant 1 : i32
        %get3A_1722 = arith.index_cast %get3A_1721 : i32 to index
        %get3A_1723 = arith.index_cast %add3A_1720 : i32 to index
        %get3A_1724 = arith.constant 0 : index
        %get3A_1725 = tpu.vector_load %arg13[%get3A_1722, %get3A_1723, %get3A_1724] {strides = array<i32>} : memref<2x128x64xf32, #tpu.memory_space<vmem>>, vector<16xf32>,
        %mul3A_1726 = arith.mulf %get3A_1725, %gather3A_1718 : vector<16xf32>
        %add3A_1727 = arith.constant 2 : i32
        %add3A_1728 = arith.addi %add3A_1577, %add3A_1727 : i32
        %swap3A_1729 = arith.constant 1 : i32
        %swap3A_1730 = arith.index_cast %swap3A_1729 : i32 to index
        %swap3A_1731 = arith.index_cast %add3A_1728 : i32 to index
        %swap3A_1732 = arith.constant 0 : index
        %swap3A_1733 = tpu.vector_load %arg13[%swap3A_1730, %swap3A_1731, %swap3A_1732] {strides = array<i32>} : memref<2x128x64xf32, #tpu.memory_space<vmem>>, vector<16xf32>,
        tpu.vector_store %arg13[%swap3A_1730, %swap3A_1731, %swap3A_1732], %mul3A_1726 {strides = array<i32>} : memref<2x128x64xf32, #tpu.memory_space<vmem>>, vector<16xf32>,
        %add3A_1734 = arith.constant 2 : i32
        %add3A_1735 = arith.addi %add3A_1577, %add3A_1734 : i32
        %get3A_1736 = arith.constant 1 : i32
        %get3A_1737 = arith.index_cast %get3A_1736 : i32 to index
        %get3A_1738 = arith.index_cast %add3A_1735 : i32 to index
        %get3A_1739 = arith.constant 16 : index
        %get3A_1740 = tpu.vector_load %arg13[%get3A_1737, %get3A_1738, %get3A_1739] {strides = array<i32>} : memref<2x128x64xf32, #tpu.memory_space<vmem>>, vector<16xf32>,
        %mul3A_1741 = arith.mulf %get3A_1740, %gather3A_1718 : vector<16xf32>
        %add3A_1742 = arith.constant 2 : i32
        %add3A_1743 = arith.addi %add3A_1577, %add3A_1742 : i32
        %swap3A_1744 = arith.constant 1 : i32
        %swap3A_1745 = arith.index_cast %swap3A_1744 : i32 to index
        %swap3A_1746 = arith.index_cast %add3A_1743 : i32 to index
        %swap3A_1747 = arith.constant 16 : index
        %swap3A_1748 = tpu.vector_load %arg13[%swap3A_1745, %swap3A_1746, %swap3A_1747] {strides = array<i32>} : memref<2x128x64xf32, #tpu.memory_space<vmem>>, vector<16xf32>,
        tpu.vector_store %arg13[%swap3A_1745, %swap3A_1746, %swap3A_1747], %mul3A_1741 {strides = array<i32>} : memref<2x128x64xf32, #tpu.memory_space<vmem>>, vector<16xf32>,
        %add3A_1749 = arith.constant 2 : i32
        %add3A_1750 = arith.addi %add3A_1577, %add3A_1749 : i32
        %get3A_1751 = arith.constant 1 : i32
        %get3A_1752 = arith.index_cast %get3A_1751 : i32 to index
        %get3A_1753 = arith.index_cast %add3A_1750 : i32 to index
        %get3A_1754 = arith.constant 32 : index
        %get3A_1755 = tpu.vector_load %arg13[%get3A_1752, %get3A_1753, %get3A_1754] {strides = array<i32>} : memref<2x128x64xf32, #tpu.memory_space<vmem>>, vector<16xf32>,
        %mul3A_1756 = arith.mulf %get3A_1755, %gather3A_1718 : vector<16xf32>
        %add3A_1757 = arith.constant 2 : i32
        %add3A_1758 = arith.addi %add3A_1577, %add3A_1757 : i32
        %swap3A_1759 = arith.constant 1 : i32
        %swap3A_1760 = arith.index_cast %swap3A_1759 : i32 to index
        %swap3A_1761 = arith.index_cast %add3A_1758 : i32 to index
        %swap3A_1762 = arith.constant 32 : index
        %swap3A_1763 = tpu.vector_load %arg13[%swap3A_1760, %swap3A_1761, %swap3A_1762] {strides = array<i32>} : memref<2x128x64xf32, #tpu.memory_space<vmem>>, vector<16xf32>,
        tpu.vector_store %arg13[%swap3A_1760, %swap3A_1761, %swap3A_1762], %mul3A_1756 {strides = array<i32>} : memref<2x128x64xf32, #tpu.memory_space<vmem>>, vector<16xf32>,
        %add3A_1764 = arith.constant 2 : i32
        %add3A_1765 = arith.addi %add3A_1577, %add3A_1764 : i32
        %get3A_1766 = arith.constant 1 : i32
        %get3A_1767 = arith.index_cast %get3A_1766 : i32 to index
        %get3A_1768 = arith.index_cast %add3A_1765 : i32 to index
        %get3A_1769 = arith.constant 48 : index
        %get3A_1770 = tpu.vector_load %arg13[%get3A_1767, %get3A_1768, %get3A_1769] {strides = array<i32>} : memref<2x128x64xf32, #tpu.memory_space<vmem>>, vector<16xf32>,
        %mul3A_1771 = arith.mulf %get3A_1770, %gather3A_1718 : vector<16xf32>
        %add3A_1772 = arith.constant 2 : i32
        %add3A_1773 = arith.addi %add3A_1577, %add3A_1772 : i32
        %swap3A_1774 = arith.constant 1 : i32
        %swap3A_1775 = arith.index_cast %swap3A_1774 : i32 to index
        %swap3A_1776 = arith.index_cast %add3A_1773 : i32 to index
        %swap3A_1777 = arith.constant 48 : index
        %swap3A_1778 = tpu.vector_load %arg13[%swap3A_1775, %swap3A_1776, %swap3A_1777] {strides = array<i32>} : memref<2x128x64xf32, #tpu.memory_space<vmem>>, vector<16xf32>,
        tpu.vector_store %arg13[%swap3A_1775, %swap3A_1776, %swap3A_1777], %mul3A_1771 {strides = array<i32>} : memref<2x128x64xf32, #tpu.memory_space<vmem>>, vector<16xf32>,
        %broadcast_in_dim3A_1779 = arith.constant 0 : i32
        %broadcast_in_dim3A_1780 = vector.broadcast %broadcast_in_dim3A_1779 : i32 to vector<16xi32>
        %add3A_1781 = arith.constant 3 : i32
        %add3A_1782 = arith.addi %add3A_1577, %add3A_1781 : i32
        %add3A_1783 = vector.broadcast %add3A_1782 : i32 to vector<16xi32>
        %add3A_1784 = arith.addi %broadcast_in_dim3A_1780, %add3A_1783 : vector<16xi32>
        %gather3A_1785 = tpu.vector_load_idx %arg11[%add3A_1784] : memref<128xf32, #tpu.memory_space<vmem>>[vector<16xi32>], vector<16xf32>,
        %add3A_1786 = arith.constant 3 : i32
        %add3A_1787 = arith.addi %add3A_1577, %add3A_1786 : i32
        %get3A_1788 = arith.constant 1 : i32
        %get3A_1789 = arith.index_cast %get3A_1788 : i32 to index
        %get3A_1790 = arith.index_cast %add3A_1787 : i32 to index
        %get3A_1791 = arith.constant 0 : index
        %get3A_1792 = tpu.vector_load %arg13[%get3A_1789, %get3A_1790, %get3A_1791] {strides = array<i32>} : memref<2x128x64xf32, #tpu.memory_space<vmem>>, vector<16xf32>,
        %mul3A_1793 = arith.mulf %get3A_1792, %gather3A_1785 : vector<16xf32>
        %add3A_1794 = arith.constant 3 : i32
        %add3A_1795 = arith.addi %add3A_1577, %add3A_1794 : i32
        %swap3A_1796 = arith.constant 1 : i32
        %swap3A_1797 = arith.index_cast %swap3A_1796 : i32 to index
        %swap3A_1798 = arith.index_cast %add3A_1795 : i32 to index
        %swap3A_1799 = arith.constant 0 : index
        %swap3A_1800 = tpu.vector_load %arg13[%swap3A_1797, %swap3A_1798, %swap3A_1799] {strides = array<i32>} : memref<2x128x64xf32, #tpu.memory_space<vmem>>, vector<16xf32>,
        tpu.vector_store %arg13[%swap3A_1797, %swap3A_1798, %swap3A_1799], %mul3A_1793 {strides = array<i32>} : memref<2x128x64xf32, #tpu.memory_space<vmem>>, vector<16xf32>,
        %add3A_1801 = arith.constant 3 : i32
        %add3A_1802 = arith.addi %add3A_1577, %add3A_1801 : i32
        %get3A_1803 = arith.constant 1 : i32
        %get3A_1804 = arith.index_cast %get3A_1803 : i32 to index
        %get3A_1805 = arith.index_cast %add3A_1802 : i32 to index
        %get3A_1806 = arith.constant 16 : index
        %get3A_1807 = tpu.vector_load %arg13[%get3A_1804, %get3A_1805, %get3A_1806] {strides = array<i32>} : memref<2x128x64xf32, #tpu.memory_space<vmem>>, vector<16xf32>,
        %mul3A_1808 = arith.mulf %get3A_1807, %gather3A_1785 : vector<16xf32>
        %add3A_1809 = arith.constant 3 : i32
        %add3A_1810 = arith.addi %add3A_1577, %add3A_1809 : i32
        %swap3A_1811 = arith.constant 1 : i32
        %swap3A_1812 = arith.index_cast %swap3A_1811 : i32 to index
        %swap3A_1813 = arith.index_cast %add3A_1810 : i32 to index
        %swap3A_1814 = arith.constant 16 : index
        %swap3A_1815 = tpu.vector_load %arg13[%swap3A_1812, %swap3A_1813, %swap3A_1814] {strides = array<i32>} : memref<2x128x64xf32, #tpu.memory_space<vmem>>, vector<16xf32>,
        tpu.vector_store %arg13[%swap3A_1812, %swap3A_1813, %swap3A_1814], %mul3A_1808 {strides = array<i32>} : memref<2x128x64xf32, #tpu.memory_space<vmem>>, vector<16xf32>,
        %add3A_1816 = arith.constant 3 : i32
        %add3A_1817 = arith.addi %add3A_1577, %add3A_1816 : i32
        %get3A_1818 = arith.constant 1 : i32
        %get3A_1819 = arith.index_cast %get3A_1818 : i32 to index
        %get3A_1820 = arith.index_cast %add3A_1817 : i32 to index
        %get3A_1821 = arith.constant 32 : index
        %get3A_1822 = tpu.vector_load %arg13[%get3A_1819, %get3A_1820, %get3A_1821] {strides = array<i32>} : memref<2x128x64xf32, #tpu.memory_space<vmem>>, vector<16xf32>,
        %mul3A_1823 = arith.mulf %get3A_1822, %gather3A_1785 : vector<16xf32>
        %add3A_1824 = arith.constant 3 : i32
        %add3A_1825 = arith.addi %add3A_1577, %add3A_1824 : i32
        %swap3A_1826 = arith.constant 1 : i32
        %swap3A_1827 = arith.index_cast %swap3A_1826 : i32 to index
        %swap3A_1828 = arith.index_cast %add3A_1825 : i32 to index
        %swap3A_1829 = arith.constant 32 : index
        %swap3A_1830 = tpu.vector_load %arg13[%swap3A_1827, %swap3A_1828, %swap3A_1829] {strides = array<i32>} : memref<2x128x64xf32, #tpu.memory_space<vmem>>, vector<16xf32>,
        tpu.vector_store %arg13[%swap3A_1827, %swap3A_1828, %swap3A_1829], %mul3A_1823 {strides = array<i32>} : memref<2x128x64xf32, #tpu.memory_space<vmem>>, vector<16xf32>,
        %add3A_1831 = arith.constant 3 : i32
        %add3A_1832 = arith.addi %add3A_1577, %add3A_1831 : i32
        %get3A_1833 = arith.constant 1 : i32
        %get3A_1834 = arith.index_cast %get3A_1833 : i32 to index
        %get3A_1835 = arith.index_cast %add3A_1832 : i32 to index
        %get3A_1836 = arith.constant 48 : index
        %get3A_1837 = tpu.vector_load %arg13[%get3A_1834, %get3A_1835, %get3A_1836] {strides = array<i32>} : memref<2x128x64xf32, #tpu.memory_space<vmem>>, vector<16xf32>,
        %mul3A_1838 = arith.mulf %get3A_1837, %gather3A_1785 : vector<16xf32>
        %add3A_1839 = arith.constant 3 : i32
        %add3A_1840 = arith.addi %add3A_1577, %add3A_1839 : i32
        %swap3A_1841 = arith.constant 1 : i32
        %swap3A_1842 = arith.index_cast %swap3A_1841 : i32 to index
        %swap3A_1843 = arith.index_cast %add3A_1840 : i32 to index
        %swap3A_1844 = arith.constant 48 : index
        %swap3A_1845 = tpu.vector_load %arg13[%swap3A_1842, %swap3A_1843, %swap3A_1844] {strides = array<i32>} : memref<2x128x64xf32, #tpu.memory_space<vmem>>, vector<16xf32>,
        tpu.vector_store %arg13[%swap3A_1842, %swap3A_1843, %swap3A_1844], %mul3A_1838 {strides = array<i32>} : memref<2x128x64xf32, #tpu.memory_space<vmem>>, vector<16xf32>,
      }
      %scan3A_922 = arith.constant 32 : i32
      %run_scoped3A_923 = arith.constant 1 : i32
      %run_scoped3A_924 = arith.constant 1 : i32
      "tpu.region"() ({
        %run_scoped3A_1573 = tpu.sem_alloc : memref<!tpu.dma_semaphore, #tpu.memory_space<semaphore_mem>>
        %dma_start3A_1574 = arith.constant 0 : i32
        %dma_start3A_1575 = arith.constant 0 : i32
        %dma_start3A_1576 = tpu.memref_slice %arg13[%run_scoped3A_923, %dma_start3A_1574, %dma_start3A_1575] : memref<2x128x64xf32, #tpu.memory_space<vmem>> -> memref<1x128x64xf32, #tpu.memory_space<vmem>>
        %dma_start3A_1577 = tpu.memref_squeeze %dma_start3A_1576 : memref<1x128x64xf32, #tpu.memory_space<vmem>> -> memref<128x64xf32, #tpu.memory_space<vmem>>
        %dma_start3A_1578 = arith.constant 0 : i32
        %dma_start3A_1579 = tpu.memref_slice %arg10[%run_scoped3A_924, %dma_start3A_1578] : memref<4x128xi32, #tpu.memory_space<vmem>> -> memref<1x128xi32, #tpu.memory_space<vmem>>
        %dma_start3A_1580 = tpu.memref_squeeze %dma_start3A_1579 : memref<1x128xi32, #tpu.memory_space<vmem>> -> memref<128xi32, #tpu.memory_space<vmem>>
        %dma_start3A_1581 = arith.constant 0 : i32
        %dma_start3A_1582 = arith.constant 0 : i32
        %dma_start3A_1583 = tpu.memref_slice %arg15[%dma_start3A_1581, %dma_start3A_1582] : memref<10240x64xf32, #tpu.memory_space<vmem_shared>> -> memref<10240x64xf32, #tpu.memory_space<vmem_shared>>
        tpu.enqueue_indirect_dma source(%dma_start3A_1577 : memref<128x64xf32, #tpu.memory_space<vmem>>) target(%dma_start3A_1583 : memref<10240x64xf32, #tpu.memory_space<vmem_shared>>) offsets(%dma_start3A_1580 : memref<128xi32, #tpu.memory_space<vmem>>) semaphore(%run_scoped3A_1573 : memref<!tpu.dma_semaphore, #tpu.memory_space<semaphore_mem>>) {add = true}
        %dma_wait3A_1584 = arith.constant 0 : i32
        %dma_wait3A_1585 = arith.constant 0 : i32
        %dma_wait3A_1586 = tpu.memref_slice %arg13[%run_scoped3A_923, %dma_wait3A_1584, %dma_wait3A_1585] : memref<2x128x64xf32, #tpu.memory_space<vmem>> -> memref<1x128x64xf32, #tpu.memory_space<vmem>>
        %dma_wait3A_1587 = tpu.memref_squeeze %dma_wait3A_1586 : memref<1x128x64xf32, #tpu.memory_space<vmem>> -> memref<128x64xf32, #tpu.memory_space<vmem>>
        %dma_wait3A_1588 = arith.constant 0 : i32
        %dma_wait3A_1589 = tpu.memref_slice %arg10[%run_scoped3A_924, %dma_wait3A_1588] : memref<4x128xi32, #tpu.memory_space<vmem>> -> memref<1x128xi32, #tpu.memory_space<vmem>>
        %dma_wait3A_1590 = tpu.memref_squeeze %dma_wait3A_1589 : memref<1x128xi32, #tpu.memory_space<vmem>> -> memref<128xi32, #tpu.memory_space<vmem>>
        %dma_wait3A_1591 = arith.constant 0 : i32
        %dma_wait3A_1592 = arith.constant 0 : i32
        %dma_wait3A_1593 = tpu.memref_slice %arg15[%dma_wait3A_1591, %dma_wait3A_1592] : memref<10240x64xf32, #tpu.memory_space<vmem_shared>> -> memref<10240x64xf32, #tpu.memory_space<vmem_shared>>
        tpu.wait_indirect_dma semaphore(%run_scoped3A_1573 : memref<!tpu.dma_semaphore, #tpu.memory_space<semaphore_mem>>) src(%dma_wait3A_1587 : memref<128x64xf32, #tpu.memory_space<vmem>>) dst(%dma_wait3A_1593 : memref<10240x64xf32, #tpu.memory_space<vmem_shared>>)
        tpu.yield
      }) : () -> ()
      %add3A_925 = arith.constant 4 : i32
      %add3A_926 = arith.addi %add3A_647, %add3A_925 : i32
      %min3A_927 = arith.constant 163 : i32
      %min3A_928 = arith.minsi %add3A_926, %min3A_927 : i32
      %dma_start3A_929 = arith.constant 1 : i32
      %dma_start3A_930 = arith.constant 0 : i32
      %dma_start3A_931 = tpu.memref_slice %arg9[%dma_start3A_929, %dma_start3A_930] : memref<4x128xi32, #tpu.memory_space<vmem>> -> memref<1x128xi32, #tpu.memory_space<vmem>>
      %dma_start3A_932 = tpu.memref_squeeze %dma_start3A_931 : memref<1x128xi32, #tpu.memory_space<vmem>> -> memref<128xi32, #tpu.memory_space<vmem>>
      %dma_start3A_933 = arith.constant 0 : i32
      %dma_start3A_934 = tpu.memref_slice %arg4[%arg1, %min3A_928, %dma_start3A_933] : memref<16x164x128xi32, #tpu.memory_space<hbm>> -> memref<1x1x128xi32, #tpu.memory_space<hbm>>
      %dma_start3A_935 = tpu.memref_squeeze %dma_start3A_934 : memref<1x1x128xi32, #tpu.memory_space<hbm>> -> memref<128xi32, #tpu.memory_space<hbm>>
      %dma_start3A_936 = arith.constant 0 : i32
      %dma_start3A_937 = tpu.memref_slice %arg9[%dma_start3A_929, %dma_start3A_936] : memref<4x128xi32, #tpu.memory_space<vmem>> -> memref<1x128xi32, #tpu.memory_space<vmem>>
      %dma_start3A_938 = tpu.memref_squeeze %dma_start3A_937 : memref<1x128xi32, #tpu.memory_space<vmem>> -> memref<128xi32, #tpu.memory_space<vmem>>
      %dma_start3A_939 = arith.constant 0 : i32
      %dma_start3A_940 = tpu.memref_slice %arg4[%arg1, %min3A_928, %dma_start3A_939] : memref<16x164x128xi32, #tpu.memory_space<hbm>> -> memref<1x1x128xi32, #tpu.memory_space<hbm>>
      %dma_start3A_941 = tpu.memref_squeeze %dma_start3A_940 : memref<1x1x128xi32, #tpu.memory_space<hbm>> -> memref<128xi32, #tpu.memory_space<hbm>>
      tpu.enqueue_dma source(%dma_start3A_941 : memref<128xi32, #tpu.memory_space<hbm>>) target(%dma_start3A_938 : memref<128xi32, #tpu.memory_space<vmem>>) target_semaphore(%arg19 : memref<!tpu.dma_semaphore, #tpu.memory_space<semaphore_mem>>)
      %dma_start3A_942 = arith.constant 1 : i32
      %dma_start3A_943 = arith.constant 0 : i32
      %dma_start3A_944 = tpu.memref_slice %arg10[%dma_start3A_942, %dma_start3A_943] : memref<4x128xi32, #tpu.memory_space<vmem>> -> memref<1x128xi32, #tpu.memory_space<vmem>>
      %dma_start3A_945 = tpu.memref_squeeze %dma_start3A_944 : memref<1x128xi32, #tpu.memory_space<vmem>> -> memref<128xi32, #tpu.memory_space<vmem>>
      %dma_start3A_946 = arith.constant 0 : i32
      %dma_start3A_947 = tpu.memref_slice %arg5[%arg1, %min3A_928, %dma_start3A_946] : memref<16x164x128xi32, #tpu.memory_space<hbm>> -> memref<1x1x128xi32, #tpu.memory_space<hbm>>
      %dma_start3A_948 = tpu.memref_squeeze %dma_start3A_947 : memref<1x1x128xi32, #tpu.memory_space<hbm>> -> memref<128xi32, #tpu.memory_space<hbm>>
      %dma_start3A_949 = arith.constant 0 : i32
      %dma_start3A_950 = tpu.memref_slice %arg10[%dma_start3A_942, %dma_start3A_949] : memref<4x128xi32, #tpu.memory_space<vmem>> -> memref<1x128xi32, #tpu.memory_space<vmem>>
      %dma_start3A_951 = tpu.memref_squeeze %dma_start3A_950 : memref<1x128xi32, #tpu.memory_space<vmem>> -> memref<128xi32, #tpu.memory_space<vmem>>
      %dma_start3A_952 = arith.constant 0 : i32
      %dma_start3A_953 = tpu.memref_slice %arg5[%arg1, %min3A_928, %dma_start3A_952] : memref<16x164x128xi32, #tpu.memory_space<hbm>> -> memref<1x1x128xi32, #tpu.memory_space<hbm>>
      %dma_start3A_954 = tpu.memref_squeeze %dma_start3A_953 : memref<1x1x128xi32, #tpu.memory_space<hbm>> -> memref<128xi32, #tpu.memory_space<hbm>>
      tpu.enqueue_dma source(%dma_start3A_954 : memref<128xi32, #tpu.memory_space<hbm>>) target(%dma_start3A_951 : memref<128xi32, #tpu.memory_space<vmem>>) target_semaphore(%arg23 : memref<!tpu.dma_semaphore, #tpu.memory_space<semaphore_mem>>)
      %add3A_955 = arith.constant 2 : i32
      %add3A_956 = arith.addi %add3A_342, %add3A_955 : i32
      %add3A_957 = arith.constant 1 : i32
      %add3A_958 = arith.addi %add3A_956, %add3A_957 : i32
      %min3A_959 = arith.constant 163 : i32
      %min3A_960 = arith.minsi %add3A_958, %min3A_959 : i32
      %dma_wait3A_961 = arith.constant 3 : i32
      %dma_wait3A_962 = arith.constant 0 : i32
      %dma_wait3A_963 = tpu.memref_slice %arg9[%dma_wait3A_961, %dma_wait3A_962] : memref<4x128xi32, #tpu.memory_space<vmem>> -> memref<1x128xi32, #tpu.memory_space<vmem>>
      %dma_wait3A_964 = tpu.memref_squeeze %dma_wait3A_963 : memref<1x128xi32, #tpu.memory_space<vmem>> -> memref<128xi32, #tpu.memory_space<vmem>>
      %dma_wait3A_965 = arith.constant 0 : i32
      %dma_wait3A_966 = tpu.memref_slice %arg4[%arg1, %min3A_960, %dma_wait3A_965] : memref<16x164x128xi32, #tpu.memory_space<hbm>> -> memref<1x1x128xi32, #tpu.memory_space<hbm>>
      %dma_wait3A_967 = tpu.memref_squeeze %dma_wait3A_966 : memref<1x1x128xi32, #tpu.memory_space<hbm>> -> memref<128xi32, #tpu.memory_space<hbm>>
      %dma_wait3A_968 = arith.constant 0 : i32
      %dma_wait3A_969 = tpu.memref_slice %arg9[%dma_wait3A_961, %dma_wait3A_968] : memref<4x128xi32, #tpu.memory_space<vmem>> -> memref<1x128xi32, #tpu.memory_space<vmem>>
      %dma_wait3A_970 = tpu.memref_squeeze %dma_wait3A_969 : memref<1x128xi32, #tpu.memory_space<vmem>> -> memref<128xi32, #tpu.memory_space<vmem>>
      %dma_wait3A_971 = arith.constant 0 : i32
      %dma_wait3A_972 = tpu.memref_slice %arg4[%arg1, %min3A_960, %dma_wait3A_971] : memref<16x164x128xi32, #tpu.memory_space<hbm>> -> memref<1x1x128xi32, #tpu.memory_space<hbm>>
      %dma_wait3A_973 = tpu.memref_squeeze %dma_wait3A_972 : memref<1x1x128xi32, #tpu.memory_space<hbm>> -> memref<128xi32, #tpu.memory_space<hbm>>
      tpu.wait_dma2 semaphore(%arg21 : memref<!tpu.dma_semaphore, #tpu.memory_space<semaphore_mem>>) src(%dma_wait3A_973 : memref<128xi32, #tpu.memory_space<hbm>>) dst(%dma_wait3A_970 : memref<128xi32, #tpu.memory_space<vmem>>)
      %dma_start3A_974 = arith.constant 3 : i32
      %dma_start3A_975 = arith.constant 1 : i32
      %dma_start3A_976 = arith.constant 0 : i32
      %dma_start3A_977 = arith.constant 0 : i32
      %dma_start3A_978 = tpu.memref_slice %arg13[%dma_start3A_975, %dma_start3A_976, %dma_start3A_977] : memref<2x128x64xf32, #tpu.memory_space<vmem>> -> memref<1x128x64xf32, #tpu.memory_space<vmem>>
      %dma_start3A_979 = tpu.memref_squeeze %dma_start3A_978 : memref<1x128x64xf32, #tpu.memory_space<vmem>> -> memref<128x64xf32, #tpu.memory_space<vmem>>
      %dma_start3A_980 = arith.constant 0 : i32
      %dma_start3A_981 = tpu.memref_slice %arg9[%dma_start3A_974, %dma_start3A_980] : memref<4x128xi32, #tpu.memory_space<vmem>> -> memref<1x128xi32, #tpu.memory_space<vmem>>
      %dma_start3A_982 = tpu.memref_squeeze %dma_start3A_981 : memref<1x128xi32, #tpu.memory_space<vmem>> -> memref<128xi32, #tpu.memory_space<vmem>>
      %dma_start3A_983 = arith.constant 0 : i32
      %dma_start3A_984 = arith.constant 0 : i32
      %dma_start3A_985 = tpu.memref_slice %arg14[%dma_start3A_983, %dma_start3A_984] : memref<10240x64xf32, #tpu.memory_space<vmem_shared>> -> memref<10240x64xf32, #tpu.memory_space<vmem_shared>>
      tpu.enqueue_indirect_dma source(%dma_start3A_985 : memref<10240x64xf32, #tpu.memory_space<vmem_shared>>) target(%dma_start3A_979 : memref<128x64xf32, #tpu.memory_space<vmem>>) offsets(%dma_start3A_982 : memref<128xi32, #tpu.memory_space<vmem>>) semaphore(%arg17 : memref<!tpu.dma_semaphore, #tpu.memory_space<semaphore_mem>>)
      %dma_wait3A_986 = arith.constant 2 : i32
      %dma_wait3A_987 = arith.constant 0 : i32
      %dma_wait3A_988 = tpu.memref_slice %arg10[%dma_wait3A_986, %dma_wait3A_987] : memref<4x128xi32, #tpu.memory_space<vmem>> -> memref<1x128xi32, #tpu.memory_space<vmem>>
      %dma_wait3A_989 = tpu.memref_squeeze %dma_wait3A_988 : memref<1x128xi32, #tpu.memory_space<vmem>> -> memref<128xi32, #tpu.memory_space<vmem>>
      %dma_wait3A_990 = arith.constant 0 : i32
      %dma_wait3A_991 = tpu.memref_slice %arg5[%arg1, %min3A_960, %dma_wait3A_990] : memref<16x164x128xi32, #tpu.memory_space<hbm>> -> memref<1x1x128xi32, #tpu.memory_space<hbm>>
      %dma_wait3A_992 = tpu.memref_squeeze %dma_wait3A_991 : memref<1x1x128xi32, #tpu.memory_space<hbm>> -> memref<128xi32, #tpu.memory_space<hbm>>
      %dma_wait3A_993 = arith.constant 0 : i32
      %dma_wait3A_994 = tpu.memref_slice %arg10[%dma_wait3A_986, %dma_wait3A_993] : memref<4x128xi32, #tpu.memory_space<vmem>> -> memref<1x128xi32, #tpu.memory_space<vmem>>
      %dma_wait3A_995 = tpu.memref_squeeze %dma_wait3A_994 : memref<1x128xi32, #tpu.memory_space<vmem>> -> memref<128xi32, #tpu.memory_space<vmem>>
      %dma_wait3A_996 = arith.constant 0 : i32
      %dma_wait3A_997 = tpu.memref_slice %arg5[%arg1, %min3A_960, %dma_wait3A_996] : memref<16x164x128xi32, #tpu.memory_space<hbm>> -> memref<1x1x128xi32, #tpu.memory_space<hbm>>
      %dma_wait3A_998 = tpu.memref_squeeze %dma_wait3A_997 : memref<1x1x128xi32, #tpu.memory_space<hbm>> -> memref<128xi32, #tpu.memory_space<hbm>>
      tpu.wait_dma2 semaphore(%arg24 : memref<!tpu.dma_semaphore, #tpu.memory_space<semaphore_mem>>) src(%dma_wait3A_998 : memref<128xi32, #tpu.memory_space<hbm>>) dst(%dma_wait3A_995 : memref<128xi32, #tpu.memory_space<vmem>>)
      %dma_wait3A_999 = arith.constant 2 : i32
      %dma_wait3A_1000 = arith.constant 0 : i32
      %dma_wait3A_1001 = arith.constant 0 : i32
      %dma_wait3A_1002 = arith.constant 0 : i32
      %dma_wait3A_1003 = tpu.memref_slice %arg13[%dma_wait3A_1000, %dma_wait3A_1001, %dma_wait3A_1002] : memref<2x128x64xf32, #tpu.memory_space<vmem>> -> memref<1x128x64xf32, #tpu.memory_space<vmem>>
      %dma_wait3A_1004 = tpu.memref_squeeze %dma_wait3A_1003 : memref<1x128x64xf32, #tpu.memory_space<vmem>> -> memref<128x64xf32, #tpu.memory_space<vmem>>
      %dma_wait3A_1005 = arith.constant 0 : i32
      %dma_wait3A_1006 = tpu.memref_slice %arg9[%dma_wait3A_999, %dma_wait3A_1005] : memref<4x128xi32, #tpu.memory_space<vmem>> -> memref<1x128xi32, #tpu.memory_space<vmem>>
      %dma_wait3A_1007 = tpu.memref_squeeze %dma_wait3A_1006 : memref<1x128xi32, #tpu.memory_space<vmem>> -> memref<128xi32, #tpu.memory_space<vmem>>
      %dma_wait3A_1008 = arith.constant 0 : i32
      %dma_wait3A_1009 = arith.constant 0 : i32
      %dma_wait3A_1010 = tpu.memref_slice %arg14[%dma_wait3A_1008, %dma_wait3A_1009] : memref<10240x64xf32, #tpu.memory_space<vmem_shared>> -> memref<10240x64xf32, #tpu.memory_space<vmem_shared>>
      tpu.wait_indirect_dma semaphore(%arg16 : memref<!tpu.dma_semaphore, #tpu.memory_space<semaphore_mem>>) src(%dma_wait3A_1010 : memref<10240x64xf32, #tpu.memory_space<vmem_shared>>) dst(%dma_wait3A_1004 : memref<128x64xf32, #tpu.memory_space<vmem>>)
      %get3A_1011 = arith.constant 2 : i32
      %get3A_1012 = arith.index_cast %get3A_1011 : i32 to index
      %get3A_1013 = arith.constant 0 : index
      %get3A_1014 = tpu.vector_load %arg9[%get3A_1012, %get3A_1013] {strides = array<i32>} : memref<4x128xi32, #tpu.memory_space<vmem>>, vector<16xi32>,
      %get3A_1015 = arith.constant 2 : i32
      %get3A_1016 = arith.index_cast %get3A_1015 : i32 to index
      %get3A_1017 = arith.constant 0 : index
      %get3A_1018 = tpu.vector_load %arg10[%get3A_1016, %get3A_1017] {strides = array<i32>} : memref<4x128xi32, #tpu.memory_space<vmem>>, vector<16xi32>,
      %mul3A_1019 = arith.constant 2 : i32
      %mul3A_1020 = vector.broadcast %mul3A_1019 : i32 to vector<16xi32>
      %mul3A_1021 = arith.muli %get3A_1014, %mul3A_1020 : vector<16xi32>
      %gather3A_1022 = tpu.vector_load_idx %arg8[%mul3A_1021] : memref<20480xf32, #tpu.memory_space<vmem>>[vector<16xi32>], vector<16xf32>,
      %mul3A_1023 = arith.constant 2 : i32
      %mul3A_1024 = vector.broadcast %mul3A_1023 : i32 to vector<16xi32>
      %mul3A_1025 = arith.muli %get3A_1018, %mul3A_1024 : vector<16xi32>
      %add3A_1026 = arith.constant 1 : i32
      %add3A_1027 = vector.broadcast %add3A_1026 : i32 to vector<16xi32>
      %add3A_1028 = arith.addi %mul3A_1025, %add3A_1027 : vector<16xi32>
      %gather3A_1029 = tpu.vector_load_idx %arg8[%add3A_1028] : memref<20480xf32, #tpu.memory_space<vmem>>[vector<16xi32>], vector<16xf32>,
      %add3A_1030 = arith.addf %gather3A_1022, %gather3A_1029 : vector<16xf32>
      %mul3A_1031 = arith.constant 2.000000e-01 : f32
      %mul3A_1032 = vector.broadcast %mul3A_1031 : f32 to vector<16xf32>
      %mul3A_1033 = arith.mulf %mul3A_1032, %add3A_1030 : vector<16xf32>
      %max3A_1034 = arith.maximumf %add3A_1030, %mul3A_1033 : vector<16xf32>
      %exp3A_1035 = math.exp %max3A_1034 : vector<16xf32>
      %swap3A_1036 = arith.constant 0 : index
      %swap3A_1037 = tpu.vector_load %arg11[%swap3A_1036] {strides = array<i32>} : memref<128xf32, #tpu.memory_space<vmem>>, vector<16xf32>,
      tpu.vector_store %arg11[%swap3A_1036], %exp3A_1035 {strides = array<i32>} : memref<128xf32, #tpu.memory_space<vmem>>, vector<16xf32>,
      tpu.vector_store_idx %arg12[%get3A_1018], %exp3A_1035 {add = true} : memref<10240xf32, #tpu.memory_space<vmem>>[vector<16xi32>], vector<16xf32>,
      %get3A_1038 = arith.constant 2 : i32
      %get3A_1039 = arith.index_cast %get3A_1038 : i32 to index
      %get3A_1040 = arith.constant 16 : index
      %get3A_1041 = tpu.vector_load %arg9[%get3A_1039, %get3A_1040] {strides = array<i32>} : memref<4x128xi32, #tpu.memory_space<vmem>>, vector<16xi32>,
      %get3A_1042 = arith.constant 2 : i32
      %get3A_1043 = arith.index_cast %get3A_1042 : i32 to index
      %get3A_1044 = arith.constant 16 : index
      %get3A_1045 = tpu.vector_load %arg10[%get3A_1043, %get3A_1044] {strides = array<i32>} : memref<4x128xi32, #tpu.memory_space<vmem>>, vector<16xi32>,
      %mul3A_1046 = arith.constant 2 : i32
      %mul3A_1047 = vector.broadcast %mul3A_1046 : i32 to vector<16xi32>
      %mul3A_1048 = arith.muli %get3A_1041, %mul3A_1047 : vector<16xi32>
      %gather3A_1049 = tpu.vector_load_idx %arg8[%mul3A_1048] : memref<20480xf32, #tpu.memory_space<vmem>>[vector<16xi32>], vector<16xf32>,
      %mul3A_1050 = arith.constant 2 : i32
      %mul3A_1051 = vector.broadcast %mul3A_1050 : i32 to vector<16xi32>
      %mul3A_1052 = arith.muli %get3A_1045, %mul3A_1051 : vector<16xi32>
      %add3A_1053 = arith.constant 1 : i32
      %add3A_1054 = vector.broadcast %add3A_1053 : i32 to vector<16xi32>
      %add3A_1055 = arith.addi %mul3A_1052, %add3A_1054 : vector<16xi32>
      %gather3A_1056 = tpu.vector_load_idx %arg8[%add3A_1055] : memref<20480xf32, #tpu.memory_space<vmem>>[vector<16xi32>], vector<16xf32>,
      %add3A_1057 = arith.addf %gather3A_1049, %gather3A_1056 : vector<16xf32>
      %mul3A_1058 = arith.constant 2.000000e-01 : f32
      %mul3A_1059 = vector.broadcast %mul3A_1058 : f32 to vector<16xf32>
      %mul3A_1060 = arith.mulf %mul3A_1059, %add3A_1057 : vector<16xf32>
      %max3A_1061 = arith.maximumf %add3A_1057, %mul3A_1060 : vector<16xf32>
      %exp3A_1062 = math.exp %max3A_1061 : vector<16xf32>
      %swap3A_1063 = arith.constant 16 : index
      %swap3A_1064 = tpu.vector_load %arg11[%swap3A_1063] {strides = array<i32>} : memref<128xf32, #tpu.memory_space<vmem>>, vector<16xf32>,
      tpu.vector_store %arg11[%swap3A_1063], %exp3A_1062 {strides = array<i32>} : memref<128xf32, #tpu.memory_space<vmem>>, vector<16xf32>,
      tpu.vector_store_idx %arg12[%get3A_1045], %exp3A_1062 {add = true} : memref<10240xf32, #tpu.memory_space<vmem>>[vector<16xi32>], vector<16xf32>,
      %get3A_1065 = arith.constant 2 : i32
      %get3A_1066 = arith.index_cast %get3A_1065 : i32 to index
      %get3A_1067 = arith.constant 32 : index
      %get3A_1068 = tpu.vector_load %arg9[%get3A_1066, %get3A_1067] {strides = array<i32>} : memref<4x128xi32, #tpu.memory_space<vmem>>, vector<16xi32>,
      %get3A_1069 = arith.constant 2 : i32
      %get3A_1070 = arith.index_cast %get3A_1069 : i32 to index
      %get3A_1071 = arith.constant 32 : index
      %get3A_1072 = tpu.vector_load %arg10[%get3A_1070, %get3A_1071] {strides = array<i32>} : memref<4x128xi32, #tpu.memory_space<vmem>>, vector<16xi32>,
      %mul3A_1073 = arith.constant 2 : i32
      %mul3A_1074 = vector.broadcast %mul3A_1073 : i32 to vector<16xi32>
      %mul3A_1075 = arith.muli %get3A_1068, %mul3A_1074 : vector<16xi32>
      %gather3A_1076 = tpu.vector_load_idx %arg8[%mul3A_1075] : memref<20480xf32, #tpu.memory_space<vmem>>[vector<16xi32>], vector<16xf32>,
      %mul3A_1077 = arith.constant 2 : i32
      %mul3A_1078 = vector.broadcast %mul3A_1077 : i32 to vector<16xi32>
      %mul3A_1079 = arith.muli %get3A_1072, %mul3A_1078 : vector<16xi32>
      %add3A_1080 = arith.constant 1 : i32
      %add3A_1081 = vector.broadcast %add3A_1080 : i32 to vector<16xi32>
      %add3A_1082 = arith.addi %mul3A_1079, %add3A_1081 : vector<16xi32>
      %gather3A_1083 = tpu.vector_load_idx %arg8[%add3A_1082] : memref<20480xf32, #tpu.memory_space<vmem>>[vector<16xi32>], vector<16xf32>,
      %add3A_1084 = arith.addf %gather3A_1076, %gather3A_1083 : vector<16xf32>
      %mul3A_1085 = arith.constant 2.000000e-01 : f32
      %mul3A_1086 = vector.broadcast %mul3A_1085 : f32 to vector<16xf32>
      %mul3A_1087 = arith.mulf %mul3A_1086, %add3A_1084 : vector<16xf32>
      %max3A_1088 = arith.maximumf %add3A_1084, %mul3A_1087 : vector<16xf32>
      %exp3A_1089 = math.exp %max3A_1088 : vector<16xf32>
      %swap3A_1090 = arith.constant 32 : index
      %swap3A_1091 = tpu.vector_load %arg11[%swap3A_1090] {strides = array<i32>} : memref<128xf32, #tpu.memory_space<vmem>>, vector<16xf32>,
      tpu.vector_store %arg11[%swap3A_1090], %exp3A_1089 {strides = array<i32>} : memref<128xf32, #tpu.memory_space<vmem>>, vector<16xf32>,
      tpu.vector_store_idx %arg12[%get3A_1072], %exp3A_1089 {add = true} : memref<10240xf32, #tpu.memory_space<vmem>>[vector<16xi32>], vector<16xf32>,
      %get3A_1092 = arith.constant 2 : i32
      %get3A_1093 = arith.index_cast %get3A_1092 : i32 to index
      %get3A_1094 = arith.constant 48 : index
      %get3A_1095 = tpu.vector_load %arg9[%get3A_1093, %get3A_1094] {strides = array<i32>} : memref<4x128xi32, #tpu.memory_space<vmem>>, vector<16xi32>,
      %get3A_1096 = arith.constant 2 : i32
      %get3A_1097 = arith.index_cast %get3A_1096 : i32 to index
      %get3A_1098 = arith.constant 48 : index
      %get3A_1099 = tpu.vector_load %arg10[%get3A_1097, %get3A_1098] {strides = array<i32>} : memref<4x128xi32, #tpu.memory_space<vmem>>, vector<16xi32>,
      %mul3A_1100 = arith.constant 2 : i32
      %mul3A_1101 = vector.broadcast %mul3A_1100 : i32 to vector<16xi32>
      %mul3A_1102 = arith.muli %get3A_1095, %mul3A_1101 : vector<16xi32>
      %gather3A_1103 = tpu.vector_load_idx %arg8[%mul3A_1102] : memref<20480xf32, #tpu.memory_space<vmem>>[vector<16xi32>], vector<16xf32>,
      %mul3A_1104 = arith.constant 2 : i32
      %mul3A_1105 = vector.broadcast %mul3A_1104 : i32 to vector<16xi32>
      %mul3A_1106 = arith.muli %get3A_1099, %mul3A_1105 : vector<16xi32>
      %add3A_1107 = arith.constant 1 : i32
      %add3A_1108 = vector.broadcast %add3A_1107 : i32 to vector<16xi32>
      %add3A_1109 = arith.addi %mul3A_1106, %add3A_1108 : vector<16xi32>
      %gather3A_1110 = tpu.vector_load_idx %arg8[%add3A_1109] : memref<20480xf32, #tpu.memory_space<vmem>>[vector<16xi32>], vector<16xf32>,
      %add3A_1111 = arith.addf %gather3A_1103, %gather3A_1110 : vector<16xf32>
      %mul3A_1112 = arith.constant 2.000000e-01 : f32
      %mul3A_1113 = vector.broadcast %mul3A_1112 : f32 to vector<16xf32>
      %mul3A_1114 = arith.mulf %mul3A_1113, %add3A_1111 : vector<16xf32>
      %max3A_1115 = arith.maximumf %add3A_1111, %mul3A_1114 : vector<16xf32>
      %exp3A_1116 = math.exp %max3A_1115 : vector<16xf32>
      %swap3A_1117 = arith.constant 48 : index
      %swap3A_1118 = tpu.vector_load %arg11[%swap3A_1117] {strides = array<i32>} : memref<128xf32, #tpu.memory_space<vmem>>, vector<16xf32>,
      tpu.vector_store %arg11[%swap3A_1117], %exp3A_1116 {strides = array<i32>} : memref<128xf32, #tpu.memory_space<vmem>>, vector<16xf32>,
      tpu.vector_store_idx %arg12[%get3A_1099], %exp3A_1116 {add = true} : memref<10240xf32, #tpu.memory_space<vmem>>[vector<16xi32>], vector<16xf32>,
      %get3A_1119 = arith.constant 2 : i32
      %get3A_1120 = arith.index_cast %get3A_1119 : i32 to index
      %get3A_1121 = arith.constant 64 : index
      %get3A_1122 = tpu.vector_load %arg9[%get3A_1120, %get3A_1121] {strides = array<i32>} : memref<4x128xi32, #tpu.memory_space<vmem>>, vector<16xi32>,
      %get3A_1123 = arith.constant 2 : i32
      %get3A_1124 = arith.index_cast %get3A_1123 : i32 to index
      %get3A_1125 = arith.constant 64 : index
      %get3A_1126 = tpu.vector_load %arg10[%get3A_1124, %get3A_1125] {strides = array<i32>} : memref<4x128xi32, #tpu.memory_space<vmem>>, vector<16xi32>,
      %mul3A_1127 = arith.constant 2 : i32
      %mul3A_1128 = vector.broadcast %mul3A_1127 : i32 to vector<16xi32>
      %mul3A_1129 = arith.muli %get3A_1122, %mul3A_1128 : vector<16xi32>
      %gather3A_1130 = tpu.vector_load_idx %arg8[%mul3A_1129] : memref<20480xf32, #tpu.memory_space<vmem>>[vector<16xi32>], vector<16xf32>,
      %mul3A_1131 = arith.constant 2 : i32
      %mul3A_1132 = vector.broadcast %mul3A_1131 : i32 to vector<16xi32>
      %mul3A_1133 = arith.muli %get3A_1126, %mul3A_1132 : vector<16xi32>
      %add3A_1134 = arith.constant 1 : i32
      %add3A_1135 = vector.broadcast %add3A_1134 : i32 to vector<16xi32>
      %add3A_1136 = arith.addi %mul3A_1133, %add3A_1135 : vector<16xi32>
      %gather3A_1137 = tpu.vector_load_idx %arg8[%add3A_1136] : memref<20480xf32, #tpu.memory_space<vmem>>[vector<16xi32>], vector<16xf32>,
      %add3A_1138 = arith.addf %gather3A_1130, %gather3A_1137 : vector<16xf32>
      %mul3A_1139 = arith.constant 2.000000e-01 : f32
      %mul3A_1140 = vector.broadcast %mul3A_1139 : f32 to vector<16xf32>
      %mul3A_1141 = arith.mulf %mul3A_1140, %add3A_1138 : vector<16xf32>
      %max3A_1142 = arith.maximumf %add3A_1138, %mul3A_1141 : vector<16xf32>
      %exp3A_1143 = math.exp %max3A_1142 : vector<16xf32>
      %swap3A_1144 = arith.constant 64 : index
      %swap3A_1145 = tpu.vector_load %arg11[%swap3A_1144] {strides = array<i32>} : memref<128xf32, #tpu.memory_space<vmem>>, vector<16xf32>,
      tpu.vector_store %arg11[%swap3A_1144], %exp3A_1143 {strides = array<i32>} : memref<128xf32, #tpu.memory_space<vmem>>, vector<16xf32>,
      tpu.vector_store_idx %arg12[%get3A_1126], %exp3A_1143 {add = true} : memref<10240xf32, #tpu.memory_space<vmem>>[vector<16xi32>], vector<16xf32>,
      %get3A_1146 = arith.constant 2 : i32
      %get3A_1147 = arith.index_cast %get3A_1146 : i32 to index
      %get3A_1148 = arith.constant 80 : index
      %get3A_1149 = tpu.vector_load %arg9[%get3A_1147, %get3A_1148] {strides = array<i32>} : memref<4x128xi32, #tpu.memory_space<vmem>>, vector<16xi32>,
      %get3A_1150 = arith.constant 2 : i32
      %get3A_1151 = arith.index_cast %get3A_1150 : i32 to index
      %get3A_1152 = arith.constant 80 : index
      %get3A_1153 = tpu.vector_load %arg10[%get3A_1151, %get3A_1152] {strides = array<i32>} : memref<4x128xi32, #tpu.memory_space<vmem>>, vector<16xi32>,
      %mul3A_1154 = arith.constant 2 : i32
      %mul3A_1155 = vector.broadcast %mul3A_1154 : i32 to vector<16xi32>
      %mul3A_1156 = arith.muli %get3A_1149, %mul3A_1155 : vector<16xi32>
      %gather3A_1157 = tpu.vector_load_idx %arg8[%mul3A_1156] : memref<20480xf32, #tpu.memory_space<vmem>>[vector<16xi32>], vector<16xf32>,
      %mul3A_1158 = arith.constant 2 : i32
      %mul3A_1159 = vector.broadcast %mul3A_1158 : i32 to vector<16xi32>
      %mul3A_1160 = arith.muli %get3A_1153, %mul3A_1159 : vector<16xi32>
      %add3A_1161 = arith.constant 1 : i32
      %add3A_1162 = vector.broadcast %add3A_1161 : i32 to vector<16xi32>
      %add3A_1163 = arith.addi %mul3A_1160, %add3A_1162 : vector<16xi32>
      %gather3A_1164 = tpu.vector_load_idx %arg8[%add3A_1163] : memref<20480xf32, #tpu.memory_space<vmem>>[vector<16xi32>], vector<16xf32>,
      %add3A_1165 = arith.addf %gather3A_1157, %gather3A_1164 : vector<16xf32>
      %mul3A_1166 = arith.constant 2.000000e-01 : f32
      %mul3A_1167 = vector.broadcast %mul3A_1166 : f32 to vector<16xf32>
      %mul3A_1168 = arith.mulf %mul3A_1167, %add3A_1165 : vector<16xf32>
      %max3A_1169 = arith.maximumf %add3A_1165, %mul3A_1168 : vector<16xf32>
      %exp3A_1170 = math.exp %max3A_1169 : vector<16xf32>
      %swap3A_1171 = arith.constant 80 : index
      %swap3A_1172 = tpu.vector_load %arg11[%swap3A_1171] {strides = array<i32>} : memref<128xf32, #tpu.memory_space<vmem>>, vector<16xf32>,
      tpu.vector_store %arg11[%swap3A_1171], %exp3A_1170 {strides = array<i32>} : memref<128xf32, #tpu.memory_space<vmem>>, vector<16xf32>,
      tpu.vector_store_idx %arg12[%get3A_1153], %exp3A_1170 {add = true} : memref<10240xf32, #tpu.memory_space<vmem>>[vector<16xi32>], vector<16xf32>,
      %get3A_1173 = arith.constant 2 : i32
      %get3A_1174 = arith.index_cast %get3A_1173 : i32 to index
      %get3A_1175 = arith.constant 96 : index
      %get3A_1176 = tpu.vector_load %arg9[%get3A_1174, %get3A_1175] {strides = array<i32>} : memref<4x128xi32, #tpu.memory_space<vmem>>, vector<16xi32>,
      %get3A_1177 = arith.constant 2 : i32
      %get3A_1178 = arith.index_cast %get3A_1177 : i32 to index
      %get3A_1179 = arith.constant 96 : index
      %get3A_1180 = tpu.vector_load %arg10[%get3A_1178, %get3A_1179] {strides = array<i32>} : memref<4x128xi32, #tpu.memory_space<vmem>>, vector<16xi32>,
      %mul3A_1181 = arith.constant 2 : i32
      %mul3A_1182 = vector.broadcast %mul3A_1181 : i32 to vector<16xi32>
      %mul3A_1183 = arith.muli %get3A_1176, %mul3A_1182 : vector<16xi32>
      %gather3A_1184 = tpu.vector_load_idx %arg8[%mul3A_1183] : memref<20480xf32, #tpu.memory_space<vmem>>[vector<16xi32>], vector<16xf32>,
      %mul3A_1185 = arith.constant 2 : i32
      %mul3A_1186 = vector.broadcast %mul3A_1185 : i32 to vector<16xi32>
      %mul3A_1187 = arith.muli %get3A_1180, %mul3A_1186 : vector<16xi32>
      %add3A_1188 = arith.constant 1 : i32
      %add3A_1189 = vector.broadcast %add3A_1188 : i32 to vector<16xi32>
      %add3A_1190 = arith.addi %mul3A_1187, %add3A_1189 : vector<16xi32>
      %gather3A_1191 = tpu.vector_load_idx %arg8[%add3A_1190] : memref<20480xf32, #tpu.memory_space<vmem>>[vector<16xi32>], vector<16xf32>,
      %add3A_1192 = arith.addf %gather3A_1184, %gather3A_1191 : vector<16xf32>
      %mul3A_1193 = arith.constant 2.000000e-01 : f32
      %mul3A_1194 = vector.broadcast %mul3A_1193 : f32 to vector<16xf32>
      %mul3A_1195 = arith.mulf %mul3A_1194, %add3A_1192 : vector<16xf32>
      %max3A_1196 = arith.maximumf %add3A_1192, %mul3A_1195 : vector<16xf32>
      %exp3A_1197 = math.exp %max3A_1196 : vector<16xf32>
      %swap3A_1198 = arith.constant 96 : index
      %swap3A_1199 = tpu.vector_load %arg11[%swap3A_1198] {strides = array<i32>} : memref<128xf32, #tpu.memory_space<vmem>>, vector<16xf32>,
      tpu.vector_store %arg11[%swap3A_1198], %exp3A_1197 {strides = array<i32>} : memref<128xf32, #tpu.memory_space<vmem>>, vector<16xf32>,
      tpu.vector_store_idx %arg12[%get3A_1180], %exp3A_1197 {add = true} : memref<10240xf32, #tpu.memory_space<vmem>>[vector<16xi32>], vector<16xf32>,
      %get3A_1200 = arith.constant 2 : i32
      %get3A_1201 = arith.index_cast %get3A_1200 : i32 to index
      %get3A_1202 = arith.constant 112 : index
      %get3A_1203 = tpu.vector_load %arg9[%get3A_1201, %get3A_1202] {strides = array<i32>} : memref<4x128xi32, #tpu.memory_space<vmem>>, vector<16xi32>,
      %get3A_1204 = arith.constant 2 : i32
      %get3A_1205 = arith.index_cast %get3A_1204 : i32 to index
      %get3A_1206 = arith.constant 112 : index
      %get3A_1207 = tpu.vector_load %arg10[%get3A_1205, %get3A_1206] {strides = array<i32>} : memref<4x128xi32, #tpu.memory_space<vmem>>, vector<16xi32>,
      %mul3A_1208 = arith.constant 2 : i32
      %mul3A_1209 = vector.broadcast %mul3A_1208 : i32 to vector<16xi32>
      %mul3A_1210 = arith.muli %get3A_1203, %mul3A_1209 : vector<16xi32>
      %gather3A_1211 = tpu.vector_load_idx %arg8[%mul3A_1210] : memref<20480xf32, #tpu.memory_space<vmem>>[vector<16xi32>], vector<16xf32>,
      %mul3A_1212 = arith.constant 2 : i32
      %mul3A_1213 = vector.broadcast %mul3A_1212 : i32 to vector<16xi32>
      %mul3A_1214 = arith.muli %get3A_1207, %mul3A_1213 : vector<16xi32>
      %add3A_1215 = arith.constant 1 : i32
      %add3A_1216 = vector.broadcast %add3A_1215 : i32 to vector<16xi32>
      %add3A_1217 = arith.addi %mul3A_1214, %add3A_1216 : vector<16xi32>
      %gather3A_1218 = tpu.vector_load_idx %arg8[%add3A_1217] : memref<20480xf32, #tpu.memory_space<vmem>>[vector<16xi32>], vector<16xf32>,
      %add3A_1219 = arith.addf %gather3A_1211, %gather3A_1218 : vector<16xf32>
      %mul3A_1220 = arith.constant 2.000000e-01 : f32
      %mul3A_1221 = vector.broadcast %mul3A_1220 : f32 to vector<16xf32>
      %mul3A_1222 = arith.mulf %mul3A_1221, %add3A_1219 : vector<16xf32>
      %max3A_1223 = arith.maximumf %add3A_1219, %mul3A_1222 : vector<16xf32>
      %exp3A_1224 = math.exp %max3A_1223 : vector<16xf32>
      %swap3A_1225 = arith.constant 112 : index
      %swap3A_1226 = tpu.vector_load %arg11[%swap3A_1225] {strides = array<i32>} : memref<128xf32, #tpu.memory_space<vmem>>, vector<16xf32>,
      tpu.vector_store %arg11[%swap3A_1225], %exp3A_1224 {strides = array<i32>} : memref<128xf32, #tpu.memory_space<vmem>>, vector<16xf32>,
      tpu.vector_store_idx %arg12[%get3A_1207], %exp3A_1224 {add = true} : memref<10240xf32, #tpu.memory_space<vmem>>[vector<16xi32>], vector<16xf32>,
      %scan3A_1227 = arith.constant 0 : i32
      %scan3A_1228 = arith.constant 32 : i32
      %scan3A_1229 = arith.addi %scan3A_1227, %scan3A_1228 : i32
      %scan3A_1230 = arith.constant 1 : i32
      scf.for %scan3A_1573 = %scan3A_1227 to %scan3A_1229 step %scan3A_1230  : i32 {
        %mul3A_1574 = arith.constant 4 : i32
        %mul3A_1575 = arith.muli %scan3A_1573, %mul3A_1574 : i32
        %add3A_1576 = arith.constant 0 : i32
        %add3A_1577 = arith.addi %add3A_1576, %mul3A_1575 : i32
        %broadcast_in_dim3A_1578 = arith.constant 0 : i32
        %broadcast_in_dim3A_1579 = vector.broadcast %broadcast_in_dim3A_1578 : i32 to vector<16xi32>
        %add3A_1580 = arith.constant 0 : i32
        %add3A_1581 = arith.addi %add3A_1577, %add3A_1580 : i32
        %add3A_1582 = vector.broadcast %add3A_1581 : i32 to vector<16xi32>
        %add3A_1583 = arith.addi %broadcast_in_dim3A_1579, %add3A_1582 : vector<16xi32>
        %gather3A_1584 = tpu.vector_load_idx %arg11[%add3A_1583] : memref<128xf32, #tpu.memory_space<vmem>>[vector<16xi32>], vector<16xf32>,
        %add3A_1585 = arith.constant 0 : i32
        %add3A_1586 = arith.addi %add3A_1577, %add3A_1585 : i32
        %get3A_1587 = arith.constant 0 : i32
        %get3A_1588 = arith.index_cast %get3A_1587 : i32 to index
        %get3A_1589 = arith.index_cast %add3A_1586 : i32 to index
        %get3A_1590 = arith.constant 0 : index
        %get3A_1591 = tpu.vector_load %arg13[%get3A_1588, %get3A_1589, %get3A_1590] {strides = array<i32>} : memref<2x128x64xf32, #tpu.memory_space<vmem>>, vector<16xf32>,
        %mul3A_1592 = arith.mulf %get3A_1591, %gather3A_1584 : vector<16xf32>
        %add3A_1593 = arith.constant 0 : i32
        %add3A_1594 = arith.addi %add3A_1577, %add3A_1593 : i32
        %swap3A_1595 = arith.constant 0 : i32
        %swap3A_1596 = arith.index_cast %swap3A_1595 : i32 to index
        %swap3A_1597 = arith.index_cast %add3A_1594 : i32 to index
        %swap3A_1598 = arith.constant 0 : index
        %swap3A_1599 = tpu.vector_load %arg13[%swap3A_1596, %swap3A_1597, %swap3A_1598] {strides = array<i32>} : memref<2x128x64xf32, #tpu.memory_space<vmem>>, vector<16xf32>,
        tpu.vector_store %arg13[%swap3A_1596, %swap3A_1597, %swap3A_1598], %mul3A_1592 {strides = array<i32>} : memref<2x128x64xf32, #tpu.memory_space<vmem>>, vector<16xf32>,
        %add3A_1600 = arith.constant 0 : i32
        %add3A_1601 = arith.addi %add3A_1577, %add3A_1600 : i32
        %get3A_1602 = arith.constant 0 : i32
        %get3A_1603 = arith.index_cast %get3A_1602 : i32 to index
        %get3A_1604 = arith.index_cast %add3A_1601 : i32 to index
        %get3A_1605 = arith.constant 16 : index
        %get3A_1606 = tpu.vector_load %arg13[%get3A_1603, %get3A_1604, %get3A_1605] {strides = array<i32>} : memref<2x128x64xf32, #tpu.memory_space<vmem>>, vector<16xf32>,
        %mul3A_1607 = arith.mulf %get3A_1606, %gather3A_1584 : vector<16xf32>
        %add3A_1608 = arith.constant 0 : i32
        %add3A_1609 = arith.addi %add3A_1577, %add3A_1608 : i32
        %swap3A_1610 = arith.constant 0 : i32
        %swap3A_1611 = arith.index_cast %swap3A_1610 : i32 to index
        %swap3A_1612 = arith.index_cast %add3A_1609 : i32 to index
        %swap3A_1613 = arith.constant 16 : index
        %swap3A_1614 = tpu.vector_load %arg13[%swap3A_1611, %swap3A_1612, %swap3A_1613] {strides = array<i32>} : memref<2x128x64xf32, #tpu.memory_space<vmem>>, vector<16xf32>,
        tpu.vector_store %arg13[%swap3A_1611, %swap3A_1612, %swap3A_1613], %mul3A_1607 {strides = array<i32>} : memref<2x128x64xf32, #tpu.memory_space<vmem>>, vector<16xf32>,
        %add3A_1615 = arith.constant 0 : i32
        %add3A_1616 = arith.addi %add3A_1577, %add3A_1615 : i32
        %get3A_1617 = arith.constant 0 : i32
        %get3A_1618 = arith.index_cast %get3A_1617 : i32 to index
        %get3A_1619 = arith.index_cast %add3A_1616 : i32 to index
        %get3A_1620 = arith.constant 32 : index
        %get3A_1621 = tpu.vector_load %arg13[%get3A_1618, %get3A_1619, %get3A_1620] {strides = array<i32>} : memref<2x128x64xf32, #tpu.memory_space<vmem>>, vector<16xf32>,
        %mul3A_1622 = arith.mulf %get3A_1621, %gather3A_1584 : vector<16xf32>
        %add3A_1623 = arith.constant 0 : i32
        %add3A_1624 = arith.addi %add3A_1577, %add3A_1623 : i32
        %swap3A_1625 = arith.constant 0 : i32
        %swap3A_1626 = arith.index_cast %swap3A_1625 : i32 to index
        %swap3A_1627 = arith.index_cast %add3A_1624 : i32 to index
        %swap3A_1628 = arith.constant 32 : index
        %swap3A_1629 = tpu.vector_load %arg13[%swap3A_1626, %swap3A_1627, %swap3A_1628] {strides = array<i32>} : memref<2x128x64xf32, #tpu.memory_space<vmem>>, vector<16xf32>,
        tpu.vector_store %arg13[%swap3A_1626, %swap3A_1627, %swap3A_1628], %mul3A_1622 {strides = array<i32>} : memref<2x128x64xf32, #tpu.memory_space<vmem>>, vector<16xf32>,
        %add3A_1630 = arith.constant 0 : i32
        %add3A_1631 = arith.addi %add3A_1577, %add3A_1630 : i32
        %get3A_1632 = arith.constant 0 : i32
        %get3A_1633 = arith.index_cast %get3A_1632 : i32 to index
        %get3A_1634 = arith.index_cast %add3A_1631 : i32 to index
        %get3A_1635 = arith.constant 48 : index
        %get3A_1636 = tpu.vector_load %arg13[%get3A_1633, %get3A_1634, %get3A_1635] {strides = array<i32>} : memref<2x128x64xf32, #tpu.memory_space<vmem>>, vector<16xf32>,
        %mul3A_1637 = arith.mulf %get3A_1636, %gather3A_1584 : vector<16xf32>
        %add3A_1638 = arith.constant 0 : i32
        %add3A_1639 = arith.addi %add3A_1577, %add3A_1638 : i32
        %swap3A_1640 = arith.constant 0 : i32
        %swap3A_1641 = arith.index_cast %swap3A_1640 : i32 to index
        %swap3A_1642 = arith.index_cast %add3A_1639 : i32 to index
        %swap3A_1643 = arith.constant 48 : index
        %swap3A_1644 = tpu.vector_load %arg13[%swap3A_1641, %swap3A_1642, %swap3A_1643] {strides = array<i32>} : memref<2x128x64xf32, #tpu.memory_space<vmem>>, vector<16xf32>,
        tpu.vector_store %arg13[%swap3A_1641, %swap3A_1642, %swap3A_1643], %mul3A_1637 {strides = array<i32>} : memref<2x128x64xf32, #tpu.memory_space<vmem>>, vector<16xf32>,
        %broadcast_in_dim3A_1645 = arith.constant 0 : i32
        %broadcast_in_dim3A_1646 = vector.broadcast %broadcast_in_dim3A_1645 : i32 to vector<16xi32>
        %add3A_1647 = arith.constant 1 : i32
        %add3A_1648 = arith.addi %add3A_1577, %add3A_1647 : i32
        %add3A_1649 = vector.broadcast %add3A_1648 : i32 to vector<16xi32>
        %add3A_1650 = arith.addi %broadcast_in_dim3A_1646, %add3A_1649 : vector<16xi32>
        %gather3A_1651 = tpu.vector_load_idx %arg11[%add3A_1650] : memref<128xf32, #tpu.memory_space<vmem>>[vector<16xi32>], vector<16xf32>,
        %add3A_1652 = arith.constant 1 : i32
        %add3A_1653 = arith.addi %add3A_1577, %add3A_1652 : i32
        %get3A_1654 = arith.constant 0 : i32
        %get3A_1655 = arith.index_cast %get3A_1654 : i32 to index
        %get3A_1656 = arith.index_cast %add3A_1653 : i32 to index
        %get3A_1657 = arith.constant 0 : index
        %get3A_1658 = tpu.vector_load %arg13[%get3A_1655, %get3A_1656, %get3A_1657] {strides = array<i32>} : memref<2x128x64xf32, #tpu.memory_space<vmem>>, vector<16xf32>,
        %mul3A_1659 = arith.mulf %get3A_1658, %gather3A_1651 : vector<16xf32>
        %add3A_1660 = arith.constant 1 : i32
        %add3A_1661 = arith.addi %add3A_1577, %add3A_1660 : i32
        %swap3A_1662 = arith.constant 0 : i32
        %swap3A_1663 = arith.index_cast %swap3A_1662 : i32 to index
        %swap3A_1664 = arith.index_cast %add3A_1661 : i32 to index
        %swap3A_1665 = arith.constant 0 : index
        %swap3A_1666 = tpu.vector_load %arg13[%swap3A_1663, %swap3A_1664, %swap3A_1665] {strides = array<i32>} : memref<2x128x64xf32, #tpu.memory_space<vmem>>, vector<16xf32>,
        tpu.vector_store %arg13[%swap3A_1663, %swap3A_1664, %swap3A_1665], %mul3A_1659 {strides = array<i32>} : memref<2x128x64xf32, #tpu.memory_space<vmem>>, vector<16xf32>,
        %add3A_1667 = arith.constant 1 : i32
        %add3A_1668 = arith.addi %add3A_1577, %add3A_1667 : i32
        %get3A_1669 = arith.constant 0 : i32
        %get3A_1670 = arith.index_cast %get3A_1669 : i32 to index
        %get3A_1671 = arith.index_cast %add3A_1668 : i32 to index
        %get3A_1672 = arith.constant 16 : index
        %get3A_1673 = tpu.vector_load %arg13[%get3A_1670, %get3A_1671, %get3A_1672] {strides = array<i32>} : memref<2x128x64xf32, #tpu.memory_space<vmem>>, vector<16xf32>,
        %mul3A_1674 = arith.mulf %get3A_1673, %gather3A_1651 : vector<16xf32>
        %add3A_1675 = arith.constant 1 : i32
        %add3A_1676 = arith.addi %add3A_1577, %add3A_1675 : i32
        %swap3A_1677 = arith.constant 0 : i32
        %swap3A_1678 = arith.index_cast %swap3A_1677 : i32 to index
        %swap3A_1679 = arith.index_cast %add3A_1676 : i32 to index
        %swap3A_1680 = arith.constant 16 : index
        %swap3A_1681 = tpu.vector_load %arg13[%swap3A_1678, %swap3A_1679, %swap3A_1680] {strides = array<i32>} : memref<2x128x64xf32, #tpu.memory_space<vmem>>, vector<16xf32>,
        tpu.vector_store %arg13[%swap3A_1678, %swap3A_1679, %swap3A_1680], %mul3A_1674 {strides = array<i32>} : memref<2x128x64xf32, #tpu.memory_space<vmem>>, vector<16xf32>,
        %add3A_1682 = arith.constant 1 : i32
        %add3A_1683 = arith.addi %add3A_1577, %add3A_1682 : i32
        %get3A_1684 = arith.constant 0 : i32
        %get3A_1685 = arith.index_cast %get3A_1684 : i32 to index
        %get3A_1686 = arith.index_cast %add3A_1683 : i32 to index
        %get3A_1687 = arith.constant 32 : index
        %get3A_1688 = tpu.vector_load %arg13[%get3A_1685, %get3A_1686, %get3A_1687] {strides = array<i32>} : memref<2x128x64xf32, #tpu.memory_space<vmem>>, vector<16xf32>,
        %mul3A_1689 = arith.mulf %get3A_1688, %gather3A_1651 : vector<16xf32>
        %add3A_1690 = arith.constant 1 : i32
        %add3A_1691 = arith.addi %add3A_1577, %add3A_1690 : i32
        %swap3A_1692 = arith.constant 0 : i32
        %swap3A_1693 = arith.index_cast %swap3A_1692 : i32 to index
        %swap3A_1694 = arith.index_cast %add3A_1691 : i32 to index
        %swap3A_1695 = arith.constant 32 : index
        %swap3A_1696 = tpu.vector_load %arg13[%swap3A_1693, %swap3A_1694, %swap3A_1695] {strides = array<i32>} : memref<2x128x64xf32, #tpu.memory_space<vmem>>, vector<16xf32>,
        tpu.vector_store %arg13[%swap3A_1693, %swap3A_1694, %swap3A_1695], %mul3A_1689 {strides = array<i32>} : memref<2x128x64xf32, #tpu.memory_space<vmem>>, vector<16xf32>,
        %add3A_1697 = arith.constant 1 : i32
        %add3A_1698 = arith.addi %add3A_1577, %add3A_1697 : i32
        %get3A_1699 = arith.constant 0 : i32
        %get3A_1700 = arith.index_cast %get3A_1699 : i32 to index
        %get3A_1701 = arith.index_cast %add3A_1698 : i32 to index
        %get3A_1702 = arith.constant 48 : index
        %get3A_1703 = tpu.vector_load %arg13[%get3A_1700, %get3A_1701, %get3A_1702] {strides = array<i32>} : memref<2x128x64xf32, #tpu.memory_space<vmem>>, vector<16xf32>,
        %mul3A_1704 = arith.mulf %get3A_1703, %gather3A_1651 : vector<16xf32>
        %add3A_1705 = arith.constant 1 : i32
        %add3A_1706 = arith.addi %add3A_1577, %add3A_1705 : i32
        %swap3A_1707 = arith.constant 0 : i32
        %swap3A_1708 = arith.index_cast %swap3A_1707 : i32 to index
        %swap3A_1709 = arith.index_cast %add3A_1706 : i32 to index
        %swap3A_1710 = arith.constant 48 : index
        %swap3A_1711 = tpu.vector_load %arg13[%swap3A_1708, %swap3A_1709, %swap3A_1710] {strides = array<i32>} : memref<2x128x64xf32, #tpu.memory_space<vmem>>, vector<16xf32>,
        tpu.vector_store %arg13[%swap3A_1708, %swap3A_1709, %swap3A_1710], %mul3A_1704 {strides = array<i32>} : memref<2x128x64xf32, #tpu.memory_space<vmem>>, vector<16xf32>,
        %broadcast_in_dim3A_1712 = arith.constant 0 : i32
        %broadcast_in_dim3A_1713 = vector.broadcast %broadcast_in_dim3A_1712 : i32 to vector<16xi32>
        %add3A_1714 = arith.constant 2 : i32
        %add3A_1715 = arith.addi %add3A_1577, %add3A_1714 : i32
        %add3A_1716 = vector.broadcast %add3A_1715 : i32 to vector<16xi32>
        %add3A_1717 = arith.addi %broadcast_in_dim3A_1713, %add3A_1716 : vector<16xi32>
        %gather3A_1718 = tpu.vector_load_idx %arg11[%add3A_1717] : memref<128xf32, #tpu.memory_space<vmem>>[vector<16xi32>], vector<16xf32>,
        %add3A_1719 = arith.constant 2 : i32
        %add3A_1720 = arith.addi %add3A_1577, %add3A_1719 : i32
        %get3A_1721 = arith.constant 0 : i32
        %get3A_1722 = arith.index_cast %get3A_1721 : i32 to index
        %get3A_1723 = arith.index_cast %add3A_1720 : i32 to index
        %get3A_1724 = arith.constant 0 : index
        %get3A_1725 = tpu.vector_load %arg13[%get3A_1722, %get3A_1723, %get3A_1724] {strides = array<i32>} : memref<2x128x64xf32, #tpu.memory_space<vmem>>, vector<16xf32>,
        %mul3A_1726 = arith.mulf %get3A_1725, %gather3A_1718 : vector<16xf32>
        %add3A_1727 = arith.constant 2 : i32
        %add3A_1728 = arith.addi %add3A_1577, %add3A_1727 : i32
        %swap3A_1729 = arith.constant 0 : i32
        %swap3A_1730 = arith.index_cast %swap3A_1729 : i32 to index
        %swap3A_1731 = arith.index_cast %add3A_1728 : i32 to index
        %swap3A_1732 = arith.constant 0 : index
        %swap3A_1733 = tpu.vector_load %arg13[%swap3A_1730, %swap3A_1731, %swap3A_1732] {strides = array<i32>} : memref<2x128x64xf32, #tpu.memory_space<vmem>>, vector<16xf32>,
        tpu.vector_store %arg13[%swap3A_1730, %swap3A_1731, %swap3A_1732], %mul3A_1726 {strides = array<i32>} : memref<2x128x64xf32, #tpu.memory_space<vmem>>, vector<16xf32>,
        %add3A_1734 = arith.constant 2 : i32
        %add3A_1735 = arith.addi %add3A_1577, %add3A_1734 : i32
        %get3A_1736 = arith.constant 0 : i32
        %get3A_1737 = arith.index_cast %get3A_1736 : i32 to index
        %get3A_1738 = arith.index_cast %add3A_1735 : i32 to index
        %get3A_1739 = arith.constant 16 : index
        %get3A_1740 = tpu.vector_load %arg13[%get3A_1737, %get3A_1738, %get3A_1739] {strides = array<i32>} : memref<2x128x64xf32, #tpu.memory_space<vmem>>, vector<16xf32>,
        %mul3A_1741 = arith.mulf %get3A_1740, %gather3A_1718 : vector<16xf32>
        %add3A_1742 = arith.constant 2 : i32
        %add3A_1743 = arith.addi %add3A_1577, %add3A_1742 : i32
        %swap3A_1744 = arith.constant 0 : i32
        %swap3A_1745 = arith.index_cast %swap3A_1744 : i32 to index
        %swap3A_1746 = arith.index_cast %add3A_1743 : i32 to index
        %swap3A_1747 = arith.constant 16 : index
        %swap3A_1748 = tpu.vector_load %arg13[%swap3A_1745, %swap3A_1746, %swap3A_1747] {strides = array<i32>} : memref<2x128x64xf32, #tpu.memory_space<vmem>>, vector<16xf32>,
        tpu.vector_store %arg13[%swap3A_1745, %swap3A_1746, %swap3A_1747], %mul3A_1741 {strides = array<i32>} : memref<2x128x64xf32, #tpu.memory_space<vmem>>, vector<16xf32>,
        %add3A_1749 = arith.constant 2 : i32
        %add3A_1750 = arith.addi %add3A_1577, %add3A_1749 : i32
        %get3A_1751 = arith.constant 0 : i32
        %get3A_1752 = arith.index_cast %get3A_1751 : i32 to index
        %get3A_1753 = arith.index_cast %add3A_1750 : i32 to index
        %get3A_1754 = arith.constant 32 : index
        %get3A_1755 = tpu.vector_load %arg13[%get3A_1752, %get3A_1753, %get3A_1754] {strides = array<i32>} : memref<2x128x64xf32, #tpu.memory_space<vmem>>, vector<16xf32>,
        %mul3A_1756 = arith.mulf %get3A_1755, %gather3A_1718 : vector<16xf32>
        %add3A_1757 = arith.constant 2 : i32
        %add3A_1758 = arith.addi %add3A_1577, %add3A_1757 : i32
        %swap3A_1759 = arith.constant 0 : i32
        %swap3A_1760 = arith.index_cast %swap3A_1759 : i32 to index
        %swap3A_1761 = arith.index_cast %add3A_1758 : i32 to index
        %swap3A_1762 = arith.constant 32 : index
        %swap3A_1763 = tpu.vector_load %arg13[%swap3A_1760, %swap3A_1761, %swap3A_1762] {strides = array<i32>} : memref<2x128x64xf32, #tpu.memory_space<vmem>>, vector<16xf32>,
        tpu.vector_store %arg13[%swap3A_1760, %swap3A_1761, %swap3A_1762], %mul3A_1756 {strides = array<i32>} : memref<2x128x64xf32, #tpu.memory_space<vmem>>, vector<16xf32>,
        %add3A_1764 = arith.constant 2 : i32
        %add3A_1765 = arith.addi %add3A_1577, %add3A_1764 : i32
        %get3A_1766 = arith.constant 0 : i32
        %get3A_1767 = arith.index_cast %get3A_1766 : i32 to index
        %get3A_1768 = arith.index_cast %add3A_1765 : i32 to index
        %get3A_1769 = arith.constant 48 : index
        %get3A_1770 = tpu.vector_load %arg13[%get3A_1767, %get3A_1768, %get3A_1769] {strides = array<i32>} : memref<2x128x64xf32, #tpu.memory_space<vmem>>, vector<16xf32>,
        %mul3A_1771 = arith.mulf %get3A_1770, %gather3A_1718 : vector<16xf32>
        %add3A_1772 = arith.constant 2 : i32
        %add3A_1773 = arith.addi %add3A_1577, %add3A_1772 : i32
        %swap3A_1774 = arith.constant 0 : i32
        %swap3A_1775 = arith.index_cast %swap3A_1774 : i32 to index
        %swap3A_1776 = arith.index_cast %add3A_1773 : i32 to index
        %swap3A_1777 = arith.constant 48 : index
        %swap3A_1778 = tpu.vector_load %arg13[%swap3A_1775, %swap3A_1776, %swap3A_1777] {strides = array<i32>} : memref<2x128x64xf32, #tpu.memory_space<vmem>>, vector<16xf32>,
        tpu.vector_store %arg13[%swap3A_1775, %swap3A_1776, %swap3A_1777], %mul3A_1771 {strides = array<i32>} : memref<2x128x64xf32, #tpu.memory_space<vmem>>, vector<16xf32>,
        %broadcast_in_dim3A_1779 = arith.constant 0 : i32
        %broadcast_in_dim3A_1780 = vector.broadcast %broadcast_in_dim3A_1779 : i32 to vector<16xi32>
        %add3A_1781 = arith.constant 3 : i32
        %add3A_1782 = arith.addi %add3A_1577, %add3A_1781 : i32
        %add3A_1783 = vector.broadcast %add3A_1782 : i32 to vector<16xi32>
        %add3A_1784 = arith.addi %broadcast_in_dim3A_1780, %add3A_1783 : vector<16xi32>
        %gather3A_1785 = tpu.vector_load_idx %arg11[%add3A_1784] : memref<128xf32, #tpu.memory_space<vmem>>[vector<16xi32>], vector<16xf32>,
        %add3A_1786 = arith.constant 3 : i32
        %add3A_1787 = arith.addi %add3A_1577, %add3A_1786 : i32
        %get3A_1788 = arith.constant 0 : i32
        %get3A_1789 = arith.index_cast %get3A_1788 : i32 to index
        %get3A_1790 = arith.index_cast %add3A_1787 : i32 to index
        %get3A_1791 = arith.constant 0 : index
        %get3A_1792 = tpu.vector_load %arg13[%get3A_1789, %get3A_1790, %get3A_1791] {strides = array<i32>} : memref<2x128x64xf32, #tpu.memory_space<vmem>>, vector<16xf32>,
        %mul3A_1793 = arith.mulf %get3A_1792, %gather3A_1785 : vector<16xf32>
        %add3A_1794 = arith.constant 3 : i32
        %add3A_1795 = arith.addi %add3A_1577, %add3A_1794 : i32
        %swap3A_1796 = arith.constant 0 : i32
        %swap3A_1797 = arith.index_cast %swap3A_1796 : i32 to index
        %swap3A_1798 = arith.index_cast %add3A_1795 : i32 to index
        %swap3A_1799 = arith.constant 0 : index
        %swap3A_1800 = tpu.vector_load %arg13[%swap3A_1797, %swap3A_1798, %swap3A_1799] {strides = array<i32>} : memref<2x128x64xf32, #tpu.memory_space<vmem>>, vector<16xf32>,
        tpu.vector_store %arg13[%swap3A_1797, %swap3A_1798, %swap3A_1799], %mul3A_1793 {strides = array<i32>} : memref<2x128x64xf32, #tpu.memory_space<vmem>>, vector<16xf32>,
        %add3A_1801 = arith.constant 3 : i32
        %add3A_1802 = arith.addi %add3A_1577, %add3A_1801 : i32
        %get3A_1803 = arith.constant 0 : i32
        %get3A_1804 = arith.index_cast %get3A_1803 : i32 to index
        %get3A_1805 = arith.index_cast %add3A_1802 : i32 to index
        %get3A_1806 = arith.constant 16 : index
        %get3A_1807 = tpu.vector_load %arg13[%get3A_1804, %get3A_1805, %get3A_1806] {strides = array<i32>} : memref<2x128x64xf32, #tpu.memory_space<vmem>>, vector<16xf32>,
        %mul3A_1808 = arith.mulf %get3A_1807, %gather3A_1785 : vector<16xf32>
        %add3A_1809 = arith.constant 3 : i32
        %add3A_1810 = arith.addi %add3A_1577, %add3A_1809 : i32
        %swap3A_1811 = arith.constant 0 : i32
        %swap3A_1812 = arith.index_cast %swap3A_1811 : i32 to index
        %swap3A_1813 = arith.index_cast %add3A_1810 : i32 to index
        %swap3A_1814 = arith.constant 16 : index
        %swap3A_1815 = tpu.vector_load %arg13[%swap3A_1812, %swap3A_1813, %swap3A_1814] {strides = array<i32>} : memref<2x128x64xf32, #tpu.memory_space<vmem>>, vector<16xf32>,
        tpu.vector_store %arg13[%swap3A_1812, %swap3A_1813, %swap3A_1814], %mul3A_1808 {strides = array<i32>} : memref<2x128x64xf32, #tpu.memory_space<vmem>>, vector<16xf32>,
        %add3A_1816 = arith.constant 3 : i32
        %add3A_1817 = arith.addi %add3A_1577, %add3A_1816 : i32
        %get3A_1818 = arith.constant 0 : i32
        %get3A_1819 = arith.index_cast %get3A_1818 : i32 to index
        %get3A_1820 = arith.index_cast %add3A_1817 : i32 to index
        %get3A_1821 = arith.constant 32 : index
        %get3A_1822 = tpu.vector_load %arg13[%get3A_1819, %get3A_1820, %get3A_1821] {strides = array<i32>} : memref<2x128x64xf32, #tpu.memory_space<vmem>>, vector<16xf32>,
        %mul3A_1823 = arith.mulf %get3A_1822, %gather3A_1785 : vector<16xf32>
        %add3A_1824 = arith.constant 3 : i32
        %add3A_1825 = arith.addi %add3A_1577, %add3A_1824 : i32
        %swap3A_1826 = arith.constant 0 : i32
        %swap3A_1827 = arith.index_cast %swap3A_1826 : i32 to index
        %swap3A_1828 = arith.index_cast %add3A_1825 : i32 to index
        %swap3A_1829 = arith.constant 32 : index
        %swap3A_1830 = tpu.vector_load %arg13[%swap3A_1827, %swap3A_1828, %swap3A_1829] {strides = array<i32>} : memref<2x128x64xf32, #tpu.memory_space<vmem>>, vector<16xf32>,
        tpu.vector_store %arg13[%swap3A_1827, %swap3A_1828, %swap3A_1829], %mul3A_1823 {strides = array<i32>} : memref<2x128x64xf32, #tpu.memory_space<vmem>>, vector<16xf32>,
        %add3A_1831 = arith.constant 3 : i32
        %add3A_1832 = arith.addi %add3A_1577, %add3A_1831 : i32
        %get3A_1833 = arith.constant 0 : i32
        %get3A_1834 = arith.index_cast %get3A_1833 : i32 to index
        %get3A_1835 = arith.index_cast %add3A_1832 : i32 to index
        %get3A_1836 = arith.constant 48 : index
        %get3A_1837 = tpu.vector_load %arg13[%get3A_1834, %get3A_1835, %get3A_1836] {strides = array<i32>} : memref<2x128x64xf32, #tpu.memory_space<vmem>>, vector<16xf32>,
        %mul3A_1838 = arith.mulf %get3A_1837, %gather3A_1785 : vector<16xf32>
        %add3A_1839 = arith.constant 3 : i32
        %add3A_1840 = arith.addi %add3A_1577, %add3A_1839 : i32
        %swap3A_1841 = arith.constant 0 : i32
        %swap3A_1842 = arith.index_cast %swap3A_1841 : i32 to index
        %swap3A_1843 = arith.index_cast %add3A_1840 : i32 to index
        %swap3A_1844 = arith.constant 48 : index
        %swap3A_1845 = tpu.vector_load %arg13[%swap3A_1842, %swap3A_1843, %swap3A_1844] {strides = array<i32>} : memref<2x128x64xf32, #tpu.memory_space<vmem>>, vector<16xf32>,
        tpu.vector_store %arg13[%swap3A_1842, %swap3A_1843, %swap3A_1844], %mul3A_1838 {strides = array<i32>} : memref<2x128x64xf32, #tpu.memory_space<vmem>>, vector<16xf32>,
      }
      %scan3A_1231 = arith.constant 32 : i32
      %run_scoped3A_1232 = arith.constant 0 : i32
      %run_scoped3A_1233 = arith.constant 2 : i32
      "tpu.region"() ({
        %run_scoped3A_1573 = tpu.sem_alloc : memref<!tpu.dma_semaphore, #tpu.memory_space<semaphore_mem>>
        %dma_start3A_1574 = arith.constant 0 : i32
        %dma_start3A_1575 = arith.constant 0 : i32
        %dma_start3A_1576 = tpu.memref_slice %arg13[%run_scoped3A_1232, %dma_start3A_1574, %dma_start3A_1575] : memref<2x128x64xf32, #tpu.memory_space<vmem>> -> memref<1x128x64xf32, #tpu.memory_space<vmem>>
        %dma_start3A_1577 = tpu.memref_squeeze %dma_start3A_1576 : memref<1x128x64xf32, #tpu.memory_space<vmem>> -> memref<128x64xf32, #tpu.memory_space<vmem>>
        %dma_start3A_1578 = arith.constant 0 : i32
        %dma_start3A_1579 = tpu.memref_slice %arg10[%run_scoped3A_1233, %dma_start3A_1578] : memref<4x128xi32, #tpu.memory_space<vmem>> -> memref<1x128xi32, #tpu.memory_space<vmem>>
        %dma_start3A_1580 = tpu.memref_squeeze %dma_start3A_1579 : memref<1x128xi32, #tpu.memory_space<vmem>> -> memref<128xi32, #tpu.memory_space<vmem>>
        %dma_start3A_1581 = arith.constant 0 : i32
        %dma_start3A_1582 = arith.constant 0 : i32
        %dma_start3A_1583 = tpu.memref_slice %arg15[%dma_start3A_1581, %dma_start3A_1582] : memref<10240x64xf32, #tpu.memory_space<vmem_shared>> -> memref<10240x64xf32, #tpu.memory_space<vmem_shared>>
        tpu.enqueue_indirect_dma source(%dma_start3A_1577 : memref<128x64xf32, #tpu.memory_space<vmem>>) target(%dma_start3A_1583 : memref<10240x64xf32, #tpu.memory_space<vmem_shared>>) offsets(%dma_start3A_1580 : memref<128xi32, #tpu.memory_space<vmem>>) semaphore(%run_scoped3A_1573 : memref<!tpu.dma_semaphore, #tpu.memory_space<semaphore_mem>>) {add = true}
        %dma_wait3A_1584 = arith.constant 0 : i32
        %dma_wait3A_1585 = arith.constant 0 : i32
        %dma_wait3A_1586 = tpu.memref_slice %arg13[%run_scoped3A_1232, %dma_wait3A_1584, %dma_wait3A_1585] : memref<2x128x64xf32, #tpu.memory_space<vmem>> -> memref<1x128x64xf32, #tpu.memory_space<vmem>>
        %dma_wait3A_1587 = tpu.memref_squeeze %dma_wait3A_1586 : memref<1x128x64xf32, #tpu.memory_space<vmem>> -> memref<128x64xf32, #tpu.memory_space<vmem>>
        %dma_wait3A_1588 = arith.constant 0 : i32
        %dma_wait3A_1589 = tpu.memref_slice %arg10[%run_scoped3A_1233, %dma_wait3A_1588] : memref<4x128xi32, #tpu.memory_space<vmem>> -> memref<1x128xi32, #tpu.memory_space<vmem>>
        %dma_wait3A_1590 = tpu.memref_squeeze %dma_wait3A_1589 : memref<1x128xi32, #tpu.memory_space<vmem>> -> memref<128xi32, #tpu.memory_space<vmem>>
        %dma_wait3A_1591 = arith.constant 0 : i32
        %dma_wait3A_1592 = arith.constant 0 : i32
        %dma_wait3A_1593 = tpu.memref_slice %arg15[%dma_wait3A_1591, %dma_wait3A_1592] : memref<10240x64xf32, #tpu.memory_space<vmem_shared>> -> memref<10240x64xf32, #tpu.memory_space<vmem_shared>>
        tpu.wait_indirect_dma semaphore(%run_scoped3A_1573 : memref<!tpu.dma_semaphore, #tpu.memory_space<semaphore_mem>>) src(%dma_wait3A_1587 : memref<128x64xf32, #tpu.memory_space<vmem>>) dst(%dma_wait3A_1593 : memref<10240x64xf32, #tpu.memory_space<vmem_shared>>)
        tpu.yield
      }) : () -> ()
      %add3A_1234 = arith.constant 4 : i32
      %add3A_1235 = arith.addi %add3A_956, %add3A_1234 : i32
      %min3A_1236 = arith.constant 163 : i32
      %min3A_1237 = arith.minsi %add3A_1235, %min3A_1236 : i32
      %dma_start3A_1238 = arith.constant 2 : i32
      %dma_start3A_1239 = arith.constant 0 : i32
      %dma_start3A_1240 = tpu.memref_slice %arg9[%dma_start3A_1238, %dma_start3A_1239] : memref<4x128xi32, #tpu.memory_space<vmem>> -> memref<1x128xi32, #tpu.memory_space<vmem>>
      %dma_start3A_1241 = tpu.memref_squeeze %dma_start3A_1240 : memref<1x128xi32, #tpu.memory_space<vmem>> -> memref<128xi32, #tpu.memory_space<vmem>>
      %dma_start3A_1242 = arith.constant 0 : i32
      %dma_start3A_1243 = tpu.memref_slice %arg4[%arg1, %min3A_1237, %dma_start3A_1242] : memref<16x164x128xi32, #tpu.memory_space<hbm>> -> memref<1x1x128xi32, #tpu.memory_space<hbm>>
      %dma_start3A_1244 = tpu.memref_squeeze %dma_start3A_1243 : memref<1x1x128xi32, #tpu.memory_space<hbm>> -> memref<128xi32, #tpu.memory_space<hbm>>
      %dma_start3A_1245 = arith.constant 0 : i32
      %dma_start3A_1246 = tpu.memref_slice %arg9[%dma_start3A_1238, %dma_start3A_1245] : memref<4x128xi32, #tpu.memory_space<vmem>> -> memref<1x128xi32, #tpu.memory_space<vmem>>
      %dma_start3A_1247 = tpu.memref_squeeze %dma_start3A_1246 : memref<1x128xi32, #tpu.memory_space<vmem>> -> memref<128xi32, #tpu.memory_space<vmem>>
      %dma_start3A_1248 = arith.constant 0 : i32
      %dma_start3A_1249 = tpu.memref_slice %arg4[%arg1, %min3A_1237, %dma_start3A_1248] : memref<16x164x128xi32, #tpu.memory_space<hbm>> -> memref<1x1x128xi32, #tpu.memory_space<hbm>>
      %dma_start3A_1250 = tpu.memref_squeeze %dma_start3A_1249 : memref<1x1x128xi32, #tpu.memory_space<hbm>> -> memref<128xi32, #tpu.memory_space<hbm>>
      tpu.enqueue_dma source(%dma_start3A_1250 : memref<128xi32, #tpu.memory_space<hbm>>) target(%dma_start3A_1247 : memref<128xi32, #tpu.memory_space<vmem>>) target_semaphore(%arg20 : memref<!tpu.dma_semaphore, #tpu.memory_space<semaphore_mem>>)
      %dma_start3A_1251 = arith.constant 2 : i32
      %dma_start3A_1252 = arith.constant 0 : i32
      %dma_start3A_1253 = tpu.memref_slice %arg10[%dma_start3A_1251, %dma_start3A_1252] : memref<4x128xi32, #tpu.memory_space<vmem>> -> memref<1x128xi32, #tpu.memory_space<vmem>>
      %dma_start3A_1254 = tpu.memref_squeeze %dma_start3A_1253 : memref<1x128xi32, #tpu.memory_space<vmem>> -> memref<128xi32, #tpu.memory_space<vmem>>
      %dma_start3A_1255 = arith.constant 0 : i32
      %dma_start3A_1256 = tpu.memref_slice %arg5[%arg1, %min3A_1237, %dma_start3A_1255] : memref<16x164x128xi32, #tpu.memory_space<hbm>> -> memref<1x1x128xi32, #tpu.memory_space<hbm>>
      %dma_start3A_1257 = tpu.memref_squeeze %dma_start3A_1256 : memref<1x1x128xi32, #tpu.memory_space<hbm>> -> memref<128xi32, #tpu.memory_space<hbm>>
      %dma_start3A_1258 = arith.constant 0 : i32
      %dma_start3A_1259 = tpu.memref_slice %arg10[%dma_start3A_1251, %dma_start3A_1258] : memref<4x128xi32, #tpu.memory_space<vmem>> -> memref<1x128xi32, #tpu.memory_space<vmem>>
      %dma_start3A_1260 = tpu.memref_squeeze %dma_start3A_1259 : memref<1x128xi32, #tpu.memory_space<vmem>> -> memref<128xi32, #tpu.memory_space<vmem>>
      %dma_start3A_1261 = arith.constant 0 : i32
      %dma_start3A_1262 = tpu.memref_slice %arg5[%arg1, %min3A_1237, %dma_start3A_1261] : memref<16x164x128xi32, #tpu.memory_space<hbm>> -> memref<1x1x128xi32, #tpu.memory_space<hbm>>
      %dma_start3A_1263 = tpu.memref_squeeze %dma_start3A_1262 : memref<1x1x128xi32, #tpu.memory_space<hbm>> -> memref<128xi32, #tpu.memory_space<hbm>>
      tpu.enqueue_dma source(%dma_start3A_1263 : memref<128xi32, #tpu.memory_space<hbm>>) target(%dma_start3A_1260 : memref<128xi32, #tpu.memory_space<vmem>>) target_semaphore(%arg24 : memref<!tpu.dma_semaphore, #tpu.memory_space<semaphore_mem>>)
      %add3A_1264 = arith.constant 3 : i32
      %add3A_1265 = arith.addi %add3A_342, %add3A_1264 : i32
      %add3A_1266 = arith.constant 1 : i32
      %add3A_1267 = arith.addi %add3A_1265, %add3A_1266 : i32
      %min3A_1268 = arith.constant 163 : i32
      %min3A_1269 = arith.minsi %add3A_1267, %min3A_1268 : i32
      %dma_wait3A_1270 = arith.constant 0 : i32
      %dma_wait3A_1271 = arith.constant 0 : i32
      %dma_wait3A_1272 = tpu.memref_slice %arg9[%dma_wait3A_1270, %dma_wait3A_1271] : memref<4x128xi32, #tpu.memory_space<vmem>> -> memref<1x128xi32, #tpu.memory_space<vmem>>
      %dma_wait3A_1273 = tpu.memref_squeeze %dma_wait3A_1272 : memref<1x128xi32, #tpu.memory_space<vmem>> -> memref<128xi32, #tpu.memory_space<vmem>>
      %dma_wait3A_1274 = arith.constant 0 : i32
      %dma_wait3A_1275 = tpu.memref_slice %arg4[%arg1, %min3A_1269, %dma_wait3A_1274] : memref<16x164x128xi32, #tpu.memory_space<hbm>> -> memref<1x1x128xi32, #tpu.memory_space<hbm>>
      %dma_wait3A_1276 = tpu.memref_squeeze %dma_wait3A_1275 : memref<1x1x128xi32, #tpu.memory_space<hbm>> -> memref<128xi32, #tpu.memory_space<hbm>>
      %dma_wait3A_1277 = arith.constant 0 : i32
      %dma_wait3A_1278 = tpu.memref_slice %arg9[%dma_wait3A_1270, %dma_wait3A_1277] : memref<4x128xi32, #tpu.memory_space<vmem>> -> memref<1x128xi32, #tpu.memory_space<vmem>>
      %dma_wait3A_1279 = tpu.memref_squeeze %dma_wait3A_1278 : memref<1x128xi32, #tpu.memory_space<vmem>> -> memref<128xi32, #tpu.memory_space<vmem>>
      %dma_wait3A_1280 = arith.constant 0 : i32
      %dma_wait3A_1281 = tpu.memref_slice %arg4[%arg1, %min3A_1269, %dma_wait3A_1280] : memref<16x164x128xi32, #tpu.memory_space<hbm>> -> memref<1x1x128xi32, #tpu.memory_space<hbm>>
      %dma_wait3A_1282 = tpu.memref_squeeze %dma_wait3A_1281 : memref<1x1x128xi32, #tpu.memory_space<hbm>> -> memref<128xi32, #tpu.memory_space<hbm>>
      tpu.wait_dma2 semaphore(%arg18 : memref<!tpu.dma_semaphore, #tpu.memory_space<semaphore_mem>>) src(%dma_wait3A_1282 : memref<128xi32, #tpu.memory_space<hbm>>) dst(%dma_wait3A_1279 : memref<128xi32, #tpu.memory_space<vmem>>)
      %dma_start3A_1283 = arith.constant 0 : i32
      %dma_start3A_1284 = arith.constant 0 : i32
      %dma_start3A_1285 = arith.constant 0 : i32
      %dma_start3A_1286 = arith.constant 0 : i32
      %dma_start3A_1287 = tpu.memref_slice %arg13[%dma_start3A_1284, %dma_start3A_1285, %dma_start3A_1286] : memref<2x128x64xf32, #tpu.memory_space<vmem>> -> memref<1x128x64xf32, #tpu.memory_space<vmem>>
      %dma_start3A_1288 = tpu.memref_squeeze %dma_start3A_1287 : memref<1x128x64xf32, #tpu.memory_space<vmem>> -> memref<128x64xf32, #tpu.memory_space<vmem>>
      %dma_start3A_1289 = arith.constant 0 : i32
      %dma_start3A_1290 = tpu.memref_slice %arg9[%dma_start3A_1283, %dma_start3A_1289] : memref<4x128xi32, #tpu.memory_space<vmem>> -> memref<1x128xi32, #tpu.memory_space<vmem>>
      %dma_start3A_1291 = tpu.memref_squeeze %dma_start3A_1290 : memref<1x128xi32, #tpu.memory_space<vmem>> -> memref<128xi32, #tpu.memory_space<vmem>>
      %dma_start3A_1292 = arith.constant 0 : i32
      %dma_start3A_1293 = arith.constant 0 : i32
      %dma_start3A_1294 = tpu.memref_slice %arg14[%dma_start3A_1292, %dma_start3A_1293] : memref<10240x64xf32, #tpu.memory_space<vmem_shared>> -> memref<10240x64xf32, #tpu.memory_space<vmem_shared>>
      tpu.enqueue_indirect_dma source(%dma_start3A_1294 : memref<10240x64xf32, #tpu.memory_space<vmem_shared>>) target(%dma_start3A_1288 : memref<128x64xf32, #tpu.memory_space<vmem>>) offsets(%dma_start3A_1291 : memref<128xi32, #tpu.memory_space<vmem>>) semaphore(%arg16 : memref<!tpu.dma_semaphore, #tpu.memory_space<semaphore_mem>>)
      %dma_wait3A_1295 = arith.constant 3 : i32
      %dma_wait3A_1296 = arith.constant 0 : i32
      %dma_wait3A_1297 = tpu.memref_slice %arg10[%dma_wait3A_1295, %dma_wait3A_1296] : memref<4x128xi32, #tpu.memory_space<vmem>> -> memref<1x128xi32, #tpu.memory_space<vmem>>
      %dma_wait3A_1298 = tpu.memref_squeeze %dma_wait3A_1297 : memref<1x128xi32, #tpu.memory_space<vmem>> -> memref<128xi32, #tpu.memory_space<vmem>>
      %dma_wait3A_1299 = arith.constant 0 : i32
      %dma_wait3A_1300 = tpu.memref_slice %arg5[%arg1, %min3A_1269, %dma_wait3A_1299] : memref<16x164x128xi32, #tpu.memory_space<hbm>> -> memref<1x1x128xi32, #tpu.memory_space<hbm>>
      %dma_wait3A_1301 = tpu.memref_squeeze %dma_wait3A_1300 : memref<1x1x128xi32, #tpu.memory_space<hbm>> -> memref<128xi32, #tpu.memory_space<hbm>>
      %dma_wait3A_1302 = arith.constant 0 : i32
      %dma_wait3A_1303 = tpu.memref_slice %arg10[%dma_wait3A_1295, %dma_wait3A_1302] : memref<4x128xi32, #tpu.memory_space<vmem>> -> memref<1x128xi32, #tpu.memory_space<vmem>>
      %dma_wait3A_1304 = tpu.memref_squeeze %dma_wait3A_1303 : memref<1x128xi32, #tpu.memory_space<vmem>> -> memref<128xi32, #tpu.memory_space<vmem>>
      %dma_wait3A_1305 = arith.constant 0 : i32
      %dma_wait3A_1306 = tpu.memref_slice %arg5[%arg1, %min3A_1269, %dma_wait3A_1305] : memref<16x164x128xi32, #tpu.memory_space<hbm>> -> memref<1x1x128xi32, #tpu.memory_space<hbm>>
      %dma_wait3A_1307 = tpu.memref_squeeze %dma_wait3A_1306 : memref<1x1x128xi32, #tpu.memory_space<hbm>> -> memref<128xi32, #tpu.memory_space<hbm>>
      tpu.wait_dma2 semaphore(%arg25 : memref<!tpu.dma_semaphore, #tpu.memory_space<semaphore_mem>>) src(%dma_wait3A_1307 : memref<128xi32, #tpu.memory_space<hbm>>) dst(%dma_wait3A_1304 : memref<128xi32, #tpu.memory_space<vmem>>)
      %dma_wait3A_1308 = arith.constant 3 : i32
      %dma_wait3A_1309 = arith.constant 1 : i32
      %dma_wait3A_1310 = arith.constant 0 : i32
      %dma_wait3A_1311 = arith.constant 0 : i32
      %dma_wait3A_1312 = tpu.memref_slice %arg13[%dma_wait3A_1309, %dma_wait3A_1310, %dma_wait3A_1311] : memref<2x128x64xf32, #tpu.memory_space<vmem>> -> memref<1x128x64xf32, #tpu.memory_space<vmem>>
      %dma_wait3A_1313 = tpu.memref_squeeze %dma_wait3A_1312 : memref<1x128x64xf32, #tpu.memory_space<vmem>> -> memref<128x64xf32, #tpu.memory_space<vmem>>
      %dma_wait3A_1314 = arith.constant 0 : i32
      %dma_wait3A_1315 = tpu.memref_slice %arg9[%dma_wait3A_1308, %dma_wait3A_1314] : memref<4x128xi32, #tpu.memory_space<vmem>> -> memref<1x128xi32, #tpu.memory_space<vmem>>
      %dma_wait3A_1316 = tpu.memref_squeeze %dma_wait3A_1315 : memref<1x128xi32, #tpu.memory_space<vmem>> -> memref<128xi32, #tpu.memory_space<vmem>>
      %dma_wait3A_1317 = arith.constant 0 : i32
      %dma_wait3A_1318 = arith.constant 0 : i32
      %dma_wait3A_1319 = tpu.memref_slice %arg14[%dma_wait3A_1317, %dma_wait3A_1318] : memref<10240x64xf32, #tpu.memory_space<vmem_shared>> -> memref<10240x64xf32, #tpu.memory_space<vmem_shared>>
      tpu.wait_indirect_dma semaphore(%arg17 : memref<!tpu.dma_semaphore, #tpu.memory_space<semaphore_mem>>) src(%dma_wait3A_1319 : memref<10240x64xf32, #tpu.memory_space<vmem_shared>>) dst(%dma_wait3A_1313 : memref<128x64xf32, #tpu.memory_space<vmem>>)
      %get3A_1320 = arith.constant 3 : i32
      %get3A_1321 = arith.index_cast %get3A_1320 : i32 to index
      %get3A_1322 = arith.constant 0 : index
      %get3A_1323 = tpu.vector_load %arg9[%get3A_1321, %get3A_1322] {strides = array<i32>} : memref<4x128xi32, #tpu.memory_space<vmem>>, vector<16xi32>,
      %get3A_1324 = arith.constant 3 : i32
      %get3A_1325 = arith.index_cast %get3A_1324 : i32 to index
      %get3A_1326 = arith.constant 0 : index
      %get3A_1327 = tpu.vector_load %arg10[%get3A_1325, %get3A_1326] {strides = array<i32>} : memref<4x128xi32, #tpu.memory_space<vmem>>, vector<16xi32>,
      %mul3A_1328 = arith.constant 2 : i32
      %mul3A_1329 = vector.broadcast %mul3A_1328 : i32 to vector<16xi32>
      %mul3A_1330 = arith.muli %get3A_1323, %mul3A_1329 : vector<16xi32>
      %gather3A_1331 = tpu.vector_load_idx %arg8[%mul3A_1330] : memref<20480xf32, #tpu.memory_space<vmem>>[vector<16xi32>], vector<16xf32>,
      %mul3A_1332 = arith.constant 2 : i32
      %mul3A_1333 = vector.broadcast %mul3A_1332 : i32 to vector<16xi32>
      %mul3A_1334 = arith.muli %get3A_1327, %mul3A_1333 : vector<16xi32>
      %add3A_1335 = arith.constant 1 : i32
      %add3A_1336 = vector.broadcast %add3A_1335 : i32 to vector<16xi32>
      %add3A_1337 = arith.addi %mul3A_1334, %add3A_1336 : vector<16xi32>
      %gather3A_1338 = tpu.vector_load_idx %arg8[%add3A_1337] : memref<20480xf32, #tpu.memory_space<vmem>>[vector<16xi32>], vector<16xf32>,
      %add3A_1339 = arith.addf %gather3A_1331, %gather3A_1338 : vector<16xf32>
      %mul3A_1340 = arith.constant 2.000000e-01 : f32
      %mul3A_1341 = vector.broadcast %mul3A_1340 : f32 to vector<16xf32>
      %mul3A_1342 = arith.mulf %mul3A_1341, %add3A_1339 : vector<16xf32>
      %max3A_1343 = arith.maximumf %add3A_1339, %mul3A_1342 : vector<16xf32>
      %exp3A_1344 = math.exp %max3A_1343 : vector<16xf32>
      %swap3A_1345 = arith.constant 0 : index
      %swap3A_1346 = tpu.vector_load %arg11[%swap3A_1345] {strides = array<i32>} : memref<128xf32, #tpu.memory_space<vmem>>, vector<16xf32>,
      tpu.vector_store %arg11[%swap3A_1345], %exp3A_1344 {strides = array<i32>} : memref<128xf32, #tpu.memory_space<vmem>>, vector<16xf32>,
      tpu.vector_store_idx %arg12[%get3A_1327], %exp3A_1344 {add = true} : memref<10240xf32, #tpu.memory_space<vmem>>[vector<16xi32>], vector<16xf32>,
      %get3A_1347 = arith.constant 3 : i32
      %get3A_1348 = arith.index_cast %get3A_1347 : i32 to index
      %get3A_1349 = arith.constant 16 : index
      %get3A_1350 = tpu.vector_load %arg9[%get3A_1348, %get3A_1349] {strides = array<i32>} : memref<4x128xi32, #tpu.memory_space<vmem>>, vector<16xi32>,
      %get3A_1351 = arith.constant 3 : i32
      %get3A_1352 = arith.index_cast %get3A_1351 : i32 to index
      %get3A_1353 = arith.constant 16 : index
      %get3A_1354 = tpu.vector_load %arg10[%get3A_1352, %get3A_1353] {strides = array<i32>} : memref<4x128xi32, #tpu.memory_space<vmem>>, vector<16xi32>,
      %mul3A_1355 = arith.constant 2 : i32
      %mul3A_1356 = vector.broadcast %mul3A_1355 : i32 to vector<16xi32>
      %mul3A_1357 = arith.muli %get3A_1350, %mul3A_1356 : vector<16xi32>
      %gather3A_1358 = tpu.vector_load_idx %arg8[%mul3A_1357] : memref<20480xf32, #tpu.memory_space<vmem>>[vector<16xi32>], vector<16xf32>,
      %mul3A_1359 = arith.constant 2 : i32
      %mul3A_1360 = vector.broadcast %mul3A_1359 : i32 to vector<16xi32>
      %mul3A_1361 = arith.muli %get3A_1354, %mul3A_1360 : vector<16xi32>
      %add3A_1362 = arith.constant 1 : i32
      %add3A_1363 = vector.broadcast %add3A_1362 : i32 to vector<16xi32>
      %add3A_1364 = arith.addi %mul3A_1361, %add3A_1363 : vector<16xi32>
      %gather3A_1365 = tpu.vector_load_idx %arg8[%add3A_1364] : memref<20480xf32, #tpu.memory_space<vmem>>[vector<16xi32>], vector<16xf32>,
      %add3A_1366 = arith.addf %gather3A_1358, %gather3A_1365 : vector<16xf32>
      %mul3A_1367 = arith.constant 2.000000e-01 : f32
      %mul3A_1368 = vector.broadcast %mul3A_1367 : f32 to vector<16xf32>
      %mul3A_1369 = arith.mulf %mul3A_1368, %add3A_1366 : vector<16xf32>
      %max3A_1370 = arith.maximumf %add3A_1366, %mul3A_1369 : vector<16xf32>
      %exp3A_1371 = math.exp %max3A_1370 : vector<16xf32>
      %swap3A_1372 = arith.constant 16 : index
      %swap3A_1373 = tpu.vector_load %arg11[%swap3A_1372] {strides = array<i32>} : memref<128xf32, #tpu.memory_space<vmem>>, vector<16xf32>,
      tpu.vector_store %arg11[%swap3A_1372], %exp3A_1371 {strides = array<i32>} : memref<128xf32, #tpu.memory_space<vmem>>, vector<16xf32>,
      tpu.vector_store_idx %arg12[%get3A_1354], %exp3A_1371 {add = true} : memref<10240xf32, #tpu.memory_space<vmem>>[vector<16xi32>], vector<16xf32>,
      %get3A_1374 = arith.constant 3 : i32
      %get3A_1375 = arith.index_cast %get3A_1374 : i32 to index
      %get3A_1376 = arith.constant 32 : index
      %get3A_1377 = tpu.vector_load %arg9[%get3A_1375, %get3A_1376] {strides = array<i32>} : memref<4x128xi32, #tpu.memory_space<vmem>>, vector<16xi32>,
      %get3A_1378 = arith.constant 3 : i32
      %get3A_1379 = arith.index_cast %get3A_1378 : i32 to index
      %get3A_1380 = arith.constant 32 : index
      %get3A_1381 = tpu.vector_load %arg10[%get3A_1379, %get3A_1380] {strides = array<i32>} : memref<4x128xi32, #tpu.memory_space<vmem>>, vector<16xi32>,
      %mul3A_1382 = arith.constant 2 : i32
      %mul3A_1383 = vector.broadcast %mul3A_1382 : i32 to vector<16xi32>
      %mul3A_1384 = arith.muli %get3A_1377, %mul3A_1383 : vector<16xi32>
      %gather3A_1385 = tpu.vector_load_idx %arg8[%mul3A_1384] : memref<20480xf32, #tpu.memory_space<vmem>>[vector<16xi32>], vector<16xf32>,
      %mul3A_1386 = arith.constant 2 : i32
      %mul3A_1387 = vector.broadcast %mul3A_1386 : i32 to vector<16xi32>
      %mul3A_1388 = arith.muli %get3A_1381, %mul3A_1387 : vector<16xi32>
      %add3A_1389 = arith.constant 1 : i32
      %add3A_1390 = vector.broadcast %add3A_1389 : i32 to vector<16xi32>
      %add3A_1391 = arith.addi %mul3A_1388, %add3A_1390 : vector<16xi32>
      %gather3A_1392 = tpu.vector_load_idx %arg8[%add3A_1391] : memref<20480xf32, #tpu.memory_space<vmem>>[vector<16xi32>], vector<16xf32>,
      %add3A_1393 = arith.addf %gather3A_1385, %gather3A_1392 : vector<16xf32>
      %mul3A_1394 = arith.constant 2.000000e-01 : f32
      %mul3A_1395 = vector.broadcast %mul3A_1394 : f32 to vector<16xf32>
      %mul3A_1396 = arith.mulf %mul3A_1395, %add3A_1393 : vector<16xf32>
      %max3A_1397 = arith.maximumf %add3A_1393, %mul3A_1396 : vector<16xf32>
      %exp3A_1398 = math.exp %max3A_1397 : vector<16xf32>
      %swap3A_1399 = arith.constant 32 : index
      %swap3A_1400 = tpu.vector_load %arg11[%swap3A_1399] {strides = array<i32>} : memref<128xf32, #tpu.memory_space<vmem>>, vector<16xf32>,
      tpu.vector_store %arg11[%swap3A_1399], %exp3A_1398 {strides = array<i32>} : memref<128xf32, #tpu.memory_space<vmem>>, vector<16xf32>,
      tpu.vector_store_idx %arg12[%get3A_1381], %exp3A_1398 {add = true} : memref<10240xf32, #tpu.memory_space<vmem>>[vector<16xi32>], vector<16xf32>,
      %get3A_1401 = arith.constant 3 : i32
      %get3A_1402 = arith.index_cast %get3A_1401 : i32 to index
      %get3A_1403 = arith.constant 48 : index
      %get3A_1404 = tpu.vector_load %arg9[%get3A_1402, %get3A_1403] {strides = array<i32>} : memref<4x128xi32, #tpu.memory_space<vmem>>, vector<16xi32>,
      %get3A_1405 = arith.constant 3 : i32
      %get3A_1406 = arith.index_cast %get3A_1405 : i32 to index
      %get3A_1407 = arith.constant 48 : index
      %get3A_1408 = tpu.vector_load %arg10[%get3A_1406, %get3A_1407] {strides = array<i32>} : memref<4x128xi32, #tpu.memory_space<vmem>>, vector<16xi32>,
      %mul3A_1409 = arith.constant 2 : i32
      %mul3A_1410 = vector.broadcast %mul3A_1409 : i32 to vector<16xi32>
      %mul3A_1411 = arith.muli %get3A_1404, %mul3A_1410 : vector<16xi32>
      %gather3A_1412 = tpu.vector_load_idx %arg8[%mul3A_1411] : memref<20480xf32, #tpu.memory_space<vmem>>[vector<16xi32>], vector<16xf32>,
      %mul3A_1413 = arith.constant 2 : i32
      %mul3A_1414 = vector.broadcast %mul3A_1413 : i32 to vector<16xi32>
      %mul3A_1415 = arith.muli %get3A_1408, %mul3A_1414 : vector<16xi32>
      %add3A_1416 = arith.constant 1 : i32
      %add3A_1417 = vector.broadcast %add3A_1416 : i32 to vector<16xi32>
      %add3A_1418 = arith.addi %mul3A_1415, %add3A_1417 : vector<16xi32>
      %gather3A_1419 = tpu.vector_load_idx %arg8[%add3A_1418] : memref<20480xf32, #tpu.memory_space<vmem>>[vector<16xi32>], vector<16xf32>,
      %add3A_1420 = arith.addf %gather3A_1412, %gather3A_1419 : vector<16xf32>
      %mul3A_1421 = arith.constant 2.000000e-01 : f32
      %mul3A_1422 = vector.broadcast %mul3A_1421 : f32 to vector<16xf32>
      %mul3A_1423 = arith.mulf %mul3A_1422, %add3A_1420 : vector<16xf32>
      %max3A_1424 = arith.maximumf %add3A_1420, %mul3A_1423 : vector<16xf32>
      %exp3A_1425 = math.exp %max3A_1424 : vector<16xf32>
      %swap3A_1426 = arith.constant 48 : index
      %swap3A_1427 = tpu.vector_load %arg11[%swap3A_1426] {strides = array<i32>} : memref<128xf32, #tpu.memory_space<vmem>>, vector<16xf32>,
      tpu.vector_store %arg11[%swap3A_1426], %exp3A_1425 {strides = array<i32>} : memref<128xf32, #tpu.memory_space<vmem>>, vector<16xf32>,
      tpu.vector_store_idx %arg12[%get3A_1408], %exp3A_1425 {add = true} : memref<10240xf32, #tpu.memory_space<vmem>>[vector<16xi32>], vector<16xf32>,
      %get3A_1428 = arith.constant 3 : i32
      %get3A_1429 = arith.index_cast %get3A_1428 : i32 to index
      %get3A_1430 = arith.constant 64 : index
      %get3A_1431 = tpu.vector_load %arg9[%get3A_1429, %get3A_1430] {strides = array<i32>} : memref<4x128xi32, #tpu.memory_space<vmem>>, vector<16xi32>,
      %get3A_1432 = arith.constant 3 : i32
      %get3A_1433 = arith.index_cast %get3A_1432 : i32 to index
      %get3A_1434 = arith.constant 64 : index
      %get3A_1435 = tpu.vector_load %arg10[%get3A_1433, %get3A_1434] {strides = array<i32>} : memref<4x128xi32, #tpu.memory_space<vmem>>, vector<16xi32>,
      %mul3A_1436 = arith.constant 2 : i32
      %mul3A_1437 = vector.broadcast %mul3A_1436 : i32 to vector<16xi32>
      %mul3A_1438 = arith.muli %get3A_1431, %mul3A_1437 : vector<16xi32>
      %gather3A_1439 = tpu.vector_load_idx %arg8[%mul3A_1438] : memref<20480xf32, #tpu.memory_space<vmem>>[vector<16xi32>], vector<16xf32>,
      %mul3A_1440 = arith.constant 2 : i32
      %mul3A_1441 = vector.broadcast %mul3A_1440 : i32 to vector<16xi32>
      %mul3A_1442 = arith.muli %get3A_1435, %mul3A_1441 : vector<16xi32>
      %add3A_1443 = arith.constant 1 : i32
      %add3A_1444 = vector.broadcast %add3A_1443 : i32 to vector<16xi32>
      %add3A_1445 = arith.addi %mul3A_1442, %add3A_1444 : vector<16xi32>
      %gather3A_1446 = tpu.vector_load_idx %arg8[%add3A_1445] : memref<20480xf32, #tpu.memory_space<vmem>>[vector<16xi32>], vector<16xf32>,
      %add3A_1447 = arith.addf %gather3A_1439, %gather3A_1446 : vector<16xf32>
      %mul3A_1448 = arith.constant 2.000000e-01 : f32
      %mul3A_1449 = vector.broadcast %mul3A_1448 : f32 to vector<16xf32>
      %mul3A_1450 = arith.mulf %mul3A_1449, %add3A_1447 : vector<16xf32>
      %max3A_1451 = arith.maximumf %add3A_1447, %mul3A_1450 : vector<16xf32>
      %exp3A_1452 = math.exp %max3A_1451 : vector<16xf32>
      %swap3A_1453 = arith.constant 64 : index
      %swap3A_1454 = tpu.vector_load %arg11[%swap3A_1453] {strides = array<i32>} : memref<128xf32, #tpu.memory_space<vmem>>, vector<16xf32>,
      tpu.vector_store %arg11[%swap3A_1453], %exp3A_1452 {strides = array<i32>} : memref<128xf32, #tpu.memory_space<vmem>>, vector<16xf32>,
      tpu.vector_store_idx %arg12[%get3A_1435], %exp3A_1452 {add = true} : memref<10240xf32, #tpu.memory_space<vmem>>[vector<16xi32>], vector<16xf32>,
      %get3A_1455 = arith.constant 3 : i32
      %get3A_1456 = arith.index_cast %get3A_1455 : i32 to index
      %get3A_1457 = arith.constant 80 : index
      %get3A_1458 = tpu.vector_load %arg9[%get3A_1456, %get3A_1457] {strides = array<i32>} : memref<4x128xi32, #tpu.memory_space<vmem>>, vector<16xi32>,
      %get3A_1459 = arith.constant 3 : i32
      %get3A_1460 = arith.index_cast %get3A_1459 : i32 to index
      %get3A_1461 = arith.constant 80 : index
      %get3A_1462 = tpu.vector_load %arg10[%get3A_1460, %get3A_1461] {strides = array<i32>} : memref<4x128xi32, #tpu.memory_space<vmem>>, vector<16xi32>,
      %mul3A_1463 = arith.constant 2 : i32
      %mul3A_1464 = vector.broadcast %mul3A_1463 : i32 to vector<16xi32>
      %mul3A_1465 = arith.muli %get3A_1458, %mul3A_1464 : vector<16xi32>
      %gather3A_1466 = tpu.vector_load_idx %arg8[%mul3A_1465] : memref<20480xf32, #tpu.memory_space<vmem>>[vector<16xi32>], vector<16xf32>,
      %mul3A_1467 = arith.constant 2 : i32
      %mul3A_1468 = vector.broadcast %mul3A_1467 : i32 to vector<16xi32>
      %mul3A_1469 = arith.muli %get3A_1462, %mul3A_1468 : vector<16xi32>
      %add3A_1470 = arith.constant 1 : i32
      %add3A_1471 = vector.broadcast %add3A_1470 : i32 to vector<16xi32>
      %add3A_1472 = arith.addi %mul3A_1469, %add3A_1471 : vector<16xi32>
      %gather3A_1473 = tpu.vector_load_idx %arg8[%add3A_1472] : memref<20480xf32, #tpu.memory_space<vmem>>[vector<16xi32>], vector<16xf32>,
      %add3A_1474 = arith.addf %gather3A_1466, %gather3A_1473 : vector<16xf32>
      %mul3A_1475 = arith.constant 2.000000e-01 : f32
      %mul3A_1476 = vector.broadcast %mul3A_1475 : f32 to vector<16xf32>
      %mul3A_1477 = arith.mulf %mul3A_1476, %add3A_1474 : vector<16xf32>
      %max3A_1478 = arith.maximumf %add3A_1474, %mul3A_1477 : vector<16xf32>
      %exp3A_1479 = math.exp %max3A_1478 : vector<16xf32>
      %swap3A_1480 = arith.constant 80 : index
      %swap3A_1481 = tpu.vector_load %arg11[%swap3A_1480] {strides = array<i32>} : memref<128xf32, #tpu.memory_space<vmem>>, vector<16xf32>,
      tpu.vector_store %arg11[%swap3A_1480], %exp3A_1479 {strides = array<i32>} : memref<128xf32, #tpu.memory_space<vmem>>, vector<16xf32>,
      tpu.vector_store_idx %arg12[%get3A_1462], %exp3A_1479 {add = true} : memref<10240xf32, #tpu.memory_space<vmem>>[vector<16xi32>], vector<16xf32>,
      %get3A_1482 = arith.constant 3 : i32
      %get3A_1483 = arith.index_cast %get3A_1482 : i32 to index
      %get3A_1484 = arith.constant 96 : index
      %get3A_1485 = tpu.vector_load %arg9[%get3A_1483, %get3A_1484] {strides = array<i32>} : memref<4x128xi32, #tpu.memory_space<vmem>>, vector<16xi32>,
      %get3A_1486 = arith.constant 3 : i32
      %get3A_1487 = arith.index_cast %get3A_1486 : i32 to index
      %get3A_1488 = arith.constant 96 : index
      %get3A_1489 = tpu.vector_load %arg10[%get3A_1487, %get3A_1488] {strides = array<i32>} : memref<4x128xi32, #tpu.memory_space<vmem>>, vector<16xi32>,
      %mul3A_1490 = arith.constant 2 : i32
      %mul3A_1491 = vector.broadcast %mul3A_1490 : i32 to vector<16xi32>
      %mul3A_1492 = arith.muli %get3A_1485, %mul3A_1491 : vector<16xi32>
      %gather3A_1493 = tpu.vector_load_idx %arg8[%mul3A_1492] : memref<20480xf32, #tpu.memory_space<vmem>>[vector<16xi32>], vector<16xf32>,
      %mul3A_1494 = arith.constant 2 : i32
      %mul3A_1495 = vector.broadcast %mul3A_1494 : i32 to vector<16xi32>
      %mul3A_1496 = arith.muli %get3A_1489, %mul3A_1495 : vector<16xi32>
      %add3A_1497 = arith.constant 1 : i32
      %add3A_1498 = vector.broadcast %add3A_1497 : i32 to vector<16xi32>
      %add3A_1499 = arith.addi %mul3A_1496, %add3A_1498 : vector<16xi32>
      %gather3A_1500 = tpu.vector_load_idx %arg8[%add3A_1499] : memref<20480xf32, #tpu.memory_space<vmem>>[vector<16xi32>], vector<16xf32>,
      %add3A_1501 = arith.addf %gather3A_1493, %gather3A_1500 : vector<16xf32>
      %mul3A_1502 = arith.constant 2.000000e-01 : f32
      %mul3A_1503 = vector.broadcast %mul3A_1502 : f32 to vector<16xf32>
      %mul3A_1504 = arith.mulf %mul3A_1503, %add3A_1501 : vector<16xf32>
      %max3A_1505 = arith.maximumf %add3A_1501, %mul3A_1504 : vector<16xf32>
      %exp3A_1506 = math.exp %max3A_1505 : vector<16xf32>
      %swap3A_1507 = arith.constant 96 : index
      %swap3A_1508 = tpu.vector_load %arg11[%swap3A_1507] {strides = array<i32>} : memref<128xf32, #tpu.memory_space<vmem>>, vector<16xf32>,
      tpu.vector_store %arg11[%swap3A_1507], %exp3A_1506 {strides = array<i32>} : memref<128xf32, #tpu.memory_space<vmem>>, vector<16xf32>,
      tpu.vector_store_idx %arg12[%get3A_1489], %exp3A_1506 {add = true} : memref<10240xf32, #tpu.memory_space<vmem>>[vector<16xi32>], vector<16xf32>,
      %get3A_1509 = arith.constant 3 : i32
      %get3A_1510 = arith.index_cast %get3A_1509 : i32 to index
      %get3A_1511 = arith.constant 112 : index
      %get3A_1512 = tpu.vector_load %arg9[%get3A_1510, %get3A_1511] {strides = array<i32>} : memref<4x128xi32, #tpu.memory_space<vmem>>, vector<16xi32>,
      %get3A_1513 = arith.constant 3 : i32
      %get3A_1514 = arith.index_cast %get3A_1513 : i32 to index
      %get3A_1515 = arith.constant 112 : index
      %get3A_1516 = tpu.vector_load %arg10[%get3A_1514, %get3A_1515] {strides = array<i32>} : memref<4x128xi32, #tpu.memory_space<vmem>>, vector<16xi32>,
      %mul3A_1517 = arith.constant 2 : i32
      %mul3A_1518 = vector.broadcast %mul3A_1517 : i32 to vector<16xi32>
      %mul3A_1519 = arith.muli %get3A_1512, %mul3A_1518 : vector<16xi32>
      %gather3A_1520 = tpu.vector_load_idx %arg8[%mul3A_1519] : memref<20480xf32, #tpu.memory_space<vmem>>[vector<16xi32>], vector<16xf32>,
      %mul3A_1521 = arith.constant 2 : i32
      %mul3A_1522 = vector.broadcast %mul3A_1521 : i32 to vector<16xi32>
      %mul3A_1523 = arith.muli %get3A_1516, %mul3A_1522 : vector<16xi32>
      %add3A_1524 = arith.constant 1 : i32
      %add3A_1525 = vector.broadcast %add3A_1524 : i32 to vector<16xi32>
      %add3A_1526 = arith.addi %mul3A_1523, %add3A_1525 : vector<16xi32>
      %gather3A_1527 = tpu.vector_load_idx %arg8[%add3A_1526] : memref<20480xf32, #tpu.memory_space<vmem>>[vector<16xi32>], vector<16xf32>,
      %add3A_1528 = arith.addf %gather3A_1520, %gather3A_1527 : vector<16xf32>
      %mul3A_1529 = arith.constant 2.000000e-01 : f32
      %mul3A_1530 = vector.broadcast %mul3A_1529 : f32 to vector<16xf32>
      %mul3A_1531 = arith.mulf %mul3A_1530, %add3A_1528 : vector<16xf32>
      %max3A_1532 = arith.maximumf %add3A_1528, %mul3A_1531 : vector<16xf32>
      %exp3A_1533 = math.exp %max3A_1532 : vector<16xf32>
      %swap3A_1534 = arith.constant 112 : index
      %swap3A_1535 = tpu.vector_load %arg11[%swap3A_1534] {strides = array<i32>} : memref<128xf32, #tpu.memory_space<vmem>>, vector<16xf32>,
      tpu.vector_store %arg11[%swap3A_1534], %exp3A_1533 {strides = array<i32>} : memref<128xf32, #tpu.memory_space<vmem>>, vector<16xf32>,
      tpu.vector_store_idx %arg12[%get3A_1516], %exp3A_1533 {add = true} : memref<10240xf32, #tpu.memory_space<vmem>>[vector<16xi32>], vector<16xf32>,
      %scan3A_1536 = arith.constant 0 : i32
      %scan3A_1537 = arith.constant 32 : i32
      %scan3A_1538 = arith.addi %scan3A_1536, %scan3A_1537 : i32
      %scan3A_1539 = arith.constant 1 : i32
      scf.for %scan3A_1573 = %scan3A_1536 to %scan3A_1538 step %scan3A_1539  : i32 {
        %mul3A_1574 = arith.constant 4 : i32
        %mul3A_1575 = arith.muli %scan3A_1573, %mul3A_1574 : i32
        %add3A_1576 = arith.constant 0 : i32
        %add3A_1577 = arith.addi %add3A_1576, %mul3A_1575 : i32
        %broadcast_in_dim3A_1578 = arith.constant 0 : i32
        %broadcast_in_dim3A_1579 = vector.broadcast %broadcast_in_dim3A_1578 : i32 to vector<16xi32>
        %add3A_1580 = arith.constant 0 : i32
        %add3A_1581 = arith.addi %add3A_1577, %add3A_1580 : i32
        %add3A_1582 = vector.broadcast %add3A_1581 : i32 to vector<16xi32>
        %add3A_1583 = arith.addi %broadcast_in_dim3A_1579, %add3A_1582 : vector<16xi32>
        %gather3A_1584 = tpu.vector_load_idx %arg11[%add3A_1583] : memref<128xf32, #tpu.memory_space<vmem>>[vector<16xi32>], vector<16xf32>,
        %add3A_1585 = arith.constant 0 : i32
        %add3A_1586 = arith.addi %add3A_1577, %add3A_1585 : i32
        %get3A_1587 = arith.constant 1 : i32
        %get3A_1588 = arith.index_cast %get3A_1587 : i32 to index
        %get3A_1589 = arith.index_cast %add3A_1586 : i32 to index
        %get3A_1590 = arith.constant 0 : index
        %get3A_1591 = tpu.vector_load %arg13[%get3A_1588, %get3A_1589, %get3A_1590] {strides = array<i32>} : memref<2x128x64xf32, #tpu.memory_space<vmem>>, vector<16xf32>,
        %mul3A_1592 = arith.mulf %get3A_1591, %gather3A_1584 : vector<16xf32>
        %add3A_1593 = arith.constant 0 : i32
        %add3A_1594 = arith.addi %add3A_1577, %add3A_1593 : i32
        %swap3A_1595 = arith.constant 1 : i32
        %swap3A_1596 = arith.index_cast %swap3A_1595 : i32 to index
        %swap3A_1597 = arith.index_cast %add3A_1594 : i32 to index
        %swap3A_1598 = arith.constant 0 : index
        %swap3A_1599 = tpu.vector_load %arg13[%swap3A_1596, %swap3A_1597, %swap3A_1598] {strides = array<i32>} : memref<2x128x64xf32, #tpu.memory_space<vmem>>, vector<16xf32>,
        tpu.vector_store %arg13[%swap3A_1596, %swap3A_1597, %swap3A_1598], %mul3A_1592 {strides = array<i32>} : memref<2x128x64xf32, #tpu.memory_space<vmem>>, vector<16xf32>,
        %add3A_1600 = arith.constant 0 : i32
        %add3A_1601 = arith.addi %add3A_1577, %add3A_1600 : i32
        %get3A_1602 = arith.constant 1 : i32
        %get3A_1603 = arith.index_cast %get3A_1602 : i32 to index
        %get3A_1604 = arith.index_cast %add3A_1601 : i32 to index
        %get3A_1605 = arith.constant 16 : index
        %get3A_1606 = tpu.vector_load %arg13[%get3A_1603, %get3A_1604, %get3A_1605] {strides = array<i32>} : memref<2x128x64xf32, #tpu.memory_space<vmem>>, vector<16xf32>,
        %mul3A_1607 = arith.mulf %get3A_1606, %gather3A_1584 : vector<16xf32>
        %add3A_1608 = arith.constant 0 : i32
        %add3A_1609 = arith.addi %add3A_1577, %add3A_1608 : i32
        %swap3A_1610 = arith.constant 1 : i32
        %swap3A_1611 = arith.index_cast %swap3A_1610 : i32 to index
        %swap3A_1612 = arith.index_cast %add3A_1609 : i32 to index
        %swap3A_1613 = arith.constant 16 : index
        %swap3A_1614 = tpu.vector_load %arg13[%swap3A_1611, %swap3A_1612, %swap3A_1613] {strides = array<i32>} : memref<2x128x64xf32, #tpu.memory_space<vmem>>, vector<16xf32>,
        tpu.vector_store %arg13[%swap3A_1611, %swap3A_1612, %swap3A_1613], %mul3A_1607 {strides = array<i32>} : memref<2x128x64xf32, #tpu.memory_space<vmem>>, vector<16xf32>,
        %add3A_1615 = arith.constant 0 : i32
        %add3A_1616 = arith.addi %add3A_1577, %add3A_1615 : i32
        %get3A_1617 = arith.constant 1 : i32
        %get3A_1618 = arith.index_cast %get3A_1617 : i32 to index
        %get3A_1619 = arith.index_cast %add3A_1616 : i32 to index
        %get3A_1620 = arith.constant 32 : index
        %get3A_1621 = tpu.vector_load %arg13[%get3A_1618, %get3A_1619, %get3A_1620] {strides = array<i32>} : memref<2x128x64xf32, #tpu.memory_space<vmem>>, vector<16xf32>,
        %mul3A_1622 = arith.mulf %get3A_1621, %gather3A_1584 : vector<16xf32>
        %add3A_1623 = arith.constant 0 : i32
        %add3A_1624 = arith.addi %add3A_1577, %add3A_1623 : i32
        %swap3A_1625 = arith.constant 1 : i32
        %swap3A_1626 = arith.index_cast %swap3A_1625 : i32 to index
        %swap3A_1627 = arith.index_cast %add3A_1624 : i32 to index
        %swap3A_1628 = arith.constant 32 : index
        %swap3A_1629 = tpu.vector_load %arg13[%swap3A_1626, %swap3A_1627, %swap3A_1628] {strides = array<i32>} : memref<2x128x64xf32, #tpu.memory_space<vmem>>, vector<16xf32>,
        tpu.vector_store %arg13[%swap3A_1626, %swap3A_1627, %swap3A_1628], %mul3A_1622 {strides = array<i32>} : memref<2x128x64xf32, #tpu.memory_space<vmem>>, vector<16xf32>,
        %add3A_1630 = arith.constant 0 : i32
        %add3A_1631 = arith.addi %add3A_1577, %add3A_1630 : i32
        %get3A_1632 = arith.constant 1 : i32
        %get3A_1633 = arith.index_cast %get3A_1632 : i32 to index
        %get3A_1634 = arith.index_cast %add3A_1631 : i32 to index
        %get3A_1635 = arith.constant 48 : index
        %get3A_1636 = tpu.vector_load %arg13[%get3A_1633, %get3A_1634, %get3A_1635] {strides = array<i32>} : memref<2x128x64xf32, #tpu.memory_space<vmem>>, vector<16xf32>,
        %mul3A_1637 = arith.mulf %get3A_1636, %gather3A_1584 : vector<16xf32>
        %add3A_1638 = arith.constant 0 : i32
        %add3A_1639 = arith.addi %add3A_1577, %add3A_1638 : i32
        %swap3A_1640 = arith.constant 1 : i32
        %swap3A_1641 = arith.index_cast %swap3A_1640 : i32 to index
        %swap3A_1642 = arith.index_cast %add3A_1639 : i32 to index
        %swap3A_1643 = arith.constant 48 : index
        %swap3A_1644 = tpu.vector_load %arg13[%swap3A_1641, %swap3A_1642, %swap3A_1643] {strides = array<i32>} : memref<2x128x64xf32, #tpu.memory_space<vmem>>, vector<16xf32>,
        tpu.vector_store %arg13[%swap3A_1641, %swap3A_1642, %swap3A_1643], %mul3A_1637 {strides = array<i32>} : memref<2x128x64xf32, #tpu.memory_space<vmem>>, vector<16xf32>,
        %broadcast_in_dim3A_1645 = arith.constant 0 : i32
        %broadcast_in_dim3A_1646 = vector.broadcast %broadcast_in_dim3A_1645 : i32 to vector<16xi32>
        %add3A_1647 = arith.constant 1 : i32
        %add3A_1648 = arith.addi %add3A_1577, %add3A_1647 : i32
        %add3A_1649 = vector.broadcast %add3A_1648 : i32 to vector<16xi32>
        %add3A_1650 = arith.addi %broadcast_in_dim3A_1646, %add3A_1649 : vector<16xi32>
        %gather3A_1651 = tpu.vector_load_idx %arg11[%add3A_1650] : memref<128xf32, #tpu.memory_space<vmem>>[vector<16xi32>], vector<16xf32>,
        %add3A_1652 = arith.constant 1 : i32
        %add3A_1653 = arith.addi %add3A_1577, %add3A_1652 : i32
        %get3A_1654 = arith.constant 1 : i32
        %get3A_1655 = arith.index_cast %get3A_1654 : i32 to index
        %get3A_1656 = arith.index_cast %add3A_1653 : i32 to index
        %get3A_1657 = arith.constant 0 : index
        %get3A_1658 = tpu.vector_load %arg13[%get3A_1655, %get3A_1656, %get3A_1657] {strides = array<i32>} : memref<2x128x64xf32, #tpu.memory_space<vmem>>, vector<16xf32>,
        %mul3A_1659 = arith.mulf %get3A_1658, %gather3A_1651 : vector<16xf32>
        %add3A_1660 = arith.constant 1 : i32
        %add3A_1661 = arith.addi %add3A_1577, %add3A_1660 : i32
        %swap3A_1662 = arith.constant 1 : i32
        %swap3A_1663 = arith.index_cast %swap3A_1662 : i32 to index
        %swap3A_1664 = arith.index_cast %add3A_1661 : i32 to index
        %swap3A_1665 = arith.constant 0 : index
        %swap3A_1666 = tpu.vector_load %arg13[%swap3A_1663, %swap3A_1664, %swap3A_1665] {strides = array<i32>} : memref<2x128x64xf32, #tpu.memory_space<vmem>>, vector<16xf32>,
        tpu.vector_store %arg13[%swap3A_1663, %swap3A_1664, %swap3A_1665], %mul3A_1659 {strides = array<i32>} : memref<2x128x64xf32, #tpu.memory_space<vmem>>, vector<16xf32>,
        %add3A_1667 = arith.constant 1 : i32
        %add3A_1668 = arith.addi %add3A_1577, %add3A_1667 : i32
        %get3A_1669 = arith.constant 1 : i32
        %get3A_1670 = arith.index_cast %get3A_1669 : i32 to index
        %get3A_1671 = arith.index_cast %add3A_1668 : i32 to index
        %get3A_1672 = arith.constant 16 : index
        %get3A_1673 = tpu.vector_load %arg13[%get3A_1670, %get3A_1671, %get3A_1672] {strides = array<i32>} : memref<2x128x64xf32, #tpu.memory_space<vmem>>, vector<16xf32>,
        %mul3A_1674 = arith.mulf %get3A_1673, %gather3A_1651 : vector<16xf32>
        %add3A_1675 = arith.constant 1 : i32
        %add3A_1676 = arith.addi %add3A_1577, %add3A_1675 : i32
        %swap3A_1677 = arith.constant 1 : i32
        %swap3A_1678 = arith.index_cast %swap3A_1677 : i32 to index
        %swap3A_1679 = arith.index_cast %add3A_1676 : i32 to index
        %swap3A_1680 = arith.constant 16 : index
        %swap3A_1681 = tpu.vector_load %arg13[%swap3A_1678, %swap3A_1679, %swap3A_1680] {strides = array<i32>} : memref<2x128x64xf32, #tpu.memory_space<vmem>>, vector<16xf32>,
        tpu.vector_store %arg13[%swap3A_1678, %swap3A_1679, %swap3A_1680], %mul3A_1674 {strides = array<i32>} : memref<2x128x64xf32, #tpu.memory_space<vmem>>, vector<16xf32>,
        %add3A_1682 = arith.constant 1 : i32
        %add3A_1683 = arith.addi %add3A_1577, %add3A_1682 : i32
        %get3A_1684 = arith.constant 1 : i32
        %get3A_1685 = arith.index_cast %get3A_1684 : i32 to index
        %get3A_1686 = arith.index_cast %add3A_1683 : i32 to index
        %get3A_1687 = arith.constant 32 : index
        %get3A_1688 = tpu.vector_load %arg13[%get3A_1685, %get3A_1686, %get3A_1687] {strides = array<i32>} : memref<2x128x64xf32, #tpu.memory_space<vmem>>, vector<16xf32>,
        %mul3A_1689 = arith.mulf %get3A_1688, %gather3A_1651 : vector<16xf32>
        %add3A_1690 = arith.constant 1 : i32
        %add3A_1691 = arith.addi %add3A_1577, %add3A_1690 : i32
        %swap3A_1692 = arith.constant 1 : i32
        %swap3A_1693 = arith.index_cast %swap3A_1692 : i32 to index
        %swap3A_1694 = arith.index_cast %add3A_1691 : i32 to index
        %swap3A_1695 = arith.constant 32 : index
        %swap3A_1696 = tpu.vector_load %arg13[%swap3A_1693, %swap3A_1694, %swap3A_1695] {strides = array<i32>} : memref<2x128x64xf32, #tpu.memory_space<vmem>>, vector<16xf32>,
        tpu.vector_store %arg13[%swap3A_1693, %swap3A_1694, %swap3A_1695], %mul3A_1689 {strides = array<i32>} : memref<2x128x64xf32, #tpu.memory_space<vmem>>, vector<16xf32>,
        %add3A_1697 = arith.constant 1 : i32
        %add3A_1698 = arith.addi %add3A_1577, %add3A_1697 : i32
        %get3A_1699 = arith.constant 1 : i32
        %get3A_1700 = arith.index_cast %get3A_1699 : i32 to index
        %get3A_1701 = arith.index_cast %add3A_1698 : i32 to index
        %get3A_1702 = arith.constant 48 : index
        %get3A_1703 = tpu.vector_load %arg13[%get3A_1700, %get3A_1701, %get3A_1702] {strides = array<i32>} : memref<2x128x64xf32, #tpu.memory_space<vmem>>, vector<16xf32>,
        %mul3A_1704 = arith.mulf %get3A_1703, %gather3A_1651 : vector<16xf32>
        %add3A_1705 = arith.constant 1 : i32
        %add3A_1706 = arith.addi %add3A_1577, %add3A_1705 : i32
        %swap3A_1707 = arith.constant 1 : i32
        %swap3A_1708 = arith.index_cast %swap3A_1707 : i32 to index
        %swap3A_1709 = arith.index_cast %add3A_1706 : i32 to index
        %swap3A_1710 = arith.constant 48 : index
        %swap3A_1711 = tpu.vector_load %arg13[%swap3A_1708, %swap3A_1709, %swap3A_1710] {strides = array<i32>} : memref<2x128x64xf32, #tpu.memory_space<vmem>>, vector<16xf32>,
        tpu.vector_store %arg13[%swap3A_1708, %swap3A_1709, %swap3A_1710], %mul3A_1704 {strides = array<i32>} : memref<2x128x64xf32, #tpu.memory_space<vmem>>, vector<16xf32>,
        %broadcast_in_dim3A_1712 = arith.constant 0 : i32
        %broadcast_in_dim3A_1713 = vector.broadcast %broadcast_in_dim3A_1712 : i32 to vector<16xi32>
        %add3A_1714 = arith.constant 2 : i32
        %add3A_1715 = arith.addi %add3A_1577, %add3A_1714 : i32
        %add3A_1716 = vector.broadcast %add3A_1715 : i32 to vector<16xi32>
        %add3A_1717 = arith.addi %broadcast_in_dim3A_1713, %add3A_1716 : vector<16xi32>
        %gather3A_1718 = tpu.vector_load_idx %arg11[%add3A_1717] : memref<128xf32, #tpu.memory_space<vmem>>[vector<16xi32>], vector<16xf32>,
        %add3A_1719 = arith.constant 2 : i32
        %add3A_1720 = arith.addi %add3A_1577, %add3A_1719 : i32
        %get3A_1721 = arith.constant 1 : i32
        %get3A_1722 = arith.index_cast %get3A_1721 : i32 to index
        %get3A_1723 = arith.index_cast %add3A_1720 : i32 to index
        %get3A_1724 = arith.constant 0 : index
        %get3A_1725 = tpu.vector_load %arg13[%get3A_1722, %get3A_1723, %get3A_1724] {strides = array<i32>} : memref<2x128x64xf32, #tpu.memory_space<vmem>>, vector<16xf32>,
        %mul3A_1726 = arith.mulf %get3A_1725, %gather3A_1718 : vector<16xf32>
        %add3A_1727 = arith.constant 2 : i32
        %add3A_1728 = arith.addi %add3A_1577, %add3A_1727 : i32
        %swap3A_1729 = arith.constant 1 : i32
        %swap3A_1730 = arith.index_cast %swap3A_1729 : i32 to index
        %swap3A_1731 = arith.index_cast %add3A_1728 : i32 to index
        %swap3A_1732 = arith.constant 0 : index
        %swap3A_1733 = tpu.vector_load %arg13[%swap3A_1730, %swap3A_1731, %swap3A_1732] {strides = array<i32>} : memref<2x128x64xf32, #tpu.memory_space<vmem>>, vector<16xf32>,
        tpu.vector_store %arg13[%swap3A_1730, %swap3A_1731, %swap3A_1732], %mul3A_1726 {strides = array<i32>} : memref<2x128x64xf32, #tpu.memory_space<vmem>>, vector<16xf32>,
        %add3A_1734 = arith.constant 2 : i32
        %add3A_1735 = arith.addi %add3A_1577, %add3A_1734 : i32
        %get3A_1736 = arith.constant 1 : i32
        %get3A_1737 = arith.index_cast %get3A_1736 : i32 to index
        %get3A_1738 = arith.index_cast %add3A_1735 : i32 to index
        %get3A_1739 = arith.constant 16 : index
        %get3A_1740 = tpu.vector_load %arg13[%get3A_1737, %get3A_1738, %get3A_1739] {strides = array<i32>} : memref<2x128x64xf32, #tpu.memory_space<vmem>>, vector<16xf32>,
        %mul3A_1741 = arith.mulf %get3A_1740, %gather3A_1718 : vector<16xf32>
        %add3A_1742 = arith.constant 2 : i32
        %add3A_1743 = arith.addi %add3A_1577, %add3A_1742 : i32
        %swap3A_1744 = arith.constant 1 : i32
        %swap3A_1745 = arith.index_cast %swap3A_1744 : i32 to index
        %swap3A_1746 = arith.index_cast %add3A_1743 : i32 to index
        %swap3A_1747 = arith.constant 16 : index
        %swap3A_1748 = tpu.vector_load %arg13[%swap3A_1745, %swap3A_1746, %swap3A_1747] {strides = array<i32>} : memref<2x128x64xf32, #tpu.memory_space<vmem>>, vector<16xf32>,
        tpu.vector_store %arg13[%swap3A_1745, %swap3A_1746, %swap3A_1747], %mul3A_1741 {strides = array<i32>} : memref<2x128x64xf32, #tpu.memory_space<vmem>>, vector<16xf32>,
        %add3A_1749 = arith.constant 2 : i32
        %add3A_1750 = arith.addi %add3A_1577, %add3A_1749 : i32
        %get3A_1751 = arith.constant 1 : i32
        %get3A_1752 = arith.index_cast %get3A_1751 : i32 to index
        %get3A_1753 = arith.index_cast %add3A_1750 : i32 to index
        %get3A_1754 = arith.constant 32 : index
        %get3A_1755 = tpu.vector_load %arg13[%get3A_1752, %get3A_1753, %get3A_1754] {strides = array<i32>} : memref<2x128x64xf32, #tpu.memory_space<vmem>>, vector<16xf32>,
        %mul3A_1756 = arith.mulf %get3A_1755, %gather3A_1718 : vector<16xf32>
        %add3A_1757 = arith.constant 2 : i32
        %add3A_1758 = arith.addi %add3A_1577, %add3A_1757 : i32
        %swap3A_1759 = arith.constant 1 : i32
        %swap3A_1760 = arith.index_cast %swap3A_1759 : i32 to index
        %swap3A_1761 = arith.index_cast %add3A_1758 : i32 to index
        %swap3A_1762 = arith.constant 32 : index
        %swap3A_1763 = tpu.vector_load %arg13[%swap3A_1760, %swap3A_1761, %swap3A_1762] {strides = array<i32>} : memref<2x128x64xf32, #tpu.memory_space<vmem>>, vector<16xf32>,
        tpu.vector_store %arg13[%swap3A_1760, %swap3A_1761, %swap3A_1762], %mul3A_1756 {strides = array<i32>} : memref<2x128x64xf32, #tpu.memory_space<vmem>>, vector<16xf32>,
        %add3A_1764 = arith.constant 2 : i32
        %add3A_1765 = arith.addi %add3A_1577, %add3A_1764 : i32
        %get3A_1766 = arith.constant 1 : i32
        %get3A_1767 = arith.index_cast %get3A_1766 : i32 to index
        %get3A_1768 = arith.index_cast %add3A_1765 : i32 to index
        %get3A_1769 = arith.constant 48 : index
        %get3A_1770 = tpu.vector_load %arg13[%get3A_1767, %get3A_1768, %get3A_1769] {strides = array<i32>} : memref<2x128x64xf32, #tpu.memory_space<vmem>>, vector<16xf32>,
        %mul3A_1771 = arith.mulf %get3A_1770, %gather3A_1718 : vector<16xf32>
        %add3A_1772 = arith.constant 2 : i32
        %add3A_1773 = arith.addi %add3A_1577, %add3A_1772 : i32
        %swap3A_1774 = arith.constant 1 : i32
        %swap3A_1775 = arith.index_cast %swap3A_1774 : i32 to index
        %swap3A_1776 = arith.index_cast %add3A_1773 : i32 to index
        %swap3A_1777 = arith.constant 48 : index
        %swap3A_1778 = tpu.vector_load %arg13[%swap3A_1775, %swap3A_1776, %swap3A_1777] {strides = array<i32>} : memref<2x128x64xf32, #tpu.memory_space<vmem>>, vector<16xf32>,
        tpu.vector_store %arg13[%swap3A_1775, %swap3A_1776, %swap3A_1777], %mul3A_1771 {strides = array<i32>} : memref<2x128x64xf32, #tpu.memory_space<vmem>>, vector<16xf32>,
        %broadcast_in_dim3A_1779 = arith.constant 0 : i32
        %broadcast_in_dim3A_1780 = vector.broadcast %broadcast_in_dim3A_1779 : i32 to vector<16xi32>
        %add3A_1781 = arith.constant 3 : i32
        %add3A_1782 = arith.addi %add3A_1577, %add3A_1781 : i32
        %add3A_1783 = vector.broadcast %add3A_1782 : i32 to vector<16xi32>
        %add3A_1784 = arith.addi %broadcast_in_dim3A_1780, %add3A_1783 : vector<16xi32>
        %gather3A_1785 = tpu.vector_load_idx %arg11[%add3A_1784] : memref<128xf32, #tpu.memory_space<vmem>>[vector<16xi32>], vector<16xf32>,
        %add3A_1786 = arith.constant 3 : i32
        %add3A_1787 = arith.addi %add3A_1577, %add3A_1786 : i32
        %get3A_1788 = arith.constant 1 : i32
        %get3A_1789 = arith.index_cast %get3A_1788 : i32 to index
        %get3A_1790 = arith.index_cast %add3A_1787 : i32 to index
        %get3A_1791 = arith.constant 0 : index
        %get3A_1792 = tpu.vector_load %arg13[%get3A_1789, %get3A_1790, %get3A_1791] {strides = array<i32>} : memref<2x128x64xf32, #tpu.memory_space<vmem>>, vector<16xf32>,
        %mul3A_1793 = arith.mulf %get3A_1792, %gather3A_1785 : vector<16xf32>
        %add3A_1794 = arith.constant 3 : i32
        %add3A_1795 = arith.addi %add3A_1577, %add3A_1794 : i32
        %swap3A_1796 = arith.constant 1 : i32
        %swap3A_1797 = arith.index_cast %swap3A_1796 : i32 to index
        %swap3A_1798 = arith.index_cast %add3A_1795 : i32 to index
        %swap3A_1799 = arith.constant 0 : index
        %swap3A_1800 = tpu.vector_load %arg13[%swap3A_1797, %swap3A_1798, %swap3A_1799] {strides = array<i32>} : memref<2x128x64xf32, #tpu.memory_space<vmem>>, vector<16xf32>,
        tpu.vector_store %arg13[%swap3A_1797, %swap3A_1798, %swap3A_1799], %mul3A_1793 {strides = array<i32>} : memref<2x128x64xf32, #tpu.memory_space<vmem>>, vector<16xf32>,
        %add3A_1801 = arith.constant 3 : i32
        %add3A_1802 = arith.addi %add3A_1577, %add3A_1801 : i32
        %get3A_1803 = arith.constant 1 : i32
        %get3A_1804 = arith.index_cast %get3A_1803 : i32 to index
        %get3A_1805 = arith.index_cast %add3A_1802 : i32 to index
        %get3A_1806 = arith.constant 16 : index
        %get3A_1807 = tpu.vector_load %arg13[%get3A_1804, %get3A_1805, %get3A_1806] {strides = array<i32>} : memref<2x128x64xf32, #tpu.memory_space<vmem>>, vector<16xf32>,
        %mul3A_1808 = arith.mulf %get3A_1807, %gather3A_1785 : vector<16xf32>
        %add3A_1809 = arith.constant 3 : i32
        %add3A_1810 = arith.addi %add3A_1577, %add3A_1809 : i32
        %swap3A_1811 = arith.constant 1 : i32
        %swap3A_1812 = arith.index_cast %swap3A_1811 : i32 to index
        %swap3A_1813 = arith.index_cast %add3A_1810 : i32 to index
        %swap3A_1814 = arith.constant 16 : index
        %swap3A_1815 = tpu.vector_load %arg13[%swap3A_1812, %swap3A_1813, %swap3A_1814] {strides = array<i32>} : memref<2x128x64xf32, #tpu.memory_space<vmem>>, vector<16xf32>,
        tpu.vector_store %arg13[%swap3A_1812, %swap3A_1813, %swap3A_1814], %mul3A_1808 {strides = array<i32>} : memref<2x128x64xf32, #tpu.memory_space<vmem>>, vector<16xf32>,
        %add3A_1816 = arith.constant 3 : i32
        %add3A_1817 = arith.addi %add3A_1577, %add3A_1816 : i32
        %get3A_1818 = arith.constant 1 : i32
        %get3A_1819 = arith.index_cast %get3A_1818 : i32 to index
        %get3A_1820 = arith.index_cast %add3A_1817 : i32 to index
        %get3A_1821 = arith.constant 32 : index
        %get3A_1822 = tpu.vector_load %arg13[%get3A_1819, %get3A_1820, %get3A_1821] {strides = array<i32>} : memref<2x128x64xf32, #tpu.memory_space<vmem>>, vector<16xf32>,
        %mul3A_1823 = arith.mulf %get3A_1822, %gather3A_1785 : vector<16xf32>
        %add3A_1824 = arith.constant 3 : i32
        %add3A_1825 = arith.addi %add3A_1577, %add3A_1824 : i32
        %swap3A_1826 = arith.constant 1 : i32
        %swap3A_1827 = arith.index_cast %swap3A_1826 : i32 to index
        %swap3A_1828 = arith.index_cast %add3A_1825 : i32 to index
        %swap3A_1829 = arith.constant 32 : index
        %swap3A_1830 = tpu.vector_load %arg13[%swap3A_1827, %swap3A_1828, %swap3A_1829] {strides = array<i32>} : memref<2x128x64xf32, #tpu.memory_space<vmem>>, vector<16xf32>,
        tpu.vector_store %arg13[%swap3A_1827, %swap3A_1828, %swap3A_1829], %mul3A_1823 {strides = array<i32>} : memref<2x128x64xf32, #tpu.memory_space<vmem>>, vector<16xf32>,
        %add3A_1831 = arith.constant 3 : i32
        %add3A_1832 = arith.addi %add3A_1577, %add3A_1831 : i32
        %get3A_1833 = arith.constant 1 : i32
        %get3A_1834 = arith.index_cast %get3A_1833 : i32 to index
        %get3A_1835 = arith.index_cast %add3A_1832 : i32 to index
        %get3A_1836 = arith.constant 48 : index
        %get3A_1837 = tpu.vector_load %arg13[%get3A_1834, %get3A_1835, %get3A_1836] {strides = array<i32>} : memref<2x128x64xf32, #tpu.memory_space<vmem>>, vector<16xf32>,
        %mul3A_1838 = arith.mulf %get3A_1837, %gather3A_1785 : vector<16xf32>
        %add3A_1839 = arith.constant 3 : i32
        %add3A_1840 = arith.addi %add3A_1577, %add3A_1839 : i32
        %swap3A_1841 = arith.constant 1 : i32
        %swap3A_1842 = arith.index_cast %swap3A_1841 : i32 to index
        %swap3A_1843 = arith.index_cast %add3A_1840 : i32 to index
        %swap3A_1844 = arith.constant 48 : index
        %swap3A_1845 = tpu.vector_load %arg13[%swap3A_1842, %swap3A_1843, %swap3A_1844] {strides = array<i32>} : memref<2x128x64xf32, #tpu.memory_space<vmem>>, vector<16xf32>,
        tpu.vector_store %arg13[%swap3A_1842, %swap3A_1843, %swap3A_1844], %mul3A_1838 {strides = array<i32>} : memref<2x128x64xf32, #tpu.memory_space<vmem>>, vector<16xf32>,
      }
      %scan3A_1540 = arith.constant 32 : i32
      %run_scoped3A_1541 = arith.constant 1 : i32
      %run_scoped3A_1542 = arith.constant 3 : i32
      "tpu.region"() ({
        %run_scoped3A_1573 = tpu.sem_alloc : memref<!tpu.dma_semaphore, #tpu.memory_space<semaphore_mem>>
        %dma_start3A_1574 = arith.constant 0 : i32
        %dma_start3A_1575 = arith.constant 0 : i32
        %dma_start3A_1576 = tpu.memref_slice %arg13[%run_scoped3A_1541, %dma_start3A_1574, %dma_start3A_1575] : memref<2x128x64xf32, #tpu.memory_space<vmem>> -> memref<1x128x64xf32, #tpu.memory_space<vmem>>
        %dma_start3A_1577 = tpu.memref_squeeze %dma_start3A_1576 : memref<1x128x64xf32, #tpu.memory_space<vmem>> -> memref<128x64xf32, #tpu.memory_space<vmem>>
        %dma_start3A_1578 = arith.constant 0 : i32
        %dma_start3A_1579 = tpu.memref_slice %arg10[%run_scoped3A_1542, %dma_start3A_1578] : memref<4x128xi32, #tpu.memory_space<vmem>> -> memref<1x128xi32, #tpu.memory_space<vmem>>
        %dma_start3A_1580 = tpu.memref_squeeze %dma_start3A_1579 : memref<1x128xi32, #tpu.memory_space<vmem>> -> memref<128xi32, #tpu.memory_space<vmem>>
        %dma_start3A_1581 = arith.constant 0 : i32
        %dma_start3A_1582 = arith.constant 0 : i32
        %dma_start3A_1583 = tpu.memref_slice %arg15[%dma_start3A_1581, %dma_start3A_1582] : memref<10240x64xf32, #tpu.memory_space<vmem_shared>> -> memref<10240x64xf32, #tpu.memory_space<vmem_shared>>
        tpu.enqueue_indirect_dma source(%dma_start3A_1577 : memref<128x64xf32, #tpu.memory_space<vmem>>) target(%dma_start3A_1583 : memref<10240x64xf32, #tpu.memory_space<vmem_shared>>) offsets(%dma_start3A_1580 : memref<128xi32, #tpu.memory_space<vmem>>) semaphore(%run_scoped3A_1573 : memref<!tpu.dma_semaphore, #tpu.memory_space<semaphore_mem>>) {add = true}
        %dma_wait3A_1584 = arith.constant 0 : i32
        %dma_wait3A_1585 = arith.constant 0 : i32
        %dma_wait3A_1586 = tpu.memref_slice %arg13[%run_scoped3A_1541, %dma_wait3A_1584, %dma_wait3A_1585] : memref<2x128x64xf32, #tpu.memory_space<vmem>> -> memref<1x128x64xf32, #tpu.memory_space<vmem>>
        %dma_wait3A_1587 = tpu.memref_squeeze %dma_wait3A_1586 : memref<1x128x64xf32, #tpu.memory_space<vmem>> -> memref<128x64xf32, #tpu.memory_space<vmem>>
        %dma_wait3A_1588 = arith.constant 0 : i32
        %dma_wait3A_1589 = tpu.memref_slice %arg10[%run_scoped3A_1542, %dma_wait3A_1588] : memref<4x128xi32, #tpu.memory_space<vmem>> -> memref<1x128xi32, #tpu.memory_space<vmem>>
        %dma_wait3A_1590 = tpu.memref_squeeze %dma_wait3A_1589 : memref<1x128xi32, #tpu.memory_space<vmem>> -> memref<128xi32, #tpu.memory_space<vmem>>
        %dma_wait3A_1591 = arith.constant 0 : i32
        %dma_wait3A_1592 = arith.constant 0 : i32
        %dma_wait3A_1593 = tpu.memref_slice %arg15[%dma_wait3A_1591, %dma_wait3A_1592] : memref<10240x64xf32, #tpu.memory_space<vmem_shared>> -> memref<10240x64xf32, #tpu.memory_space<vmem_shared>>
        tpu.wait_indirect_dma semaphore(%run_scoped3A_1573 : memref<!tpu.dma_semaphore, #tpu.memory_space<semaphore_mem>>) src(%dma_wait3A_1587 : memref<128x64xf32, #tpu.memory_space<vmem>>) dst(%dma_wait3A_1593 : memref<10240x64xf32, #tpu.memory_space<vmem_shared>>)
        tpu.yield
      }) : () -> ()
      %add3A_1543 = arith.constant 4 : i32
      %add3A_1544 = arith.addi %add3A_1265, %add3A_1543 : i32
      %min3A_1545 = arith.constant 163 : i32
      %min3A_1546 = arith.minsi %add3A_1544, %min3A_1545 : i32
      %dma_start3A_1547 = arith.constant 3 : i32
      %dma_start3A_1548 = arith.constant 0 : i32
      %dma_start3A_1549 = tpu.memref_slice %arg9[%dma_start3A_1547, %dma_start3A_1548] : memref<4x128xi32, #tpu.memory_space<vmem>> -> memref<1x128xi32, #tpu.memory_space<vmem>>
      %dma_start3A_1550 = tpu.memref_squeeze %dma_start3A_1549 : memref<1x128xi32, #tpu.memory_space<vmem>> -> memref<128xi32, #tpu.memory_space<vmem>>
      %dma_start3A_1551 = arith.constant 0 : i32
      %dma_start3A_1552 = tpu.memref_slice %arg4[%arg1, %min3A_1546, %dma_start3A_1551] : memref<16x164x128xi32, #tpu.memory_space<hbm>> -> memref<1x1x128xi32, #tpu.memory_space<hbm>>
      %dma_start3A_1553 = tpu.memref_squeeze %dma_start3A_1552 : memref<1x1x128xi32, #tpu.memory_space<hbm>> -> memref<128xi32, #tpu.memory_space<hbm>>
      %dma_start3A_1554 = arith.constant 0 : i32
      %dma_start3A_1555 = tpu.memref_slice %arg9[%dma_start3A_1547, %dma_start3A_1554] : memref<4x128xi32, #tpu.memory_space<vmem>> -> memref<1x128xi32, #tpu.memory_space<vmem>>
      %dma_start3A_1556 = tpu.memref_squeeze %dma_start3A_1555 : memref<1x128xi32, #tpu.memory_space<vmem>> -> memref<128xi32, #tpu.memory_space<vmem>>
      %dma_start3A_1557 = arith.constant 0 : i32
      %dma_start3A_1558 = tpu.memref_slice %arg4[%arg1, %min3A_1546, %dma_start3A_1557] : memref<16x164x128xi32, #tpu.memory_space<hbm>> -> memref<1x1x128xi32, #tpu.memory_space<hbm>>
      %dma_start3A_1559 = tpu.memref_squeeze %dma_start3A_1558 : memref<1x1x128xi32, #tpu.memory_space<hbm>> -> memref<128xi32, #tpu.memory_space<hbm>>
      tpu.enqueue_dma source(%dma_start3A_1559 : memref<128xi32, #tpu.memory_space<hbm>>) target(%dma_start3A_1556 : memref<128xi32, #tpu.memory_space<vmem>>) target_semaphore(%arg21 : memref<!tpu.dma_semaphore, #tpu.memory_space<semaphore_mem>>)
      %dma_start3A_1560 = arith.constant 3 : i32
      %dma_start3A_1561 = arith.constant 0 : i32
      %dma_start3A_1562 = tpu.memref_slice %arg10[%dma_start3A_1560, %dma_start3A_1561] : memref<4x128xi32, #tpu.memory_space<vmem>> -> memref<1x128xi32, #tpu.memory_space<vmem>>
      %dma_start3A_1563 = tpu.memref_squeeze %dma_start3A_1562 : memref<1x128xi32, #tpu.memory_space<vmem>> -> memref<128xi32, #tpu.memory_space<vmem>>
      %dma_start3A_1564 = arith.constant 0 : i32
      %dma_start3A_1565 = tpu.memref_slice %arg5[%arg1, %min3A_1546, %dma_start3A_1564] : memref<16x164x128xi32, #tpu.memory_space<hbm>> -> memref<1x1x128xi32, #tpu.memory_space<hbm>>
      %dma_start3A_1566 = tpu.memref_squeeze %dma_start3A_1565 : memref<1x1x128xi32, #tpu.memory_space<hbm>> -> memref<128xi32, #tpu.memory_space<hbm>>
      %dma_start3A_1567 = arith.constant 0 : i32
      %dma_start3A_1568 = tpu.memref_slice %arg10[%dma_start3A_1560, %dma_start3A_1567] : memref<4x128xi32, #tpu.memory_space<vmem>> -> memref<1x128xi32, #tpu.memory_space<vmem>>
      %dma_start3A_1569 = tpu.memref_squeeze %dma_start3A_1568 : memref<1x128xi32, #tpu.memory_space<vmem>> -> memref<128xi32, #tpu.memory_space<vmem>>
      %dma_start3A_1570 = arith.constant 0 : i32
      %dma_start3A_1571 = tpu.memref_slice %arg5[%arg1, %min3A_1546, %dma_start3A_1570] : memref<16x164x128xi32, #tpu.memory_space<hbm>> -> memref<1x1x128xi32, #tpu.memory_space<hbm>>
      %dma_start3A_1572 = tpu.memref_squeeze %dma_start3A_1571 : memref<1x1x128xi32, #tpu.memory_space<hbm>> -> memref<128xi32, #tpu.memory_space<hbm>>
      tpu.enqueue_dma source(%dma_start3A_1572 : memref<128xi32, #tpu.memory_space<hbm>>) target(%dma_start3A_1569 : memref<128xi32, #tpu.memory_space<vmem>>) target_semaphore(%arg25 : memref<!tpu.dma_semaphore, #tpu.memory_space<semaphore_mem>>)
    }
    %scan3A_194 = arith.constant 41 : i32
    %dma_wait3A_195 = arith.constant 0 : i32
    %dma_wait3A_196 = arith.constant 0 : i32
    %dma_wait3A_197 = arith.constant 0 : i32
    %dma_wait3A_198 = arith.constant 0 : i32
    %dma_wait3A_199 = tpu.memref_slice %arg13[%dma_wait3A_196, %dma_wait3A_197, %dma_wait3A_198] : memref<2x128x64xf32, #tpu.memory_space<vmem>> -> memref<1x128x64xf32, #tpu.memory_space<vmem>>
    %dma_wait3A_200 = tpu.memref_squeeze %dma_wait3A_199 : memref<1x128x64xf32, #tpu.memory_space<vmem>> -> memref<128x64xf32, #tpu.memory_space<vmem>>
    %dma_wait3A_201 = arith.constant 0 : i32
    %dma_wait3A_202 = tpu.memref_slice %arg9[%dma_wait3A_195, %dma_wait3A_201] : memref<4x128xi32, #tpu.memory_space<vmem>> -> memref<1x128xi32, #tpu.memory_space<vmem>>
    %dma_wait3A_203 = tpu.memref_squeeze %dma_wait3A_202 : memref<1x128xi32, #tpu.memory_space<vmem>> -> memref<128xi32, #tpu.memory_space<vmem>>
    %dma_wait3A_204 = arith.constant 0 : i32
    %dma_wait3A_205 = arith.constant 0 : i32
    %dma_wait3A_206 = tpu.memref_slice %arg14[%dma_wait3A_204, %dma_wait3A_205] : memref<10240x64xf32, #tpu.memory_space<vmem_shared>> -> memref<10240x64xf32, #tpu.memory_space<vmem_shared>>
    tpu.wait_indirect_dma semaphore(%arg16 : memref<!tpu.dma_semaphore, #tpu.memory_space<semaphore_mem>>) src(%dma_wait3A_206 : memref<10240x64xf32, #tpu.memory_space<vmem_shared>>) dst(%dma_wait3A_200 : memref<128x64xf32, #tpu.memory_space<vmem>>)
    %dma_wait3A_207 = arith.constant 163 : i32
    %dma_wait3A_208 = arith.constant 1 : i32
    %dma_wait3A_209 = arith.constant 0 : i32
    %dma_wait3A_210 = tpu.memref_slice %arg9[%dma_wait3A_208, %dma_wait3A_209] : memref<4x128xi32, #tpu.memory_space<vmem>> -> memref<1x128xi32, #tpu.memory_space<vmem>>
    %dma_wait3A_211 = tpu.memref_squeeze %dma_wait3A_210 : memref<1x128xi32, #tpu.memory_space<vmem>> -> memref<128xi32, #tpu.memory_space<vmem>>
    %dma_wait3A_212 = arith.constant 0 : i32
    %dma_wait3A_213 = tpu.memref_slice %arg4[%arg1, %dma_wait3A_207, %dma_wait3A_212] : memref<16x164x128xi32, #tpu.memory_space<hbm>> -> memref<1x1x128xi32, #tpu.memory_space<hbm>>
    %dma_wait3A_214 = tpu.memref_squeeze %dma_wait3A_213 : memref<1x1x128xi32, #tpu.memory_space<hbm>> -> memref<128xi32, #tpu.memory_space<hbm>>
    %dma_wait3A_215 = arith.constant 0 : i32
    %dma_wait3A_216 = tpu.memref_slice %arg9[%dma_wait3A_208, %dma_wait3A_215] : memref<4x128xi32, #tpu.memory_space<vmem>> -> memref<1x128xi32, #tpu.memory_space<vmem>>
    %dma_wait3A_217 = tpu.memref_squeeze %dma_wait3A_216 : memref<1x128xi32, #tpu.memory_space<vmem>> -> memref<128xi32, #tpu.memory_space<vmem>>
    %dma_wait3A_218 = arith.constant 0 : i32
    %dma_wait3A_219 = tpu.memref_slice %arg4[%arg1, %dma_wait3A_207, %dma_wait3A_218] : memref<16x164x128xi32, #tpu.memory_space<hbm>> -> memref<1x1x128xi32, #tpu.memory_space<hbm>>
    %dma_wait3A_220 = tpu.memref_squeeze %dma_wait3A_219 : memref<1x1x128xi32, #tpu.memory_space<hbm>> -> memref<128xi32, #tpu.memory_space<hbm>>
    tpu.wait_dma2 semaphore(%arg19 : memref<!tpu.dma_semaphore, #tpu.memory_space<semaphore_mem>>) src(%dma_wait3A_220 : memref<128xi32, #tpu.memory_space<hbm>>) dst(%dma_wait3A_217 : memref<128xi32, #tpu.memory_space<vmem>>)
    %dma_wait3A_221 = arith.constant 163 : i32
    %dma_wait3A_222 = arith.constant 2 : i32
    %dma_wait3A_223 = arith.constant 0 : i32
    %dma_wait3A_224 = tpu.memref_slice %arg9[%dma_wait3A_222, %dma_wait3A_223] : memref<4x128xi32, #tpu.memory_space<vmem>> -> memref<1x128xi32, #tpu.memory_space<vmem>>
    %dma_wait3A_225 = tpu.memref_squeeze %dma_wait3A_224 : memref<1x128xi32, #tpu.memory_space<vmem>> -> memref<128xi32, #tpu.memory_space<vmem>>
    %dma_wait3A_226 = arith.constant 0 : i32
    %dma_wait3A_227 = tpu.memref_slice %arg4[%arg1, %dma_wait3A_221, %dma_wait3A_226] : memref<16x164x128xi32, #tpu.memory_space<hbm>> -> memref<1x1x128xi32, #tpu.memory_space<hbm>>
    %dma_wait3A_228 = tpu.memref_squeeze %dma_wait3A_227 : memref<1x1x128xi32, #tpu.memory_space<hbm>> -> memref<128xi32, #tpu.memory_space<hbm>>
    %dma_wait3A_229 = arith.constant 0 : i32
    %dma_wait3A_230 = tpu.memref_slice %arg9[%dma_wait3A_222, %dma_wait3A_229] : memref<4x128xi32, #tpu.memory_space<vmem>> -> memref<1x128xi32, #tpu.memory_space<vmem>>
    %dma_wait3A_231 = tpu.memref_squeeze %dma_wait3A_230 : memref<1x128xi32, #tpu.memory_space<vmem>> -> memref<128xi32, #tpu.memory_space<vmem>>
    %dma_wait3A_232 = arith.constant 0 : i32
    %dma_wait3A_233 = tpu.memref_slice %arg4[%arg1, %dma_wait3A_221, %dma_wait3A_232] : memref<16x164x128xi32, #tpu.memory_space<hbm>> -> memref<1x1x128xi32, #tpu.memory_space<hbm>>
    %dma_wait3A_234 = tpu.memref_squeeze %dma_wait3A_233 : memref<1x1x128xi32, #tpu.memory_space<hbm>> -> memref<128xi32, #tpu.memory_space<hbm>>
    tpu.wait_dma2 semaphore(%arg20 : memref<!tpu.dma_semaphore, #tpu.memory_space<semaphore_mem>>) src(%dma_wait3A_234 : memref<128xi32, #tpu.memory_space<hbm>>) dst(%dma_wait3A_231 : memref<128xi32, #tpu.memory_space<vmem>>)
    %dma_wait3A_235 = arith.constant 163 : i32
    %dma_wait3A_236 = arith.constant 3 : i32
    %dma_wait3A_237 = arith.constant 0 : i32
    %dma_wait3A_238 = tpu.memref_slice %arg9[%dma_wait3A_236, %dma_wait3A_237] : memref<4x128xi32, #tpu.memory_space<vmem>> -> memref<1x128xi32, #tpu.memory_space<vmem>>
    %dma_wait3A_239 = tpu.memref_squeeze %dma_wait3A_238 : memref<1x128xi32, #tpu.memory_space<vmem>> -> memref<128xi32, #tpu.memory_space<vmem>>
    %dma_wait3A_240 = arith.constant 0 : i32
    %dma_wait3A_241 = tpu.memref_slice %arg4[%arg1, %dma_wait3A_235, %dma_wait3A_240] : memref<16x164x128xi32, #tpu.memory_space<hbm>> -> memref<1x1x128xi32, #tpu.memory_space<hbm>>
    %dma_wait3A_242 = tpu.memref_squeeze %dma_wait3A_241 : memref<1x1x128xi32, #tpu.memory_space<hbm>> -> memref<128xi32, #tpu.memory_space<hbm>>
    %dma_wait3A_243 = arith.constant 0 : i32
    %dma_wait3A_244 = tpu.memref_slice %arg9[%dma_wait3A_236, %dma_wait3A_243] : memref<4x128xi32, #tpu.memory_space<vmem>> -> memref<1x128xi32, #tpu.memory_space<vmem>>
    %dma_wait3A_245 = tpu.memref_squeeze %dma_wait3A_244 : memref<1x128xi32, #tpu.memory_space<vmem>> -> memref<128xi32, #tpu.memory_space<vmem>>
    %dma_wait3A_246 = arith.constant 0 : i32
    %dma_wait3A_247 = tpu.memref_slice %arg4[%arg1, %dma_wait3A_235, %dma_wait3A_246] : memref<16x164x128xi32, #tpu.memory_space<hbm>> -> memref<1x1x128xi32, #tpu.memory_space<hbm>>
    %dma_wait3A_248 = tpu.memref_squeeze %dma_wait3A_247 : memref<1x1x128xi32, #tpu.memory_space<hbm>> -> memref<128xi32, #tpu.memory_space<hbm>>
    tpu.wait_dma2 semaphore(%arg21 : memref<!tpu.dma_semaphore, #tpu.memory_space<semaphore_mem>>) src(%dma_wait3A_248 : memref<128xi32, #tpu.memory_space<hbm>>) dst(%dma_wait3A_245 : memref<128xi32, #tpu.memory_space<vmem>>)
    %dma_wait3A_249 = arith.constant 163 : i32
    %dma_wait3A_250 = arith.constant 0 : i32
    %dma_wait3A_251 = arith.constant 0 : i32
    %dma_wait3A_252 = tpu.memref_slice %arg10[%dma_wait3A_250, %dma_wait3A_251] : memref<4x128xi32, #tpu.memory_space<vmem>> -> memref<1x128xi32, #tpu.memory_space<vmem>>
    %dma_wait3A_253 = tpu.memref_squeeze %dma_wait3A_252 : memref<1x128xi32, #tpu.memory_space<vmem>> -> memref<128xi32, #tpu.memory_space<vmem>>
    %dma_wait3A_254 = arith.constant 0 : i32
    %dma_wait3A_255 = tpu.memref_slice %arg5[%arg1, %dma_wait3A_249, %dma_wait3A_254] : memref<16x164x128xi32, #tpu.memory_space<hbm>> -> memref<1x1x128xi32, #tpu.memory_space<hbm>>
    %dma_wait3A_256 = tpu.memref_squeeze %dma_wait3A_255 : memref<1x1x128xi32, #tpu.memory_space<hbm>> -> memref<128xi32, #tpu.memory_space<hbm>>
    %dma_wait3A_257 = arith.constant 0 : i32
    %dma_wait3A_258 = tpu.memref_slice %arg10[%dma_wait3A_250, %dma_wait3A_257] : memref<4x128xi32, #tpu.memory_space<vmem>> -> memref<1x128xi32, #tpu.memory_space<vmem>>
    %dma_wait3A_259 = tpu.memref_squeeze %dma_wait3A_258 : memref<1x128xi32, #tpu.memory_space<vmem>> -> memref<128xi32, #tpu.memory_space<vmem>>
    %dma_wait3A_260 = arith.constant 0 : i32
    %dma_wait3A_261 = tpu.memref_slice %arg5[%arg1, %dma_wait3A_249, %dma_wait3A_260] : memref<16x164x128xi32, #tpu.memory_space<hbm>> -> memref<1x1x128xi32, #tpu.memory_space<hbm>>
    %dma_wait3A_262 = tpu.memref_squeeze %dma_wait3A_261 : memref<1x1x128xi32, #tpu.memory_space<hbm>> -> memref<128xi32, #tpu.memory_space<hbm>>
    tpu.wait_dma2 semaphore(%arg22 : memref<!tpu.dma_semaphore, #tpu.memory_space<semaphore_mem>>) src(%dma_wait3A_262 : memref<128xi32, #tpu.memory_space<hbm>>) dst(%dma_wait3A_259 : memref<128xi32, #tpu.memory_space<vmem>>)
    %dma_wait3A_263 = arith.constant 163 : i32
    %dma_wait3A_264 = arith.constant 1 : i32
    %dma_wait3A_265 = arith.constant 0 : i32
    %dma_wait3A_266 = tpu.memref_slice %arg10[%dma_wait3A_264, %dma_wait3A_265] : memref<4x128xi32, #tpu.memory_space<vmem>> -> memref<1x128xi32, #tpu.memory_space<vmem>>
    %dma_wait3A_267 = tpu.memref_squeeze %dma_wait3A_266 : memref<1x128xi32, #tpu.memory_space<vmem>> -> memref<128xi32, #tpu.memory_space<vmem>>
    %dma_wait3A_268 = arith.constant 0 : i32
    %dma_wait3A_269 = tpu.memref_slice %arg5[%arg1, %dma_wait3A_263, %dma_wait3A_268] : memref<16x164x128xi32, #tpu.memory_space<hbm>> -> memref<1x1x128xi32, #tpu.memory_space<hbm>>
    %dma_wait3A_270 = tpu.memref_squeeze %dma_wait3A_269 : memref<1x1x128xi32, #tpu.memory_space<hbm>> -> memref<128xi32, #tpu.memory_space<hbm>>
    %dma_wait3A_271 = arith.constant 0 : i32
    %dma_wait3A_272 = tpu.memref_slice %arg10[%dma_wait3A_264, %dma_wait3A_271] : memref<4x128xi32, #tpu.memory_space<vmem>> -> memref<1x128xi32, #tpu.memory_space<vmem>>
    %dma_wait3A_273 = tpu.memref_squeeze %dma_wait3A_272 : memref<1x128xi32, #tpu.memory_space<vmem>> -> memref<128xi32, #tpu.memory_space<vmem>>
    %dma_wait3A_274 = arith.constant 0 : i32
    %dma_wait3A_275 = tpu.memref_slice %arg5[%arg1, %dma_wait3A_263, %dma_wait3A_274] : memref<16x164x128xi32, #tpu.memory_space<hbm>> -> memref<1x1x128xi32, #tpu.memory_space<hbm>>
    %dma_wait3A_276 = tpu.memref_squeeze %dma_wait3A_275 : memref<1x1x128xi32, #tpu.memory_space<hbm>> -> memref<128xi32, #tpu.memory_space<hbm>>
    tpu.wait_dma2 semaphore(%arg23 : memref<!tpu.dma_semaphore, #tpu.memory_space<semaphore_mem>>) src(%dma_wait3A_276 : memref<128xi32, #tpu.memory_space<hbm>>) dst(%dma_wait3A_273 : memref<128xi32, #tpu.memory_space<vmem>>)
    %dma_wait3A_277 = arith.constant 163 : i32
    %dma_wait3A_278 = arith.constant 2 : i32
    %dma_wait3A_279 = arith.constant 0 : i32
    %dma_wait3A_280 = tpu.memref_slice %arg10[%dma_wait3A_278, %dma_wait3A_279] : memref<4x128xi32, #tpu.memory_space<vmem>> -> memref<1x128xi32, #tpu.memory_space<vmem>>
    %dma_wait3A_281 = tpu.memref_squeeze %dma_wait3A_280 : memref<1x128xi32, #tpu.memory_space<vmem>> -> memref<128xi32, #tpu.memory_space<vmem>>
    %dma_wait3A_282 = arith.constant 0 : i32
    %dma_wait3A_283 = tpu.memref_slice %arg5[%arg1, %dma_wait3A_277, %dma_wait3A_282] : memref<16x164x128xi32, #tpu.memory_space<hbm>> -> memref<1x1x128xi32, #tpu.memory_space<hbm>>
    %dma_wait3A_284 = tpu.memref_squeeze %dma_wait3A_283 : memref<1x1x128xi32, #tpu.memory_space<hbm>> -> memref<128xi32, #tpu.memory_space<hbm>>
    %dma_wait3A_285 = arith.constant 0 : i32
    %dma_wait3A_286 = tpu.memref_slice %arg10[%dma_wait3A_278, %dma_wait3A_285] : memref<4x128xi32, #tpu.memory_space<vmem>> -> memref<1x128xi32, #tpu.memory_space<vmem>>
    %dma_wait3A_287 = tpu.memref_squeeze %dma_wait3A_286 : memref<1x128xi32, #tpu.memory_space<vmem>> -> memref<128xi32, #tpu.memory_space<vmem>>
    %dma_wait3A_288 = arith.constant 0 : i32
    %dma_wait3A_289 = tpu.memref_slice %arg5[%arg1, %dma_wait3A_277, %dma_wait3A_288] : memref<16x164x128xi32, #tpu.memory_space<hbm>> -> memref<1x1x128xi32, #tpu.memory_space<hbm>>
    %dma_wait3A_290 = tpu.memref_squeeze %dma_wait3A_289 : memref<1x1x128xi32, #tpu.memory_space<hbm>> -> memref<128xi32, #tpu.memory_space<hbm>>
    tpu.wait_dma2 semaphore(%arg24 : memref<!tpu.dma_semaphore, #tpu.memory_space<semaphore_mem>>) src(%dma_wait3A_290 : memref<128xi32, #tpu.memory_space<hbm>>) dst(%dma_wait3A_287 : memref<128xi32, #tpu.memory_space<vmem>>)
    %dma_wait3A_291 = arith.constant 163 : i32
    %dma_wait3A_292 = arith.constant 3 : i32
    %dma_wait3A_293 = arith.constant 0 : i32
    %dma_wait3A_294 = tpu.memref_slice %arg10[%dma_wait3A_292, %dma_wait3A_293] : memref<4x128xi32, #tpu.memory_space<vmem>> -> memref<1x128xi32, #tpu.memory_space<vmem>>
    %dma_wait3A_295 = tpu.memref_squeeze %dma_wait3A_294 : memref<1x128xi32, #tpu.memory_space<vmem>> -> memref<128xi32, #tpu.memory_space<vmem>>
    %dma_wait3A_296 = arith.constant 0 : i32
    %dma_wait3A_297 = tpu.memref_slice %arg5[%arg1, %dma_wait3A_291, %dma_wait3A_296] : memref<16x164x128xi32, #tpu.memory_space<hbm>> -> memref<1x1x128xi32, #tpu.memory_space<hbm>>
    %dma_wait3A_298 = tpu.memref_squeeze %dma_wait3A_297 : memref<1x1x128xi32, #tpu.memory_space<hbm>> -> memref<128xi32, #tpu.memory_space<hbm>>
    %dma_wait3A_299 = arith.constant 0 : i32
    %dma_wait3A_300 = tpu.memref_slice %arg10[%dma_wait3A_292, %dma_wait3A_299] : memref<4x128xi32, #tpu.memory_space<vmem>> -> memref<1x128xi32, #tpu.memory_space<vmem>>
    %dma_wait3A_301 = tpu.memref_squeeze %dma_wait3A_300 : memref<1x128xi32, #tpu.memory_space<vmem>> -> memref<128xi32, #tpu.memory_space<vmem>>
    %dma_wait3A_302 = arith.constant 0 : i32
    %dma_wait3A_303 = tpu.memref_slice %arg5[%arg1, %dma_wait3A_291, %dma_wait3A_302] : memref<16x164x128xi32, #tpu.memory_space<hbm>> -> memref<1x1x128xi32, #tpu.memory_space<hbm>>
    %dma_wait3A_304 = tpu.memref_squeeze %dma_wait3A_303 : memref<1x1x128xi32, #tpu.memory_space<hbm>> -> memref<128xi32, #tpu.memory_space<hbm>>
    tpu.wait_dma2 semaphore(%arg25 : memref<!tpu.dma_semaphore, #tpu.memory_space<semaphore_mem>>) src(%dma_wait3A_304 : memref<128xi32, #tpu.memory_space<hbm>>) dst(%dma_wait3A_301 : memref<128xi32, #tpu.memory_space<vmem>>)
    "tpu.region"() ({
      %run_scoped3A_338 = tpu.sem_alloc : memref<!tpu.dma_semaphore, #tpu.memory_space<semaphore_mem>>
      %dma_start3A_339 = arith.constant 0 : i32
      %dma_start3A_340 = tpu.memref_slice %arg7[%add3A, %dma_start3A_339] : memref<32x10240xf32, #tpu.memory_space<hbm>> -> memref<1x10240xf32, #tpu.memory_space<hbm>>
      %dma_start3A_341 = tpu.memref_squeeze %dma_start3A_340 : memref<1x10240xf32, #tpu.memory_space<hbm>> -> memref<10240xf32, #tpu.memory_space<hbm>>
      %dma_start3A_342 = arith.constant 0 : i32
      %dma_start3A_343 = tpu.memref_slice %arg7[%add3A, %dma_start3A_342] : memref<32x10240xf32, #tpu.memory_space<hbm>> -> memref<1x10240xf32, #tpu.memory_space<hbm>>
      %dma_start3A_344 = tpu.memref_squeeze %dma_start3A_343 : memref<1x10240xf32, #tpu.memory_space<hbm>> -> memref<10240xf32, #tpu.memory_space<hbm>>
      tpu.enqueue_dma source(%arg12 : memref<10240xf32, #tpu.memory_space<vmem>>) target(%dma_start3A_344 : memref<10240xf32, #tpu.memory_space<hbm>>) target_semaphore(%run_scoped3A_338 : memref<!tpu.dma_semaphore, #tpu.memory_space<semaphore_mem>>)
      %dma_wait3A_345 = arith.constant 0 : i32
      %dma_wait3A_346 = tpu.memref_slice %arg7[%add3A, %dma_wait3A_345] : memref<32x10240xf32, #tpu.memory_space<hbm>> -> memref<1x10240xf32, #tpu.memory_space<hbm>>
      %dma_wait3A_347 = tpu.memref_squeeze %dma_wait3A_346 : memref<1x10240xf32, #tpu.memory_space<hbm>> -> memref<10240xf32, #tpu.memory_space<hbm>>
      %dma_wait3A_348 = arith.constant 0 : i32
      %dma_wait3A_349 = tpu.memref_slice %arg7[%add3A, %dma_wait3A_348] : memref<32x10240xf32, #tpu.memory_space<hbm>> -> memref<1x10240xf32, #tpu.memory_space<hbm>>
      %dma_wait3A_350 = tpu.memref_squeeze %dma_wait3A_349 : memref<1x10240xf32, #tpu.memory_space<hbm>> -> memref<10240xf32, #tpu.memory_space<hbm>>
      tpu.wait_dma2 semaphore(%run_scoped3A_338 : memref<!tpu.dma_semaphore, #tpu.memory_space<semaphore_mem>>) src(%arg12 : memref<10240xf32, #tpu.memory_space<vmem>>) dst(%dma_wait3A_350 : memref<10240xf32, #tpu.memory_space<hbm>>)
      tpu.yield
    }) : () -> ()
    %barrier3A_305 = arith.constant 0 : index
    tpu.barrier barrier_id(%barrier3A_305)
    %mul3A_306 = arith.constant 640 : i32
    %mul3A_307 = arith.muli %arg1, %mul3A_306 : i32
    %add3A_308 = arith.constant 0 : i32
    %add3A_309 = arith.addi %mul3A_307, %add3A_308 : i32
    "tpu.region"() ({
      %run_scoped3A_338 = tpu.sem_alloc : memref<!tpu.dma_semaphore, #tpu.memory_space<semaphore_mem>>
      %dma_start3A_339 = arith.constant 0 : i32
      %dma_start3A_340 = tpu.memref_slice %arg6[%arg0, %add3A_309, %dma_start3A_339] : memref<2x10240x64xf32, #tpu.memory_space<hbm>> -> memref<1x80x64xf32, #tpu.memory_space<hbm>>
      %dma_start3A_341 = tpu.memref_squeeze %dma_start3A_340 : memref<1x80x64xf32, #tpu.memory_space<hbm>> -> memref<80x64xf32, #tpu.memory_space<hbm>>
      %dma_start3A_342 = arith.constant 0 : i32
      %dma_start3A_343 = tpu.memref_slice %arg15[%add3A_309, %dma_start3A_342] : memref<10240x64xf32, #tpu.memory_space<vmem_shared>> -> memref<80x64xf32, #tpu.memory_space<vmem_shared>>
      tpu.enqueue_dma source(%dma_start3A_343 : memref<80x64xf32, #tpu.memory_space<vmem_shared>>) target(%dma_start3A_341 : memref<80x64xf32, #tpu.memory_space<hbm>>) target_semaphore(%run_scoped3A_338 : memref<!tpu.dma_semaphore, #tpu.memory_space<semaphore_mem>>)
      %dma_wait3A_344 = arith.constant 0 : i32
      %dma_wait3A_345 = tpu.memref_slice %arg6[%arg0, %add3A_309, %dma_wait3A_344] : memref<2x10240x64xf32, #tpu.memory_space<hbm>> -> memref<1x80x64xf32, #tpu.memory_space<hbm>>
      %dma_wait3A_346 = tpu.memref_squeeze %dma_wait3A_345 : memref<1x80x64xf32, #tpu.memory_space<hbm>> -> memref<80x64xf32, #tpu.memory_space<hbm>>
      %dma_wait3A_347 = arith.constant 0 : i32
      %dma_wait3A_348 = tpu.memref_slice %arg15[%add3A_309, %dma_wait3A_347] : memref<10240x64xf32, #tpu.memory_space<vmem_shared>> -> memref<80x64xf32, #tpu.memory_space<vmem_shared>>
      tpu.wait_dma2 semaphore(%run_scoped3A_338 : memref<!tpu.dma_semaphore, #tpu.memory_space<semaphore_mem>>) src(%dma_wait3A_348 : memref<80x64xf32, #tpu.memory_space<vmem_shared>>) dst(%dma_wait3A_346 : memref<80x64xf32, #tpu.memory_space<hbm>>)
      tpu.yield
    }) : () -> ()
    %mul3A_310 = arith.constant 640 : i32
    %mul3A_311 = arith.muli %arg1, %mul3A_310 : i32
    %add3A_312 = arith.constant 80 : i32
    %add3A_313 = arith.addi %mul3A_311, %add3A_312 : i32
    "tpu.region"() ({
      %run_scoped3A_338 = tpu.sem_alloc : memref<!tpu.dma_semaphore, #tpu.memory_space<semaphore_mem>>
      %dma_start3A_339 = arith.constant 0 : i32
      %dma_start3A_340 = tpu.memref_slice %arg6[%arg0, %add3A_313, %dma_start3A_339] : memref<2x10240x64xf32, #tpu.memory_space<hbm>> -> memref<1x80x64xf32, #tpu.memory_space<hbm>>
      %dma_start3A_341 = tpu.memref_squeeze %dma_start3A_340 : memref<1x80x64xf32, #tpu.memory_space<hbm>> -> memref<80x64xf32, #tpu.memory_space<hbm>>
      %dma_start3A_342 = arith.constant 0 : i32
      %dma_start3A_343 = tpu.memref_slice %arg15[%add3A_313, %dma_start3A_342] : memref<10240x64xf32, #tpu.memory_space<vmem_shared>> -> memref<80x64xf32, #tpu.memory_space<vmem_shared>>
      tpu.enqueue_dma source(%dma_start3A_343 : memref<80x64xf32, #tpu.memory_space<vmem_shared>>) target(%dma_start3A_341 : memref<80x64xf32, #tpu.memory_space<hbm>>) target_semaphore(%run_scoped3A_338 : memref<!tpu.dma_semaphore, #tpu.memory_space<semaphore_mem>>)
      %dma_wait3A_344 = arith.constant 0 : i32
      %dma_wait3A_345 = tpu.memref_slice %arg6[%arg0, %add3A_313, %dma_wait3A_344] : memref<2x10240x64xf32, #tpu.memory_space<hbm>> -> memref<1x80x64xf32, #tpu.memory_space<hbm>>
      %dma_wait3A_346 = tpu.memref_squeeze %dma_wait3A_345 : memref<1x80x64xf32, #tpu.memory_space<hbm>> -> memref<80x64xf32, #tpu.memory_space<hbm>>
      %dma_wait3A_347 = arith.constant 0 : i32
      %dma_wait3A_348 = tpu.memref_slice %arg15[%add3A_313, %dma_wait3A_347] : memref<10240x64xf32, #tpu.memory_space<vmem_shared>> -> memref<80x64xf32, #tpu.memory_space<vmem_shared>>
      tpu.wait_dma2 semaphore(%run_scoped3A_338 : memref<!tpu.dma_semaphore, #tpu.memory_space<semaphore_mem>>) src(%dma_wait3A_348 : memref<80x64xf32, #tpu.memory_space<vmem_shared>>) dst(%dma_wait3A_346 : memref<80x64xf32, #tpu.memory_space<hbm>>)
      tpu.yield
    }) : () -> ()
    %mul3A_314 = arith.constant 640 : i32
    %mul3A_315 = arith.muli %arg1, %mul3A_314 : i32
    %add3A_316 = arith.constant 160 : i32
    %add3A_317 = arith.addi %mul3A_315, %add3A_316 : i32
    "tpu.region"() ({
      %run_scoped3A_338 = tpu.sem_alloc : memref<!tpu.dma_semaphore, #tpu.memory_space<semaphore_mem>>
      %dma_start3A_339 = arith.constant 0 : i32
      %dma_start3A_340 = tpu.memref_slice %arg6[%arg0, %add3A_317, %dma_start3A_339] : memref<2x10240x64xf32, #tpu.memory_space<hbm>> -> memref<1x80x64xf32, #tpu.memory_space<hbm>>
      %dma_start3A_341 = tpu.memref_squeeze %dma_start3A_340 : memref<1x80x64xf32, #tpu.memory_space<hbm>> -> memref<80x64xf32, #tpu.memory_space<hbm>>
      %dma_start3A_342 = arith.constant 0 : i32
      %dma_start3A_343 = tpu.memref_slice %arg15[%add3A_317, %dma_start3A_342] : memref<10240x64xf32, #tpu.memory_space<vmem_shared>> -> memref<80x64xf32, #tpu.memory_space<vmem_shared>>
      tpu.enqueue_dma source(%dma_start3A_343 : memref<80x64xf32, #tpu.memory_space<vmem_shared>>) target(%dma_start3A_341 : memref<80x64xf32, #tpu.memory_space<hbm>>) target_semaphore(%run_scoped3A_338 : memref<!tpu.dma_semaphore, #tpu.memory_space<semaphore_mem>>)
      %dma_wait3A_344 = arith.constant 0 : i32
      %dma_wait3A_345 = tpu.memref_slice %arg6[%arg0, %add3A_317, %dma_wait3A_344] : memref<2x10240x64xf32, #tpu.memory_space<hbm>> -> memref<1x80x64xf32, #tpu.memory_space<hbm>>
      %dma_wait3A_346 = tpu.memref_squeeze %dma_wait3A_345 : memref<1x80x64xf32, #tpu.memory_space<hbm>> -> memref<80x64xf32, #tpu.memory_space<hbm>>
      %dma_wait3A_347 = arith.constant 0 : i32
      %dma_wait3A_348 = tpu.memref_slice %arg15[%add3A_317, %dma_wait3A_347] : memref<10240x64xf32, #tpu.memory_space<vmem_shared>> -> memref<80x64xf32, #tpu.memory_space<vmem_shared>>
      tpu.wait_dma2 semaphore(%run_scoped3A_338 : memref<!tpu.dma_semaphore, #tpu.memory_space<semaphore_mem>>) src(%dma_wait3A_348 : memref<80x64xf32, #tpu.memory_space<vmem_shared>>) dst(%dma_wait3A_346 : memref<80x64xf32, #tpu.memory_space<hbm>>)
      tpu.yield
    }) : () -> ()
    %mul3A_318 = arith.constant 640 : i32
    %mul3A_319 = arith.muli %arg1, %mul3A_318 : i32
    %add3A_320 = arith.constant 240 : i32
    %add3A_321 = arith.addi %mul3A_319, %add3A_320 : i32
    "tpu.region"() ({
      %run_scoped3A_338 = tpu.sem_alloc : memref<!tpu.dma_semaphore, #tpu.memory_space<semaphore_mem>>
      %dma_start3A_339 = arith.constant 0 : i32
      %dma_start3A_340 = tpu.memref_slice %arg6[%arg0, %add3A_321, %dma_start3A_339] : memref<2x10240x64xf32, #tpu.memory_space<hbm>> -> memref<1x80x64xf32, #tpu.memory_space<hbm>>
      %dma_start3A_341 = tpu.memref_squeeze %dma_start3A_340 : memref<1x80x64xf32, #tpu.memory_space<hbm>> -> memref<80x64xf32, #tpu.memory_space<hbm>>
      %dma_start3A_342 = arith.constant 0 : i32
      %dma_start3A_343 = tpu.memref_slice %arg15[%add3A_321, %dma_start3A_342] : memref<10240x64xf32, #tpu.memory_space<vmem_shared>> -> memref<80x64xf32, #tpu.memory_space<vmem_shared>>
      tpu.enqueue_dma source(%dma_start3A_343 : memref<80x64xf32, #tpu.memory_space<vmem_shared>>) target(%dma_start3A_341 : memref<80x64xf32, #tpu.memory_space<hbm>>) target_semaphore(%run_scoped3A_338 : memref<!tpu.dma_semaphore, #tpu.memory_space<semaphore_mem>>)
      %dma_wait3A_344 = arith.constant 0 : i32
      %dma_wait3A_345 = tpu.memref_slice %arg6[%arg0, %add3A_321, %dma_wait3A_344] : memref<2x10240x64xf32, #tpu.memory_space<hbm>> -> memref<1x80x64xf32, #tpu.memory_space<hbm>>
      %dma_wait3A_346 = tpu.memref_squeeze %dma_wait3A_345 : memref<1x80x64xf32, #tpu.memory_space<hbm>> -> memref<80x64xf32, #tpu.memory_space<hbm>>
      %dma_wait3A_347 = arith.constant 0 : i32
      %dma_wait3A_348 = tpu.memref_slice %arg15[%add3A_321, %dma_wait3A_347] : memref<10240x64xf32, #tpu.memory_space<vmem_shared>> -> memref<80x64xf32, #tpu.memory_space<vmem_shared>>
      tpu.wait_dma2 semaphore(%run_scoped3A_338 : memref<!tpu.dma_semaphore, #tpu.memory_space<semaphore_mem>>) src(%dma_wait3A_348 : memref<80x64xf32, #tpu.memory_space<vmem_shared>>) dst(%dma_wait3A_346 : memref<80x64xf32, #tpu.memory_space<hbm>>)
      tpu.yield
    }) : () -> ()
    %mul3A_322 = arith.constant 640 : i32
    %mul3A_323 = arith.muli %arg1, %mul3A_322 : i32
    %add3A_324 = arith.constant 320 : i32
    %add3A_325 = arith.addi %mul3A_323, %add3A_324 : i32
    "tpu.region"() ({
      %run_scoped3A_338 = tpu.sem_alloc : memref<!tpu.dma_semaphore, #tpu.memory_space<semaphore_mem>>
      %dma_start3A_339 = arith.constant 0 : i32
      %dma_start3A_340 = tpu.memref_slice %arg6[%arg0, %add3A_325, %dma_start3A_339] : memref<2x10240x64xf32, #tpu.memory_space<hbm>> -> memref<1x80x64xf32, #tpu.memory_space<hbm>>
      %dma_start3A_341 = tpu.memref_squeeze %dma_start3A_340 : memref<1x80x64xf32, #tpu.memory_space<hbm>> -> memref<80x64xf32, #tpu.memory_space<hbm>>
      %dma_start3A_342 = arith.constant 0 : i32
      %dma_start3A_343 = tpu.memref_slice %arg15[%add3A_325, %dma_start3A_342] : memref<10240x64xf32, #tpu.memory_space<vmem_shared>> -> memref<80x64xf32, #tpu.memory_space<vmem_shared>>
      tpu.enqueue_dma source(%dma_start3A_343 : memref<80x64xf32, #tpu.memory_space<vmem_shared>>) target(%dma_start3A_341 : memref<80x64xf32, #tpu.memory_space<hbm>>) target_semaphore(%run_scoped3A_338 : memref<!tpu.dma_semaphore, #tpu.memory_space<semaphore_mem>>)
      %dma_wait3A_344 = arith.constant 0 : i32
      %dma_wait3A_345 = tpu.memref_slice %arg6[%arg0, %add3A_325, %dma_wait3A_344] : memref<2x10240x64xf32, #tpu.memory_space<hbm>> -> memref<1x80x64xf32, #tpu.memory_space<hbm>>
      %dma_wait3A_346 = tpu.memref_squeeze %dma_wait3A_345 : memref<1x80x64xf32, #tpu.memory_space<hbm>> -> memref<80x64xf32, #tpu.memory_space<hbm>>
      %dma_wait3A_347 = arith.constant 0 : i32
      %dma_wait3A_348 = tpu.memref_slice %arg15[%add3A_325, %dma_wait3A_347] : memref<10240x64xf32, #tpu.memory_space<vmem_shared>> -> memref<80x64xf32, #tpu.memory_space<vmem_shared>>
      tpu.wait_dma2 semaphore(%run_scoped3A_338 : memref<!tpu.dma_semaphore, #tpu.memory_space<semaphore_mem>>) src(%dma_wait3A_348 : memref<80x64xf32, #tpu.memory_space<vmem_shared>>) dst(%dma_wait3A_346 : memref<80x64xf32, #tpu.memory_space<hbm>>)
      tpu.yield
    }) : () -> ()
    %mul3A_326 = arith.constant 640 : i32
    %mul3A_327 = arith.muli %arg1, %mul3A_326 : i32
    %add3A_328 = arith.constant 400 : i32
    %add3A_329 = arith.addi %mul3A_327, %add3A_328 : i32
    "tpu.region"() ({
      %run_scoped3A_338 = tpu.sem_alloc : memref<!tpu.dma_semaphore, #tpu.memory_space<semaphore_mem>>
      %dma_start3A_339 = arith.constant 0 : i32
      %dma_start3A_340 = tpu.memref_slice %arg6[%arg0, %add3A_329, %dma_start3A_339] : memref<2x10240x64xf32, #tpu.memory_space<hbm>> -> memref<1x80x64xf32, #tpu.memory_space<hbm>>
      %dma_start3A_341 = tpu.memref_squeeze %dma_start3A_340 : memref<1x80x64xf32, #tpu.memory_space<hbm>> -> memref<80x64xf32, #tpu.memory_space<hbm>>
      %dma_start3A_342 = arith.constant 0 : i32
      %dma_start3A_343 = tpu.memref_slice %arg15[%add3A_329, %dma_start3A_342] : memref<10240x64xf32, #tpu.memory_space<vmem_shared>> -> memref<80x64xf32, #tpu.memory_space<vmem_shared>>
      tpu.enqueue_dma source(%dma_start3A_343 : memref<80x64xf32, #tpu.memory_space<vmem_shared>>) target(%dma_start3A_341 : memref<80x64xf32, #tpu.memory_space<hbm>>) target_semaphore(%run_scoped3A_338 : memref<!tpu.dma_semaphore, #tpu.memory_space<semaphore_mem>>)
      %dma_wait3A_344 = arith.constant 0 : i32
      %dma_wait3A_345 = tpu.memref_slice %arg6[%arg0, %add3A_329, %dma_wait3A_344] : memref<2x10240x64xf32, #tpu.memory_space<hbm>> -> memref<1x80x64xf32, #tpu.memory_space<hbm>>
      %dma_wait3A_346 = tpu.memref_squeeze %dma_wait3A_345 : memref<1x80x64xf32, #tpu.memory_space<hbm>> -> memref<80x64xf32, #tpu.memory_space<hbm>>
      %dma_wait3A_347 = arith.constant 0 : i32
      %dma_wait3A_348 = tpu.memref_slice %arg15[%add3A_329, %dma_wait3A_347] : memref<10240x64xf32, #tpu.memory_space<vmem_shared>> -> memref<80x64xf32, #tpu.memory_space<vmem_shared>>
      tpu.wait_dma2 semaphore(%run_scoped3A_338 : memref<!tpu.dma_semaphore, #tpu.memory_space<semaphore_mem>>) src(%dma_wait3A_348 : memref<80x64xf32, #tpu.memory_space<vmem_shared>>) dst(%dma_wait3A_346 : memref<80x64xf32, #tpu.memory_space<hbm>>)
      tpu.yield
    }) : () -> ()
    %mul3A_330 = arith.constant 640 : i32
    %mul3A_331 = arith.muli %arg1, %mul3A_330 : i32
    %add3A_332 = arith.constant 480 : i32
    %add3A_333 = arith.addi %mul3A_331, %add3A_332 : i32
    "tpu.region"() ({
      %run_scoped3A_338 = tpu.sem_alloc : memref<!tpu.dma_semaphore, #tpu.memory_space<semaphore_mem>>
      %dma_start3A_339 = arith.constant 0 : i32
      %dma_start3A_340 = tpu.memref_slice %arg6[%arg0, %add3A_333, %dma_start3A_339] : memref<2x10240x64xf32, #tpu.memory_space<hbm>> -> memref<1x80x64xf32, #tpu.memory_space<hbm>>
      %dma_start3A_341 = tpu.memref_squeeze %dma_start3A_340 : memref<1x80x64xf32, #tpu.memory_space<hbm>> -> memref<80x64xf32, #tpu.memory_space<hbm>>
      %dma_start3A_342 = arith.constant 0 : i32
      %dma_start3A_343 = tpu.memref_slice %arg15[%add3A_333, %dma_start3A_342] : memref<10240x64xf32, #tpu.memory_space<vmem_shared>> -> memref<80x64xf32, #tpu.memory_space<vmem_shared>>
      tpu.enqueue_dma source(%dma_start3A_343 : memref<80x64xf32, #tpu.memory_space<vmem_shared>>) target(%dma_start3A_341 : memref<80x64xf32, #tpu.memory_space<hbm>>) target_semaphore(%run_scoped3A_338 : memref<!tpu.dma_semaphore, #tpu.memory_space<semaphore_mem>>)
      %dma_wait3A_344 = arith.constant 0 : i32
      %dma_wait3A_345 = tpu.memref_slice %arg6[%arg0, %add3A_333, %dma_wait3A_344] : memref<2x10240x64xf32, #tpu.memory_space<hbm>> -> memref<1x80x64xf32, #tpu.memory_space<hbm>>
      %dma_wait3A_346 = tpu.memref_squeeze %dma_wait3A_345 : memref<1x80x64xf32, #tpu.memory_space<hbm>> -> memref<80x64xf32, #tpu.memory_space<hbm>>
      %dma_wait3A_347 = arith.constant 0 : i32
      %dma_wait3A_348 = tpu.memref_slice %arg15[%add3A_333, %dma_wait3A_347] : memref<10240x64xf32, #tpu.memory_space<vmem_shared>> -> memref<80x64xf32, #tpu.memory_space<vmem_shared>>
      tpu.wait_dma2 semaphore(%run_scoped3A_338 : memref<!tpu.dma_semaphore, #tpu.memory_space<semaphore_mem>>) src(%dma_wait3A_348 : memref<80x64xf32, #tpu.memory_space<vmem_shared>>) dst(%dma_wait3A_346 : memref<80x64xf32, #tpu.memory_space<hbm>>)
      tpu.yield
    }) : () -> ()
    %mul3A_334 = arith.constant 640 : i32
    %mul3A_335 = arith.muli %arg1, %mul3A_334 : i32
    %add3A_336 = arith.constant 560 : i32
    %add3A_337 = arith.addi %mul3A_335, %add3A_336 : i32
    "tpu.region"() ({
      %run_scoped3A_338 = tpu.sem_alloc : memref<!tpu.dma_semaphore, #tpu.memory_space<semaphore_mem>>
      %dma_start3A_339 = arith.constant 0 : i32
      %dma_start3A_340 = tpu.memref_slice %arg6[%arg0, %add3A_337, %dma_start3A_339] : memref<2x10240x64xf32, #tpu.memory_space<hbm>> -> memref<1x80x64xf32, #tpu.memory_space<hbm>>
      %dma_start3A_341 = tpu.memref_squeeze %dma_start3A_340 : memref<1x80x64xf32, #tpu.memory_space<hbm>> -> memref<80x64xf32, #tpu.memory_space<hbm>>
      %dma_start3A_342 = arith.constant 0 : i32
      %dma_start3A_343 = tpu.memref_slice %arg15[%add3A_337, %dma_start3A_342] : memref<10240x64xf32, #tpu.memory_space<vmem_shared>> -> memref<80x64xf32, #tpu.memory_space<vmem_shared>>
      tpu.enqueue_dma source(%dma_start3A_343 : memref<80x64xf32, #tpu.memory_space<vmem_shared>>) target(%dma_start3A_341 : memref<80x64xf32, #tpu.memory_space<hbm>>) target_semaphore(%run_scoped3A_338 : memref<!tpu.dma_semaphore, #tpu.memory_space<semaphore_mem>>)
      %dma_wait3A_344 = arith.constant 0 : i32
      %dma_wait3A_345 = tpu.memref_slice %arg6[%arg0, %add3A_337, %dma_wait3A_344] : memref<2x10240x64xf32, #tpu.memory_space<hbm>> -> memref<1x80x64xf32, #tpu.memory_space<hbm>>
      %dma_wait3A_346 = tpu.memref_squeeze %dma_wait3A_345 : memref<1x80x64xf32, #tpu.memory_space<hbm>> -> memref<80x64xf32, #tpu.memory_space<hbm>>
      %dma_wait3A_347 = arith.constant 0 : i32
      %dma_wait3A_348 = tpu.memref_slice %arg15[%add3A_337, %dma_wait3A_347] : memref<10240x64xf32, #tpu.memory_space<vmem_shared>> -> memref<80x64xf32, #tpu.memory_space<vmem_shared>>
      tpu.wait_dma2 semaphore(%run_scoped3A_338 : memref<!tpu.dma_semaphore, #tpu.memory_space<semaphore_mem>>) src(%dma_wait3A_348 : memref<80x64xf32, #tpu.memory_space<vmem_shared>>) dst(%dma_wait3A_346 : memref<80x64xf32, #tpu.memory_space<hbm>>)
      tpu.yield
    }) : () -> ()
    return
  }
}

module attributes {stable_mosaic.version = 14 : i64} {
  func.func @_pre_body(%arg0: i32, %arg1: memref<640x128xf32, #tpu.memory_space<vmem>>, %arg2: memref<128x128xf32, #tpu.memory_space<vmem>>, %arg3: memref<128x2xf32, #tpu.memory_space<vmem>>, %arg4: memref<2x640x64xf32, #tpu.memory_space<vmem>>, %arg5: memref<640x2xf32, #tpu.memory_space<vmem>>) attributes {dimension_semantics = [#tpu.dimension_semantics<arbitrary>], iteration_bounds = array<i64: 16>, scalar_prefetch = 0 : i64, scratch_operands = 0 : i64, tpu.core_type = #tpu.core_type<tc>, window_params = [{transform_indices = @transform_0, window_bounds = array<i64: 640, 128>}, {pipeline_mode = #tpu.pipeline_mode<synchronous>, transform_indices = @transform_1, window_bounds = array<i64: 128, 128>}, {pipeline_mode = #tpu.pipeline_mode<synchronous>, transform_indices = @transform_2, window_bounds = array<i64: 128, 2>}, {transform_indices = @transform_3, window_bounds = array<i64: 2, 640, 64>}, {transform_indices = @transform_4, window_bounds = array<i64: 640, 2>}]} {
    %get3A = arith.constant 0 : index
    %get3A_0 = arith.constant 0 : index
    %get3A_1 = vector.load %arg1[%get3A, %get3A_0] : memref<640x128xf32, #tpu.memory_space<vmem>>, vector<640x128xf32>
    %get3A_2 = arith.constant 0 : index
    %get3A_3 = arith.constant 0 : index
    %get3A_4 = vector.load %arg2[%get3A_2, %get3A_3] : memref<128x128xf32, #tpu.memory_space<vmem>>, vector<128x128xf32>
    %dot_general3A = arith.constant dense<0.000000e+00> : vector<640x128xf32>
    %dot_general3A_5 = tpu.matmul %get3A_1, %get3A_4, %dot_general3A {dimension_numbers = #tpu.dot_dimension_numbers<[1], [0], [0], [1], [0, 0, 1, 1], [], []>, transpose_lhs_hint = false} : vector<640x128xf32>, vector<128x128xf32>, vector<640x128xf32> -> vector<640x128xf32>
    %slice3A = vector.extract_strided_slice %dot_general3A_5 {offsets = [0, 0], sizes = [640, 64], strides = [1, 1]} : vector<640x128xf32> to vector<640x64xf32>
    %swap3A = arith.constant 0 : index
    %swap3A_6 = arith.constant 0 : index
    %swap3A_7 = arith.constant 0 : index
    %swap3A_8 = vector.load %arg4[%swap3A, %swap3A_6, %swap3A_7] : memref<2x640x64xf32, #tpu.memory_space<vmem>>, vector<1x640x64xf32>
    %swap3A_9 = vector.shape_cast %swap3A_8 : vector<1x640x64xf32> to vector<640x64xf32>
    %swap3A_10 = vector.shape_cast %slice3A : vector<640x64xf32> to vector<1x640x64xf32>
    tpu.vector_store %arg4[%swap3A, %swap3A_6, %swap3A_7], %swap3A_10 {strides = array<i32>} : memref<2x640x64xf32, #tpu.memory_space<vmem>>, vector<1x640x64xf32>,
    %slice3A_11 = vector.extract_strided_slice %dot_general3A_5 {offsets = [0, 64], sizes = [640, 64], strides = [1, 1]} : vector<640x128xf32> to vector<640x64xf32>
    %swap3A_12 = arith.constant 1 : index
    %swap3A_13 = arith.constant 0 : index
    %swap3A_14 = arith.constant 0 : index
    %swap3A_15 = vector.load %arg4[%swap3A_12, %swap3A_13, %swap3A_14] : memref<2x640x64xf32, #tpu.memory_space<vmem>>, vector<1x640x64xf32>
    %swap3A_16 = vector.shape_cast %swap3A_15 : vector<1x640x64xf32> to vector<640x64xf32>
    %swap3A_17 = vector.shape_cast %slice3A_11 : vector<640x64xf32> to vector<1x640x64xf32>
    tpu.vector_store %arg4[%swap3A_12, %swap3A_13, %swap3A_14], %swap3A_17 {strides = array<i32>} : memref<2x640x64xf32, #tpu.memory_space<vmem>>, vector<1x640x64xf32>,
    %get3A_18 = arith.constant 0 : index
    %get3A_19 = arith.constant 0 : index
    %get3A_20 = vector.load %arg3[%get3A_18, %get3A_19] : memref<128x2xf32, #tpu.memory_space<vmem>>, vector<128x2xf32>
    %dot_general3A_21 = arith.constant dense<0.000000e+00> : vector<640x2xf32>
    %dot_general3A_22 = tpu.matmul %dot_general3A_5, %get3A_20, %dot_general3A_21 {dimension_numbers = #tpu.dot_dimension_numbers<[1], [0], [0], [1], [0, 0, 1, 1], [], []>, transpose_lhs_hint = false} : vector<640x128xf32>, vector<128x2xf32>, vector<640x2xf32> -> vector<640x2xf32>
    %swap3A_23 = arith.constant 0 : index
    %swap3A_24 = arith.constant 0 : index
    %swap3A_25 = vector.load %arg5[%swap3A_23, %swap3A_24] : memref<640x2xf32, #tpu.memory_space<vmem>>, vector<640x2xf32>
    tpu.vector_store %arg5[%swap3A_23, %swap3A_24], %dot_general3A_22 {strides = array<i32>} : memref<640x2xf32, #tpu.memory_space<vmem>>, vector<640x2xf32>,
    return
  }
  func.func @transform_0(%arg0: i32) -> (i32, i32) {
    %c0_i32 = arith.constant 0 : i32
    %c0_i32_0 = arith.constant 0 : i32
    return %arg0, %c0_i32 : i32, i32
  }
  func.func @transform_1(%arg0: i32) -> (i32, i32) {
    %c0_i32 = arith.constant 0 : i32
    %c0_i32_0 = arith.constant 0 : i32
    %c0_i32_1 = arith.constant 0 : i32
    return %c0_i32, %c0_i32_0 : i32, i32
  }
  func.func @transform_2(%arg0: i32) -> (i32, i32) {
    %c0_i32 = arith.constant 0 : i32
    %c0_i32_0 = arith.constant 0 : i32
    %c0_i32_1 = arith.constant 0 : i32
    return %c0_i32, %c0_i32_0 : i32, i32
  }
  func.func @transform_3(%arg0: i32) -> (i32, i32, i32) {
    %c0_i32 = arith.constant 0 : i32
    %c0_i32_0 = arith.constant 0 : i32
    %c0_i32_1 = arith.constant 0 : i32
    return %c0_i32, %arg0, %c0_i32_0 : i32, i32, i32
  }
  func.func @transform_4(%arg0: i32) -> (i32, i32) {
    %c0_i32 = arith.constant 0 : i32
    %c0_i32_0 = arith.constant 0 : i32
    return %arg0, %c0_i32 : i32, i32
  }
}

module attributes {stable_mosaic.version = 14 : i64} {
  func.func @_pass1_body(%arg0: i32, %arg1: memref<2x640x64xf32, #tpu.memory_space<vmem>>, %arg2: memref<32x640xf32, #tpu.memory_space<vmem>>, %arg3: memref<1x128xf32, #tpu.memory_space<vmem>>, %arg4: memref<640x128xf32, #tpu.memory_space<vmem>>, %arg5: memref<1x1xf32, #tpu.memory_space<vmem>>, %arg6: memref<640x128xf32, #tpu.memory_space<vmem>>, %arg7: memref<1x2x128xf32, #tpu.memory_space<vmem>>) attributes {dimension_semantics = [#tpu.dimension_semantics<arbitrary>], iteration_bounds = array<i64: 16>, scalar_prefetch = 0 : i64, scratch_operands = 0 : i64, tpu.core_type = #tpu.core_type<tc>, window_params = [{transform_indices = @transform_0, window_bounds = array<i64: 2, 640, 64>}, {transform_indices = @transform_1, window_bounds = array<i64: 32, 640>}, {pipeline_mode = #tpu.pipeline_mode<synchronous>, transform_indices = @transform_2, window_bounds = array<i64: 1, 128>}, {transform_indices = @transform_3, window_bounds = array<i64: 640, 128>}, {pipeline_mode = #tpu.pipeline_mode<synchronous>, transform_indices = @transform_4, window_bounds = array<i64: 1, 1>}, {transform_indices = @transform_5, window_bounds = array<i64: 640, 128>}, {transform_indices = @transform_6, window_bounds = array<i64: 1, 2, 128>}]} {
    %get3A = arith.constant 0 : index
    %get3A_0 = arith.constant 0 : index
    %get3A_1 = vector.load %arg3[%get3A, %get3A_0] : memref<1x128xf32, #tpu.memory_space<vmem>>, vector<1x128xf32>
    %get3A_2 = arith.constant 0 : index
    %get3A_3 = arith.constant 0 : index
    %get3A_4 = arith.constant 0 : index
    %get3A_5 = vector.load %arg1[%get3A_2, %get3A_3, %get3A_4] : memref<2x640x64xf32, #tpu.memory_space<vmem>>, vector<1x640x64xf32>
    %get3A_6 = vector.shape_cast %get3A_5 : vector<1x640x64xf32> to vector<640x64xf32>
    %get3A_7 = arith.constant 1 : index
    %get3A_8 = arith.constant 0 : index
    %get3A_9 = arith.constant 0 : index
    %get3A_10 = vector.load %arg1[%get3A_7, %get3A_8, %get3A_9] : memref<2x640x64xf32, #tpu.memory_space<vmem>>, vector<1x640x64xf32>
    %get3A_11 = vector.shape_cast %get3A_10 : vector<1x640x64xf32> to vector<640x64xf32>
    %concatenate3A = tpu.concatenate %get3A_6, %get3A_11 in 1 : vector<640x64xf32>, vector<640x64xf32> -> vector<640x128xf32>
    %get3A_12 = arith.constant 0 : index
    %get3A_13 = arith.constant 0 : index
    %get3A_14 = vector.load %arg2[%get3A_12, %get3A_13] : memref<32x640xf32, #tpu.memory_space<vmem>>, vector<32x640xf32>
    %transpose3A = tpu.transpose %get3A_14, [1, 0] : vector<32x640xf32> -> vector<640x32xf32>
    %reduce_sum3A = arith.constant dense<0.000000e+00> : vector<640xf32>
    %reduce_sum3A_15 = vector.multi_reduction <add>, %transpose3A, %reduce_sum3A [1] : vector<640x32xf32> to vector<640xf32>
    %broadcast_in_dim3A = vector.shape_cast %reduce_sum3A_15 : vector<640xf32> to vector<640x1xf32>
    %mul3A = arith.constant 5.000000e-01 : f32
    %mul3A_16 = vector.broadcast %mul3A : f32 to vector<640x1xf32>
    %mul3A_17 = arith.mulf %broadcast_in_dim3A, %mul3A_16 : vector<640x1xf32>
    %add3A = arith.constant 1.000000e-16 : f32
    %add3A_18 = vector.broadcast %add3A : f32 to vector<640x1xf32>
    %add3A_19 = arith.addf %mul3A_17, %add3A_18 : vector<640x1xf32>
    %div3A = vector.broadcast %add3A_19 : vector<640x1xf32> to vector<640x128xf32>
    %div3A_20 = arith.divf %concatenate3A, %div3A : vector<640x128xf32>
    %add3A_21 = vector.broadcast %get3A_1 : vector<1x128xf32> to vector<640x128xf32>
    %add3A_22 = arith.addf %div3A_20, %add3A_21 : vector<640x128xf32>
    %get3A_23 = arith.constant 0 : index
    %get3A_24 = arith.constant 0 : index
    %get3A_25 = vector.load %arg4[%get3A_23, %get3A_24] : memref<640x128xf32, #tpu.memory_space<vmem>>, vector<640x128xf32>
    %get3A_26 = arith.constant 0 : index
    %get3A_27 = arith.constant 0 : index
    %get3A_28 = vector.load %arg5[%get3A_26, %get3A_27] : memref<1x1xf32, #tpu.memory_space<vmem>>, vector<1x1xf32>
    %get3A_29 = vector.extract %get3A_28[0, 0] : f32 from vector<1x1xf32>
    %mul3A_30 = vector.broadcast %get3A_29 : f32 to vector<640x128xf32>
    %mul3A_31 = arith.mulf %get3A_25, %mul3A_30 : vector<640x128xf32>
    %add3A_32 = arith.addf %add3A_22, %mul3A_31 : vector<640x128xf32>
    %mul3A_33 = arith.constant 640 : i32
    %mul3A_34 = arith.muli %arg0, %mul3A_33 : i32
    %iota3A = tpu.iota {dimensions = array<i32: 0>} : vector<640x1xi32>
    %add3A_35 = vector.broadcast %mul3A_34 : i32 to vector<640x1xi32>
    %add3A_36 = arith.addi %add3A_35, %iota3A : vector<640x1xi32>
    %lt3A = arith.constant 10000 : i32
    %lt3A_37 = vector.broadcast %lt3A : i32 to vector<640x1xi32>
    %lt3A_38 = arith.cmpi slt, %add3A_36, %lt3A_37 : vector<640x1xi32>
    %jit3A = arith.constant 0.000000e+00 : f32
    %broadcast_in_dim3A_39 = vector.shape_cast %lt3A_38 : vector<640x1xi1> to vector<640x1xi1>
    %broadcast_in_dim3A_40 = vector.broadcast %broadcast_in_dim3A_39 : vector<640x1xi1> to vector<640x128xi1>
    %broadcast_in_dim3A_41 = vector.broadcast %jit3A : f32 to vector<640x128xf32>
    %select_n3A = arith.select %broadcast_in_dim3A_40, %add3A_32, %broadcast_in_dim3A_41 : vector<640x128xi1>, vector<640x128xf32>
    %swap3A = arith.constant 0 : index
    %swap3A_42 = arith.constant 0 : index
    %swap3A_43 = vector.load %arg6[%swap3A, %swap3A_42] : memref<640x128xf32, #tpu.memory_space<vmem>>, vector<640x128xf32>
    tpu.vector_store %arg6[%swap3A, %swap3A_42], %select_n3A {strides = array<i32>} : memref<640x128xf32, #tpu.memory_space<vmem>>, vector<640x128xf32>,
    %reduce_sum3A_44 = arith.constant dense<0.000000e+00> : vector<128xf32>
    %reduce_sum3A_45 = vector.multi_reduction <add>, %select_n3A, %reduce_sum3A_44 [0] : vector<640x128xf32> to vector<128xf32>
    %swap3A_46 = arith.constant 0 : index
    %swap3A_47 = arith.constant 0 : index
    %swap3A_48 = arith.constant 0 : index
    %swap3A_49 = vector.load %arg7[%swap3A_46, %swap3A_47, %swap3A_48] : memref<1x2x128xf32, #tpu.memory_space<vmem>>, vector<1x1x128xf32>
    %swap3A_50 = vector.shape_cast %swap3A_49 : vector<1x1x128xf32> to vector<128xf32>
    %swap3A_51 = vector.shape_cast %reduce_sum3A_45 : vector<128xf32> to vector<1x1x128xf32>
    tpu.vector_store %arg7[%swap3A_46, %swap3A_47, %swap3A_48], %swap3A_51 {strides = array<i32>} : memref<1x2x128xf32, #tpu.memory_space<vmem>>, vector<1x1x128xf32>,
    %mul3A_52 = arith.mulf %select_n3A, %select_n3A : vector<640x128xf32>
    %reduce_sum3A_53 = arith.constant dense<0.000000e+00> : vector<128xf32>
    %reduce_sum3A_54 = vector.multi_reduction <add>, %mul3A_52, %reduce_sum3A_53 [0] : vector<640x128xf32> to vector<128xf32>
    %swap3A_55 = arith.constant 0 : index
    %swap3A_56 = arith.constant 1 : index
    %swap3A_57 = arith.constant 0 : index
    %swap3A_58 = vector.load %arg7[%swap3A_55, %swap3A_56, %swap3A_57] : memref<1x2x128xf32, #tpu.memory_space<vmem>>, vector<1x1x128xf32>
    %swap3A_59 = vector.shape_cast %swap3A_58 : vector<1x1x128xf32> to vector<128xf32>
    %swap3A_60 = vector.shape_cast %reduce_sum3A_54 : vector<128xf32> to vector<1x1x128xf32>
    tpu.vector_store %arg7[%swap3A_55, %swap3A_56, %swap3A_57], %swap3A_60 {strides = array<i32>} : memref<1x2x128xf32, #tpu.memory_space<vmem>>, vector<1x1x128xf32>,
    return
  }
  func.func @transform_0(%arg0: i32) -> (i32, i32, i32) {
    %c0_i32 = arith.constant 0 : i32
    %c0_i32_0 = arith.constant 0 : i32
    %c0_i32_1 = arith.constant 0 : i32
    return %c0_i32, %arg0, %c0_i32_0 : i32, i32, i32
  }
  func.func @transform_1(%arg0: i32) -> (i32, i32) {
    %c0_i32 = arith.constant 0 : i32
    %c0_i32_0 = arith.constant 0 : i32
    return %c0_i32, %arg0 : i32, i32
  }
  func.func @transform_2(%arg0: i32) -> (i32, i32) {
    %c0_i32 = arith.constant 0 : i32
    %c0_i32_0 = arith.constant 0 : i32
    %c0_i32_1 = arith.constant 0 : i32
    return %c0_i32, %c0_i32_0 : i32, i32
  }
  func.func @transform_3(%arg0: i32) -> (i32, i32) {
    %c0_i32 = arith.constant 0 : i32
    %c0_i32_0 = arith.constant 0 : i32
    return %arg0, %c0_i32 : i32, i32
  }
  func.func @transform_4(%arg0: i32) -> (i32, i32) {
    %c0_i32 = arith.constant 0 : i32
    %c0_i32_0 = arith.constant 0 : i32
    %c0_i32_1 = arith.constant 0 : i32
    return %c0_i32, %c0_i32_0 : i32, i32
  }
  func.func @transform_5(%arg0: i32) -> (i32, i32) {
    %c0_i32 = arith.constant 0 : i32
    %c0_i32_0 = arith.constant 0 : i32
    return %arg0, %c0_i32 : i32, i32
  }
  func.func @transform_6(%arg0: i32) -> (i32, i32, i32) {
    %c0_i32 = arith.constant 0 : i32
    %c0_i32_0 = arith.constant 0 : i32
    %c0_i32_1 = arith.constant 0 : i32
    return %arg0, %c0_i32, %c0_i32_0 : i32, i32, i32
  }
}

module attributes {stable_mosaic.version = 14 : i64} {
  func.func @body(%arg0: i32, %arg1: memref<640x128xf32, #tpu.memory_space<vmem>>, %arg2: memref<16x2x128xf32, #tpu.memory_space<vmem>>, %arg3: memref<1x128xf32, #tpu.memory_space<vmem>>, %arg4: memref<1x128xf32, #tpu.memory_space<vmem>>, %arg5: memref<128x128xf32, #tpu.memory_space<vmem>>, %arg6: memref<128x2xf32, #tpu.memory_space<vmem>>, %arg7: memref<2x640x64xf32, #tpu.memory_space<vmem>>, %arg8: memref<640x2xf32, #tpu.memory_space<vmem>>, %arg9: memref<640x128xf32, #tpu.memory_space<vmem>>) attributes {dimension_semantics = [#tpu.dimension_semantics<arbitrary>], iteration_bounds = array<i64: 16>, scalar_prefetch = 0 : i64, scratch_operands = 0 : i64, tpu.core_type = #tpu.core_type<tc>, window_params = [{transform_indices = @transform_0, window_bounds = array<i64: 640, 128>}, {pipeline_mode = #tpu.pipeline_mode<synchronous>, transform_indices = @transform_1, window_bounds = array<i64: 16, 2, 128>}, {pipeline_mode = #tpu.pipeline_mode<synchronous>, transform_indices = @transform_2, window_bounds = array<i64: 1, 128>}, {pipeline_mode = #tpu.pipeline_mode<synchronous>, transform_indices = @transform_3, window_bounds = array<i64: 1, 128>}, {pipeline_mode = #tpu.pipeline_mode<synchronous>, transform_indices = @transform_4, window_bounds = array<i64: 128, 128>}, {pipeline_mode = #tpu.pipeline_mode<synchronous>, transform_indices = @transform_5, window_bounds = array<i64: 128, 2>}, {transform_indices = @transform_6, window_bounds = array<i64: 2, 640, 64>}, {transform_indices = @transform_7, window_bounds = array<i64: 640, 2>}, {transform_indices = @transform_8, window_bounds = array<i64: 640, 128>}]} {
    %get3A = arith.constant 0 : index
    %get3A_0 = arith.constant 0 : index
    %get3A_1 = arith.constant 0 : index
    %get3A_2 = vector.load %arg2[%get3A, %get3A_0, %get3A_1] : memref<16x2x128xf32, #tpu.memory_space<vmem>>, vector<16x1x128xf32>
    %get3A_3 = vector.shape_cast %get3A_2 : vector<16x1x128xf32> to vector<16x128xf32>
    %reduce_sum3A = arith.constant dense<0.000000e+00> : vector<128xf32>
    %reduce_sum3A_4 = vector.multi_reduction <add>, %get3A_3, %reduce_sum3A [0] : vector<16x128xf32> to vector<128xf32>
    %div3A = arith.constant 1.000000e+04 : f32
    %div3A_5 = vector.broadcast %div3A : f32 to vector<128xf32>
    %div3A_6 = arith.divf %reduce_sum3A_4, %div3A_5 : vector<128xf32>
    %get3A_7 = arith.constant 0 : index
    %get3A_8 = arith.constant 1 : index
    %get3A_9 = arith.constant 0 : index
    %get3A_10 = vector.load %arg2[%get3A_7, %get3A_8, %get3A_9] : memref<16x2x128xf32, #tpu.memory_space<vmem>>, vector<16x1x128xf32>
    %get3A_11 = vector.shape_cast %get3A_10 : vector<16x1x128xf32> to vector<16x128xf32>
    %reduce_sum3A_12 = arith.constant dense<0.000000e+00> : vector<128xf32>
    %reduce_sum3A_13 = vector.multi_reduction <add>, %get3A_11, %reduce_sum3A_12 [0] : vector<16x128xf32> to vector<128xf32>
    %div3A_14 = arith.constant 1.000000e+04 : f32
    %div3A_15 = vector.broadcast %div3A_14 : f32 to vector<128xf32>
    %div3A_16 = arith.divf %reduce_sum3A_13, %div3A_15 : vector<128xf32>
    %mul3A = arith.mulf %div3A_6, %div3A_6 : vector<128xf32>
    %sub3A = arith.subf %div3A_16, %mul3A : vector<128xf32>
    %get3A_17 = arith.constant 0 : index
    %get3A_18 = arith.constant 0 : index
    %get3A_19 = vector.load %arg1[%get3A_17, %get3A_18] : memref<640x128xf32, #tpu.memory_space<vmem>>, vector<640x128xf32>
    %get3A_20 = arith.constant 0 : index
    %get3A_21 = arith.constant 0 : index
    %get3A_22 = vector.load %arg3[%get3A_20, %get3A_21] : memref<1x128xf32, #tpu.memory_space<vmem>>, vector<1x128xf32>
    %broadcast_in_dim3A = vector.shape_cast %div3A_6 : vector<128xf32> to vector<1x128xf32>
    %sub3A_23 = vector.broadcast %broadcast_in_dim3A : vector<1x128xf32> to vector<640x128xf32>
    %sub3A_24 = arith.subf %get3A_19, %sub3A_23 : vector<640x128xf32>
    %mul3A_25 = vector.broadcast %get3A_22 : vector<1x128xf32> to vector<640x128xf32>
    %mul3A_26 = arith.mulf %mul3A_25, %sub3A_24 : vector<640x128xf32>
    %add3A = arith.constant 9.99999974E-6 : f32
    %add3A_27 = vector.broadcast %add3A : f32 to vector<128xf32>
    %add3A_28 = arith.addf %sub3A, %add3A_27 : vector<128xf32>
    %sqrt3A = math.sqrt %add3A_28 : vector<128xf32>
    %broadcast_in_dim3A_29 = vector.shape_cast %sqrt3A : vector<128xf32> to vector<1x128xf32>
    %div3A_30 = vector.broadcast %broadcast_in_dim3A_29 : vector<1x128xf32> to vector<640x128xf32>
    %div3A_31 = arith.divf %mul3A_26, %div3A_30 : vector<640x128xf32>
    %get3A_32 = arith.constant 0 : index
    %get3A_33 = arith.constant 0 : index
    %get3A_34 = vector.load %arg4[%get3A_32, %get3A_33] : memref<1x128xf32, #tpu.memory_space<vmem>>, vector<1x128xf32>
    %add3A_35 = vector.broadcast %get3A_34 : vector<1x128xf32> to vector<640x128xf32>
    %add3A_36 = arith.addf %div3A_31, %add3A_35 : vector<640x128xf32>
    %mul3A_37 = arith.constant 1.000000e-01 : f32
    %mul3A_38 = vector.broadcast %mul3A_37 : f32 to vector<640x128xf32>
    %mul3A_39 = arith.mulf %mul3A_38, %add3A_36 : vector<640x128xf32>
    %max3A = arith.maximumf %add3A_36, %mul3A_39 : vector<640x128xf32>
    %mul3A_40 = arith.constant 640 : i32
    %mul3A_41 = arith.muli %arg0, %mul3A_40 : i32
    %iota3A = tpu.iota {dimensions = array<i32: 0>} : vector<640x1xi32>
    %add3A_42 = vector.broadcast %mul3A_41 : i32 to vector<640x1xi32>
    %add3A_43 = arith.addi %add3A_42, %iota3A : vector<640x1xi32>
    %lt3A = arith.constant 10000 : i32
    %lt3A_44 = vector.broadcast %lt3A : i32 to vector<640x1xi32>
    %lt3A_45 = arith.cmpi slt, %add3A_43, %lt3A_44 : vector<640x1xi32>
    %jit3A = arith.constant 0.000000e+00 : f32
    %broadcast_in_dim3A_46 = vector.shape_cast %lt3A_45 : vector<640x1xi1> to vector<640x1xi1>
    %broadcast_in_dim3A_47 = vector.broadcast %broadcast_in_dim3A_46 : vector<640x1xi1> to vector<640x128xi1>
    %broadcast_in_dim3A_48 = vector.broadcast %jit3A : f32 to vector<640x128xf32>
    %select_n3A = arith.select %broadcast_in_dim3A_47, %max3A, %broadcast_in_dim3A_48 : vector<640x128xi1>, vector<640x128xf32>
    %swap3A = arith.constant 0 : index
    %swap3A_49 = arith.constant 0 : index
    %swap3A_50 = vector.load %arg9[%swap3A, %swap3A_49] : memref<640x128xf32, #tpu.memory_space<vmem>>, vector<640x128xf32>
    tpu.vector_store %arg9[%swap3A, %swap3A_49], %select_n3A {strides = array<i32>} : memref<640x128xf32, #tpu.memory_space<vmem>>, vector<640x128xf32>,
    %get3A_51 = arith.constant 0 : index
    %get3A_52 = arith.constant 0 : index
    %get3A_53 = vector.load %arg5[%get3A_51, %get3A_52] : memref<128x128xf32, #tpu.memory_space<vmem>>, vector<128x128xf32>
    %dot_general3A = arith.constant dense<0.000000e+00> : vector<640x128xf32>
    %dot_general3A_54 = tpu.matmul %select_n3A, %get3A_53, %dot_general3A {dimension_numbers = #tpu.dot_dimension_numbers<[1], [0], [0], [1], [0, 0, 1, 1], [], []>, transpose_lhs_hint = false} : vector<640x128xf32>, vector<128x128xf32>, vector<640x128xf32> -> vector<640x128xf32>
    %slice3A = vector.extract_strided_slice %dot_general3A_54 {offsets = [0, 0], sizes = [640, 64], strides = [1, 1]} : vector<640x128xf32> to vector<640x64xf32>
    %swap3A_55 = arith.constant 0 : index
    %swap3A_56 = arith.constant 0 : index
    %swap3A_57 = arith.constant 0 : index
    %swap3A_58 = vector.load %arg7[%swap3A_55, %swap3A_56, %swap3A_57] : memref<2x640x64xf32, #tpu.memory_space<vmem>>, vector<1x640x64xf32>
    %swap3A_59 = vector.shape_cast %swap3A_58 : vector<1x640x64xf32> to vector<640x64xf32>
    %swap3A_60 = vector.shape_cast %slice3A : vector<640x64xf32> to vector<1x640x64xf32>
    tpu.vector_store %arg7[%swap3A_55, %swap3A_56, %swap3A_57], %swap3A_60 {strides = array<i32>} : memref<2x640x64xf32, #tpu.memory_space<vmem>>, vector<1x640x64xf32>,
    %slice3A_61 = vector.extract_strided_slice %dot_general3A_54 {offsets = [0, 64], sizes = [640, 64], strides = [1, 1]} : vector<640x128xf32> to vector<640x64xf32>
    %swap3A_62 = arith.constant 1 : index
    %swap3A_63 = arith.constant 0 : index
    %swap3A_64 = arith.constant 0 : index
    %swap3A_65 = vector.load %arg7[%swap3A_62, %swap3A_63, %swap3A_64] : memref<2x640x64xf32, #tpu.memory_space<vmem>>, vector<1x640x64xf32>
    %swap3A_66 = vector.shape_cast %swap3A_65 : vector<1x640x64xf32> to vector<640x64xf32>
    %swap3A_67 = vector.shape_cast %slice3A_61 : vector<640x64xf32> to vector<1x640x64xf32>
    tpu.vector_store %arg7[%swap3A_62, %swap3A_63, %swap3A_64], %swap3A_67 {strides = array<i32>} : memref<2x640x64xf32, #tpu.memory_space<vmem>>, vector<1x640x64xf32>,
    %get3A_68 = arith.constant 0 : index
    %get3A_69 = arith.constant 0 : index
    %get3A_70 = vector.load %arg6[%get3A_68, %get3A_69] : memref<128x2xf32, #tpu.memory_space<vmem>>, vector<128x2xf32>
    %dot_general3A_71 = arith.constant dense<0.000000e+00> : vector<640x2xf32>
    %dot_general3A_72 = tpu.matmul %dot_general3A_54, %get3A_70, %dot_general3A_71 {dimension_numbers = #tpu.dot_dimension_numbers<[1], [0], [0], [1], [0, 0, 1, 1], [], []>, transpose_lhs_hint = false} : vector<640x128xf32>, vector<128x2xf32>, vector<640x2xf32> -> vector<640x2xf32>
    %swap3A_73 = arith.constant 0 : index
    %swap3A_74 = arith.constant 0 : index
    %swap3A_75 = vector.load %arg8[%swap3A_73, %swap3A_74] : memref<640x2xf32, #tpu.memory_space<vmem>>, vector<640x2xf32>
    tpu.vector_store %arg8[%swap3A_73, %swap3A_74], %dot_general3A_72 {strides = array<i32>} : memref<640x2xf32, #tpu.memory_space<vmem>>, vector<640x2xf32>,
    return
  }
  func.func @transform_0(%arg0: i32) -> (i32, i32) {
    %c0_i32 = arith.constant 0 : i32
    %c0_i32_0 = arith.constant 0 : i32
    return %arg0, %c0_i32 : i32, i32
  }
  func.func @transform_1(%arg0: i32) -> (i32, i32, i32) {
    %c0_i32 = arith.constant 0 : i32
    %c0_i32_0 = arith.constant 0 : i32
    %c0_i32_1 = arith.constant 0 : i32
    %c0_i32_2 = arith.constant 0 : i32
    return %c0_i32, %c0_i32_0, %c0_i32_1 : i32, i32, i32
  }
  func.func @transform_2(%arg0: i32) -> (i32, i32) {
    %c0_i32 = arith.constant 0 : i32
    %c0_i32_0 = arith.constant 0 : i32
    %c0_i32_1 = arith.constant 0 : i32
    return %c0_i32, %c0_i32_0 : i32, i32
  }
  func.func @transform_3(%arg0: i32) -> (i32, i32) {
    %c0_i32 = arith.constant 0 : i32
    %c0_i32_0 = arith.constant 0 : i32
    %c0_i32_1 = arith.constant 0 : i32
    return %c0_i32, %c0_i32_0 : i32, i32
  }
  func.func @transform_4(%arg0: i32) -> (i32, i32) {
    %c0_i32 = arith.constant 0 : i32
    %c0_i32_0 = arith.constant 0 : i32
    %c0_i32_1 = arith.constant 0 : i32
    return %c0_i32, %c0_i32_0 : i32, i32
  }
  func.func @transform_5(%arg0: i32) -> (i32, i32) {
    %c0_i32 = arith.constant 0 : i32
    %c0_i32_0 = arith.constant 0 : i32
    %c0_i32_1 = arith.constant 0 : i32
    return %c0_i32, %c0_i32_0 : i32, i32
  }
  func.func @transform_6(%arg0: i32) -> (i32, i32, i32) {
    %c0_i32 = arith.constant 0 : i32
    %c0_i32_0 = arith.constant 0 : i32
    %c0_i32_1 = arith.constant 0 : i32
    return %c0_i32, %arg0, %c0_i32_0 : i32, i32, i32
  }
  func.func @transform_7(%arg0: i32) -> (i32, i32) {
    %c0_i32 = arith.constant 0 : i32
    %c0_i32_0 = arith.constant 0 : i32
    return %arg0, %c0_i32 : i32, i32
  }
  func.func @transform_8(%arg0: i32) -> (i32, i32) {
    %c0_i32 = arith.constant 0 : i32
    %c0_i32_0 = arith.constant 0 : i32
    return %arg0, %c0_i32 : i32, i32
  }
}

module attributes {stable_mosaic.version = 14 : i64} {
  func.func @_final_body(%arg0: i32, %arg1: memref<1000x128xf32, #tpu.memory_space<vmem>>, %arg2: memref<1000x9xf32, #tpu.memory_space<vmem>>) attributes {dimension_semantics = [#tpu.dimension_semantics<arbitrary>], iteration_bounds = array<i64: 10>, scalar_prefetch = 0 : i64, scratch_operands = 0 : i64, tpu.core_type = #tpu.core_type<tc>, window_params = [{transform_indices = @transform_0, window_bounds = array<i64: 1000, 128>}, {transform_indices = @transform_1, window_bounds = array<i64: 1000, 9>}]} {
    %get3A = arith.constant 0 : index
    %get3A_0 = arith.constant 0 : index
    %get3A_1 = vector.load %arg1[%get3A, %get3A_0] : memref<1000x128xf32, #tpu.memory_space<vmem>>, vector<1000x128xf32>
    %mul3A = arith.constant 1.000000e-01 : f32
    %mul3A_2 = vector.broadcast %mul3A : f32 to vector<1000x128xf32>
    %mul3A_3 = arith.mulf %mul3A_2, %get3A_1 : vector<1000x128xf32>
    %max3A = arith.maximumf %get3A_1, %mul3A_3 : vector<1000x128xf32>
    %slice3A = vector.extract_strided_slice %max3A {offsets = [0, 0], sizes = [1000, 9], strides = [1, 1]} : vector<1000x128xf32> to vector<1000x9xf32>
    %swap3A = arith.constant 0 : index
    %swap3A_4 = arith.constant 0 : index
    %swap3A_5 = vector.load %arg2[%swap3A, %swap3A_4] : memref<1000x9xf32, #tpu.memory_space<vmem>>, vector<1000x9xf32>
    tpu.vector_store %arg2[%swap3A, %swap3A_4], %slice3A {strides = array<i32>} : memref<1000x9xf32, #tpu.memory_space<vmem>>, vector<1000x9xf32>,
    return
  }
  func.func @transform_0(%arg0: i32) -> (i32, i32) {
    %c0_i32 = arith.constant 0 : i32
    %c0_i32_0 = arith.constant 0 : i32
    return %arg0, %c0_i32 : i32, i32
  }
  func.func @transform_1(%arg0: i32) -> (i32, i32) {
    %c0_i32 = arith.constant 0 : i32
    %c0_i32_0 = arith.constant 0 : i32
    return %arg0, %c0_i32 : i32, i32
  }
}

</mosaic_0001>

<sc_bundles>
// kernel: gat_edge_phase.6.cloned.1.call-start
scs
__scs_entry_jumppad:
0x0: {  	(pc) =	sbr.rel $0x88, $3  }
0x1: {  	(tag) =	ssettag $0x0;
	lr =	simm.s32 $0x1  }
0x2: {  	[smem:$0x3F83] =	sst lr;
	_ =	strace $0xD0000000  }
0x3: {  	_ = 	snop  }
0x4: {  	_ = 	snop  }
0x5: {  	_ = 	snop  }
0x6: {  	_ = 	snop  }
0x7: {  	_ = 	snop  }
__scs_overlays_trampoline_lowered:
0x8: {  	[smem:$0x3F92] =	sst s0  }
0x9: {  	[smem:$0x3F93] =	sst s1  }
0xa: {  	[smem:$0x3F94] =	sst s2  }
0xb: {  	[smem:$0x3F95] =	sst s3  }
0xc: {  	[smem:$0x3F96] =	sst s4  }
0xd: {  	[smem:$0x3F97] =	sst s5  }
0xe: {  	[smem:$0x3F98] =	sst s6  }
0xf: {  	[smem:$0x3F99] =	sst s7  }
0x10: {  	[smem:$0x3F9A] =	sst s8  }
0x11: {  	[smem:$0x3F9B] =	sst s9;
	s0 =	simm.s32 @!p0 $0x0  }
0x12: {  	s1 =	sld [smem:$0x3F81];
	s0 =	simm.s32 @p0 $0x1  }
0x13: {  	[smem:$0x3F9C] =	sst s0;
	s0 =	simm.s32 @!p1 $0x0  }
0x14: {  	s2 =	sld [smem:$0x3F80];
	s0 =	simm.s32 @p1 $0x1  }
0x15: {  	[smem:$0x3F9D] =	sst s0;
	s0 =	simm.s32 @!p2 $0x0  }
0x16: {  	s3 =	sld [smem:$0x3FDB];
	s0 =	simm.s32 @p2 $0x1  }
0x17: {  	s4 =	simm.s32 $0x1BF5;
	[smem:$0x3F9F] =	sst s0  }
0x18: {  	s0 =	sld [smem:$0x3F82];
	_ =	swait.ge [sflag:s4], $0x0  }
0x19: {  	s7 =	sld [smem:$0x3F83]  }
0x1a: {  	s8 =	sadd.s32 $0xFFFFE003, lr  }
0x1b: {  	s9 =	sadd.s32 $0xFFFFFEF7, lr;
	s5 =	simm.s32 $0xFFFFFFFF;
	p2 =	slt.u32 s8, $0xFFFFF086  }
0x1c: {  	p1 =	slt.u32 s9, $0xF7A;
	s5 =	simm.s32 @!p2 $0x0  }
0x1d: {  	s5 =	simm.s32 @p1 $0x1;
	p0 =	seq.s32 s7, s2  }
0x1e: {  	s7 =	smul.u32 @!p0 $0xF7A, s2;
	p2 =	seq.s32 @!p0 s5, $0x0  }
0x1f: {  	s9 =	smul.u32 $0xF7A, s1;
	s8 =	simm.s32 @!p0 $0x1BF5;
	p2 =	por !p2, p0  }
0x20: {  	[sflag:s8] =	ssyncset.s32 @!p0 $0xFFFFF086;
	s6 =	sadd.s32 @!p0 s3, s7;
	s7 =	simm.s32 @!p0 $0x108  }
0x21: {  	s3 =	sadd.s32 s3, s9;
	s6 =	sadd.s32 @!p0 $0x88, s6;
	s7 =	simm.s32 @p2 $0x1082  }
0x22: {  	[simem:s7], [sflag:s8] =	dma.local @!p0 [hbm:s6], $0xF7A  }
0x23: {  	s9 =	sor.u32 $0xD0000000, s2;
	s6 =	simm.s32 $0x108;
	_ =	swait.ge @!p0 [sflag:s8], $0x0  }
0x24: {  	s3 =	sadd.s32 $0x88, s3;
	s6 =	simm.s32 @!p1 $0x1082;
	[sflag:s4] =	ssyncset.s32 $0xFFFFF086  }
0x25: {  	[simem:s6], [sflag:s4] =	dma.local [hbm:s3], $0xF7A  }
0x26: {  	[smem:$0x3F83] =	sst s1;
	(tag) =	ssettag s2;
	_ =	strace s9  }
0x27: {  	s1 =	sld [smem:$0x3F93]  }
0x28: {  	s2 =	sld [smem:$0x3F94]  }
0x29: {  	s4 =	sld [smem:$0x3F96]  }
0x2a: {  	p0 =	seq.s32 s5, $0x0;
	s5 =	sld [smem:$0x3F97]  }
0x2b: {  	s6 =	sld [smem:$0x3F98]  }
0x2c: {  	s7 =	sld [smem:$0x3F99]  }
0x2d: {  	s3 =	simm.s32 $0x108;
	s8 =	sld [smem:$0x3F9A]  }
0x2e: {  	s3 =	simm.s32 @!p0 $0x1082;
	s9 =	sld [smem:$0x3F9B]  }
0x2f: {  	lr =	sadd.s32 s0, s3;
	s0 =	sld [smem:$0x3F92]  }
0x30: {  	s3 =	sld [smem:$0x3F95]  }
0x31: {  	[smem:$0x3F9E] =	sst s10  }
0x32: {  	s10 =	sld [smem:$0x3F9C];
	_ =	sdelay $0x3  }
0x33: {  	p0 =	seq.s32 s10, $0x1;
	s10 =	sld [smem:$0x3F9E];
	_ =	sdelay $0x3  }
0x34: {  	[smem:$0x3F9E] =	sst s10  }
0x35: {  	s10 =	sld [smem:$0x3F9D];
	_ =	sdelay $0x3  }
0x36: {  	p1 =	seq.s32 s10, $0x1;
	s10 =	sld [smem:$0x3F9E];
	_ =	sdelay $0x3  }
0x37: {  	[smem:$0x3F9E] =	sst s10  }
0x38: {  	s10 =	sld [smem:$0x3F9F]  }
0x39: {  	_ = 	snop;
	(pc) =	sbr.ind lr, $3  }
0x3a: {  	_ = 	snop  }
0x3b: {  	_ = 	snop  }
0x3c: {  	p2 =	seq.s32 s10, $0x1;
	s10 =	sld [smem:$0x3F9E]  }
0x3d: {  	_ =	shalt  }
0x3e: {  	_ =	shalt  }
0x3f: {  	_ =	shalt  }
0x40: {  	_ =	shalt  }
0x41: {  	_ =	shalt  }
0x42: {  	_ =	shalt  }
0x43: {  	_ =	shalt  }
0x44: {  	_ =	shalt  }
0x45: {  	_ =	shalt  }
0x46: {  	_ =	shalt  }
0x47: {  	_ =	shalt  }
0x48: {  	_ =	shalt  }
0x49: {  	_ =	shalt  }
0x4a: {  	_ =	shalt  }
0x4b: {  	_ =	shalt  }
0x4c: {  	_ =	shalt  }
0x4d: {  	_ =	shalt  }
0x4e: {  	_ =	shalt  }
0x4f: {  	_ =	shalt  }
0x50: {  	_ =	shalt  }
0x51: {  	_ =	shalt  }
0x52: {  	_ =	shalt  }
0x53: {  	_ =	shalt  }
0x54: {  	_ =	shalt  }
0x55: {  	_ =	shalt  }
0x56: {  	_ =	shalt  }
0x57: {  	_ =	shalt  }
0x58: {  	_ =	shalt  }
0x59: {  	_ =	shalt  }
0x5a: {  	_ =	shalt  }
0x5b: {  	_ =	shalt  }
0x5c: {  	_ =	shalt  }
0x5d: {  	_ =	shalt  }
0x5e: {  	_ =	shalt  }
0x5f: {  	_ =	shalt  }
0x60: {  	_ =	shalt  }
0x61: {  	_ =	shalt  }
0x62: {  	_ =	shalt  }
0x63: {  	_ =	shalt  }
0x64: {  	_ =	shalt  }
0x65: {  	_ =	shalt  }
0x66: {  	_ =	shalt  }
0x67: {  	_ =	shalt  }
0x68: {  	_ =	shalt  }
0x69: {  	_ =	shalt  }
0x6a: {  	_ =	shalt  }
0x6b: {  	_ =	shalt  }
0x6c: {  	_ =	shalt  }
0x6d: {  	_ =	shalt  }
0x6e: {  	_ =	shalt  }
0x6f: {  	_ =	shalt  }
0x70: {  	_ =	shalt  }
0x71: {  	_ =	shalt  }
0x72: {  	_ =	shalt  }
0x73: {  	_ =	shalt  }
0x74: {  	_ =	shalt  }
0x75: {  	_ =	shalt  }
0x76: {  	_ =	shalt  }
0x77: {  	_ =	shalt  }
0x78: {  	_ =	shalt  }
0x79: {  	_ =	shalt  }
0x7a: {  	_ =	shalt  }
0x7b: {  	_ =	shalt  }
0x7c: {  	_ =	shalt  }
0x7d: {  	_ =	shalt  }
0x7e: {  	_ =	shalt  }
0x7f: {  	_ =	shalt  }
0x80: {  	_ =	shalt  }
0x81: {  	_ =	shalt  }
0x82: {  	_ =	shalt  }
0x83: {  	_ =	shalt  }
0x84: {  	_ =	shalt  }
0x85: {  	_ =	shalt  }
0x86: {  	_ =	shalt  }
0x87: {  	_ =	shalt  }
.Lfunc_end0:
.L_simem_size_0:
called_computation_lowered:
.L_overlay_start_0:
0x88: {  	s2 =	sld [smem:$0x3FD9]  }
0x89: {  	s3 =	sld [smem:$0x3FFE];
	_ =	sdelay $0x1  }
0x8a: {  	s1 =	srdreg.scid  }
0x8b: {  	s0 =	sand.u32 $0x1, s1  }
0x8c: {  	s17 =	sshll.u32 s0, $0xA;
	s2 =	sadd.s32 s3, s2  }
0x8d: {  	s2 =	sadd.s32 s2, s17  }
0x8e: {  	[smem:$0x3FAA] =	sst s2  }
0x8f: {  	_ = 	snop  }
0x90: {  	s2 =	sld [smem:$0x3FD0];
	(tm) =	ssettm $0x1  }
0x91: {  	s18 =	sld [smem:$0x3FFB];
	_ =	sdelay $0x3  }
0x92: {  	_ =	strace s18  }
0x93: {  	s3 =	sld [smem:$0x3FFC];
	_ =	sdelay $0x3  }
0x94: {  	_ =	strace s3  }
0x95: {  	s3 =	sld [smem:$0x3FFD];
	_ =	sdelay $0x3  }
0x96: {  	_ =	strace s3  }
0x97: {  	_ =	strace $0x8FFFFFFF  }
0x98: {  	s19 =	sld [smem:$0x3FDB];
	_ =	sdelay $0x1  }
0x99: {  	s4 =	simm.s32 $_scs_section_size  }
0x9a: {  	s5 =	simm.s32 $_size__tile_overlayer_lowered;
	s6 =	simm.s32 $_tile_overlayer_lowered  }
0x9b: {  	s22 =	simm.s32 $0x1BFF;
	s21 =	sshll.u32 s6, $0x1;
	s3 =	sadd.s32 s4, s19  }
0x9c: {  	s7 =	simm.s32 $0x0;
	s20 =	sshll.u32 s5, $0x1;
	s5 =	sadd.s32 s21, s3  }
0x9d: {  	[timem:s7], [sflag:s22] =	dma.local [hbm:s5], s20  }
0x9e: {  	_ =	swait.ge [sflag:s22], s20  }
0x9f: {  	s4 =	ssub.s32 $0x0, s20;
	[sflag:s22] =	ssyncset.done $0x0  }
0xa0: {  	[sflag:s22] =	ssyncadd.s32 s4;
	_ =	sdelay $0x1  }
0xa1: {  	s23 =	simm.s32 $0x1B8B  }
0xa2: {  	_ =	swait.ge [sflag:s23], $0x1  }
0xa3: {  	[sflag:s23] =	ssyncset.done $0x0  }
0xa4: {  	s25 =	simm.s32 $0x1B8E;
	s24 =	sld [smem:$0x3FFE];
	[sflag:s23] =	ssyncadd.s32 $0xFFFFFFFF  }
0xa5: {  	s26 =	simm.s32 $execute0_lowered;
	[smem:$0x3FD2] =	sst s25  }
0xa6: {  	s5 =	sshll.u32 s26, $0x1;
	_ =	strace $0x80000046;
	[dreg:$0x1] =	wrdreg $0xFFFFFFFF  }
0xa7: {  	s28 =	simm.s32 $_size_execute0_lowered;
	s3 =	sadd.s32 s3, s5;
	[dreg:$0x0] =	wrdreg $0x0  }
0xa8: {  	s5 =	sshll.u32 s28, $0x1;
	[dreg:$0x2] =	wrdreg s3  }
0xa9: {  	[dreg:$0x3] =	wrdreg s5  }
0xaa: {  	[dreg:$0x4] =	wrdreg $0xC0  }
0xab: {  	_ =	task [dreg:s7], $0x5FFFF  }
0xac: {  	[dreg:$0x1] =	wrdreg $0xFFFFFFFF  }
0xad: {  	[dreg:$0x0] =	wrdreg $0x60  }
0xae: {  	[dreg:$0x2] =	wrdreg s24  }
0xaf: {  	[dreg:$0x3] =	wrdreg s2  }
0xb0: {  	[dreg:$0x4] =	wrdreg $0xBC800  }
0xb1: {  	[dreg:$0x5] =	wrdreg $0x15C800  }
0xb2: {  	[dreg:$0x6] =	wrdreg $0x9  }
0xb3: {  	_ =	task.clear_ibuf [dreg:s7], $0x7FFFF;
	_ =	strace $0x90000046  }
0xb4: {  	s29 =	simm.s32 $0x9;
	_ =	strace $0x80000048  }
0xb5: {  	_ =	swait.ge [sflag:s29], $0x1  }
0xb6: {  	[sflag:s29] =	ssyncadd.s32 $0xFFFFFFFF  }
0xb7: {  	_ =	strace $0x90000048  }
0xb8: {  	_ =	sfence  }
0xb9: {  	s30 =	sld [smem:$0x0];
	_ =	sdelay $0x2  }
0xba: {  	s31 =	sshll.u32 s1, $0xD;
	s1 =	sshrl.u32 s1, $0x2  }
0xbb: {  	s3 =	sand.u32 $0x4000, s31;
	s1 =	sadd.s32 s1, s30  }
0xbc: {  	s0 =	sor.u32 s3, s0;
	s1 =	sshll.u32 s1, $0x11  }
0xbd: {  	s0 =	sor.u32 s1, s0  }
0xbe: {  	s0 =	sadd.s32 $0x8F2B, s0  }
0xbf: {  	[sflag:s0] =	ssyncadd.remote.s32 $0x1  }
0xc0: {  	_ =	sfence.sel $0xFFFF  }
0xc1: {  	[dreg:$0x0] =	wrdreg $0xFFFFFFFF;
	(pc) =	sbr.abs _section_cstart, $3  }
0xc2: {  	[dreg:$0x1] =	wrdreg $0xFFFFFFFF  }
0xc3: {  	_ =	task.clear_ibuf [dreg:s7], $0x2FFFF;
	_ =	strace $0x9FFFFFFF  }
0xc4: {  	(tm) =	ssettm $0x7FFFFFFF  }
0xc5: {  	_ =	shalt  }
tec
execute0_lowered:
.L_overlay_start_1:
0x0: {  	(tag) =	ssettag $0x1  }
0x1: {  	s1 =	rddreg [dreg:$0x0]  }
0x2: {  	s3 =	rddreg [dreg:$0x2];
	s0 =	srdreg.scid  }
0x3: {  	s19 =	stileid.u32;
	s4 =	rddreg [dreg:$0x3];
	s5 =	simm.s32 $0x0  }
0x4: {  	s28 =	simm.s32 $0x5480;
	s2 =	sand.u32 $0x1, s0;
	s0 =	smul.u32 $0xA000, s19  }
0x5: {  	[smem:$0x7FF] =	sst s5;
	s8 =	sshll.u32 s19, $0x1;
	s19 =	smul.u32 $0x5200, s19  }
0x6: {  	s10 =	sadd.s32 $0x85C00, s1;
	s6 =	smul.u32 $0xA0000, s2;
	s9 =	ssub.s32 $0x2, s2  }
0x7: {  	_ =	strace $0x80000047;
	s2 =	sor.u32 s2, s8;
	s23 =	sshrl.u32 s9, $0x1  }
0x8: {  	s2 =	smul.u32 $0x500, s2;
	s11 =	sadd.s32 $0x2800, s0;
	s12 =	sadd.s32 $0x3C00, s0  }
0x9: {  	s13 =	sadd.s32 $0x5000, s0;
	s16 =	sadd.s32 $0x6400, s0;
	s17 =	sadd.s32 $0x7800, s0  }
0xa: {  	s18 =	sadd.s32 $0x8C00, s0;
	s7 =	sadd.s32 s0, s6;
	s8 =	ssub.s32 s9, s23  }
0xb: {  	s9 =	sor.u32 $0x1400, s0;
	s15 =	sadd.s32 s6, s11;
	s25 =	sadd.s32 s6, s12  }
0xc: {  	s5 =	sadd.s32 s6, s13;
	s21 =	sadd.s32 s6, s16;
	s23 =	sadd.s32 s6, s17  }
0xd: {  	s16 =	sadd.s32 s16, s4;
	s17 =	sadd.s32 s17, s4;
	s7 =	sshrl.u32 s7, $0x3  }
0xe: {  	s14 =	sadd.s32 s6, s9;
	s26 =	sshrl.u32 s25, $0x3;
	[dreg:$0x1b] =	wrdreg s16  }
0xf: {  	s6 =	sadd.s32 s6, s18;
	s18 =	sadd.s32 s18, s4;
	[dreg:$0x1c] =	wrdreg s17  }
0x10: {  	s14 =	sshrl.u32 s14, $0x3;
	s25 =	sadd.s32 s10, s7;
	[dreg:$0x1d] =	wrdreg s18  }
0x11: {  	s6 =	sshrl.u32 s6, $0x3;
	s14 =	sadd.s32 s10, s14;
	[dreg:$0xc] =	wrdreg s25  }
0x12: {  	s24 =	sshrl.u32 s15, $0x3;
	s6 =	sadd.s32 s10, s6;
	[dreg:$0x5] =	wrdreg s14  }
0x13: {  	s15 =	sshrl.u32 s23, $0x3;
	s14 =	sadd.s32 s10, s24;
	[dreg:$0xb] =	wrdreg s6  }
0x14: {  	s20 =	sshrl.u32 s5, $0x3;
	s24 =	sadd.s32 s10, s15;
	[dreg:$0x6] =	wrdreg s14  }
0x15: {  	s15 =	sadd.s32 $0x3F400, s1;
	s14 =	sadd.s32 s10, s26;
	[dreg:$0xa] =	wrdreg s24  }
0x16: {  	s26 =	sshrl.u32 s19, $0x3;
	[dreg:$0x7] =	wrdreg s14;
	s14 =	sadd.s32 s10, s20  }
0x17: {  	s22 =	sshrl.u32 s21, $0x3;
	s24 =	sadd.s32 s15, s26;
	[dreg:$0x8] =	wrdreg s14  }
0x18: {  	s5 =	sor.u32 $0x10, s26;
	s14 =	sadd.s32 s10, s22;
	[dreg:$0x10] =	wrdreg s24  }
0x19: {  	s29 =	simm.s32 $0x5400;
	s21 =	sadd.s32 s15, s5;
	[dreg:$0x9] =	wrdreg s14  }
0x1a: {  	s2 =	sadd.s32 s2, s1;
	s10 =	sadd.s32 s12, s4;
	[dreg:$0xe] =	wrdreg s21  }
0x1b: {  	s7 =	sadd.s32 s7, s1;
	s12 =	sadd.s32 $0x200, s19;
	[dreg:$0x19] =	wrdreg s10  }
0x1c: {  	s23 =	sor.u32 $0x20, s26;
	s24 =	sadd.s32 $0x7BC00, s2;
	[dreg:$0x1e] =	wrdreg s12  }
0x1d: {  	s14 =	sadd.s32 $0x49800, s1;
	s1 =	sadd.s32 s15, s23;
	[smem:$0x7FB] =	sst s24  }
0x1e: {  	s21 =	sadd.s32 s9, s4;
	s9 =	sadd.s32 s11, s4;
	[dreg:$0x12] =	wrdreg s1  }
0x1f: {  	s30 =	simm.s32 $0x5;
	s11 =	sadd.s32 s13, s4;
	[dreg:$0x18] =	wrdreg s9  }
0x20: {  	s31 =	simm.s32 $0x8;
	s13 =	sadd.s32 $0x280, s19;
	[dreg:$0x1a] =	wrdreg s11  }
0x21: {  	s6 =	sor.u32 $0x30, s26;
	s2 =	simm.s32 $0x2;
	[dreg:$0x1f] =	wrdreg s13  }
0x22: {  	s12 =	simm.s32 $0x5300;
	s20 =	sadd.s32 s14, s5;
	[dreg:$0x17] =	wrdreg s21  }
0x23: {  	s24 =	simm.s32 $0x5380;
	s22 =	sadd.s32 s14, s26;
	[dreg:$0xd] =	wrdreg s20  }
0x24: {  	s10 =	simm.s32 $0x4;
	s25 =	sadd.s32 s14, s23;
	[dreg:$0xf] =	wrdreg s22  }
0x25: {  	s26 =	sadd.s32 s14, s6;
	s5 =	sadd.s32 s15, s6;
	[dreg:$0x11] =	wrdreg s25  }
0x26: {  	s6 =	sadd.s32 $0x53C00, s7;
	s7 =	sadd.s32 s0, s3;
	[dreg:$0x13] =	wrdreg s26  }
0x27: {  	s23 =	sadd.s32 $0x380, s19;
	s9 =	simm.s32 $0x80;
	[dreg:$0x14] =	wrdreg s5  }
0x28: {  	s11 =	simm.s32 $0x9C80;
	s1 =	simm.s32 $0x6;
	[dreg:$0x15] =	wrdreg s6  }
0x29: {  	s20 =	sadd.s32 s0, s4;
	s22 =	sadd.s32 $0x300, s19;
	s19 =	simm.s32 $0x0  }
0x2a: {  	[smem:$0x7FA] =	sst s23;
	s25 =	smax.u32 s8, $0x1;
	s26 =	sshrl.u32 s7, $0x3  }
0x2b: {  	s5 =	simm.s32 $0x5280;
	s23 =	simm.s32 $0x7C80;
	[smem:$0x7F9] =	sst s22  }
0x2c: {  	s0 =	simm.s32 $0x9;
	s6 =	simm.s32 $0xA;
	[smem:$0x7FC] =	sst s25  }
0x2d: {  	s8 =	simm.s32 $0x0;
	[smem:$0x7FD] =	sst s26;
	s22 =	simm.s32 $0xB  }
0x2e: {  	v0 =	vimm.f32 $0.0e+00;
	s25 =	simm.s32 $0x7;
	s26 =	simm.s32 $0x1;
	[dreg:$0x16] =	wrdreg s20  }
.LBB2_1:
0x2f: {  	[smem:$0x7F7] =	sst s8  }
0x30: {  	s7 =	rddreg [dreg:$0xf];
	s13 =	simm.s32 $0x5000  }
0x31: {  	[tilespmem:s13], [sflag:$0x3] =	stream.linear.gather [hbm4b:s7+s19], $0x80, $0x38;
	[tilespmem:$0x1FC80] =	vst v63  }
0x32: {  	s8 =	rddreg [dreg:$0x10];
	s13 =	simm.s32 $0x5200  }
0x33: {  	[tilespmem:s13], [sflag:$0x7] =	stream.linear.gather [hbm4b:s8+s19], $0x80, $0x38;
	[tilespmem:$0x1FC80] =	vst v63  }
0x34: {  	s8 =	rddreg [dreg:$0xd];
	s13 =	simm.s32 $0x5080  }
0x35: {  	[tilespmem:s13], [sflag:$0x4] =	stream.linear.gather [hbm4b:s8+s19], $0x80, $0x38;
	[tilespmem:$0x1FC80] =	vst v63  }
0x36: {  	s13 =	rddreg [dreg:$0xe]  }
0x37: {  	[tilespmem:s5], [sflag:$0x8] =	stream.linear.gather [hbm4b:s13+s19], $0x80, $0x38;
	[tilespmem:$0x1FC80] =	vst v63  }
0x38: {  	s8 =	rddreg [dreg:$0x11];
	s13 =	simm.s32 $0x5100  }
0x39: {  	[tilespmem:s13], [sflag:$0x5] =	stream.linear.gather [hbm4b:s8+s19], $0x80, $0x38;
	[tilespmem:$0x1FC80] =	vst v63  }
0x3a: {  	s8 =	rddreg [dreg:$0x12]  }
0x3b: {  	[tilespmem:s12], [sflag:$0x9] =	stream.linear.gather [hbm4b:s8+s19], $0x80, $0x38;
	[tilespmem:$0x1FC80] =	vst v63  }
0x3c: {  	s13 =	simm.s32 $0x5180;
	s12 =	rddreg [dreg:$0x13]  }
0x3d: {  	[tilespmem:s13], [sflag:$0x6] =	stream.linear.gather [hbm4b:s12+s19], $0x80, $0x38;
	[tilespmem:$0x1FC80] =	vst v63  }
0x3e: {  	s5 =	rddreg [dreg:$0x14]  }
0x3f: {  	[tilespmem:s24], [sflag:$0xA] =	stream.linear.gather [hbm4b:s5+s19], $0x80, $0x38;
	[tilespmem:$0x1FC80] =	vst v63  }
0x40: {  	s8 =	rddreg [dreg:$0x1]  }
0x41: {  	[tilespmem:s19], [sflag:$0xB] =	stream.linear.gather [hbm4b:s8+s19], $0x5000, $0x38;
	[tilespmem:$0x1FC80] =	vst v63  }
0x42: {  	s12 =	stileid.u32;
	_ =	swait.ge [sflag:s22], $0x5000  }
0x43: {  	s7 =	sshll.u32 s12, $0x6;
	s24 =	sld [smem:$0x7FD]  }
0x44: {  	s13 =	sor.u32 $0x1C0B, s7;
	[sflag:s22] =	ssyncset.done $0x0;
	s19 =	rddreg [dreg:$0x15]  }
0x45: {  	[smem:$0x7F8] =	sst s13;
	[sflag:s22] =	ssyncadd.s32 $0xFFFFB000  }
0x46: {  	[spmem:s24], [sflag:s13] =	dma.local [hbm:s19], $0x1400  }
0x47: {  	_ =	swait.ge [sflag:s22], $0x1400  }
0x48: {  	[sflag:s22] =	ssyncset.done $0x0  }
0x49: {  	s7 =	simm.s32 $0x0;
	[sflag:s22] =	ssyncadd.s32 $0xFFFFEC00  }
.LBB2_2:
0x4a: {  	p0 =	sne.s32 s7, $0x9FC0  }
.Ltmp0:
0x4b: {  	_ = 	snop;
	(pc) =	sbr.rel @p0 .LBB2_2-.Ltmp0, $3  }
0x4c: {  	_ =	sdelay $0x1  }
0x4d: {  	s8 =	sshra.s32 s7, $0x2  }
0x4e: {  	s7 =	sadd.s32 $0x40, s7;
	[tilespmem:s8+$0x5480] =	vst v0  }
0x4f: {  	s8 =	simm.s32 $0x100;
	s7 =	simm.s32 $0x0  }
.LBB2_4:
0x50: {  	p0 =	sne.s32 s8, $0x7F00;
	[tilespmem:s7+$0x7CB0] =	vst v0;
	s13 =	smov.u32 s8;
	s8 =	sadd.s32 $0x100, s8  }
.Ltmp1:
0x51: {  	[tilespmem:s7+$0x7CA0] =	vst v0;
	(pc) =	sbr.rel @p0 .LBB2_4-.Ltmp1, $3  }
0x52: {  	[tilespmem:s7+$0x7C80] =	vst v0  }
0x53: {  	[tilespmem:s7+$0x7C90] =	vst v0;
	_ =	sdelay $0x1  }
0x54: {  	s7 =	sshra.s32 s13, $0x2  }
0x55: {  	[tilespmem:s7+$0x7CB0] =	vst v0  }
0x56: {  	[tilespmem:s7+$0x7CA0] =	vst v0  }
0x57: {  	[tilespmem:s7+$0x7C80] =	vst v0  }
0x58: {  	[tilespmem:s7+$0x7C90] =	vst v0  }
0x59: {  	[spmem:s20] =	stream.linear.scatter [tilespmem:s23], [sflag:$0xB], $0x1400, $0x38;
	[tilespmem:$0x1FC80] =	vst v63  }
0x5a: {  	_ =	swait.ge [sflag:s22], $0x1400  }
0x5b: {  	[sflag:s22] =	ssyncset.done $0x0  }
0x5c: {  	[sflag:s22] =	ssyncadd.s32 $0xFFFFEC00  }
0x5d: {  	[spmem:s21] =	stream.linear.scatter [tilespmem:s23], [sflag:$0xB], $0x1400, $0x38;
	[tilespmem:$0x1FC80] =	vst v63  }
0x5e: {  	_ =	swait.ge [sflag:s22], $0x1400  }
0x5f: {  	[sflag:s22] =	ssyncset.done $0x0  }
0x60: {  	s19 =	rddreg [dreg:$0x18];
	[sflag:s22] =	ssyncadd.s32 $0xFFFFEC00  }
0x61: {  	[spmem:s19] =	stream.linear.scatter [tilespmem:s23], [sflag:$0xB], $0x1400, $0x38;
	[tilespmem:$0x1FC80] =	vst v63  }
0x62: {  	_ =	swait.ge [sflag:s22], $0x1400  }
0x63: {  	[sflag:s22] =	ssyncset.done $0x0  }
0x64: {  	s20 =	rddreg [dreg:$0x19];
	[sflag:s22] =	ssyncadd.s32 $0xFFFFEC00  }
0x65: {  	[spmem:s20] =	stream.linear.scatter [tilespmem:s23], [sflag:$0xB], $0x1400, $0x38;
	[tilespmem:$0x1FC80] =	vst v63  }
0x66: {  	_ =	swait.ge [sflag:s22], $0x1400  }
0x67: {  	[sflag:s22] =	ssyncset.done $0x0  }
0x68: {  	s21 =	rddreg [dreg:$0x1a];
	[sflag:s22] =	ssyncadd.s32 $0xFFFFEC00  }
0x69: {  	[spmem:s21] =	stream.linear.scatter [tilespmem:s23], [sflag:$0xB], $0x1400, $0x38;
	[tilespmem:$0x1FC80] =	vst v63  }
0x6a: {  	_ =	swait.ge [sflag:s22], $0x1400  }
0x6b: {  	[sflag:s22] =	ssyncset.done $0x0  }
0x6c: {  	[sflag:s22] =	ssyncadd.s32 $0xFFFFEC00  }
0x6d: {  	[spmem:s16] =	stream.linear.scatter [tilespmem:s23], [sflag:$0xB], $0x1400, $0x38;
	[tilespmem:$0x1FC80] =	vst v63  }
0x6e: {  	_ =	swait.ge [sflag:s22], $0x1400  }
0x6f: {  	[sflag:s22] =	ssyncset.done $0x0  }
0x70: {  	[sflag:s22] =	ssyncadd.s32 $0xFFFFEC00  }
0x71: {  	[spmem:s17] =	stream.linear.scatter [tilespmem:s23], [sflag:$0xB], $0x1400, $0x38;
	[tilespmem:$0x1FC80] =	vst v63  }
0x72: {  	_ =	swait.ge [sflag:s22], $0x1400  }
0x73: {  	[sflag:s22] =	ssyncset.done $0x0  }
0x74: {  	[sflag:s22] =	ssyncadd.s32 $0xFFFFEC00  }
0x75: {  	[spmem:s18] =	stream.linear.scatter [tilespmem:s23], [sflag:$0xB], $0x1400, $0x38;
	[tilespmem:$0x1FC80] =	vst v63  }
0x76: {  	_ =	swait.ge [sflag:s22], $0x1400  }
0x77: {  	[sflag:s22] =	ssyncset.done $0x0  }
0x78: {  	[sflag:s22] =	ssyncadd.s32 $0xFFFFEC00  }
0x79: {  	s5 =	simm.s32 $0x3;
	[bflag:$0x0] =	sbarrier.arrive $0xFFFF  }
0x7a: {  	_ =	swait.ge [sflag:s5], $0x80  }
0x7b: {  	s24 =	simm.s32 $0x5000;
	[sflag:s5] =	ssyncset.done $0x0  }
0x7c: {  	s7 =	simm.s32 $0x0;
	s8 =	simm.s32 $0x0;
	[sflag:s5] =	ssyncadd.s32 $0xFFFFFF80  }
0x7d: {  	[tilespmem:s23], [sflag:$0x1] =	stream.indirect.gather [spmem:s3], $0x40, s24, s9, $0xb8;
	[tilespmem:$0x1FC80] =	vst v63  }
.LBB2_6:
0x7e: {  	_ =	swait.ge [sflag:s10], $0x80  }
0x7f: {  	[sflag:s10] =	ssyncset.done $0x0  }
0x80: {  	s12 =	simm.s32 $0x5080;
	[sflag:s10] =	ssyncadd.s32 $0xFFFFFF80  }
0x81: {  	[tilespmem:s11], [sflag:$0x2] =	stream.indirect.gather [spmem:s3], $0x40, s12, s9, $0xb8;
	[tilespmem:$0x1FC80] =	vst v63  }
0x82: {  	_ =	swait.ge [sflag:s25], $0x80  }
0x83: {  	[sflag:s25] =	ssyncset.done $0x0  }
0x84: {  	[sflag:s25] =	ssyncadd.s32 $0xFFFFFF80  }
0x85: {  	_ =	swait.ge [sflag:s26], $0x2000  }
0x86: {  	[sflag:s26] =	ssyncset.done $0x0  }
0x87: {  	[sflag:s26] =	ssyncadd.s32 $0xFFFFE000  }
0x88: {  	v1 =	vld [tilespmem:$0x5000]  }
0x89: {  	v2 =	vld [tilespmem:$0x5200];
	_ =	sdelay $0x4  }
0x8a: {  	v1 =	vshll.u32 v1, $0x1;
	v3 =	vshll.u32 v2, $0x1  }
0x8b: {  	v3 =	vor.u32 $0x1, v3;
	_ =	sdelay $0x3  }
0x8c: {  	v1 =	vld.idx.msk [tilespmem:v1+s7+$0x0], $0xffff  }
0x8d: {  	v3 =	vld.idx.msk [tilespmem:v3+s7+$0x0], $0xffff;
	_ =	sdelay $0x4  }
0x8e: {  	v1 =	vadd.f32 v3, v1;
	_ =	sdelay $0x1  }
0x8f: {  	v3 =	vmul.f32 $2.000000030e-01, v1;
	_ =	sdelay $0x1  }
0x90: {  	v1 =	vmax.f32 v1, v3  }
0x91: {  	v1 =	vmul.f32 $1.442695020e+00, v1;
	_ =	sdelay $0x1  }
0x92: {  	(erf) = vpow2.f32 v1;
	_ =	sdelay $0x8  }
0x93: {  	v1 =	vpop (erf)  }
0x94: {  	[tilespmem:$0x5400] =	vst v1  }
0x95: {  	[tilespmem:v2+s28+$0x0] =	vst.idx.add.f32.msk $0xffff, v1  }
0x96: {  	v1 =	vld [tilespmem:$0x5010]  }
0x97: {  	v2 =	vld [tilespmem:$0x5210];
	_ =	sdelay $0x4  }
0x98: {  	v1 =	vshll.u32 v1, $0x1;
	v3 =	vshll.u32 v2, $0x1  }
0x99: {  	v3 =	vor.u32 $0x1, v3;
	_ =	sdelay $0x3  }
0x9a: {  	v1 =	vld.idx.msk [tilespmem:v1+s7+$0x0], $0xffff  }
0x9b: {  	v3 =	vld.idx.msk [tilespmem:v3+s7+$0x0], $0xffff;
	_ =	sdelay $0x4  }
0x9c: {  	v1 =	vadd.f32 v3, v1;
	_ =	sdelay $0x1  }
0x9d: {  	v3 =	vmul.f32 $2.000000030e-01, v1;
	_ =	sdelay $0x1  }
0x9e: {  	v1 =	vmax.f32 v1, v3  }
0x9f: {  	v1 =	vmul.f32 $1.442695020e+00, v1;
	_ =	sdelay $0x1  }
0xa0: {  	(erf) = vpow2.f32 v1;
	_ =	sdelay $0x8  }
0xa1: {  	v1 =	vpop (erf)  }
0xa2: {  	[tilespmem:$0x5410] =	vst v1  }
0xa3: {  	[tilespmem:v2+s28+$0x0] =	vst.idx.add.f32.msk $0xffff, v1  }
0xa4: {  	v1 =	vld [tilespmem:$0x5020]  }
0xa5: {  	v2 =	vld [tilespmem:$0x5220];
	_ =	sdelay $0x4  }
0xa6: {  	v1 =	vshll.u32 v1, $0x1;
	v3 =	vshll.u32 v2, $0x1  }
0xa7: {  	v3 =	vor.u32 $0x1, v3;
	_ =	sdelay $0x3  }
0xa8: {  	v1 =	vld.idx.msk [tilespmem:v1+s7+$0x0], $0xffff  }
0xa9: {  	v3 =	vld.idx.msk [tilespmem:v3+s7+$0x0], $0xffff;
	_ =	sdelay $0x4  }
0xaa: {  	v1 =	vadd.f32 v3, v1;
	_ =	sdelay $0x1  }
0xab: {  	v3 =	vmul.f32 $2.000000030e-01, v1;
	_ =	sdelay $0x1  }
0xac: {  	v1 =	vmax.f32 v1, v3  }
0xad: {  	v1 =	vmul.f32 $1.442695020e+00, v1;
	_ =	sdelay $0x1  }
0xae: {  	(erf) = vpow2.f32 v1;
	_ =	sdelay $0x8  }
0xaf: {  	v1 =	vpop (erf)  }
0xb0: {  	[tilespmem:$0x5420] =	vst v1  }
0xb1: {  	[tilespmem:v2+s28+$0x0] =	vst.idx.add.f32.msk $0xffff, v1  }
0xb2: {  	v1 =	vld [tilespmem:$0x5030]  }
0xb3: {  	v2 =	vld [tilespmem:$0x5230];
	_ =	sdelay $0x4  }
0xb4: {  	v1 =	vshll.u32 v1, $0x1;
	v3 =	vshll.u32 v2, $0x1  }
0xb5: {  	v3 =	vor.u32 $0x1, v3;
	_ =	sdelay $0x3  }
0xb6: {  	v1 =	vld.idx.msk [tilespmem:v1+s7+$0x0], $0xffff  }
0xb7: {  	v3 =	vld.idx.msk [tilespmem:v3+s7+$0x0], $0xffff;
	_ =	sdelay $0x4  }
0xb8: {  	v1 =	vadd.f32 v3, v1;
	_ =	sdelay $0x1  }
0xb9: {  	v3 =	vmul.f32 $2.000000030e-01, v1;
	_ =	sdelay $0x1  }
0xba: {  	v1 =	vmax.f32 v1, v3  }
0xbb: {  	v1 =	vmul.f32 $1.442695020e+00, v1;
	_ =	sdelay $0x1  }
0xbc: {  	(erf) = vpow2.f32 v1;
	_ =	sdelay $0x8  }
0xbd: {  	v1 =	vpop (erf)  }
0xbe: {  	[tilespmem:$0x5430] =	vst v1  }
0xbf: {  	[tilespmem:v2+s28+$0x0] =	vst.idx.add.f32.msk $0xffff, v1  }
0xc0: {  	v1 =	vld [tilespmem:$0x5040]  }
0xc1: {  	v2 =	vld [tilespmem:$0x5240];
	_ =	sdelay $0x4  }
0xc2: {  	v1 =	vshll.u32 v1, $0x1;
	v3 =	vshll.u32 v2, $0x1  }
0xc3: {  	v3 =	vor.u32 $0x1, v3;
	_ =	sdelay $0x3  }
0xc4: {  	v1 =	vld.idx.msk [tilespmem:v1+s7+$0x0], $0xffff  }
0xc5: {  	v3 =	vld.idx.msk [tilespmem:v3+s7+$0x0], $0xffff;
	_ =	sdelay $0x4  }
0xc6: {  	v1 =	vadd.f32 v3, v1;
	_ =	sdelay $0x1  }
0xc7: {  	v3 =	vmul.f32 $2.000000030e-01, v1;
	_ =	sdelay $0x1  }
0xc8: {  	v1 =	vmax.f32 v1, v3  }
0xc9: {  	v1 =	vmul.f32 $1.442695020e+00, v1;
	_ =	sdelay $0x1  }
0xca: {  	(erf) = vpow2.f32 v1;
	_ =	sdelay $0x8  }
0xcb: {  	v1 =	vpop (erf)  }
0xcc: {  	[tilespmem:$0x5440] =	vst v1  }
0xcd: {  	[tilespmem:v2+s28+$0x0] =	vst.idx.add.f32.msk $0xffff, v1  }
0xce: {  	v1 =	vld [tilespmem:$0x5050]  }
0xcf: {  	v2 =	vld [tilespmem:$0x5250];
	_ =	sdelay $0x4  }
0xd0: {  	v1 =	vshll.u32 v1, $0x1;
	v3 =	vshll.u32 v2, $0x1  }
0xd1: {  	v3 =	vor.u32 $0x1, v3;
	_ =	sdelay $0x3  }
0xd2: {  	v1 =	vld.idx.msk [tilespmem:v1+s7+$0x0], $0xffff  }
0xd3: {  	v3 =	vld.idx.msk [tilespmem:v3+s7+$0x0], $0xffff;
	_ =	sdelay $0x4  }
0xd4: {  	v1 =	vadd.f32 v3, v1;
	_ =	sdelay $0x1  }
0xd5: {  	v3 =	vmul.f32 $2.000000030e-01, v1;
	_ =	sdelay $0x1  }
0xd6: {  	v1 =	vmax.f32 v1, v3  }
0xd7: {  	v1 =	vmul.f32 $1.442695020e+00, v1;
	_ =	sdelay $0x1  }
0xd8: {  	(erf) = vpow2.f32 v1;
	_ =	sdelay $0x8  }
0xd9: {  	v1 =	vpop (erf)  }
0xda: {  	[tilespmem:$0x5450] =	vst v1  }
0xdb: {  	[tilespmem:v2+s28+$0x0] =	vst.idx.add.f32.msk $0xffff, v1  }
0xdc: {  	v1 =	vld [tilespmem:$0x5060]  }
0xdd: {  	v2 =	vld [tilespmem:$0x5260];
	_ =	sdelay $0x4  }
0xde: {  	v1 =	vshll.u32 v1, $0x1;
	v3 =	vshll.u32 v2, $0x1  }
0xdf: {  	v3 =	vor.u32 $0x1, v3;
	_ =	sdelay $0x3  }
0xe0: {  	v1 =	vld.idx.msk [tilespmem:v1+s7+$0x0], $0xffff  }
0xe1: {  	v3 =	vld.idx.msk [tilespmem:v3+s7+$0x0], $0xffff;
	_ =	sdelay $0x4  }
0xe2: {  	v1 =	vadd.f32 v3, v1;
	_ =	sdelay $0x1  }
0xe3: {  	v3 =	vmul.f32 $2.000000030e-01, v1;
	_ =	sdelay $0x1  }
0xe4: {  	v1 =	vmax.f32 v1, v3  }
0xe5: {  	v1 =	vmul.f32 $1.442695020e+00, v1;
	_ =	sdelay $0x1  }
0xe6: {  	(erf) = vpow2.f32 v1;
	_ =	sdelay $0x8  }
0xe7: {  	v1 =	vpop (erf)  }
0xe8: {  	[tilespmem:$0x5460] =	vst v1  }
0xe9: {  	[tilespmem:v2+s28+$0x0] =	vst.idx.add.f32.msk $0xffff, v1  }
0xea: {  	v1 =	vld [tilespmem:$0x5070]  }
0xeb: {  	v2 =	vld [tilespmem:$0x5270];
	_ =	sdelay $0x4  }
0xec: {  	v1 =	vshll.u32 v1, $0x1;
	v3 =	vshll.u32 v2, $0x1  }
0xed: {  	v3 =	vor.u32 $0x1, v3;
	_ =	sdelay $0x3  }
0xee: {  	v1 =	vld.idx.msk [tilespmem:v1+s7+$0x0], $0xffff  }
0xef: {  	v3 =	vld.idx.msk [tilespmem:v3+s7+$0x0], $0xffff;
	_ =	sdelay $0x4  }
0xf0: {  	v1 =	vadd.f32 v3, v1;
	_ =	sdelay $0x1  }
0xf1: {  	v3 =	vmul.f32 $2.000000030e-01, v1;
	_ =	sdelay $0x1  }
0xf2: {  	v1 =	vmax.f32 v1, v3  }
0xf3: {  	v1 =	vmul.f32 $1.442695020e+00, v1;
	_ =	sdelay $0x1  }
0xf4: {  	(erf) = vpow2.f32 v1;
	_ =	sdelay $0x3  }
0xf5: {  	v1 =	vmov s7  }
0xf6: {  	v1 =	vand.u32 $0xFFFFFFFC, v1  }
0xf7: {  	v1 =	vbroadcast v1, $0x0;
	_ =	sdelay $0x2  }
0xf8: {  	v3 =	vpop (erf)  }
0xf9: {  	[tilespmem:$0x5470] =	vst v3  }
0xfa: {  	[tilespmem:v2+s28+$0x0] =	vst.idx.add.f32.msk $0xffff, v3  }
0xfb: {  	s16 =	simm.s32 $0x7D00;
	v1 =	vld.idx.msk [tilespmem:v1+s29+$0x0], $0xffff  }
0xfc: {  	v2 =	vld [tilespmem:s16+$0xFFFFFF80]  }
0xfd: {  	v3 =	vld [tilespmem:s16+$0xFFFFFFA0]  }
0xfe: {  	s13 =	simm.s32 $0x1;
	v4 =	vld [tilespmem:s16+$0xFFFFFF90]  }
0xff: {  	v5 =	vmov s13;
	v6 =	vld [tilespmem:s16+$0xFFFFFFB0]  }
0x100: {  	v5 =	vand.u32 $0xFFFFFFFD, v5  }
0x101: {  	v5 =	vbroadcast v5, $0x0;
	v2 =	vmul.f32 v2, v1  }
0x102: {  	v3 =	vmul.f32 v3, v1  }
0x103: {  	[tilespmem:s16+$0xFFFFFF80] =	vst v2;
	v2 =	vmul.f32 v4, v1  }
0x104: {  	s13 =	simm.s32 $0x7E00;
	[tilespmem:s16+$0xFFFFFFA0] =	vst v3;
	v3 =	vmul.f32 v6, v1  }
0x105: {  	v1 =	vld [tilespmem:s13+$0xFFFFFFA0];
	[tilespmem:s16+$0xFFFFFF90] =	vst v2  }
0x106: {  	v2 =	vld [tilespmem:s16+$0xFFFFFFF0];
	[tilespmem:s16+$0xFFFFFFB0] =	vst v3  }
0x107: {  	v3 =	vld.idx.msk [tilespmem:v5+s29+$0x0], $0xffff  }
0x108: {  	v4 =	vld [tilespmem:s16+$0xFFFFFFD0]  }
0x109: {  	s17 =	simm.s32 $0x2;
	v5 =	vld [tilespmem:s16+$0xFFFFFFC0]  }
0x10a: {  	v7 =	vld [tilespmem:s16+$0xFFFFFFE0];
	v6 =	vmov s17  }
0x10b: {  	v6 =	vand.u32 $0xFFFFFFFE, v6  }
0x10c: {  	v6 =	vbroadcast v6, $0x0;
	v2 =	vmul.f32 v2, v3  }
0x10d: {  	v4 =	vmul.f32 v4, v3  }
0x10e: {  	v5 =	vmul.f32 v5, v3;
	[tilespmem:s16+$0xFFFFFFF0] =	vst v2  }
0x10f: {  	v3 =	vmul.f32 v7, v3;
	[tilespmem:s16+$0xFFFFFFD0] =	vst v4  }
0x110: {  	v2 =	vld [tilespmem:s13+$0xFFFFFF90];
	[tilespmem:s16+$0xFFFFFFC0] =	vst v5  }
0x111: {  	v4 =	vld [tilespmem:s16+$0x0];
	[tilespmem:s16+$0xFFFFFFE0] =	vst v3  }
0x112: {  	v3 =	vld.idx.msk [tilespmem:v6+s29+$0x0], $0xffff  }
0x113: {  	v5 =	vld [tilespmem:s16+$0x10]  }
0x114: {  	v6 =	vld [tilespmem:s16+$0x30]  }
0x115: {  	v7 =	vld [tilespmem:s16+$0x20];
	_ =	sdelay $0x1  }
0x116: {  	s21 =	simm.s32 $0x3;
	v4 =	vmul.f32 v4, v3  }
0x117: {  	v8 =	vmov s21;
	v5 =	vmul.f32 v5, v3  }
0x118: {  	v6 =	vmul.f32 v6, v3;
	[tilespmem:s16+$0x0] =	vst v4  }
0x119: {  	v3 =	vmul.f32 v7, v3;
	[tilespmem:s16+$0x10] =	vst v5  }
0x11a: {  	[tilespmem:s16+$0x30] =	vst v6;
	v4 =	vld [tilespmem:s16+$0x40]  }
0x11b: {  	[tilespmem:s16+$0x20] =	vst v3;
	v3 =	vld [tilespmem:s16+$0x50]  }
0x11c: {  	v6 =	vld.idx.msk [tilespmem:v8+s29+$0x0], $0xffff  }
0x11d: {  	v5 =	vld [tilespmem:s16+$0x70];
	_ =	sdelay $0x1  }
0x11e: {  	s17 =	simm.s32 $0x4;
	v7 =	vld [tilespmem:s16+$0x60]  }
0x11f: {  	v8 =	vmov s17  }
0x120: {  	v8 =	vand.u32 $0xFFFFFFFC, v8;
	v4 =	vmul.f32 v4, v6;
	v10 =	vmul.f32 v3, v6  }
0x121: {  	s18 =	simm.s32 $0x5;
	s24 =	simm.s32 $0x6;
	v11 =	vmul.f32 v5, v6;
	v5 =	vbroadcast v8, $0x0  }
0x122: {  	v9 =	vmov s18;
	v63 =	vmov s24;
	[tilespmem:s16+$0x40] =	vst v4  }
0x123: {  	v3 =	vand.u32 $0xFFFFFFFD, v9;
	v6 =	vmul.f32 v7, v6;
	v4 =	vand.u32 $0xFFFFFFFE, v63;
	[tilespmem:s16+$0x50] =	vst v10  }
0x124: {  	s18 =	simm.s32 $0x8;
	v3 =	vbroadcast v3, $0x0;
	[tilespmem:s16+$0x70] =	vst v11;
	v4 =	vbroadcast v4, $0x0  }
.LBB2_7:
0x125: {  	p0 =	sne.s32 s18, $0x7C;
	s19 =	smov.u32 s18  }
0x126: {  	[tilespmem:s16+$0x60] =	vst v6;
	s18 =	sadd.s32 $0x4, s18;
	s16 =	smov.u32 s13;
	s13 =	sadd.s32 $0x100, s13  }
0x127: {  	v6 =	vld.idx.msk [tilespmem:v5+s29+$0x0], $0xffff  }
0x128: {  	v7 =	vld [tilespmem:s16+$0xFFFFFF80];
	_ =	sdelay $0x1  }
0x129: {  	v8 =	vld [tilespmem:s16+$0xFFFFFFB0]  }
0x12a: {  	v5 =	vmov s19  }
0x12b: {  	v5 =	vand.u32 $0xFFFFFFFC, v5  }
0x12c: {  	v5 =	vbroadcast v5, $0x0;
	v7 =	vmul.f32 v7, v6  }
0x12d: {  	v2 =	vmul.f32 v2, v6;
	v1 =	vmul.f32 v1, v6  }
0x12e: {  	[tilespmem:s16+$0xFFFFFF80] =	vst v7;
	v6 =	vmul.f32 v8, v6  }
0x12f: {  	[tilespmem:s16+$0xFFFFFFA0] =	vst v1;
	v7 =	vld [tilespmem:s16+$0xFFFFFFF0]  }
0x130: {  	v1 =	vld [tilespmem:s13+$0xFFFFFFA0];
	[tilespmem:s16+$0xFFFFFF90] =	vst v2  }
0x131: {  	[tilespmem:s16+$0xFFFFFFB0] =	vst v6;
	v6 =	vld [tilespmem:s16+$0xFFFFFFC0]  }
0x132: {  	v8 =	vld.idx.msk [tilespmem:v3+s29+$0x0], $0xffff  }
0x133: {  	v9 =	vld [tilespmem:s16+$0xFFFFFFD0]  }
0x134: {  	v10 =	vld [tilespmem:s16+$0xFFFFFFE0]  }
0x135: {  	s20 =	sadd.s32 $0x1, s19;
	v2 =	vld [tilespmem:s13+$0xFFFFFF90]  }
0x136: {  	v3 =	vmov s20  }
0x137: {  	v3 =	vand.u32 $0xFFFFFFFD, v3  }
0x138: {  	v3 =	vbroadcast v3, $0x0;
	v7 =	vmul.f32 v7, v8  }
0x139: {  	v9 =	vmul.f32 v9, v8;
	v10 =	vmul.f32 v10, v8  }
0x13a: {  	v6 =	vmul.f32 v6, v8;
	[tilespmem:s16+$0xFFFFFFF0] =	vst v7  }
0x13b: {  	[tilespmem:s16+$0xFFFFFFD0] =	vst v9  }
0x13c: {  	[tilespmem:s16+$0xFFFFFFC0] =	vst v6;
	v6 =	vld [tilespmem:s16+$0x0]  }
0x13d: {  	[tilespmem:s16+$0xFFFFFFE0] =	vst v10;
	v7 =	vld [tilespmem:s16+$0x30]  }
0x13e: {  	v4 =	vld.idx.msk [tilespmem:v4+s29+$0x0], $0xffff  }
0x13f: {  	v8 =	vld [tilespmem:s16+$0x10]  }
0x140: {  	v9 =	vld [tilespmem:s16+$0x20];
	_ =	sdelay $0x3  }
0x141: {  	s20 =	sadd.s32 $0x3, s17;
	s17 =	smov.u32 s19;
	v6 =	vmul.f32 v6, v4;
	v8 =	vmul.f32 v8, v4  }
0x142: {  	s19 =	sadd.s32 $0x2, s17;
	v9 =	vmul.f32 v9, v4;
	v4 =	vmul.f32 v7, v4;
	v7 =	vmov s20  }
0x143: {  	v10 =	vmov s19;
	[tilespmem:s16+$0x0] =	vst v6  }
0x144: {  	v6 =	vand.u32 $0xFFFFFFFE, v10;
	[tilespmem:s16+$0x10] =	vst v8  }
0x145: {  	[tilespmem:s16+$0x30] =	vst v4;
	v8 =	vld [tilespmem:s16+$0x40]  }
0x146: {  	v4 =	vbroadcast v6, $0x0;
	[tilespmem:s16+$0x20] =	vst v9;
	v9 =	vld [tilespmem:s16+$0x70]  }
0x147: {  	v7 =	vld.idx.msk [tilespmem:v7+s29+$0x0], $0xffff  }
0x148: {  	v6 =	vld [tilespmem:s16+$0x50]  }
0x149: {  	v10 =	vld [tilespmem:s16+$0x60];
	_ =	sdelay $0x3  }
.Ltmp2:
0x14a: {  	v8 =	vmul.f32 v8, v7;
	v11 =	vmul.f32 v6, v7;
	(pc) =	sbr.rel @p0 .LBB2_7-.Ltmp2, $4  }
0x14b: {  	v6 =	vmul.f32 v10, v7;
	v7 =	vmul.f32 v9, v7  }
0x14c: {  	[tilespmem:s16+$0x40] =	vst v8  }
0x14d: {  	[tilespmem:s16+$0x50] =	vst v11  }
0x14e: {  	[tilespmem:s16+$0x70] =	vst v7  }
0x14f: {  	_ =	sdelay $0x2  }
0x150: {  	[tilespmem:s16+$0x60] =	vst v6;
	v6 =	vld [tilespmem:s13+$0xFFFFFF80]  }
0x151: {  	v5 =	vld.idx.msk [tilespmem:v5+s29+$0x0], $0xffff;
	_ =	sdelay $0x2  }
0x152: {  	v7 =	vld [tilespmem:s13+$0xFFFFFFB0];
	_ =	sdelay $0x1  }
0x153: {  	v6 =	vmul.f32 v6, v5  }
0x154: {  	v1 =	vmul.f32 v1, v5  }
0x155: {  	v2 =	vmul.f32 v2, v5;
	[tilespmem:s13+$0xFFFFFF80] =	vst v6  }
0x156: {  	v5 =	vmul.f32 v7, v5;
	[tilespmem:s13+$0xFFFFFFA0] =	vst v1  }
0x157: {  	[tilespmem:s13+$0xFFFFFF90] =	vst v2  }
0x158: {  	v1 =	vld [tilespmem:s13+$0xFFFFFFF0];
	[tilespmem:s13+$0xFFFFFFB0] =	vst v5  }
0x159: {  	v2 =	vld.idx.msk [tilespmem:v3+s29+$0x0], $0xffff  }
0x15a: {  	v3 =	vld [tilespmem:s13+$0xFFFFFFD0]  }
0x15b: {  	v5 =	vld [tilespmem:s13+$0xFFFFFFC0]  }
0x15c: {  	v6 =	vld [tilespmem:s13+$0xFFFFFFE0];
	_ =	sdelay $0x1  }
0x15d: {  	v1 =	vmul.f32 v1, v2  }
0x15e: {  	v3 =	vmul.f32 v3, v2  }
0x15f: {  	v5 =	vmul.f32 v5, v2;
	[tilespmem:s13+$0xFFFFFFF0] =	vst v1  }
0x160: {  	v1 =	vmul.f32 v6, v2;
	[tilespmem:s13+$0xFFFFFFD0] =	vst v3  }
0x161: {  	[tilespmem:s13+$0xFFFFFFC0] =	vst v5  }
0x162: {  	v2 =	vld [tilespmem:s13+$0x0];
	[tilespmem:s13+$0xFFFFFFE0] =	vst v1  }
0x163: {  	v1 =	vld.idx.msk [tilespmem:v4+s29+$0x0], $0xffff  }
0x164: {  	v3 =	vld [tilespmem:s13+$0x10]  }
0x165: {  	v4 =	vld [tilespmem:s13+$0x30]  }
0x166: {  	v5 =	vld [tilespmem:s13+$0x20];
	_ =	sdelay $0x1  }
0x167: {  	s19 =	sadd.s32 $0x3, s17;
	v2 =	vmul.f32 v2, v1  }
0x168: {  	v6 =	vmov s19;
	v3 =	vmul.f32 v3, v1  }
0x169: {  	v4 =	vmul.f32 v4, v1;
	[tilespmem:s13+$0x0] =	vst v2  }
0x16a: {  	v1 =	vmul.f32 v5, v1;
	[tilespmem:s13+$0x10] =	vst v3  }
0x16b: {  	[tilespmem:s13+$0x30] =	vst v4  }
0x16c: {  	v2 =	vld [tilespmem:s13+$0x40];
	[tilespmem:s13+$0x20] =	vst v1  }
0x16d: {  	v1 =	vld.idx.msk [tilespmem:v6+s29+$0x0], $0xffff  }
0x16e: {  	v3 =	vld [tilespmem:s13+$0x50]  }
0x16f: {  	v4 =	vld [tilespmem:s13+$0x70]  }
0x170: {  	v5 =	vld [tilespmem:s13+$0x60];
	_ =	sdelay $0x1  }
0x171: {  	v2 =	vmul.f32 v2, v1  }
0x172: {  	v3 =	vmul.f32 v3, v1  }
0x173: {  	v4 =	vmul.f32 v4, v1;
	[tilespmem:s13+$0x40] =	vst v2  }
0x174: {  	v1 =	vmul.f32 v5, v1;
	[tilespmem:s13+$0x50] =	vst v3  }
0x175: {  	[tilespmem:s13+$0x70] =	vst v4  }
0x176: {  	s19 =	simm.s32 $0x5200;
	[tilespmem:s13+$0x60] =	vst v1;
	s13 =	sshll.u32 s8, $0x2  }
0x177: {  	[spmem:s4] =	stream.indirect.scatter.add.f32 [tilespmem:s23], [sflag:$0xB], $0x40, s19, s9, $0xb8;
	[tilespmem:$0x1FC80] =	vst v63  }
0x178: {  	s20 =	smin.u32 s13, $0x9F;
	_ =	swait.ge [sflag:s22], $0x2000  }
0x179: {  	s16 =	sshll.u32 s20, $0x7;
	s21 =	rddreg [dreg:$0x1e]  }
0x17a: {  	s16 =	sadd.s32 s16, s21  }
0x17b: {  	s24 =	simm.s32 $0x0;
	[sflag:s22] =	ssyncset.done $0x0;
	s17 =	sshrl.u32 s16, $0x3  }
0x17c: {  	s12 =	simm.s32 $0x5000;
	[sflag:s22] =	ssyncadd.s32 $0xFFFFE000;
	s18 =	sadd.s32 s14, s17  }
0x17d: {  	[tilespmem:s12], [sflag:$0x3] =	stream.linear.gather [hbm4b:s18+s24], $0x80, $0x38;
	[tilespmem:$0x1FC80] =	vst v63  }
0x17e: {  	s17 =	sadd.s32 s15, s17  }
0x17f: {  	[tilespmem:s19], [sflag:$0x7] =	stream.linear.gather [hbm4b:s17+s24], $0x80, $0x38;
	[tilespmem:$0x1FC80] =	vst v63  }
0x180: {  	_ =	swait.ge [sflag:s30], $0x80  }
0x181: {  	[sflag:s30] =	ssyncset.done $0x0  }
0x182: {  	s5 =	simm.s32 $0x5100;
	[sflag:s30] =	ssyncadd.s32 $0xFFFFFF80  }
0x183: {  	[tilespmem:s23], [sflag:$0x1] =	stream.indirect.gather [spmem:s3], $0x40, s5, s9, $0xb8;
	[tilespmem:$0x1FC80] =	vst v63  }
0x184: {  	_ =	swait.ge [sflag:s31], $0x80  }
0x185: {  	[sflag:s31] =	ssyncset.done $0x0  }
0x186: {  	[sflag:s31] =	ssyncadd.s32 $0xFFFFFF80  }
0x187: {  	_ =	swait.ge [sflag:s2], $0x2000  }
0x188: {  	[sflag:s2] =	ssyncset.done $0x0  }
0x189: {  	[sflag:s2] =	ssyncadd.s32 $0xFFFFE000  }
0x18a: {  	v1 =	vld [tilespmem:$0x5080]  }
0x18b: {  	v2 =	vld [tilespmem:$0x5280];
	_ =	sdelay $0x4  }
0x18c: {  	v1 =	vshll.u32 v1, $0x1;
	v3 =	vshll.u32 v2, $0x1  }
0x18d: {  	v3 =	vor.u32 $0x1, v3;
	_ =	sdelay $0x3  }
0x18e: {  	v1 =	vld.idx.msk [tilespmem:v1+s24+$0x0], $0xffff  }
0x18f: {  	v3 =	vld.idx.msk [tilespmem:v3+s24+$0x0], $0xffff;
	_ =	sdelay $0x4  }
0x190: {  	v1 =	vadd.f32 v3, v1;
	_ =	sdelay $0x1  }
0x191: {  	v3 =	vmul.f32 $2.000000030e-01, v1;
	_ =	sdelay $0x1  }
0x192: {  	v1 =	vmax.f32 v1, v3  }
0x193: {  	v1 =	vmul.f32 $1.442695020e+00, v1;
	_ =	sdelay $0x1  }
0x194: {  	(erf) = vpow2.f32 v1;
	_ =	sdelay $0x8  }
0x195: {  	v1 =	vpop (erf)  }
0x196: {  	[tilespmem:$0x5400] =	vst v1  }
0x197: {  	[tilespmem:v2+s28+$0x0] =	vst.idx.add.f32.msk $0xffff, v1  }
0x198: {  	v1 =	vld [tilespmem:$0x5090]  }
0x199: {  	v2 =	vld [tilespmem:$0x5290];
	_ =	sdelay $0x4  }
0x19a: {  	v1 =	vshll.u32 v1, $0x1;
	v3 =	vshll.u32 v2, $0x1  }
0x19b: {  	v3 =	vor.u32 $0x1, v3;
	_ =	sdelay $0x3  }
0x19c: {  	v1 =	vld.idx.msk [tilespmem:v1+s24+$0x0], $0xffff  }
0x19d: {  	v3 =	vld.idx.msk [tilespmem:v3+s24+$0x0], $0xffff;
	_ =	sdelay $0x4  }
0x19e: {  	v1 =	vadd.f32 v3, v1;
	_ =	sdelay $0x1  }
0x19f: {  	v3 =	vmul.f32 $2.000000030e-01, v1;
	_ =	sdelay $0x1  }
0x1a0: {  	v1 =	vmax.f32 v1, v3  }
0x1a1: {  	v1 =	vmul.f32 $1.442695020e+00, v1;
	_ =	sdelay $0x1  }
0x1a2: {  	(erf) = vpow2.f32 v1;
	_ =	sdelay $0x8  }
0x1a3: {  	v1 =	vpop (erf)  }
0x1a4: {  	[tilespmem:$0x5410] =	vst v1  }
0x1a5: {  	[tilespmem:v2+s28+$0x0] =	vst.idx.add.f32.msk $0xffff, v1  }
0x1a6: {  	v1 =	vld [tilespmem:$0x50A0]  }
0x1a7: {  	v2 =	vld [tilespmem:$0x52A0];
	_ =	sdelay $0x4  }
0x1a8: {  	v1 =	vshll.u32 v1, $0x1;
	v3 =	vshll.u32 v2, $0x1  }
0x1a9: {  	v3 =	vor.u32 $0x1, v3;
	_ =	sdelay $0x3  }
0x1aa: {  	v1 =	vld.idx.msk [tilespmem:v1+s24+$0x0], $0xffff  }
0x1ab: {  	v3 =	vld.idx.msk [tilespmem:v3+s24+$0x0], $0xffff;
	_ =	sdelay $0x4  }
0x1ac: {  	v1 =	vadd.f32 v3, v1;
	_ =	sdelay $0x1  }
0x1ad: {  	v3 =	vmul.f32 $2.000000030e-01, v1;
	_ =	sdelay $0x1  }
0x1ae: {  	v1 =	vmax.f32 v1, v3  }
0x1af: {  	v1 =	vmul.f32 $1.442695020e+00, v1;
	_ =	sdelay $0x1  }
0x1b0: {  	(erf) = vpow2.f32 v1;
	_ =	sdelay $0x8  }
0x1b1: {  	v1 =	vpop (erf)  }
0x1b2: {  	[tilespmem:$0x5420] =	vst v1  }
0x1b3: {  	[tilespmem:v2+s28+$0x0] =	vst.idx.add.f32.msk $0xffff, v1  }
0x1b4: {  	v1 =	vld [tilespmem:$0x50B0]  }
0x1b5: {  	v2 =	vld [tilespmem:$0x52B0];
	_ =	sdelay $0x4  }
0x1b6: {  	v1 =	vshll.u32 v1, $0x1;
	v3 =	vshll.u32 v2, $0x1  }
0x1b7: {  	v3 =	vor.u32 $0x1, v3;
	_ =	sdelay $0x3  }
0x1b8: {  	v1 =	vld.idx.msk [tilespmem:v1+s24+$0x0], $0xffff  }
0x1b9: {  	v3 =	vld.idx.msk [tilespmem:v3+s24+$0x0], $0xffff;
	_ =	sdelay $0x4  }
0x1ba: {  	v1 =	vadd.f32 v3, v1;
	_ =	sdelay $0x1  }
0x1bb: {  	v3 =	vmul.f32 $2.000000030e-01, v1;
	_ =	sdelay $0x1  }
0x1bc: {  	v1 =	vmax.f32 v1, v3  }
0x1bd: {  	v1 =	vmul.f32 $1.442695020e+00, v1;
	_ =	sdelay $0x1  }
0x1be: {  	(erf) = vpow2.f32 v1;
	_ =	sdelay $0x8  }
0x1bf: {  	v1 =	vpop (erf)  }
0x1c0: {  	[tilespmem:$0x5430] =	vst v1  }
0x1c1: {  	[tilespmem:v2+s28+$0x0] =	vst.idx.add.f32.msk $0xffff, v1  }
0x1c2: {  	v1 =	vld [tilespmem:$0x50C0]  }
0x1c3: {  	v2 =	vld [tilespmem:$0x52C0];
	_ =	sdelay $0x4  }
0x1c4: {  	v1 =	vshll.u32 v1, $0x1;
	v3 =	vshll.u32 v2, $0x1  }
0x1c5: {  	v3 =	vor.u32 $0x1, v3;
	_ =	sdelay $0x3  }
0x1c6: {  	v1 =	vld.idx.msk [tilespmem:v1+s24+$0x0], $0xffff  }
0x1c7: {  	v3 =	vld.idx.msk [tilespmem:v3+s24+$0x0], $0xffff;
	_ =	sdelay $0x4  }
0x1c8: {  	v1 =	vadd.f32 v3, v1;
	_ =	sdelay $0x1  }
0x1c9: {  	v3 =	vmul.f32 $2.000000030e-01, v1;
	_ =	sdelay $0x1  }
0x1ca: {  	v1 =	vmax.f32 v1, v3  }
0x1cb: {  	v1 =	vmul.f32 $1.442695020e+00, v1;
	_ =	sdelay $0x1  }
0x1cc: {  	(erf) = vpow2.f32 v1;
	_ =	sdelay $0x8  }
0x1cd: {  	v1 =	vpop (erf)  }
0x1ce: {  	[tilespmem:$0x5440] =	vst v1  }
0x1cf: {  	[tilespmem:v2+s28+$0x0] =	vst.idx.add.f32.msk $0xffff, v1  }
0x1d0: {  	v1 =	vld [tilespmem:$0x50D0]  }
0x1d1: {  	v2 =	vld [tilespmem:$0x52D0];
	_ =	sdelay $0x4  }
0x1d2: {  	v1 =	vshll.u32 v1, $0x1;
	v3 =	vshll.u32 v2, $0x1  }
0x1d3: {  	v3 =	vor.u32 $0x1, v3;
	_ =	sdelay $0x3  }
0x1d4: {  	v1 =	vld.idx.msk [tilespmem:v1+s24+$0x0], $0xffff  }
0x1d5: {  	v3 =	vld.idx.msk [tilespmem:v3+s24+$0x0], $0xffff;
	_ =	sdelay $0x4  }
0x1d6: {  	v1 =	vadd.f32 v3, v1;
	_ =	sdelay $0x1  }
0x1d7: {  	v3 =	vmul.f32 $2.000000030e-01, v1;
	_ =	sdelay $0x1  }
0x1d8: {  	v1 =	vmax.f32 v1, v3  }
0x1d9: {  	v1 =	vmul.f32 $1.442695020e+00, v1;
	_ =	sdelay $0x1  }
0x1da: {  	(erf) = vpow2.f32 v1;
	_ =	sdelay $0x8  }
0x1db: {  	v1 =	vpop (erf)  }
0x1dc: {  	[tilespmem:$0x5450] =	vst v1  }
0x1dd: {  	[tilespmem:v2+s28+$0x0] =	vst.idx.add.f32.msk $0xffff, v1  }
0x1de: {  	v1 =	vld [tilespmem:$0x50E0]  }
0x1df: {  	v2 =	vld [tilespmem:$0x52E0];
	_ =	sdelay $0x4  }
0x1e0: {  	v1 =	vshll.u32 v1, $0x1;
	v3 =	vshll.u32 v2, $0x1  }
0x1e1: {  	v3 =	vor.u32 $0x1, v3;
	_ =	sdelay $0x3  }
0x1e2: {  	v1 =	vld.idx.msk [tilespmem:v1+s24+$0x0], $0xffff  }
0x1e3: {  	v3 =	vld.idx.msk [tilespmem:v3+s24+$0x0], $0xffff;
	_ =	sdelay $0x4  }
0x1e4: {  	v1 =	vadd.f32 v3, v1;
	_ =	sdelay $0x1  }
0x1e5: {  	v3 =	vmul.f32 $2.000000030e-01, v1;
	_ =	sdelay $0x1  }
0x1e6: {  	v1 =	vmax.f32 v1, v3  }
0x1e7: {  	v1 =	vmul.f32 $1.442695020e+00, v1;
	_ =	sdelay $0x1  }
0x1e8: {  	(erf) = vpow2.f32 v1;
	_ =	sdelay $0x8  }
0x1e9: {  	v1 =	vpop (erf)  }
0x1ea: {  	[tilespmem:$0x5460] =	vst v1  }
0x1eb: {  	[tilespmem:v2+s28+$0x0] =	vst.idx.add.f32.msk $0xffff, v1  }
0x1ec: {  	v1 =	vld [tilespmem:$0x50F0]  }
0x1ed: {  	v2 =	vld [tilespmem:$0x52F0];
	_ =	sdelay $0x4  }
0x1ee: {  	v1 =	vshll.u32 v1, $0x1;
	v3 =	vshll.u32 v2, $0x1  }
0x1ef: {  	v3 =	vor.u32 $0x1, v3;
	_ =	sdelay $0x3  }
0x1f0: {  	v1 =	vld.idx.msk [tilespmem:v1+s24+$0x0], $0xffff  }
0x1f1: {  	v3 =	vld.idx.msk [tilespmem:v3+s24+$0x0], $0xffff;
	_ =	sdelay $0x4  }
0x1f2: {  	v1 =	vadd.f32 v3, v1;
	_ =	sdelay $0x1  }
0x1f3: {  	v3 =	vmul.f32 $2.000000030e-01, v1;
	_ =	sdelay $0x1  }
0x1f4: {  	v1 =	vmax.f32 v1, v3  }
0x1f5: {  	v1 =	vmul.f32 $1.442695020e+00, v1;
	_ =	sdelay $0x1  }
0x1f6: {  	(erf) = vpow2.f32 v1;
	_ =	sdelay $0x3  }
0x1f7: {  	v1 =	vmov s24  }
0x1f8: {  	v1 =	vand.u32 $0xFFFFFFFC, v1  }
0x1f9: {  	v1 =	vbroadcast v1, $0x0;
	_ =	sdelay $0x2  }
0x1fa: {  	v3 =	vpop (erf)  }
0x1fb: {  	[tilespmem:$0x5470] =	vst v3  }
0x1fc: {  	[tilespmem:v2+s28+$0x0] =	vst.idx.add.f32.msk $0xffff, v3  }
0x1fd: {  	s17 =	simm.s32 $0x9D70;
	v1 =	vld.idx.msk [tilespmem:v1+s29+$0x0], $0xffff  }
0x1fe: {  	v2 =	vld [tilespmem:s17+$0xFFFFFF10]  }
0x1ff: {  	v3 =	vld [tilespmem:s17+$0xFFFFFF30]  }
0x200: {  	s18 =	simm.s32 $0x1;
	v4 =	vld [tilespmem:s17+$0xFFFFFF20]  }
0x201: {  	v5 =	vmov s18;
	v6 =	vld [tilespmem:s17+$0xFFFFFF40]  }
0x202: {  	v5 =	vand.u32 $0xFFFFFFFD, v5  }
0x203: {  	v5 =	vbroadcast v5, $0x0;
	v2 =	vmul.f32 v2, v1  }
0x204: {  	v3 =	vmul.f32 v3, v1  }
0x205: {  	[tilespmem:s17+$0xFFFFFF10] =	vst v2;
	v2 =	vmul.f32 v4, v1  }
0x206: {  	s16 =	simm.s32 $0x9E70;
	[tilespmem:s17+$0xFFFFFF30] =	vst v3;
	v4 =	vmul.f32 v6, v1  }
0x207: {  	v1 =	vld [tilespmem:s16+$0xFFFFFF30];
	[tilespmem:s17+$0xFFFFFF20] =	vst v2  }
0x208: {  	[tilespmem:s17+$0xFFFFFF40] =	vst v4;
	v2 =	vld [tilespmem:s17+$0xFFFFFF80]  }
0x209: {  	v4 =	vld.idx.msk [tilespmem:v5+s29+$0x0], $0xffff  }
0x20a: {  	v5 =	vld [tilespmem:s17+$0xFFFFFF60]  }
0x20b: {  	s19 =	simm.s32 $0x2;
	v3 =	vld [tilespmem:s17+$0xFFFFFF50]  }
0x20c: {  	v7 =	vld [tilespmem:s17+$0xFFFFFF70];
	v6 =	vmov s19  }
0x20d: {  	v6 =	vand.u32 $0xFFFFFFFE, v6  }
0x20e: {  	v6 =	vbroadcast v6, $0x0;
	v2 =	vmul.f32 v2, v4  }
0x20f: {  	v5 =	vmul.f32 v5, v4  }
0x210: {  	v3 =	vmul.f32 v3, v4;
	[tilespmem:s17+$0xFFFFFF80] =	vst v2  }
0x211: {  	v4 =	vmul.f32 v7, v4;
	[tilespmem:s17+$0xFFFFFF60] =	vst v5  }
0x212: {  	v2 =	vld [tilespmem:s16+$0xFFFFFF20];
	[tilespmem:s17+$0xFFFFFF50] =	vst v3  }
0x213: {  	v3 =	vld [tilespmem:s17+$0xFFFFFF90];
	[tilespmem:s17+$0xFFFFFF70] =	vst v4  }
0x214: {  	v4 =	vld.idx.msk [tilespmem:v6+s29+$0x0], $0xffff  }
0x215: {  	v5 =	vld [tilespmem:s17+$0xFFFFFFA0]  }
0x216: {  	v6 =	vld [tilespmem:s17+$0xFFFFFFC0]  }
0x217: {  	v7 =	vld [tilespmem:s17+$0xFFFFFFB0];
	_ =	sdelay $0x1  }
0x218: {  	s20 =	simm.s32 $0x3;
	v3 =	vmul.f32 v3, v4  }
0x219: {  	v8 =	vmov s20;
	v5 =	vmul.f32 v5, v4  }
0x21a: {  	v6 =	vmul.f32 v6, v4;
	[tilespmem:s17+$0xFFFFFF90] =	vst v3  }
0x21b: {  	v3 =	vmul.f32 v7, v4;
	[tilespmem:s17+$0xFFFFFFA0] =	vst v5  }
0x21c: {  	[tilespmem:s17+$0xFFFFFFC0] =	vst v6;
	v4 =	vld [tilespmem:s17+$0xFFFFFFE0]  }
0x21d: {  	[tilespmem:s17+$0xFFFFFFB0] =	vst v3;
	v3 =	vld [tilespmem:s17+$0xFFFFFFD0]  }
0x21e: {  	v6 =	vld.idx.msk [tilespmem:v8+s29+$0x0], $0xffff  }
0x21f: {  	v5 =	vld [tilespmem:s17+$0x0];
	_ =	sdelay $0x1  }
0x220: {  	s18 =	simm.s32 $0x4;
	v7 =	vld [tilespmem:s17+$0xFFFFFFF0]  }
0x221: {  	v8 =	vmov s18  }
0x222: {  	v8 =	vand.u32 $0xFFFFFFFC, v8;
	v3 =	vmul.f32 v3, v6;
	v4 =	vmul.f32 v4, v6  }
0x223: {  	s21 =	simm.s32 $0x5;
	s24 =	simm.s32 $0x6;
	v11 =	vmul.f32 v5, v6;
	v5 =	vbroadcast v8, $0x0  }
0x224: {  	v9 =	vmov s21;
	v10 =	vmov s24;
	[tilespmem:s17+$0xFFFFFFD0] =	vst v3  }
0x225: {  	v9 =	vand.u32 $0xFFFFFFFD, v9;
	v8 =	vand.u32 $0xFFFFFFFE, v10;
	v6 =	vmul.f32 v7, v6;
	[tilespmem:s17+$0xFFFFFFE0] =	vst v4  }
0x226: {  	s19 =	simm.s32 $0x8;
	v3 =	vbroadcast v9, $0x0;
	v4 =	vbroadcast v8, $0x0;
	[tilespmem:s17+$0x0] =	vst v11  }
.LBB2_9:
0x227: {  	p0 =	sne.s32 s19, $0x7C;
	s20 =	smov.u32 s19  }
0x228: {  	[tilespmem:s17+$0xFFFFFFF0] =	vst v6;
	s19 =	sadd.s32 $0x4, s19;
	s17 =	smov.u32 s16;
	s16 =	sadd.s32 $0x100, s16  }
0x229: {  	v6 =	vld.idx.msk [tilespmem:v5+s29+$0x0], $0xffff  }
0x22a: {  	v7 =	vld [tilespmem:s17+$0xFFFFFF10];
	_ =	sdelay $0x1  }
0x22b: {  	v8 =	vld [tilespmem:s17+$0xFFFFFF40]  }
0x22c: {  	v5 =	vmov s20  }
0x22d: {  	v5 =	vand.u32 $0xFFFFFFFC, v5  }
0x22e: {  	v5 =	vbroadcast v5, $0x0;
	v7 =	vmul.f32 v7, v6  }
0x22f: {  	v2 =	vmul.f32 v2, v6;
	v1 =	vmul.f32 v1, v6  }
0x230: {  	[tilespmem:s17+$0xFFFFFF10] =	vst v7;
	v6 =	vmul.f32 v8, v6  }
0x231: {  	[tilespmem:s17+$0xFFFFFF30] =	vst v1;
	v7 =	vld [tilespmem:s17+$0xFFFFFF50]  }
0x232: {  	v1 =	vld [tilespmem:s16+$0xFFFFFF30];
	[tilespmem:s17+$0xFFFFFF20] =	vst v2  }
0x233: {  	[tilespmem:s17+$0xFFFFFF40] =	vst v6;
	v6 =	vld [tilespmem:s17+$0xFFFFFF60]  }
0x234: {  	v8 =	vld.idx.msk [tilespmem:v3+s29+$0x0], $0xffff  }
0x235: {  	v9 =	vld [tilespmem:s17+$0xFFFFFF80]  }
0x236: {  	v10 =	vld [tilespmem:s17+$0xFFFFFF70]  }
0x237: {  	s21 =	sadd.s32 $0x1, s20;
	v2 =	vld [tilespmem:s16+$0xFFFFFF20]  }
0x238: {  	v3 =	vmov s21  }
0x239: {  	v3 =	vand.u32 $0xFFFFFFFD, v3  }
0x23a: {  	v3 =	vbroadcast v3, $0x0;
	v9 =	vmul.f32 v9, v8  }
0x23b: {  	v6 =	vmul.f32 v6, v8;
	v10 =	vmul.f32 v10, v8  }
0x23c: {  	v7 =	vmul.f32 v7, v8;
	[tilespmem:s17+$0xFFFFFF80] =	vst v9  }
0x23d: {  	[tilespmem:s17+$0xFFFFFF60] =	vst v6  }
0x23e: {  	[tilespmem:s17+$0xFFFFFF50] =	vst v7;
	v6 =	vld [tilespmem:s17+$0xFFFFFF90]  }
0x23f: {  	[tilespmem:s17+$0xFFFFFF70] =	vst v10;
	v7 =	vld [tilespmem:s17+$0xFFFFFFC0]  }
0x240: {  	v4 =	vld.idx.msk [tilespmem:v4+s29+$0x0], $0xffff  }
0x241: {  	v8 =	vld [tilespmem:s17+$0xFFFFFFA0]  }
0x242: {  	v9 =	vld [tilespmem:s17+$0xFFFFFFB0];
	_ =	sdelay $0x3  }
0x243: {  	s21 =	sadd.s32 $0x3, s18;
	s18 =	smov.u32 s20;
	v6 =	vmul.f32 v6, v4;
	v8 =	vmul.f32 v8, v4  }
0x244: {  	s20 =	sadd.s32 $0x2, s18;
	v9 =	vmul.f32 v9, v4;
	v4 =	vmul.f32 v7, v4;
	v7 =	vmov s21  }
0x245: {  	v10 =	vmov s20;
	[tilespmem:s17+$0xFFFFFF90] =	vst v6  }
0x246: {  	v6 =	vand.u32 $0xFFFFFFFE, v10;
	[tilespmem:s17+$0xFFFFFFA0] =	vst v8  }
0x247: {  	[tilespmem:s17+$0xFFFFFFC0] =	vst v4;
	v8 =	vld [tilespmem:s17+$0xFFFFFFF0]  }
0x248: {  	v4 =	vbroadcast v6, $0x0;
	[tilespmem:s17+$0xFFFFFFB0] =	vst v9;
	v6 =	vld [tilespmem:s17+$0xFFFFFFD0]  }
0x249: {  	v7 =	vld.idx.msk [tilespmem:v7+s29+$0x0], $0xffff  }
0x24a: {  	v9 =	vld [tilespmem:s17+$0xFFFFFFE0]  }
0x24b: {  	v10 =	vld [tilespmem:s17+$0x0];
	_ =	sdelay $0x3  }
.Ltmp3:
0x24c: {  	v11 =	vmul.f32 v6, v7;
	v9 =	vmul.f32 v9, v7;
	(pc) =	sbr.rel @p0 .LBB2_9-.Ltmp3, $4  }
0x24d: {  	v6 =	vmul.f32 v8, v7;
	v7 =	vmul.f32 v10, v7  }
0x24e: {  	[tilespmem:s17+$0xFFFFFFD0] =	vst v11  }
0x24f: {  	[tilespmem:s17+$0xFFFFFFE0] =	vst v9  }
0x250: {  	[tilespmem:s17+$0x0] =	vst v7  }
0x251: {  	_ =	sdelay $0x2  }
0x252: {  	[tilespmem:s17+$0xFFFFFFF0] =	vst v6;
	v6 =	vld [tilespmem:s16+$0xFFFFFF10]  }
0x253: {  	v5 =	vld.idx.msk [tilespmem:v5+s29+$0x0], $0xffff;
	_ =	sdelay $0x2  }
0x254: {  	v7 =	vld [tilespmem:s16+$0xFFFFFF40];
	_ =	sdelay $0x1  }
0x255: {  	v6 =	vmul.f32 v6, v5  }
0x256: {  	v1 =	vmul.f32 v1, v5  }
0x257: {  	v2 =	vmul.f32 v2, v5;
	[tilespmem:s16+$0xFFFFFF10] =	vst v6  }
0x258: {  	[tilespmem:s16+$0xFFFFFF30] =	vst v1;
	v1 =	vmul.f32 v7, v5  }
0x259: {  	[tilespmem:s16+$0xFFFFFF20] =	vst v2  }
0x25a: {  	v2 =	vld [tilespmem:s16+$0xFFFFFF80];
	[tilespmem:s16+$0xFFFFFF40] =	vst v1  }
0x25b: {  	v1 =	vld.idx.msk [tilespmem:v3+s29+$0x0], $0xffff  }
0x25c: {  	v3 =	vld [tilespmem:s16+$0xFFFFFF60]  }
0x25d: {  	v5 =	vld [tilespmem:s16+$0xFFFFFF50]  }
0x25e: {  	v6 =	vld [tilespmem:s16+$0xFFFFFF70];
	_ =	sdelay $0x1  }
0x25f: {  	v2 =	vmul.f32 v2, v1  }
0x260: {  	v3 =	vmul.f32 v3, v1  }
0x261: {  	v5 =	vmul.f32 v5, v1;
	[tilespmem:s16+$0xFFFFFF80] =	vst v2  }
0x262: {  	v1 =	vmul.f32 v6, v1;
	[tilespmem:s16+$0xFFFFFF60] =	vst v3  }
0x263: {  	[tilespmem:s16+$0xFFFFFF50] =	vst v5  }
0x264: {  	v2 =	vld [tilespmem:s16+$0xFFFFFF90];
	[tilespmem:s16+$0xFFFFFF70] =	vst v1  }
0x265: {  	v1 =	vld.idx.msk [tilespmem:v4+s29+$0x0], $0xffff  }
0x266: {  	v3 =	vld [tilespmem:s16+$0xFFFFFFA0]  }
0x267: {  	v4 =	vld [tilespmem:s16+$0xFFFFFFC0]  }
0x268: {  	v5 =	vld [tilespmem:s16+$0xFFFFFFB0];
	_ =	sdelay $0x1  }
0x269: {  	s12 =	sadd.s32 $0x3, s18;
	v2 =	vmul.f32 v2, v1  }
0x26a: {  	v6 =	vmov s12;
	v3 =	vmul.f32 v3, v1  }
0x26b: {  	v4 =	vmul.f32 v4, v1;
	[tilespmem:s16+$0xFFFFFF90] =	vst v2  }
0x26c: {  	v1 =	vmul.f32 v5, v1;
	[tilespmem:s16+$0xFFFFFFA0] =	vst v3  }
0x26d: {  	[tilespmem:s16+$0xFFFFFFC0] =	vst v4  }
0x26e: {  	[tilespmem:s16+$0xFFFFFFB0] =	vst v1;
	v1 =	vld [tilespmem:s16+$0xFFFFFFD0]  }
0x26f: {  	v2 =	vld.idx.msk [tilespmem:v6+s29+$0x0], $0xffff  }
0x270: {  	v3 =	vld [tilespmem:s16+$0xFFFFFFE0]  }
0x271: {  	v4 =	vld [tilespmem:s16+$0x0]  }
0x272: {  	v5 =	vld [tilespmem:s16+$0xFFFFFFF0];
	_ =	sdelay $0x1  }
0x273: {  	v1 =	vmul.f32 v1, v2  }
0x274: {  	v3 =	vmul.f32 v3, v2  }
0x275: {  	v4 =	vmul.f32 v4, v2;
	[tilespmem:s16+$0xFFFFFFD0] =	vst v1  }
0x276: {  	v1 =	vmul.f32 v5, v2;
	[tilespmem:s16+$0xFFFFFFE0] =	vst v3  }
0x277: {  	[tilespmem:s16+$0x0] =	vst v4  }
0x278: {  	s20 =	simm.s32 $0x5280;
	[tilespmem:s16+$0xFFFFFFF0] =	vst v1  }
0x279: {  	[spmem:s4] =	stream.indirect.scatter.add.f32 [tilespmem:s11], [sflag:$0xB], $0x40, s20, s9, $0xb8;
	[tilespmem:$0x1FC80] =	vst v63  }
0x27a: {  	s18 =	smin.u32 s13, $0x9E;
	_ =	swait.ge [sflag:s22], $0x2000  }
0x27b: {  	s16 =	sshll.u32 s18, $0x7;
	s19 =	rddreg [dreg:$0x1f]  }
0x27c: {  	s16 =	sadd.s32 s16, s19  }
0x27d: {  	s24 =	simm.s32 $0x0;
	[sflag:s22] =	ssyncset.done $0x0;
	s17 =	sshrl.u32 s16, $0x3  }
0x27e: {  	[sflag:s22] =	ssyncadd.s32 $0xFFFFE000;
	s19 =	simm.s32 $0x5080;
	s21 =	sadd.s32 s14, s17  }
0x27f: {  	[tilespmem:s19], [sflag:$0x4] =	stream.linear.gather [hbm4b:s21+s24], $0x80, $0x38;
	[tilespmem:$0x1FC80] =	vst v63  }
0x280: {  	s17 =	sadd.s32 s15, s17  }
0x281: {  	[tilespmem:s20], [sflag:$0x8] =	stream.linear.gather [hbm4b:s17+s24], $0x80, $0x38;
	[tilespmem:$0x1FC80] =	vst v63  }
0x282: {  	_ =	swait.ge [sflag:s1], $0x80  }
0x283: {  	[sflag:s1] =	ssyncset.done $0x0  }
0x284: {  	s12 =	simm.s32 $0x5180;
	[sflag:s1] =	ssyncadd.s32 $0xFFFFFF80  }
0x285: {  	[tilespmem:s11], [sflag:$0x2] =	stream.indirect.gather [spmem:s3], $0x40, s12, s9, $0xb8;
	[tilespmem:$0x1FC80] =	vst v63  }
0x286: {  	_ =	swait.ge [sflag:s0], $0x80  }
0x287: {  	[sflag:s0] =	ssyncset.done $0x0  }
0x288: {  	[sflag:s0] =	ssyncadd.s32 $0xFFFFFF80  }
0x289: {  	_ =	swait.ge [sflag:s26], $0x2000  }
0x28a: {  	[sflag:s26] =	ssyncset.done $0x0  }
0x28b: {  	[sflag:s26] =	ssyncadd.s32 $0xFFFFE000  }
0x28c: {  	v1 =	vld [tilespmem:$0x5100]  }
0x28d: {  	v2 =	vld [tilespmem:$0x5300];
	_ =	sdelay $0x4  }
0x28e: {  	v1 =	vshll.u32 v1, $0x1;
	v3 =	vshll.u32 v2, $0x1  }
0x28f: {  	v3 =	vor.u32 $0x1, v3;
	_ =	sdelay $0x3  }
0x290: {  	v1 =	vld.idx.msk [tilespmem:v1+s24+$0x0], $0xffff  }
0x291: {  	v3 =	vld.idx.msk [tilespmem:v3+s24+$0x0], $0xffff;
	_ =	sdelay $0x4  }
0x292: {  	v1 =	vadd.f32 v3, v1;
	_ =	sdelay $0x1  }
0x293: {  	v3 =	vmul.f32 $2.000000030e-01, v1;
	_ =	sdelay $0x1  }
0x294: {  	v1 =	vmax.f32 v1, v3  }
0x295: {  	v1 =	vmul.f32 $1.442695020e+00, v1;
	_ =	sdelay $0x1  }
0x296: {  	(erf) = vpow2.f32 v1;
	_ =	sdelay $0x8  }
0x297: {  	v1 =	vpop (erf)  }
0x298: {  	[tilespmem:$0x5400] =	vst v1  }
0x299: {  	[tilespmem:v2+s28+$0x0] =	vst.idx.add.f32.msk $0xffff, v1  }
0x29a: {  	v1 =	vld [tilespmem:$0x5110]  }
0x29b: {  	v2 =	vld [tilespmem:$0x5310];
	_ =	sdelay $0x4  }
0x29c: {  	v1 =	vshll.u32 v1, $0x1;
	v3 =	vshll.u32 v2, $0x1  }
0x29d: {  	v3 =	vor.u32 $0x1, v3;
	_ =	sdelay $0x3  }
0x29e: {  	v1 =	vld.idx.msk [tilespmem:v1+s24+$0x0], $0xffff  }
0x29f: {  	v3 =	vld.idx.msk [tilespmem:v3+s24+$0x0], $0xffff;
	_ =	sdelay $0x4  }
0x2a0: {  	v1 =	vadd.f32 v3, v1;
	_ =	sdelay $0x1  }
0x2a1: {  	v3 =	vmul.f32 $2.000000030e-01, v1;
	_ =	sdelay $0x1  }
0x2a2: {  	v1 =	vmax.f32 v1, v3  }
0x2a3: {  	v1 =	vmul.f32 $1.442695020e+00, v1;
	_ =	sdelay $0x1  }
0x2a4: {  	(erf) = vpow2.f32 v1;
	_ =	sdelay $0x8  }
0x2a5: {  	v1 =	vpop (erf)  }
0x2a6: {  	[tilespmem:$0x5410] =	vst v1  }
0x2a7: {  	[tilespmem:v2+s28+$0x0] =	vst.idx.add.f32.msk $0xffff, v1  }
0x2a8: {  	v1 =	vld [tilespmem:$0x5120]  }
0x2a9: {  	v2 =	vld [tilespmem:$0x5320];
	_ =	sdelay $0x4  }
0x2aa: {  	v1 =	vshll.u32 v1, $0x1;
	v3 =	vshll.u32 v2, $0x1  }
0x2ab: {  	v3 =	vor.u32 $0x1, v3;
	_ =	sdelay $0x3  }
0x2ac: {  	v1 =	vld.idx.msk [tilespmem:v1+s24+$0x0], $0xffff  }
0x2ad: {  	v3 =	vld.idx.msk [tilespmem:v3+s24+$0x0], $0xffff;
	_ =	sdelay $0x4  }
0x2ae: {  	v1 =	vadd.f32 v3, v1;
	_ =	sdelay $0x1  }
0x2af: {  	v3 =	vmul.f32 $2.000000030e-01, v1;
	_ =	sdelay $0x1  }
0x2b0: {  	v1 =	vmax.f32 v1, v3  }
0x2b1: {  	v1 =	vmul.f32 $1.442695020e+00, v1;
	_ =	sdelay $0x1  }
0x2b2: {  	(erf) = vpow2.f32 v1;
	_ =	sdelay $0x8  }
0x2b3: {  	v1 =	vpop (erf)  }
0x2b4: {  	[tilespmem:$0x5420] =	vst v1  }
0x2b5: {  	[tilespmem:v2+s28+$0x0] =	vst.idx.add.f32.msk $0xffff, v1  }
0x2b6: {  	v1 =	vld [tilespmem:$0x5130]  }
0x2b7: {  	v2 =	vld [tilespmem:$0x5330];
	_ =	sdelay $0x4  }
0x2b8: {  	v1 =	vshll.u32 v1, $0x1;
	v3 =	vshll.u32 v2, $0x1  }
0x2b9: {  	v3 =	vor.u32 $0x1, v3;
	_ =	sdelay $0x3  }
0x2ba: {  	v1 =	vld.idx.msk [tilespmem:v1+s24+$0x0], $0xffff  }
0x2bb: {  	v3 =	vld.idx.msk [tilespmem:v3+s24+$0x0], $0xffff;
	_ =	sdelay $0x4  }
0x2bc: {  	v1 =	vadd.f32 v3, v1;
	_ =	sdelay $0x1  }
0x2bd: {  	v3 =	vmul.f32 $2.000000030e-01, v1;
	_ =	sdelay $0x1  }
0x2be: {  	v1 =	vmax.f32 v1, v3  }
0x2bf: {  	v1 =	vmul.f32 $1.442695020e+00, v1;
	_ =	sdelay $0x1  }
0x2c0: {  	(erf) = vpow2.f32 v1;
	_ =	sdelay $0x8  }
0x2c1: {  	v1 =	vpop (erf)  }
0x2c2: {  	[tilespmem:$0x5430] =	vst v1  }
0x2c3: {  	[tilespmem:v2+s28+$0x0] =	vst.idx.add.f32.msk $0xffff, v1  }
0x2c4: {  	v1 =	vld [tilespmem:$0x5140]  }
0x2c5: {  	v2 =	vld [tilespmem:$0x5340];
	_ =	sdelay $0x4  }
0x2c6: {  	v1 =	vshll.u32 v1, $0x1;
	v3 =	vshll.u32 v2, $0x1  }
0x2c7: {  	v3 =	vor.u32 $0x1, v3;
	_ =	sdelay $0x3  }
0x2c8: {  	v1 =	vld.idx.msk [tilespmem:v1+s24+$0x0], $0xffff  }
0x2c9: {  	v3 =	vld.idx.msk [tilespmem:v3+s24+$0x0], $0xffff;
	_ =	sdelay $0x4  }
0x2ca: {  	v1 =	vadd.f32 v3, v1;
	_ =	sdelay $0x1  }
0x2cb: {  	v3 =	vmul.f32 $2.000000030e-01, v1;
	_ =	sdelay $0x1  }
0x2cc: {  	v1 =	vmax.f32 v1, v3  }
0x2cd: {  	v1 =	vmul.f32 $1.442695020e+00, v1;
	_ =	sdelay $0x1  }
0x2ce: {  	(erf) = vpow2.f32 v1;
	_ =	sdelay $0x8  }
0x2cf: {  	v1 =	vpop (erf)  }
0x2d0: {  	[tilespmem:$0x5440] =	vst v1  }
0x2d1: {  	[tilespmem:v2+s28+$0x0] =	vst.idx.add.f32.msk $0xffff, v1  }
0x2d2: {  	v1 =	vld [tilespmem:$0x5150]  }
0x2d3: {  	v2 =	vld [tilespmem:$0x5350];
	_ =	sdelay $0x4  }
0x2d4: {  	v1 =	vshll.u32 v1, $0x1;
	v3 =	vshll.u32 v2, $0x1  }
0x2d5: {  	v3 =	vor.u32 $0x1, v3;
	_ =	sdelay $0x3  }
0x2d6: {  	v1 =	vld.idx.msk [tilespmem:v1+s24+$0x0], $0xffff  }
0x2d7: {  	v3 =	vld.idx.msk [tilespmem:v3+s24+$0x0], $0xffff;
	_ =	sdelay $0x4  }
0x2d8: {  	v1 =	vadd.f32 v3, v1;
	_ =	sdelay $0x1  }
0x2d9: {  	v3 =	vmul.f32 $2.000000030e-01, v1;
	_ =	sdelay $0x1  }
0x2da: {  	v1 =	vmax.f32 v1, v3  }
0x2db: {  	v1 =	vmul.f32 $1.442695020e+00, v1;
	_ =	sdelay $0x1  }
0x2dc: {  	(erf) = vpow2.f32 v1;
	_ =	sdelay $0x8  }
0x2dd: {  	v1 =	vpop (erf)  }
0x2de: {  	[tilespmem:$0x5450] =	vst v1  }
0x2df: {  	[tilespmem:v2+s28+$0x0] =	vst.idx.add.f32.msk $0xffff, v1  }
0x2e0: {  	v1 =	vld [tilespmem:$0x5160]  }
0x2e1: {  	v2 =	vld [tilespmem:$0x5360];
	_ =	sdelay $0x4  }
0x2e2: {  	v1 =	vshll.u32 v1, $0x1;
	v3 =	vshll.u32 v2, $0x1  }
0x2e3: {  	v3 =	vor.u32 $0x1, v3;
	_ =	sdelay $0x3  }
0x2e4: {  	v1 =	vld.idx.msk [tilespmem:v1+s24+$0x0], $0xffff  }
0x2e5: {  	v3 =	vld.idx.msk [tilespmem:v3+s24+$0x0], $0xffff;
	_ =	sdelay $0x4  }
0x2e6: {  	v1 =	vadd.f32 v3, v1;
	_ =	sdelay $0x1  }
0x2e7: {  	v3 =	vmul.f32 $2.000000030e-01, v1;
	_ =	sdelay $0x1  }
0x2e8: {  	v1 =	vmax.f32 v1, v3  }
0x2e9: {  	v1 =	vmul.f32 $1.442695020e+00, v1;
	_ =	sdelay $0x1  }
0x2ea: {  	(erf) = vpow2.f32 v1;
	_ =	sdelay $0x8  }
0x2eb: {  	v1 =	vpop (erf)  }
0x2ec: {  	[tilespmem:$0x5460] =	vst v1  }
0x2ed: {  	[tilespmem:v2+s28+$0x0] =	vst.idx.add.f32.msk $0xffff, v1  }
0x2ee: {  	v1 =	vld [tilespmem:$0x5170]  }
0x2ef: {  	v2 =	vld [tilespmem:$0x5370];
	_ =	sdelay $0x4  }
0x2f0: {  	v1 =	vshll.u32 v1, $0x1;
	v3 =	vshll.u32 v2, $0x1  }
0x2f1: {  	v3 =	vor.u32 $0x1, v3;
	_ =	sdelay $0x3  }
0x2f2: {  	v1 =	vld.idx.msk [tilespmem:v1+s24+$0x0], $0xffff  }
0x2f3: {  	v3 =	vld.idx.msk [tilespmem:v3+s24+$0x0], $0xffff;
	_ =	sdelay $0x4  }
0x2f4: {  	v1 =	vadd.f32 v3, v1;
	_ =	sdelay $0x1  }
0x2f5: {  	v3 =	vmul.f32 $2.000000030e-01, v1;
	_ =	sdelay $0x1  }
0x2f6: {  	v1 =	vmax.f32 v1, v3  }
0x2f7: {  	v1 =	vmul.f32 $1.442695020e+00, v1;
	_ =	sdelay $0x1  }
0x2f8: {  	(erf) = vpow2.f32 v1;
	_ =	sdelay $0x3  }
0x2f9: {  	v1 =	vmov s24  }
0x2fa: {  	v1 =	vand.u32 $0xFFFFFFFC, v1  }
0x2fb: {  	v1 =	vbroadcast v1, $0x0;
	_ =	sdelay $0x2  }
0x2fc: {  	v3 =	vpop (erf)  }
0x2fd: {  	[tilespmem:$0x5470] =	vst v3  }
0x2fe: {  	[tilespmem:v2+s28+$0x0] =	vst.idx.add.f32.msk $0xffff, v3  }
0x2ff: {  	s17 =	simm.s32 $0x7D00;
	v1 =	vld.idx.msk [tilespmem:v1+s29+$0x0], $0xffff  }
0x300: {  	v2 =	vld [tilespmem:s17+$0xFFFFFF80]  }
0x301: {  	v3 =	vld [tilespmem:s17+$0xFFFFFFA0]  }
0x302: {  	s18 =	simm.s32 $0x1;
	v4 =	vld [tilespmem:s17+$0xFFFFFF90]  }
0x303: {  	v5 =	vmov s18;
	v6 =	vld [tilespmem:s17+$0xFFFFFFB0]  }
0x304: {  	v5 =	vand.u32 $0xFFFFFFFD, v5  }
0x305: {  	v5 =	vbroadcast v5, $0x0;
	v2 =	vmul.f32 v2, v1  }
0x306: {  	v3 =	vmul.f32 v3, v1  }
0x307: {  	[tilespmem:s17+$0xFFFFFF80] =	vst v2;
	v2 =	vmul.f32 v4, v1  }
0x308: {  	s16 =	simm.s32 $0x7E00;
	[tilespmem:s17+$0xFFFFFFA0] =	vst v3;
	v3 =	vmul.f32 v6, v1  }
0x309: {  	v1 =	vld [tilespmem:s16+$0xFFFFFFA0];
	[tilespmem:s17+$0xFFFFFF90] =	vst v2  }
0x30a: {  	v2 =	vld [tilespmem:s17+$0xFFFFFFF0];
	[tilespmem:s17+$0xFFFFFFB0] =	vst v3  }
0x30b: {  	v3 =	vld.idx.msk [tilespmem:v5+s29+$0x0], $0xffff  }
0x30c: {  	v4 =	vld [tilespmem:s17+$0xFFFFFFD0]  }
0x30d: {  	s19 =	simm.s32 $0x2;
	v5 =	vld [tilespmem:s17+$0xFFFFFFC0]  }
0x30e: {  	v7 =	vld [tilespmem:s17+$0xFFFFFFE0];
	v6 =	vmov s19  }
0x30f: {  	v6 =	vand.u32 $0xFFFFFFFE, v6  }
0x310: {  	v6 =	vbroadcast v6, $0x0;
	v2 =	vmul.f32 v2, v3  }
0x311: {  	v4 =	vmul.f32 v4, v3  }
0x312: {  	v5 =	vmul.f32 v5, v3;
	[tilespmem:s17+$0xFFFFFFF0] =	vst v2  }
0x313: {  	v3 =	vmul.f32 v7, v3;
	[tilespmem:s17+$0xFFFFFFD0] =	vst v4  }
0x314: {  	v2 =	vld [tilespmem:s16+$0xFFFFFF90];
	[tilespmem:s17+$0xFFFFFFC0] =	vst v5  }
0x315: {  	v4 =	vld [tilespmem:s17+$0x0];
	[tilespmem:s17+$0xFFFFFFE0] =	vst v3  }
0x316: {  	v3 =	vld.idx.msk [tilespmem:v6+s29+$0x0], $0xffff  }
0x317: {  	v5 =	vld [tilespmem:s17+$0x10]  }
0x318: {  	v6 =	vld [tilespmem:s17+$0x30]  }
0x319: {  	v7 =	vld [tilespmem:s17+$0x20];
	_ =	sdelay $0x1  }
0x31a: {  	s20 =	simm.s32 $0x3;
	v4 =	vmul.f32 v4, v3  }
0x31b: {  	v8 =	vmov s20;
	v5 =	vmul.f32 v5, v3  }
0x31c: {  	v6 =	vmul.f32 v6, v3;
	[tilespmem:s17+$0x0] =	vst v4  }
0x31d: {  	v3 =	vmul.f32 v7, v3;
	[tilespmem:s17+$0x10] =	vst v5  }
0x31e: {  	[tilespmem:s17+$0x30] =	vst v6;
	v4 =	vld [tilespmem:s17+$0x40]  }
0x31f: {  	[tilespmem:s17+$0x20] =	vst v3;
	v3 =	vld [tilespmem:s17+$0x50]  }
0x320: {  	v6 =	vld.idx.msk [tilespmem:v8+s29+$0x0], $0xffff  }
0x321: {  	v5 =	vld [tilespmem:s17+$0x70];
	_ =	sdelay $0x1  }
0x322: {  	s18 =	simm.s32 $0x4;
	v7 =	vld [tilespmem:s17+$0x60]  }
0x323: {  	v8 =	vmov s18  }
0x324: {  	v8 =	vand.u32 $0xFFFFFFFC, v8;
	v4 =	vmul.f32 v4, v6;
	v10 =	vmul.f32 v3, v6  }
0x325: {  	s21 =	simm.s32 $0x5;
	s24 =	simm.s32 $0x6;
	v11 =	vmul.f32 v5, v6;
	v5 =	vbroadcast v8, $0x0  }
0x326: {  	v9 =	vmov s21;
	v63 =	vmov s24;
	[tilespmem:s17+$0x40] =	vst v4  }
0x327: {  	v3 =	vand.u32 $0xFFFFFFFD, v9;
	v6 =	vmul.f32 v7, v6;
	v4 =	vand.u32 $0xFFFFFFFE, v63;
	[tilespmem:s17+$0x50] =	vst v10  }
0x328: {  	s5 =	simm.s32 $0x5280;
	s19 =	simm.s32 $0x8;
	v3 =	vbroadcast v3, $0x0;
	[tilespmem:s17+$0x70] =	vst v11;
	v4 =	vbroadcast v4, $0x0  }
.LBB2_11:
0x329: {  	p0 =	sne.s32 s19, $0x7C;
	s20 =	smov.u32 s19  }
0x32a: {  	[tilespmem:s17+$0x60] =	vst v6;
	s19 =	sadd.s32 $0x4, s19;
	s17 =	smov.u32 s16;
	s16 =	sadd.s32 $0x100, s16  }
0x32b: {  	v6 =	vld.idx.msk [tilespmem:v5+s29+$0x0], $0xffff  }
0x32c: {  	v7 =	vld [tilespmem:s17+$0xFFFFFF80];
	_ =	sdelay $0x1  }
0x32d: {  	v8 =	vld [tilespmem:s17+$0xFFFFFFB0]  }
0x32e: {  	v5 =	vmov s20  }
0x32f: {  	v5 =	vand.u32 $0xFFFFFFFC, v5  }
0x330: {  	v5 =	vbroadcast v5, $0x0;
	v7 =	vmul.f32 v7, v6  }
0x331: {  	v2 =	vmul.f32 v2, v6;
	v1 =	vmul.f32 v1, v6  }
0x332: {  	[tilespmem:s17+$0xFFFFFF80] =	vst v7;
	v6 =	vmul.f32 v8, v6  }
0x333: {  	[tilespmem:s17+$0xFFFFFFA0] =	vst v1;
	v7 =	vld [tilespmem:s17+$0xFFFFFFF0]  }
0x334: {  	v1 =	vld [tilespmem:s16+$0xFFFFFFA0];
	[tilespmem:s17+$0xFFFFFF90] =	vst v2  }
0x335: {  	[tilespmem:s17+$0xFFFFFFB0] =	vst v6;
	v6 =	vld [tilespmem:s17+$0xFFFFFFC0]  }
0x336: {  	v8 =	vld.idx.msk [tilespmem:v3+s29+$0x0], $0xffff  }
0x337: {  	v9 =	vld [tilespmem:s17+$0xFFFFFFD0]  }
0x338: {  	v10 =	vld [tilespmem:s17+$0xFFFFFFE0]  }
0x339: {  	s21 =	sadd.s32 $0x1, s20;
	v2 =	vld [tilespmem:s16+$0xFFFFFF90]  }
0x33a: {  	v3 =	vmov s21  }
0x33b: {  	v3 =	vand.u32 $0xFFFFFFFD, v3  }
0x33c: {  	v3 =	vbroadcast v3, $0x0;
	v7 =	vmul.f32 v7, v8  }
0x33d: {  	v9 =	vmul.f32 v9, v8;
	v10 =	vmul.f32 v10, v8  }
0x33e: {  	v6 =	vmul.f32 v6, v8;
	[tilespmem:s17+$0xFFFFFFF0] =	vst v7  }
0x33f: {  	[tilespmem:s17+$0xFFFFFFD0] =	vst v9  }
0x340: {  	[tilespmem:s17+$0xFFFFFFC0] =	vst v6;
	v6 =	vld [tilespmem:s17+$0x0]  }
0x341: {  	[tilespmem:s17+$0xFFFFFFE0] =	vst v10;
	v7 =	vld [tilespmem:s17+$0x30]  }
0x342: {  	v4 =	vld.idx.msk [tilespmem:v4+s29+$0x0], $0xffff  }
0x343: {  	v8 =	vld [tilespmem:s17+$0x10]  }
0x344: {  	v9 =	vld [tilespmem:s17+$0x20];
	_ =	sdelay $0x3  }
0x345: {  	s21 =	sadd.s32 $0x3, s18;
	s18 =	smov.u32 s20;
	v6 =	vmul.f32 v6, v4;
	v8 =	vmul.f32 v8, v4  }
0x346: {  	s20 =	sadd.s32 $0x2, s18;
	v9 =	vmul.f32 v9, v4;
	v4 =	vmul.f32 v7, v4;
	v7 =	vmov s21  }
0x347: {  	v10 =	vmov s20;
	[tilespmem:s17+$0x0] =	vst v6  }
0x348: {  	v6 =	vand.u32 $0xFFFFFFFE, v10;
	[tilespmem:s17+$0x10] =	vst v8  }
0x349: {  	[tilespmem:s17+$0x30] =	vst v4;
	v8 =	vld [tilespmem:s17+$0x40]  }
0x34a: {  	v4 =	vbroadcast v6, $0x0;
	[tilespmem:s17+$0x20] =	vst v9;
	v9 =	vld [tilespmem:s17+$0x70]  }
0x34b: {  	v7 =	vld.idx.msk [tilespmem:v7+s29+$0x0], $0xffff  }
0x34c: {  	v6 =	vld [tilespmem:s17+$0x50]  }
0x34d: {  	v10 =	vld [tilespmem:s17+$0x60];
	_ =	sdelay $0x3  }
.Ltmp4:
0x34e: {  	v8 =	vmul.f32 v8, v7;
	v11 =	vmul.f32 v6, v7;
	(pc) =	sbr.rel @p0 .LBB2_11-.Ltmp4, $4  }
0x34f: {  	v6 =	vmul.f32 v10, v7;
	v7 =	vmul.f32 v9, v7  }
0x350: {  	[tilespmem:s17+$0x40] =	vst v8  }
0x351: {  	[tilespmem:s17+$0x50] =	vst v11  }
0x352: {  	[tilespmem:s17+$0x70] =	vst v7  }
0x353: {  	_ =	sdelay $0x2  }
0x354: {  	[tilespmem:s17+$0x60] =	vst v6;
	v6 =	vld [tilespmem:s16+$0xFFFFFF80]  }
0x355: {  	v5 =	vld.idx.msk [tilespmem:v5+s29+$0x0], $0xffff;
	_ =	sdelay $0x2  }
0x356: {  	v7 =	vld [tilespmem:s16+$0xFFFFFFB0];
	_ =	sdelay $0x1  }
0x357: {  	v6 =	vmul.f32 v6, v5  }
0x358: {  	v1 =	vmul.f32 v1, v5  }
0x359: {  	v2 =	vmul.f32 v2, v5;
	[tilespmem:s16+$0xFFFFFF80] =	vst v6  }
0x35a: {  	v5 =	vmul.f32 v7, v5;
	[tilespmem:s16+$0xFFFFFFA0] =	vst v1  }
0x35b: {  	[tilespmem:s16+$0xFFFFFF90] =	vst v2  }
0x35c: {  	v1 =	vld [tilespmem:s16+$0xFFFFFFF0];
	[tilespmem:s16+$0xFFFFFFB0] =	vst v5  }
0x35d: {  	v2 =	vld.idx.msk [tilespmem:v3+s29+$0x0], $0xffff  }
0x35e: {  	v3 =	vld [tilespmem:s16+$0xFFFFFFD0]  }
0x35f: {  	v5 =	vld [tilespmem:s16+$0xFFFFFFC0]  }
0x360: {  	v6 =	vld [tilespmem:s16+$0xFFFFFFE0];
	_ =	sdelay $0x1  }
0x361: {  	v1 =	vmul.f32 v1, v2  }
0x362: {  	v3 =	vmul.f32 v3, v2  }
0x363: {  	v5 =	vmul.f32 v5, v2;
	[tilespmem:s16+$0xFFFFFFF0] =	vst v1  }
0x364: {  	v1 =	vmul.f32 v6, v2;
	[tilespmem:s16+$0xFFFFFFD0] =	vst v3  }
0x365: {  	[tilespmem:s16+$0xFFFFFFC0] =	vst v5  }
0x366: {  	v2 =	vld [tilespmem:s16+$0x0];
	[tilespmem:s16+$0xFFFFFFE0] =	vst v1  }
0x367: {  	v1 =	vld.idx.msk [tilespmem:v4+s29+$0x0], $0xffff  }
0x368: {  	v3 =	vld [tilespmem:s16+$0x10]  }
0x369: {  	v4 =	vld [tilespmem:s16+$0x30]  }
0x36a: {  	v5 =	vld [tilespmem:s16+$0x20];
	_ =	sdelay $0x1  }
0x36b: {  	s20 =	sadd.s32 $0x3, s18;
	v2 =	vmul.f32 v2, v1  }
0x36c: {  	v6 =	vmov s20;
	v3 =	vmul.f32 v3, v1  }
0x36d: {  	v4 =	vmul.f32 v4, v1;
	[tilespmem:s16+$0x0] =	vst v2  }
0x36e: {  	v1 =	vmul.f32 v5, v1;
	[tilespmem:s16+$0x10] =	vst v3  }
0x36f: {  	[tilespmem:s16+$0x30] =	vst v4  }
0x370: {  	v2 =	vld [tilespmem:s16+$0x40];
	[tilespmem:s16+$0x20] =	vst v1  }
0x371: {  	v1 =	vld.idx.msk [tilespmem:v6+s29+$0x0], $0xffff  }
0x372: {  	v3 =	vld [tilespmem:s16+$0x50]  }
0x373: {  	v4 =	vld [tilespmem:s16+$0x70]  }
0x374: {  	v5 =	vld [tilespmem:s16+$0x60];
	_ =	sdelay $0x1  }
0x375: {  	v2 =	vmul.f32 v2, v1  }
0x376: {  	v3 =	vmul.f32 v3, v1  }
0x377: {  	v4 =	vmul.f32 v4, v1;
	[tilespmem:s16+$0x40] =	vst v2  }
0x378: {  	v1 =	vmul.f32 v5, v1;
	[tilespmem:s16+$0x50] =	vst v3  }
0x379: {  	[tilespmem:s16+$0x70] =	vst v4  }
0x37a: {  	s20 =	simm.s32 $0x5300;
	[tilespmem:s16+$0x60] =	vst v1  }
0x37b: {  	[spmem:s4] =	stream.indirect.scatter.add.f32 [tilespmem:s23], [sflag:$0xB], $0x40, s20, s9, $0xb8;
	[tilespmem:$0x1FC80] =	vst v63  }
0x37c: {  	_ =	swait.ge [sflag:s22], $0x2000  }
0x37d: {  	s24 =	sld [smem:$0x7F9]  }
0x37e: {  	s21 =	smin.u32 s13, $0x9D  }
0x37f: {  	s16 =	sshll.u32 s21, $0x7  }
0x380: {  	s16 =	sadd.s32 s16, s24  }
0x381: {  	s19 =	simm.s32 $0x5100;
	[sflag:s22] =	ssyncset.done $0x0;
	s17 =	sshrl.u32 s16, $0x3  }
0x382: {  	[sflag:s22] =	ssyncadd.s32 $0xFFFFE000;
	s16 =	simm.s32 $0x0;
	s12 =	sadd.s32 s14, s17  }
0x383: {  	[tilespmem:s19], [sflag:$0x5] =	stream.linear.gather [hbm4b:s12+s16], $0x80, $0x38;
	[tilespmem:$0x1FC80] =	vst v63  }
0x384: {  	s21 =	simm.s32 $0x3;
	s17 =	sadd.s32 s15, s17  }
0x385: {  	[tilespmem:s20], [sflag:$0x9] =	stream.linear.gather [hbm4b:s17+s16], $0x80, $0x38;
	[tilespmem:$0x1FC80] =	vst v63  }
0x386: {  	_ =	swait.ge [sflag:s21], $0x80  }
0x387: {  	[sflag:s21] =	ssyncset.done $0x0  }
0x388: {  	s24 =	simm.s32 $0x5000;
	[sflag:s21] =	ssyncadd.s32 $0xFFFFFF80  }
0x389: {  	[tilespmem:s23], [sflag:$0x1] =	stream.indirect.gather [spmem:s3], $0x40, s24, s9, $0xb8;
	[tilespmem:$0x1FC80] =	vst v63  }
0x38a: {  	_ =	swait.ge [sflag:s6], $0x80  }
0x38b: {  	[sflag:s6] =	ssyncset.done $0x0  }
0x38c: {  	[sflag:s6] =	ssyncadd.s32 $0xFFFFFF80  }
0x38d: {  	_ =	swait.ge [sflag:s2], $0x2000  }
0x38e: {  	[sflag:s2] =	ssyncset.done $0x0  }
0x38f: {  	[sflag:s2] =	ssyncadd.s32 $0xFFFFE000  }
0x390: {  	v1 =	vld [tilespmem:$0x5180]  }
0x391: {  	v2 =	vld [tilespmem:$0x5380];
	_ =	sdelay $0x4  }
0x392: {  	v1 =	vshll.u32 v1, $0x1;
	v3 =	vshll.u32 v2, $0x1  }
0x393: {  	v3 =	vor.u32 $0x1, v3;
	_ =	sdelay $0x3  }
0x394: {  	v1 =	vld.idx.msk [tilespmem:v1+s16+$0x0], $0xffff  }
0x395: {  	v3 =	vld.idx.msk [tilespmem:v3+s16+$0x0], $0xffff;
	_ =	sdelay $0x4  }
0x396: {  	v1 =	vadd.f32 v3, v1;
	_ =	sdelay $0x1  }
0x397: {  	v3 =	vmul.f32 $2.000000030e-01, v1;
	_ =	sdelay $0x1  }
0x398: {  	v1 =	vmax.f32 v1, v3  }
0x399: {  	v1 =	vmul.f32 $1.442695020e+00, v1;
	_ =	sdelay $0x1  }
0x39a: {  	(erf) = vpow2.f32 v1;
	_ =	sdelay $0x8  }
0x39b: {  	v1 =	vpop (erf)  }
0x39c: {  	[tilespmem:$0x5400] =	vst v1  }
0x39d: {  	[tilespmem:v2+s28+$0x0] =	vst.idx.add.f32.msk $0xffff, v1  }
0x39e: {  	v1 =	vld [tilespmem:$0x5190]  }
0x39f: {  	v2 =	vld [tilespmem:$0x5390];
	_ =	sdelay $0x4  }
0x3a0: {  	v1 =	vshll.u32 v1, $0x1;
	v3 =	vshll.u32 v2, $0x1  }
0x3a1: {  	v3 =	vor.u32 $0x1, v3;
	_ =	sdelay $0x3  }
0x3a2: {  	v1 =	vld.idx.msk [tilespmem:v1+s16+$0x0], $0xffff  }
0x3a3: {  	v3 =	vld.idx.msk [tilespmem:v3+s16+$0x0], $0xffff;
	_ =	sdelay $0x4  }
0x3a4: {  	v1 =	vadd.f32 v3, v1;
	_ =	sdelay $0x1  }
0x3a5: {  	v3 =	vmul.f32 $2.000000030e-01, v1;
	_ =	sdelay $0x1  }
0x3a6: {  	v1 =	vmax.f32 v1, v3  }
0x3a7: {  	v1 =	vmul.f32 $1.442695020e+00, v1;
	_ =	sdelay $0x1  }
0x3a8: {  	(erf) = vpow2.f32 v1;
	_ =	sdelay $0x8  }
0x3a9: {  	v1 =	vpop (erf)  }
0x3aa: {  	[tilespmem:$0x5410] =	vst v1  }
0x3ab: {  	[tilespmem:v2+s28+$0x0] =	vst.idx.add.f32.msk $0xffff, v1  }
0x3ac: {  	v1 =	vld [tilespmem:$0x51A0]  }
0x3ad: {  	v2 =	vld [tilespmem:$0x53A0];
	_ =	sdelay $0x4  }
0x3ae: {  	v1 =	vshll.u32 v1, $0x1;
	v3 =	vshll.u32 v2, $0x1  }
0x3af: {  	v3 =	vor.u32 $0x1, v3;
	_ =	sdelay $0x3  }
0x3b0: {  	v1 =	vld.idx.msk [tilespmem:v1+s16+$0x0], $0xffff  }
0x3b1: {  	v3 =	vld.idx.msk [tilespmem:v3+s16+$0x0], $0xffff;
	_ =	sdelay $0x4  }
0x3b2: {  	v1 =	vadd.f32 v3, v1;
	_ =	sdelay $0x1  }
0x3b3: {  	v3 =	vmul.f32 $2.000000030e-01, v1;
	_ =	sdelay $0x1  }
0x3b4: {  	v1 =	vmax.f32 v1, v3  }
0x3b5: {  	v1 =	vmul.f32 $1.442695020e+00, v1;
	_ =	sdelay $0x1  }
0x3b6: {  	(erf) = vpow2.f32 v1;
	_ =	sdelay $0x8  }
0x3b7: {  	v1 =	vpop (erf)  }
0x3b8: {  	[tilespmem:$0x5420] =	vst v1  }
0x3b9: {  	[tilespmem:v2+s28+$0x0] =	vst.idx.add.f32.msk $0xffff, v1  }
0x3ba: {  	v1 =	vld [tilespmem:$0x51B0]  }
0x3bb: {  	v2 =	vld [tilespmem:$0x53B0];
	_ =	sdelay $0x4  }
0x3bc: {  	v1 =	vshll.u32 v1, $0x1;
	v3 =	vshll.u32 v2, $0x1  }
0x3bd: {  	v3 =	vor.u32 $0x1, v3;
	_ =	sdelay $0x3  }
0x3be: {  	v1 =	vld.idx.msk [tilespmem:v1+s16+$0x0], $0xffff  }
0x3bf: {  	v3 =	vld.idx.msk [tilespmem:v3+s16+$0x0], $0xffff;
	_ =	sdelay $0x4  }
0x3c0: {  	v1 =	vadd.f32 v3, v1;
	_ =	sdelay $0x1  }
0x3c1: {  	v3 =	vmul.f32 $2.000000030e-01, v1;
	_ =	sdelay $0x1  }
0x3c2: {  	v1 =	vmax.f32 v1, v3  }
0x3c3: {  	v1 =	vmul.f32 $1.442695020e+00, v1;
	_ =	sdelay $0x1  }
0x3c4: {  	(erf) = vpow2.f32 v1;
	_ =	sdelay $0x8  }
0x3c5: {  	v1 =	vpop (erf)  }
0x3c6: {  	[tilespmem:$0x5430] =	vst v1  }
0x3c7: {  	[tilespmem:v2+s28+$0x0] =	vst.idx.add.f32.msk $0xffff, v1  }
0x3c8: {  	v1 =	vld [tilespmem:$0x51C0]  }
0x3c9: {  	v2 =	vld [tilespmem:$0x53C0];
	_ =	sdelay $0x4  }
0x3ca: {  	v1 =	vshll.u32 v1, $0x1;
	v3 =	vshll.u32 v2, $0x1  }
0x3cb: {  	v3 =	vor.u32 $0x1, v3;
	_ =	sdelay $0x3  }
0x3cc: {  	v1 =	vld.idx.msk [tilespmem:v1+s16+$0x0], $0xffff  }
0x3cd: {  	v3 =	vld.idx.msk [tilespmem:v3+s16+$0x0], $0xffff;
	_ =	sdelay $0x4  }
0x3ce: {  	v1 =	vadd.f32 v3, v1;
	_ =	sdelay $0x1  }
0x3cf: {  	v3 =	vmul.f32 $2.000000030e-01, v1;
	_ =	sdelay $0x1  }
0x3d0: {  	v1 =	vmax.f32 v1, v3  }
0x3d1: {  	v1 =	vmul.f32 $1.442695020e+00, v1;
	_ =	sdelay $0x1  }
0x3d2: {  	(erf) = vpow2.f32 v1;
	_ =	sdelay $0x8  }
0x3d3: {  	v1 =	vpop (erf)  }
0x3d4: {  	[tilespmem:$0x5440] =	vst v1  }
0x3d5: {  	[tilespmem:v2+s28+$0x0] =	vst.idx.add.f32.msk $0xffff, v1  }
0x3d6: {  	v1 =	vld [tilespmem:$0x51D0]  }
0x3d7: {  	v2 =	vld [tilespmem:$0x53D0];
	_ =	sdelay $0x4  }
0x3d8: {  	v1 =	vshll.u32 v1, $0x1;
	v3 =	vshll.u32 v2, $0x1  }
0x3d9: {  	v3 =	vor.u32 $0x1, v3;
	_ =	sdelay $0x3  }
0x3da: {  	v1 =	vld.idx.msk [tilespmem:v1+s16+$0x0], $0xffff  }
0x3db: {  	v3 =	vld.idx.msk [tilespmem:v3+s16+$0x0], $0xffff;
	_ =	sdelay $0x4  }
0x3dc: {  	v1 =	vadd.f32 v3, v1;
	_ =	sdelay $0x1  }
0x3dd: {  	v3 =	vmul.f32 $2.000000030e-01, v1;
	_ =	sdelay $0x1  }
0x3de: {  	v1 =	vmax.f32 v1, v3  }
0x3df: {  	v1 =	vmul.f32 $1.442695020e+00, v1;
	_ =	sdelay $0x1  }
0x3e0: {  	(erf) = vpow2.f32 v1;
	_ =	sdelay $0x8  }
0x3e1: {  	v1 =	vpop (erf)  }
0x3e2: {  	[tilespmem:$0x5450] =	vst v1  }
0x3e3: {  	[tilespmem:v2+s28+$0x0] =	vst.idx.add.f32.msk $0xffff, v1  }
0x3e4: {  	v1 =	vld [tilespmem:$0x51E0]  }
0x3e5: {  	v2 =	vld [tilespmem:$0x53E0];
	_ =	sdelay $0x4  }
0x3e6: {  	v1 =	vshll.u32 v1, $0x1;
	v3 =	vshll.u32 v2, $0x1  }
0x3e7: {  	v3 =	vor.u32 $0x1, v3;
	_ =	sdelay $0x3  }
0x3e8: {  	v1 =	vld.idx.msk [tilespmem:v1+s16+$0x0], $0xffff  }
0x3e9: {  	v3 =	vld.idx.msk [tilespmem:v3+s16+$0x0], $0xffff;
	_ =	sdelay $0x4  }
0x3ea: {  	v1 =	vadd.f32 v3, v1;
	_ =	sdelay $0x1  }
0x3eb: {  	v3 =	vmul.f32 $2.000000030e-01, v1;
	_ =	sdelay $0x1  }
0x3ec: {  	v1 =	vmax.f32 v1, v3  }
0x3ed: {  	v1 =	vmul.f32 $1.442695020e+00, v1;
	_ =	sdelay $0x1  }
0x3ee: {  	(erf) = vpow2.f32 v1;
	_ =	sdelay $0x8  }
0x3ef: {  	v1 =	vpop (erf)  }
0x3f0: {  	[tilespmem:$0x5460] =	vst v1  }
0x3f1: {  	[tilespmem:v2+s28+$0x0] =	vst.idx.add.f32.msk $0xffff, v1  }
0x3f2: {  	v1 =	vld [tilespmem:$0x51F0]  }
0x3f3: {  	v2 =	vld [tilespmem:$0x53F0];
	_ =	sdelay $0x4  }
0x3f4: {  	v1 =	vshll.u32 v1, $0x1;
	v3 =	vshll.u32 v2, $0x1  }
0x3f5: {  	v3 =	vor.u32 $0x1, v3;
	_ =	sdelay $0x3  }
0x3f6: {  	v1 =	vld.idx.msk [tilespmem:v1+s16+$0x0], $0xffff  }
0x3f7: {  	v3 =	vld.idx.msk [tilespmem:v3+s16+$0x0], $0xffff;
	_ =	sdelay $0x4  }
0x3f8: {  	v1 =	vadd.f32 v3, v1;
	_ =	sdelay $0x1  }
0x3f9: {  	v3 =	vmul.f32 $2.000000030e-01, v1;
	_ =	sdelay $0x1  }
0x3fa: {  	v1 =	vmax.f32 v1, v3  }
0x3fb: {  	v1 =	vmul.f32 $1.442695020e+00, v1;
	_ =	sdelay $0x1  }
0x3fc: {  	(erf) = vpow2.f32 v1;
	_ =	sdelay $0x3  }
0x3fd: {  	v1 =	vmov s16  }
0x3fe: {  	v1 =	vand.u32 $0xFFFFFFFC, v1  }
0x3ff: {  	v1 =	vbroadcast v1, $0x0;
	_ =	sdelay $0x2  }
0x400: {  	v3 =	vpop (erf)  }
0x401: {  	[tilespmem:$0x5470] =	vst v3  }
0x402: {  	[tilespmem:v2+s28+$0x0] =	vst.idx.add.f32.msk $0xffff, v3  }
0x403: {  	s17 =	simm.s32 $0x9D70;
	v1 =	vld.idx.msk [tilespmem:v1+s29+$0x0], $0xffff  }
0x404: {  	v2 =	vld [tilespmem:s17+$0xFFFFFF10]  }
0x405: {  	v3 =	vld [tilespmem:s17+$0xFFFFFF30]  }
0x406: {  	s18 =	simm.s32 $0x1;
	v4 =	vld [tilespmem:s17+$0xFFFFFF20]  }
0x407: {  	v5 =	vmov s18;
	v6 =	vld [tilespmem:s17+$0xFFFFFF40]  }
0x408: {  	v5 =	vand.u32 $0xFFFFFFFD, v5  }
0x409: {  	v5 =	vbroadcast v5, $0x0;
	v2 =	vmul.f32 v2, v1  }
0x40a: {  	v3 =	vmul.f32 v3, v1  }
0x40b: {  	[tilespmem:s17+$0xFFFFFF10] =	vst v2;
	v2 =	vmul.f32 v4, v1  }
0x40c: {  	s16 =	simm.s32 $0x9E70;
	[tilespmem:s17+$0xFFFFFF30] =	vst v3;
	v4 =	vmul.f32 v6, v1  }
0x40d: {  	v1 =	vld [tilespmem:s16+$0xFFFFFF30];
	[tilespmem:s17+$0xFFFFFF20] =	vst v2  }
0x40e: {  	[tilespmem:s17+$0xFFFFFF40] =	vst v4;
	v2 =	vld [tilespmem:s17+$0xFFFFFF80]  }
0x40f: {  	v4 =	vld.idx.msk [tilespmem:v5+s29+$0x0], $0xffff  }
0x410: {  	v5 =	vld [tilespmem:s17+$0xFFFFFF60]  }
0x411: {  	s19 =	simm.s32 $0x2;
	v3 =	vld [tilespmem:s17+$0xFFFFFF50]  }
0x412: {  	v7 =	vld [tilespmem:s17+$0xFFFFFF70];
	v6 =	vmov s19  }
0x413: {  	v6 =	vand.u32 $0xFFFFFFFE, v6  }
0x414: {  	v6 =	vbroadcast v6, $0x0;
	v2 =	vmul.f32 v2, v4  }
0x415: {  	v5 =	vmul.f32 v5, v4  }
0x416: {  	v3 =	vmul.f32 v3, v4;
	[tilespmem:s17+$0xFFFFFF80] =	vst v2  }
0x417: {  	v4 =	vmul.f32 v7, v4;
	[tilespmem:s17+$0xFFFFFF60] =	vst v5  }
0x418: {  	v2 =	vld [tilespmem:s16+$0xFFFFFF20];
	[tilespmem:s17+$0xFFFFFF50] =	vst v3  }
0x419: {  	v3 =	vld [tilespmem:s17+$0xFFFFFF90];
	[tilespmem:s17+$0xFFFFFF70] =	vst v4  }
0x41a: {  	v4 =	vld.idx.msk [tilespmem:v6+s29+$0x0], $0xffff  }
0x41b: {  	v5 =	vld [tilespmem:s17+$0xFFFFFFA0]  }
0x41c: {  	v6 =	vld [tilespmem:s17+$0xFFFFFFC0]  }
0x41d: {  	v7 =	vld [tilespmem:s17+$0xFFFFFFB0];
	_ =	sdelay $0x1  }
0x41e: {  	s20 =	simm.s32 $0x3;
	v3 =	vmul.f32 v3, v4  }
0x41f: {  	v8 =	vmov s20;
	v5 =	vmul.f32 v5, v4  }
0x420: {  	v6 =	vmul.f32 v6, v4;
	[tilespmem:s17+$0xFFFFFF90] =	vst v3  }
0x421: {  	v3 =	vmul.f32 v7, v4;
	[tilespmem:s17+$0xFFFFFFA0] =	vst v5  }
0x422: {  	[tilespmem:s17+$0xFFFFFFC0] =	vst v6;
	v4 =	vld [tilespmem:s17+$0xFFFFFFE0]  }
0x423: {  	[tilespmem:s17+$0xFFFFFFB0] =	vst v3;
	v3 =	vld [tilespmem:s17+$0xFFFFFFD0]  }
0x424: {  	v6 =	vld.idx.msk [tilespmem:v8+s29+$0x0], $0xffff  }
0x425: {  	v5 =	vld [tilespmem:s17+$0x0];
	_ =	sdelay $0x1  }
0x426: {  	s18 =	simm.s32 $0x4;
	v7 =	vld [tilespmem:s17+$0xFFFFFFF0]  }
0x427: {  	v8 =	vmov s18  }
0x428: {  	v8 =	vand.u32 $0xFFFFFFFC, v8;
	v3 =	vmul.f32 v3, v6;
	v4 =	vmul.f32 v4, v6  }
0x429: {  	s21 =	simm.s32 $0x5;
	s24 =	simm.s32 $0x6;
	v11 =	vmul.f32 v5, v6;
	v5 =	vbroadcast v8, $0x0  }
0x42a: {  	v9 =	vmov s21;
	v10 =	vmov s24;
	[tilespmem:s17+$0xFFFFFFD0] =	vst v3  }
0x42b: {  	v9 =	vand.u32 $0xFFFFFFFD, v9;
	v8 =	vand.u32 $0xFFFFFFFE, v10;
	v6 =	vmul.f32 v7, v6;
	[tilespmem:s17+$0xFFFFFFE0] =	vst v4  }
0x42c: {  	s12 =	simm.s32 $0x5300;
	s19 =	simm.s32 $0x8;
	v3 =	vbroadcast v9, $0x0;
	v4 =	vbroadcast v8, $0x0;
	[tilespmem:s17+$0x0] =	vst v11  }
.LBB2_13:
0x42d: {  	p0 =	sne.s32 s19, $0x7C;
	s20 =	smov.u32 s19  }
0x42e: {  	[tilespmem:s17+$0xFFFFFFF0] =	vst v6;
	s19 =	sadd.s32 $0x4, s19;
	s17 =	smov.u32 s16;
	s16 =	sadd.s32 $0x100, s16  }
0x42f: {  	v6 =	vld.idx.msk [tilespmem:v5+s29+$0x0], $0xffff  }
0x430: {  	v7 =	vld [tilespmem:s17+$0xFFFFFF10];
	_ =	sdelay $0x1  }
0x431: {  	v8 =	vld [tilespmem:s17+$0xFFFFFF40]  }
0x432: {  	v5 =	vmov s20  }
0x433: {  	v5 =	vand.u32 $0xFFFFFFFC, v5  }
0x434: {  	v5 =	vbroadcast v5, $0x0;
	v7 =	vmul.f32 v7, v6  }
0x435: {  	v2 =	vmul.f32 v2, v6;
	v1 =	vmul.f32 v1, v6  }
0x436: {  	[tilespmem:s17+$0xFFFFFF10] =	vst v7;
	v6 =	vmul.f32 v8, v6  }
0x437: {  	[tilespmem:s17+$0xFFFFFF30] =	vst v1;
	v7 =	vld [tilespmem:s17+$0xFFFFFF50]  }
0x438: {  	v1 =	vld [tilespmem:s16+$0xFFFFFF30];
	[tilespmem:s17+$0xFFFFFF20] =	vst v2  }
0x439: {  	[tilespmem:s17+$0xFFFFFF40] =	vst v6;
	v6 =	vld [tilespmem:s17+$0xFFFFFF60]  }
0x43a: {  	v8 =	vld.idx.msk [tilespmem:v3+s29+$0x0], $0xffff  }
0x43b: {  	v9 =	vld [tilespmem:s17+$0xFFFFFF80]  }
0x43c: {  	v10 =	vld [tilespmem:s17+$0xFFFFFF70]  }
0x43d: {  	s21 =	sadd.s32 $0x1, s20;
	v2 =	vld [tilespmem:s16+$0xFFFFFF20]  }
0x43e: {  	v3 =	vmov s21  }
0x43f: {  	v3 =	vand.u32 $0xFFFFFFFD, v3  }
0x440: {  	v3 =	vbroadcast v3, $0x0;
	v9 =	vmul.f32 v9, v8  }
0x441: {  	v6 =	vmul.f32 v6, v8;
	v10 =	vmul.f32 v10, v8  }
0x442: {  	v7 =	vmul.f32 v7, v8;
	[tilespmem:s17+$0xFFFFFF80] =	vst v9  }
0x443: {  	[tilespmem:s17+$0xFFFFFF60] =	vst v6  }
0x444: {  	[tilespmem:s17+$0xFFFFFF50] =	vst v7;
	v6 =	vld [tilespmem:s17+$0xFFFFFF90]  }
0x445: {  	[tilespmem:s17+$0xFFFFFF70] =	vst v10;
	v7 =	vld [tilespmem:s17+$0xFFFFFFC0]  }
0x446: {  	v4 =	vld.idx.msk [tilespmem:v4+s29+$0x0], $0xffff  }
0x447: {  	v8 =	vld [tilespmem:s17+$0xFFFFFFA0]  }
0x448: {  	v9 =	vld [tilespmem:s17+$0xFFFFFFB0];
	_ =	sdelay $0x3  }
0x449: {  	s21 =	sadd.s32 $0x3, s18;
	s18 =	smov.u32 s20;
	v6 =	vmul.f32 v6, v4;
	v8 =	vmul.f32 v8, v4  }
0x44a: {  	s20 =	sadd.s32 $0x2, s18;
	v9 =	vmul.f32 v9, v4;
	v4 =	vmul.f32 v7, v4;
	v7 =	vmov s21  }
0x44b: {  	v10 =	vmov s20;
	[tilespmem:s17+$0xFFFFFF90] =	vst v6  }
0x44c: {  	v6 =	vand.u32 $0xFFFFFFFE, v10;
	[tilespmem:s17+$0xFFFFFFA0] =	vst v8  }
0x44d: {  	[tilespmem:s17+$0xFFFFFFC0] =	vst v4;
	v8 =	vld [tilespmem:s17+$0xFFFFFFF0]  }
0x44e: {  	v4 =	vbroadcast v6, $0x0;
	[tilespmem:s17+$0xFFFFFFB0] =	vst v9;
	v6 =	vld [tilespmem:s17+$0xFFFFFFD0]  }
0x44f: {  	v7 =	vld.idx.msk [tilespmem:v7+s29+$0x0], $0xffff  }
0x450: {  	v9 =	vld [tilespmem:s17+$0xFFFFFFE0]  }
0x451: {  	v10 =	vld [tilespmem:s17+$0x0];
	_ =	sdelay $0x3  }
.Ltmp5:
0x452: {  	v11 =	vmul.f32 v6, v7;
	v9 =	vmul.f32 v9, v7;
	(pc) =	sbr.rel @p0 .LBB2_13-.Ltmp5, $4  }
0x453: {  	v6 =	vmul.f32 v8, v7;
	v7 =	vmul.f32 v10, v7  }
0x454: {  	[tilespmem:s17+$0xFFFFFFD0] =	vst v11  }
0x455: {  	[tilespmem:s17+$0xFFFFFFE0] =	vst v9  }
0x456: {  	[tilespmem:s17+$0x0] =	vst v7  }
0x457: {  	_ =	sdelay $0x2  }
0x458: {  	[tilespmem:s17+$0xFFFFFFF0] =	vst v6;
	v56 =	vld [tilespmem:s16+$0xFFFFFF10]  }
0x459: {  	v5 =	vld.idx.msk [tilespmem:v5+s29+$0x0], $0xffff;
	_ =	sdelay $0x2  }
0x45a: {  	v7 =	vld [tilespmem:s16+$0xFFFFFF40];
	_ =	sdelay $0x1  }
0x45b: {  	v6 =	vmul.f32 v56, v5  }
0x45c: {  	v1 =	vmul.f32 v1, v5  }
0x45d: {  	v2 =	vmul.f32 v2, v5;
	[tilespmem:s16+$0xFFFFFF10] =	vst v6  }
0x45e: {  	[tilespmem:s16+$0xFFFFFF30] =	vst v1;
	v1 =	vmul.f32 v7, v5  }
0x45f: {  	[tilespmem:s16+$0xFFFFFF20] =	vst v2  }
0x460: {  	v2 =	vld [tilespmem:s16+$0xFFFFFF80];
	[tilespmem:s16+$0xFFFFFF40] =	vst v1  }
0x461: {  	v1 =	vld.idx.msk [tilespmem:v3+s29+$0x0], $0xffff  }
0x462: {  	v3 =	vld [tilespmem:s16+$0xFFFFFF60]  }
0x463: {  	v57 =	vld [tilespmem:s16+$0xFFFFFF50]  }
0x464: {  	v58 =	vld [tilespmem:s16+$0xFFFFFF70];
	_ =	sdelay $0x1  }
0x465: {  	v2 =	vmul.f32 v2, v1  }
0x466: {  	v3 =	vmul.f32 v3, v1  }
0x467: {  	v5 =	vmul.f32 v57, v1;
	[tilespmem:s16+$0xFFFFFF80] =	vst v2  }
0x468: {  	v1 =	vmul.f32 v58, v1;
	[tilespmem:s16+$0xFFFFFF60] =	vst v3  }
0x469: {  	[tilespmem:s16+$0xFFFFFF50] =	vst v5  }
0x46a: {  	v2 =	vld [tilespmem:s16+$0xFFFFFF90];
	[tilespmem:s16+$0xFFFFFF70] =	vst v1  }
0x46b: {  	v1 =	vld.idx.msk [tilespmem:v4+s29+$0x0], $0xffff  }
0x46c: {  	v3 =	vld [tilespmem:s16+$0xFFFFFFA0]  }
0x46d: {  	v59 =	vld [tilespmem:s16+$0xFFFFFFC0]  }
0x46e: {  	v60 =	vld [tilespmem:s16+$0xFFFFFFB0];
	_ =	sdelay $0x1  }
0x46f: {  	s19 =	sadd.s32 $0x3, s18;
	v2 =	vmul.f32 v2, v1  }
0x470: {  	v61 =	vmov s19;
	v3 =	vmul.f32 v3, v1  }
0x471: {  	v4 =	vmul.f32 v59, v1;
	[tilespmem:s16+$0xFFFFFF90] =	vst v2  }
0x472: {  	v1 =	vmul.f32 v60, v1;
	[tilespmem:s16+$0xFFFFFFA0] =	vst v3  }
0x473: {  	[tilespmem:s16+$0xFFFFFFC0] =	vst v4  }
0x474: {  	[tilespmem:s16+$0xFFFFFFB0] =	vst v1;
	v1 =	vld [tilespmem:s16+$0xFFFFFFD0]  }
0x475: {  	v2 =	vld.idx.msk [tilespmem:v61+s29+$0x0], $0xffff  }
0x476: {  	v3 =	vld [tilespmem:s16+$0xFFFFFFE0]  }
0x477: {  	v62 =	vld [tilespmem:s16+$0x0]  }
0x478: {  	v63 =	vld [tilespmem:s16+$0xFFFFFFF0];
	_ =	sdelay $0x1  }
0x479: {  	v1 =	vmul.f32 v1, v2  }
0x47a: {  	v3 =	vmul.f32 v3, v2  }
0x47b: {  	v4 =	vmul.f32 v62, v2;
	[tilespmem:s16+$0xFFFFFFD0] =	vst v1  }
0x47c: {  	v1 =	vmul.f32 v63, v2;
	[tilespmem:s16+$0xFFFFFFE0] =	vst v3  }
0x47d: {  	[tilespmem:s16+$0x0] =	vst v4  }
0x47e: {  	s18 =	simm.s32 $0x5380;
	[tilespmem:s16+$0xFFFFFFF0] =	vst v1  }
0x47f: {  	[spmem:s4] =	stream.indirect.scatter.add.f32 [tilespmem:s11], [sflag:$0xB], $0x40, s18, s9, $0xb8;
	[tilespmem:$0x1FC80] =	vst v63  }
0x480: {  	_ =	swait.ge [sflag:s22], $0x2000  }
0x481: {  	s20 =	sld [smem:$0x7FA]  }
0x482: {  	s13 =	smin.u32 s13, $0x9C  }
0x483: {  	s8 =	sadd.s32 $0x1, s8;
	s13 =	sshll.u32 s13, $0x7  }
0x484: {  	s24 =	simm.s32 $0x5180;
	p0 =	sne.s32 s8, $0x29;
	s13 =	sadd.s32 s13, s20  }
.Ltmp6:
0x485: {  	[sflag:s22] =	ssyncset.done $0x0;
	s13 =	sshrl.u32 s13, $0x3;
	(pc) =	sbr.rel @p0 .LBB2_6-.Ltmp6, $4  }
0x486: {  	s19 =	simm.s32 $0x0;
	[sflag:s22] =	ssyncadd.s32 $0xFFFFE000;
	s21 =	sadd.s32 s14, s13  }
0x487: {  	[tilespmem:s24], [sflag:$0x6] =	stream.linear.gather [hbm4b:s21+s19], $0x80, $0x38;
	[tilespmem:$0x1FC80] =	vst v63  }
0x488: {  	s13 =	sadd.s32 s15, s13;
	s24 =	simm.s32 $0x5380  }
0x489: {  	[tilespmem:s18], [sflag:$0xA] =	stream.linear.gather [hbm4b:s13+s19], $0x80, $0x38;
	[tilespmem:$0x1FC80] =	vst v63  }
0x48a: {  	_ =	swait.ge [sflag:s26], $0x2000  }
0x48b: {  	[sflag:s26] =	ssyncset.done $0x0  }
0x48c: {  	[sflag:s26] =	ssyncadd.s32 $0xFFFFE000  }
0x48d: {  	_ =	swait.ge [sflag:s10], $0x80  }
0x48e: {  	[sflag:s10] =	ssyncset.done $0x0  }
0x48f: {  	[sflag:s10] =	ssyncadd.s32 $0xFFFFFF80  }
0x490: {  	_ =	swait.ge [sflag:s30], $0x80  }
0x491: {  	[sflag:s30] =	ssyncset.done $0x0  }
0x492: {  	[sflag:s30] =	ssyncadd.s32 $0xFFFFFF80  }
0x493: {  	_ =	swait.ge [sflag:s1], $0x80  }
0x494: {  	[sflag:s1] =	ssyncset.done $0x0  }
0x495: {  	[sflag:s1] =	ssyncadd.s32 $0xFFFFFF80  }
0x496: {  	_ =	swait.ge [sflag:s25], $0x80  }
0x497: {  	[sflag:s25] =	ssyncset.done $0x0  }
0x498: {  	[sflag:s25] =	ssyncadd.s32 $0xFFFFFF80  }
0x499: {  	_ =	swait.ge [sflag:s31], $0x80  }
0x49a: {  	[sflag:s31] =	ssyncset.done $0x0  }
0x49b: {  	[sflag:s31] =	ssyncadd.s32 $0xFFFFFF80  }
0x49c: {  	_ =	swait.ge [sflag:s0], $0x80  }
0x49d: {  	[sflag:s0] =	ssyncset.done $0x0  }
0x49e: {  	[sflag:s0] =	ssyncadd.s32 $0xFFFFFF80  }
0x49f: {  	_ =	swait.ge [sflag:s6], $0x80  }
0x4a0: {  	s7 =	sld [smem:$0x7FB]  }
0x4a1: {  	[sflag:s6] =	ssyncset.done $0x0  }
0x4a2: {  	[sflag:s6] =	ssyncadd.s32 $0xFFFFFF80  }
0x4a3: {  	[hbm4b:s7+s19] =	stream.linear.scatter [tilespmem:s28], [sflag:$0xB], $0x2800, $0x38;
	[tilespmem:$0x1FC80] =	vst v63  }
0x4a4: {  	_ =	swait.ge [sflag:s22], $0x2800  }
0x4a5: {  	[sflag:s22] =	ssyncset.done $0x0  }
0x4a6: {  	[sflag:s22] =	ssyncadd.s32 $0xFFFFD800  }
0x4a7: {  	[bflag:$0x0] =	sbarrier.arrive $0xFFFF  }
0x4a8: {  	s13 =	sld [smem:$0x7F8]  }
0x4a9: {  	s20 =	rddreg [dreg:$0x16]  }
0x4aa: {  	s8 =	rddreg [dreg:$0xc];
	s16 =	sshrl.u32 s20, $0x3  }
0x4ab: {  	[hbm:s8], [sflag:s13] =	dma.local [spmem:s16], $0x280  }
0x4ac: {  	_ =	swait.ge [sflag:s22], $0x280  }
0x4ad: {  	[sflag:s22] =	ssyncset.done $0x0;
	s21 =	rddreg [dreg:$0x17]  }
0x4ae: {  	s18 =	rddreg [dreg:$0x5];
	[sflag:s22] =	ssyncadd.s32 $0xFFFFFD80;
	s17 =	sshrl.u32 s21, $0x3  }
0x4af: {  	[hbm:s18], [sflag:s13] =	dma.local [spmem:s17], $0x280  }
0x4b0: {  	_ =	swait.ge [sflag:s22], $0x280  }
0x4b1: {  	[sflag:s22] =	ssyncset.done $0x0;
	s8 =	rddreg [dreg:$0x18]  }
0x4b2: {  	s16 =	rddreg [dreg:$0x6];
	[sflag:s22] =	ssyncadd.s32 $0xFFFFFD80;
	s7 =	sshrl.u32 s8, $0x3  }
0x4b3: {  	[hbm:s16], [sflag:s13] =	dma.local [spmem:s7], $0x280  }
0x4b4: {  	_ =	swait.ge [sflag:s22], $0x280  }
0x4b5: {  	[sflag:s22] =	ssyncset.done $0x0;
	s17 =	rddreg [dreg:$0x19]  }
0x4b6: {  	s18 =	rddreg [dreg:$0x7];
	[sflag:s22] =	ssyncadd.s32 $0xFFFFFD80;
	s7 =	sshrl.u32 s17, $0x3  }
0x4b7: {  	[hbm:s18], [sflag:s13] =	dma.local [spmem:s7], $0x280  }
0x4b8: {  	_ =	swait.ge [sflag:s22], $0x280  }
0x4b9: {  	[sflag:s22] =	ssyncset.done $0x0;
	s8 =	rddreg [dreg:$0x1a]  }
0x4ba: {  	s16 =	rddreg [dreg:$0x8];
	[sflag:s22] =	ssyncadd.s32 $0xFFFFFD80;
	s7 =	sshrl.u32 s8, $0x3  }
0x4bb: {  	[hbm:s16], [sflag:s13] =	dma.local [spmem:s7], $0x280  }
0x4bc: {  	_ =	swait.ge [sflag:s22], $0x280  }
0x4bd: {  	[sflag:s22] =	ssyncset.done $0x0;
	s16 =	rddreg [dreg:$0x1b]  }
0x4be: {  	s18 =	rddreg [dreg:$0x9];
	[sflag:s22] =	ssyncadd.s32 $0xFFFFFD80;
	s17 =	sshrl.u32 s16, $0x3  }
0x4bf: {  	[hbm:s18], [sflag:s13] =	dma.local [spmem:s17], $0x280  }
0x4c0: {  	_ =	swait.ge [sflag:s22], $0x280  }
0x4c1: {  	[sflag:s22] =	ssyncset.done $0x0;
	s17 =	rddreg [dreg:$0x1c]  }
0x4c2: {  	s18 =	rddreg [dreg:$0xa];
	[sflag:s22] =	ssyncadd.s32 $0xFFFFFD80;
	s8 =	sshrl.u32 s17, $0x3  }
0x4c3: {  	[hbm:s18], [sflag:s13] =	dma.local [spmem:s8], $0x280  }
0x4c4: {  	_ =	swait.ge [sflag:s22], $0x280  }
0x4c5: {  	[sflag:s22] =	ssyncset.done $0x0;
	s18 =	rddreg [dreg:$0x1d]  }
0x4c6: {  	s8 =	rddreg [dreg:$0xb];
	[sflag:s22] =	ssyncadd.s32 $0xFFFFFD80;
	s7 =	sshrl.u32 s18, $0x3  }
0x4c7: {  	[hbm:s8], [sflag:s13] =	dma.local [spmem:s7], $0x280  }
0x4c8: {  	_ =	swait.ge [sflag:s22], $0x280  }
0x4c9: {  	s7 =	sld [smem:$0x7F7]  }
0x4ca: {  	s13 =	sld [smem:$0x7FC];
	_ =	sdelay $0x1  }
0x4cb: {  	s8 =	sadd.s32 $0x1, s7  }
0x4cc: {  	p0 =	sne.s32 s8, s13  }
.Ltmp7:
0x4cd: {  	_ = 	snop;
	(pc) =	sbr.rel @p0 .LBB2_1-.Ltmp7, $3  }
0x4ce: {  	_ =	sdelay $0x1  }
0x4cf: {  	[sflag:s22] =	ssyncset.done $0x0  }
0x4d0: {  	[sflag:s22] =	ssyncadd.s32 $0xFFFFFD80  }
0x4d1: {  	_ =	sfence.sel $0x180000  }
0x4d2: {  	[bflag:$0x0] =	sbarrier.arrive $0xFFFF  }
0x4d3: {  	_ =	strace $0x90000047  }
0x4d4: {  	s0 =	stileid.u32;
	[bflag:$0x2] =	sbarrier.arrive $0xFFFF  }
0x4d5: {  	p0 =	sne.s32 s0, $0x0;
	s0 =	rddreg [dreg:$0x4]  }
0x4d6: {  	s0 =	sadd.s32 @!p0 $0x100000, s0  }
0x4d7: {  	[sflag:s0] =	ssyncadd.tile.s32 @!p0 $0x1;
	_ =	shalt  }
.Lfunc_end2:
_tile_overlayer_lowered:
.L_overlay_start_2:
0x4d8: {  	(tag) =	ssettag $0x2  }
0x4d9: {  	s0 =	rddreg [dreg:$0x0];
	s2 =	stileid.u32  }
0x4da: {  	s1 =	rddreg [dreg:$0x1];
	p0 =	sne.s32 s2, $0x0  }
0x4db: {  	s3 =	rddreg [dreg:$0x2];
	[bflag:$0x3] =	sbarrier.arrive $0xFFFF;
	s2 =	simm.s32 @!p0 $0x1C0B  }
0x4dc: {  	[timem:s3], [sflag:s2] =	dma.local @!p0 [hbm:s0], s1  }
0x4dd: {  	s0 =	simm.s32 @!p0 $0xB  }
0x4de: {  	_ =	swait.ge @!p0 [sflag:s0], s1  }
0x4df: {  	s1 =	ssub.s32 @!p0 $0x0, s1;
	[sflag:s0] =	ssyncset.done @!p0 $0x0  }
0x4e0: {  	[sflag:s0] =	ssyncadd.s32 @!p0 s1  }
0x4e1: {  	[bflag:$0x3] =	sbarrier.arrive $0xFFFF  }
0x4e2: {  	_ =	shalt  }

</sc_bundles>
